<compile_context>
chip_gen: v7x
topology: tpu7x:2x2x1
jax: 0.10.2.dev20260603
libtpu: 0.0.44.dev20260713+nightly
codegen_flags: <defaults>
</compile_context>

<pallas_src>
import functools

import jax
import jax.numpy as jnp
from jax import lax
from jax.experimental import pallas as pl
from jax.experimental.pallas import tpu as pltpu
from jax.experimental.pallas import tpu_sc as plsc

NC = 2
NT = 16
HID = 64
NGROUP = 4
GW = 16


ECA = 512
MPBA = 4


def _deg_body(n_acc, nblka, row3a, degp, ri_a, ri_b, ones_v, zbuf, acc,
              sem_a, sem_b):
    c = lax.axis_index("c")
    s = lax.axis_index("s")
    w = c * NT + s
    stripe = n_acc // NT

    def zb(i, _):
        zbuf[pl.ds(i * 16, 16)] = jnp.zeros((16,), jnp.float32)
        return 0

    lax.fori_loop(0, stripe // 16, zb, 0)

    def ob(i, _):
        ones_v[pl.ds(i * 16, 16)] = jnp.ones((16,), jnp.float32)
        return 0

    lax.fori_loop(0, ECA // 16, ob, 0)
    pltpu.sync_copy(zbuf, acc.at[pl.ds(s * stripe, stripe)])
    plsc.subcore_barrier()

    bufs = ((ri_a, sem_a), (ri_b, sem_b))

    def blk(b, _):
        def do(buf):
            ri, sem = buf

            @pl.when(b >= 2)
            def _():
                for m in range(MPBA):
                    pltpu.make_async_copy(ones_v, acc.at[ri.at[m]], sem).wait()

            pltpu.sync_copy(row3a.at[w * nblka + b], ri)
            for m in range(MPBA):
                pltpu.async_copy(ones_v, acc.at[ri.at[m]], sem, add=True)

        pl.when(b % 2 == 0)(lambda: do(bufs[0]))
        pl.when(b % 2 == 1)(lambda: do(bufs[1]))
        return 0

    lax.fori_loop(0, nblka, blk, 0)
    for ri, sem in bufs:
        for m in range(MPBA):
            pltpu.make_async_copy(ones_v, acc.at[ri.at[m]], sem).wait()
    plsc.subcore_barrier()
    pltpu.sync_copy(acc.at[pl.ds(s * stripe, stripe)], zbuf)
    pltpu.sync_copy(zbuf, degp.at[pl.ds(c * n_acc + s * stripe, stripe)])


EC = 512
MPB = 8


def _agg_body(np_, nblk, row3, col3, g0, g1, g2, g3, s0, s1, s2, s3,
              row_i, col_i, rows_a, rows_b, acc,
              sem_ga, sem_gb, sem_sa, sem_sb):
    c = lax.axis_index("c")
    s = lax.axis_index("s")
    rpt = np_ // NT
    g_refs = (g0, g1, g2, g3)
    s_refs = (s0, s1, s2, s3)
    stripe = s * rpt
    bufs = ((rows_a, sem_ga, sem_sa), (rows_b, sem_gb, sem_sb))

    for group in range(NGROUP):
        def run(gr=g_refs[group], sr=s_refs[group]):
            pltpu.sync_copy(gr.at[pl.ds(stripe, rpt)], acc.at[pl.ds(stripe, rpt)])
            plsc.subcore_barrier()

            def fire_g(buf, m):
                pltpu.async_copy(gr.at[row_i.at[m // MPBA, m % MPBA]], buf[0], buf[1])

            def wait_g(buf, m):
                pltpu.make_async_copy(gr.at[row_i.at[m // MPBA, m % MPBA]], buf[0], buf[1]).wait()

            def fire_s(buf, m):
                pltpu.async_copy(buf[0], acc.at[col_i.at[m // MPBA, m % MPBA]], buf[2], add=True)

            def drain_s(buf, m):
                pltpu.make_async_copy(buf[0], acc.at[col_i.at[m // MPBA, m % MPBA]], buf[2]).wait()

            def blk(b, _):
                blkid = s * nblk + b
                pltpu.sync_copy(row3.at[pl.ds(2 * blkid, 2)], row_i)
                pltpu.sync_copy(col3.at[pl.ds(2 * blkid, 2)], col_i)
                for m in range(MPB):
                    buf = bufs[m % 2]
                    if m >= 2:
                        drain_s(buf, m - 2)
                    fire_g(buf, m)
                    if m >= 1:
                        pb = bufs[(m - 1) % 2]
                        wait_g(pb, m - 1)
                        fire_s(pb, m - 1)
                lb = bufs[(MPB - 1) % 2]
                wait_g(lb, MPB - 1)
                fire_s(lb, MPB - 1)
                drain_s(bufs[(MPB - 2) % 2], MPB - 2)
                drain_s(lb, MPB - 1)
                return 0

            lax.fori_loop(0, nblk, blk, 0)
            plsc.subcore_barrier()
            pltpu.sync_copy(acc.at[pl.ds(stripe, rpt)], sr.at[pl.ds(stripe, rpt)])

        pl.when(c == group // 2)(run)


def _lin1_body(xp_ref, d0_ref, d1_ref, W1P_ref, b1P_ref, P_ref,
               gw0, gw1, gw2, gw3, disl_ref):
    deg = d0_ref[...] + d1_ref[...] + 1.0
    disp = lax.rsqrt(deg)
    disl = jnp.dot(disp, P_ref[...], preferred_element_type=jnp.float32)
    hp = jnp.dot(xp_ref[...], W1P_ref[...],
                 preferred_element_type=jnp.float32) + b1P_ref[...]
    for r, ref in enumerate((gw0, gw1, gw2, gw3)):
        ref[...] = hp[:, r * 128:(r + 1) * 128] * disl
    disl_ref[...] = disl


def _lin2_body(sw0, sw1, sw2, sw3, disl_ref, Q_ref, b2P_ref, out_ref):
    disl = disl_ref[...]
    tot = None
    for r, sref in enumerate((sw0, sw1, sw2, sw3)):
        t = disl * jnp.maximum(sref[...], 0.0)
        p = jnp.dot(t, Q_ref[r * 128:(r + 1) * 128, :],
                    preferred_element_type=jnp.float32)
        tot = p if tot is None else tot + p
    out_ref[...] = tot + b2P_ref[...]


def kernel(x, edge_index, W1, b1, W2, b2):
    n = x.shape[0]
    e = edge_index.shape[1]
    f32 = jnp.float32

    row = edge_index[0]
    col = edge_index[1]

    np_ = ((n + NT * 8 - 1) // (NT * 8)) * (NT * 8)
    quantum = NT * MPB * EC
    e_pad = ((e + quantum - 1) // quantum) * quantum
    pad = e_pad - e
    pidx = jnp.arange(pad, dtype=jnp.int32)
    jnk = n + (pidx % (np_ - n))
    row_p = jnp.concatenate([row, jnk])
    col_p = jnp.concatenate([col, jnk])
    x_p = jnp.pad(x, ((0, np_ - n), (0, 0)))

    n_acc_a = np_
    row3a = row_p.reshape(-1, MPBA, ECA)
    nblka = e_pad // (NC * NT * MPBA * ECA)
    stripe_a = n_acc_a // NT
    deg_k = pl.kernel(
        functools.partial(_deg_body, n_acc_a, nblka),
        out_type=jax.ShapeDtypeStruct((NC * n_acc_a,), f32),
        mesh=plsc.VectorSubcoreMesh(core_axis_name="c", subcore_axis_name="s"),
        compiler_params=pltpu.CompilerParams(use_tc_tiling_on_sc=False),
        scratch_types=[
            pltpu.VMEM((MPBA, ECA), jnp.int32),
            pltpu.VMEM((MPBA, ECA), jnp.int32),
            pltpu.VMEM((ECA,), f32),
            pltpu.VMEM((stripe_a,), f32),
            pltpu.VMEM_SHARED((n_acc_a,), f32),
            pltpu.SemaphoreType.DMA,
            pltpu.SemaphoreType.DMA,
        ],
    )
    degp = deg_k(row3a)
    d0 = degp[:np_].reshape(np_ // 8, 8)
    d1 = degp[np_:].reshape(np_ // 8, 8)

    np8 = np_ // 8
    fin = x.shape[1]
    xp = x_p.reshape(np8, 8 * fin)
    eye8 = jnp.eye(8, dtype=f32)
    W1P = jnp.concatenate(
        [jnp.kron(eye8, W1[r * GW:(r + 1) * GW, :].T) for r in range(NGROUP)],
        axis=1)
    b1P = jnp.concatenate(
        [jnp.tile(b1[r * GW:(r + 1) * GW], 8) for r in range(NGROUP)]
    ).reshape(1, NGROUP * 128)
    P = jnp.kron(eye8, jnp.ones((1, GW), f32))
    bp = 512
    nb = pl.cdiv(np8, bp)
    gw_spec = pl.BlockSpec((bp, 128), lambda i: (i, 0))
    b_out = pl.pallas_call(
        _lin1_body,
        grid=(nb,),
        in_specs=[
            pl.BlockSpec((bp, 8 * fin), lambda i: (i, 0)),
            pl.BlockSpec((bp, 8), lambda i: (i, 0)),
            pl.BlockSpec((bp, 8), lambda i: (i, 0)),
            pl.BlockSpec((8 * fin, NGROUP * 128), lambda i: (0, 0)),
            pl.BlockSpec((1, NGROUP * 128), lambda i: (0, 0)),
            pl.BlockSpec((8, 128), lambda i: (0, 0)),
        ],
        out_specs=[gw_spec] * (NGROUP + 1),
        out_shape=[jax.ShapeDtypeStruct((np8, 128), f32)
                   for _ in range(NGROUP + 1)],
    )(xp, d0, d1, W1P, b1P, P)
    gw0, gw1, gw2, gw3, disl = b_out
    g0, g1, g2, g3 = (gw.reshape(np_, GW) for gw in (gw0, gw1, gw2, gw3))

    col3 = col_p.reshape(-1, MPBA, ECA)
    nblk = e_pad // (NT * MPB * EC)
    agg_k = pl.kernel(
        functools.partial(_agg_body, np_, nblk),
        out_type=[jax.ShapeDtypeStruct((np_, GW), f32) for _ in range(NGROUP)],
        mesh=plsc.VectorSubcoreMesh(core_axis_name="c", subcore_axis_name="s"),
        compiler_params=pltpu.CompilerParams(use_tc_tiling_on_sc=False),
        scratch_types=[
            pltpu.VMEM((2, MPBA, ECA), jnp.int32),
            pltpu.VMEM((2, MPBA, ECA), jnp.int32),
            pltpu.VMEM((EC, GW), f32),
            pltpu.VMEM((EC, GW), f32),
            pltpu.VMEM_SHARED((np_, GW), f32),
            pltpu.SemaphoreType.DMA,
            pltpu.SemaphoreType.DMA,
            pltpu.SemaphoreType.DMA,
            pltpu.SemaphoreType.DMA,
        ],
    )
    s0, s1, s2, s3 = agg_k(row3a, col3, g0, g1, g2, g3)
    sw = [sr.reshape(np8, 128) for sr in (s0, s1, s2, s3)]

    oc = W2.shape[0]
    Q = jnp.concatenate(
        [jnp.kron(eye8, W2[:, r * GW:(r + 1) * GW].T) for r in range(NGROUP)],
        axis=0)
    b2P = jnp.tile(b2, 8).reshape(1, 8 * oc)
    out_pk = pl.pallas_call(
        _lin2_body,
        grid=(nb,),
        in_specs=[gw_spec] * 4 + [
            gw_spec,
            pl.BlockSpec((NGROUP * 128, 8 * oc), lambda i: (0, 0)),
            pl.BlockSpec((1, 8 * oc), lambda i: (0, 0))],
        out_specs=pl.BlockSpec((bp, 8 * oc), lambda i: (i, 0)),
        out_shape=jax.ShapeDtypeStruct((np8, 8 * oc), f32),
    )(*sw, disl, Q, b2P)
    return out_pk[:n // 8].reshape(n, oc)

# --- scband reference (transcript-rebuilt; emitter-appended) ---
"""Pipeline reference for scband-point-cloud-model-83176336654880 (READ-ONLY COPY).

The authoritative reference and input builder live on the scoring server;
editing this copy changes nothing except your own understanding.
"""

import jax, jax.numpy as jnp
import numpy as np

N = 100000
E = 1600000
IN_CH = 6
HID = 64
OUT_CH = 3


def setup_inputs(seed: int = 0) -> dict:
    key = jax.random.key(seed)
    k1, k2, k3, k4, k5, k6 = jax.random.split(key, 6)
    x = jax.random.normal(k1, (N, IN_CH), dtype=jnp.float32)
    edge_index = jax.random.randint(k2, (2, E), 0, N, dtype=jnp.int32)
    # PointCloudGNN.lin: Linear(6 -> 64)
    W1 = jax.random.normal(k3, (HID, IN_CH), dtype=jnp.float32) * 0.05
    b1 = jax.random.normal(k4, (HID,), dtype=jnp.float32) * 0.05
    # PointCloudModel.lin: Linear(64 -> 3)
    W2 = jax.random.normal(k5, (OUT_CH, HID), dtype=jnp.float32) * 0.05
    b2 = jax.random.normal(k6, (OUT_CH,), dtype=jnp.float32) * 0.05
    return {"x": x, "edge_index": edge_index, "W1": W1, "b1": b1, "W2": W2, "b2": b2}


def reference(x, edge_index, W1, b1, W2, b2):
    n = x.shape[0]
    # add_self_loops
    loops = jnp.arange(n, dtype=edge_index.dtype)
    ei = jnp.concatenate([edge_index, jnp.stack([loops, loops], axis=0)], axis=1)
    # gnn.lin
    h = x @ W1.T + b1
    row = ei[0]
    col = ei[1]
    # degree(row, n)
    deg = jnp.zeros((n,), dtype=h.dtype).at[row].add(1.0)
    deg_inv_sqrt = jnp.power(deg, -0.5)
    norm = deg_inv_sqrt[row] * deg_inv_sqrt[col]
    # propagate with aggr='add': x_j = h[row] (source), aggregate into col (target)
    msg = norm[:, None] * h[row]
    out = jax.ops.segment_sum(msg, col, num_segments=n)
    # relu + final linear
    out = jax.nn.relu(out)
    out = out @ W2.T + b2
    return out

if __name__ == "__main__":
    import jax
    _d = setup_inputs()
    print(jax.jit(kernel)(*tuple(_d.values())))

</pallas_src>

<mosaic_0001>
#map = affine_map<(d0, d1) -> (0, 0, 0)>
#map1 = affine_map<(d0, d1) -> (0, 0)>
module attributes {stable_mosaic.version = 14 : i64} {
  func.func @_agg_body(%arg0: i32, %arg1: i32, %arg2: memref<800x4x512xi32, #tpu.memory_space<hbm>>, %arg3: memref<800x4x512xi32, #tpu.memory_space<hbm>>, %arg4: memref<100096x16xf32, #tpu.memory_space<hbm>>, %arg5: memref<100096x16xf32, #tpu.memory_space<hbm>>, %arg6: memref<100096x16xf32, #tpu.memory_space<hbm>>, %arg7: memref<100096x16xf32, #tpu.memory_space<hbm>>, %arg8: memref<100096x16xf32, #tpu.memory_space<hbm>>, %arg9: memref<100096x16xf32, #tpu.memory_space<hbm>>, %arg10: memref<100096x16xf32, #tpu.memory_space<hbm>>, %arg11: memref<100096x16xf32, #tpu.memory_space<hbm>>, %arg12: memref<2x4x512xi32, #tpu.memory_space<vmem>>, %arg13: memref<2x4x512xi32, #tpu.memory_space<vmem>>, %arg14: memref<512x16xf32, #tpu.memory_space<vmem>>, %arg15: memref<512x16xf32, #tpu.memory_space<vmem>>, %arg16: memref<100096x16xf32, #tpu.memory_space<vmem_shared>>, %arg17: memref<!tpu.dma_semaphore, #tpu.memory_space<semaphore_mem>>, %arg18: memref<!tpu.dma_semaphore, #tpu.memory_space<semaphore_mem>>, %arg19: memref<!tpu.dma_semaphore, #tpu.memory_space<semaphore_mem>>, %arg20: memref<!tpu.dma_semaphore, #tpu.memory_space<semaphore_mem>>) attributes {dimension_semantics = [#tpu.dimension_semantics<core_parallel>, #tpu.dimension_semantics<subcore_parallel>], iteration_bounds = array<i64: 2, 16>, scalar_prefetch = 0 : i64, scratch_operands = 9 : i64, tpu.core_type = #tpu.core_type<sc_vector_subcore>, window_params = [{transform_indices = #map}, {transform_indices = #map}, {transform_indices = #map1}, {transform_indices = #map1}, {transform_indices = #map1}, {transform_indices = #map1}, {transform_indices = #map1}, {transform_indices = #map1}, {transform_indices = #map1}, {transform_indices = #map1}]} {
    %mul3A = arith.constant 6256 : i32
    %mul3A_0 = arith.muli %arg1, %mul3A : i32
    %eq3A = arith.constant 0 : i32
    %eq3A_1 = arith.cmpi eq, %arg0, %eq3A : i32
    %convert_element_type3A = arith.extui %eq3A_1 : i1 to i32
    %cond3A = arith.constant 0 : i32
    %cond3A_2 = arith.cmpi ne, %convert_element_type3A, %cond3A : i32
    scf.if %cond3A_2 {
      "tpu.region"() ({
        %run_scoped3A = tpu.sem_alloc : memref<!tpu.dma_semaphore, #tpu.memory_space<semaphore_mem>>
        %dma_start3A = arith.constant 0 : i32
        %dma_start3A_25 = tpu.memref_slice %arg16[%mul3A_0, %dma_start3A] : memref<100096x16xf32, #tpu.memory_space<vmem_shared>> -> memref<6256x16xf32, #tpu.memory_space<vmem_shared>>
        %dma_start3A_26 = arith.constant 0 : i32
        %dma_start3A_27 = tpu.memref_slice %arg4[%mul3A_0, %dma_start3A_26] : memref<100096x16xf32, #tpu.memory_space<hbm>> -> memref<6256x16xf32, #tpu.memory_space<hbm>>
        tpu.enqueue_dma source(%dma_start3A_27 : memref<6256x16xf32, #tpu.memory_space<hbm>>) target(%dma_start3A_25 : memref<6256x16xf32, #tpu.memory_space<vmem_shared>>) target_semaphore(%run_scoped3A : memref<!tpu.dma_semaphore, #tpu.memory_space<semaphore_mem>>)
        %dma_wait3A = arith.constant 0 : i32
        %dma_wait3A_28 = tpu.memref_slice %arg16[%mul3A_0, %dma_wait3A] : memref<100096x16xf32, #tpu.memory_space<vmem_shared>> -> memref<6256x16xf32, #tpu.memory_space<vmem_shared>>
        %dma_wait3A_29 = arith.constant 0 : i32
        %dma_wait3A_30 = tpu.memref_slice %arg4[%mul3A_0, %dma_wait3A_29] : memref<100096x16xf32, #tpu.memory_space<hbm>> -> memref<6256x16xf32, #tpu.memory_space<hbm>>
        tpu.wait_dma2 semaphore(%run_scoped3A : memref<!tpu.dma_semaphore, #tpu.memory_space<semaphore_mem>>) src(%dma_wait3A_30 : memref<6256x16xf32, #tpu.memory_space<hbm>>) dst(%dma_wait3A_28 : memref<6256x16xf32, #tpu.memory_space<vmem_shared>>)
        tpu.yield
      }) : () -> ()
      %barrier3A = arith.constant 0 : index
      tpu.barrier barrier_id(%barrier3A)
      %scan3A = arith.constant 0 : i32
      %scan3A_18 = arith.constant 0 : i32
      %scan3A_19 = arith.constant 25 : i32
      %scan3A_20 = arith.addi %scan3A_18, %scan3A_19 : i32
      %scan3A_21 = arith.constant 1 : i32
      %scan3A_22 = scf.for %scan3A_25 = %scan3A_18 to %scan3A_20 step %scan3A_21 iter_args(%scan3A_26 = %scan3A) -> (i32)  : i32 {
        %mul3A_27 = arith.constant 25 : i32
        %mul3A_28 = arith.muli %arg1, %mul3A_27 : i32
        %add3A = arith.addi %mul3A_28, %scan3A_25 : i32
        %mul3A_29 = arith.constant 2 : i32
        %mul3A_30 = arith.muli %mul3A_29, %add3A : i32
        "tpu.region"() ({
          %run_scoped3A = tpu.sem_alloc : memref<!tpu.dma_semaphore, #tpu.memory_space<semaphore_mem>>
          %dma_start3A_288 = arith.constant 0 : i32
          %dma_start3A_289 = arith.constant 0 : i32
          %dma_start3A_290 = tpu.memref_slice %arg2[%mul3A_30, %dma_start3A_288, %dma_start3A_289] : memref<800x4x512xi32, #tpu.memory_space<hbm>> -> memref<2x4x512xi32, #tpu.memory_space<hbm>>
          %dma_start3A_291 = arith.constant 0 : i32
          %dma_start3A_292 = arith.constant 0 : i32
          %dma_start3A_293 = tpu.memref_slice %arg2[%mul3A_30, %dma_start3A_291, %dma_start3A_292] : memref<800x4x512xi32, #tpu.memory_space<hbm>> -> memref<2x4x512xi32, #tpu.memory_space<hbm>>
          tpu.enqueue_dma source(%dma_start3A_293 : memref<2x4x512xi32, #tpu.memory_space<hbm>>) target(%arg12 : memref<2x4x512xi32, #tpu.memory_space<vmem>>) target_semaphore(%run_scoped3A : memref<!tpu.dma_semaphore, #tpu.memory_space<semaphore_mem>>)
          %dma_wait3A_294 = arith.constant 0 : i32
          %dma_wait3A_295 = arith.constant 0 : i32
          %dma_wait3A_296 = tpu.memref_slice %arg2[%mul3A_30, %dma_wait3A_294, %dma_wait3A_295] : memref<800x4x512xi32, #tpu.memory_space<hbm>> -> memref<2x4x512xi32, #tpu.memory_space<hbm>>
          %dma_wait3A_297 = arith.constant 0 : i32
          %dma_wait3A_298 = arith.constant 0 : i32
          %dma_wait3A_299 = tpu.memref_slice %arg2[%mul3A_30, %dma_wait3A_297, %dma_wait3A_298] : memref<800x4x512xi32, #tpu.memory_space<hbm>> -> memref<2x4x512xi32, #tpu.memory_space<hbm>>
          tpu.wait_dma2 semaphore(%run_scoped3A : memref<!tpu.dma_semaphore, #tpu.memory_space<semaphore_mem>>) src(%dma_wait3A_299 : memref<2x4x512xi32, #tpu.memory_space<hbm>>) dst(%arg12 : memref<2x4x512xi32, #tpu.memory_space<vmem>>)
          tpu.yield
        }) : () -> ()
        %mul3A_31 = arith.constant 2 : i32
        %mul3A_32 = arith.muli %mul3A_31, %add3A : i32
        "tpu.region"() ({
          %run_scoped3A = tpu.sem_alloc : memref<!tpu.dma_semaphore, #tpu.memory_space<semaphore_mem>>
          %dma_start3A_288 = arith.constant 0 : i32
          %dma_start3A_289 = arith.constant 0 : i32
          %dma_start3A_290 = tpu.memref_slice %arg3[%mul3A_32, %dma_start3A_288, %dma_start3A_289] : memref<800x4x512xi32, #tpu.memory_space<hbm>> -> memref<2x4x512xi32, #tpu.memory_space<hbm>>
          %dma_start3A_291 = arith.constant 0 : i32
          %dma_start3A_292 = arith.constant 0 : i32
          %dma_start3A_293 = tpu.memref_slice %arg3[%mul3A_32, %dma_start3A_291, %dma_start3A_292] : memref<800x4x512xi32, #tpu.memory_space<hbm>> -> memref<2x4x512xi32, #tpu.memory_space<hbm>>
          tpu.enqueue_dma source(%dma_start3A_293 : memref<2x4x512xi32, #tpu.memory_space<hbm>>) target(%arg13 : memref<2x4x512xi32, #tpu.memory_space<vmem>>) target_semaphore(%run_scoped3A : memref<!tpu.dma_semaphore, #tpu.memory_space<semaphore_mem>>)
          %dma_wait3A_294 = arith.constant 0 : i32
          %dma_wait3A_295 = arith.constant 0 : i32
          %dma_wait3A_296 = tpu.memref_slice %arg3[%mul3A_32, %dma_wait3A_294, %dma_wait3A_295] : memref<800x4x512xi32, #tpu.memory_space<hbm>> -> memref<2x4x512xi32, #tpu.memory_space<hbm>>
          %dma_wait3A_297 = arith.constant 0 : i32
          %dma_wait3A_298 = arith.constant 0 : i32
          %dma_wait3A_299 = tpu.memref_slice %arg3[%mul3A_32, %dma_wait3A_297, %dma_wait3A_298] : memref<800x4x512xi32, #tpu.memory_space<hbm>> -> memref<2x4x512xi32, #tpu.memory_space<hbm>>
          tpu.wait_dma2 semaphore(%run_scoped3A : memref<!tpu.dma_semaphore, #tpu.memory_space<semaphore_mem>>) src(%dma_wait3A_299 : memref<2x4x512xi32, #tpu.memory_space<hbm>>) dst(%arg13 : memref<2x4x512xi32, #tpu.memory_space<vmem>>)
          tpu.yield
        }) : () -> ()
        %dma_start3A = arith.constant 0 : i32
        %dma_start3A_33 = arith.constant 0 : i32
        %dma_start3A_34 = arith.constant 0 : i32
        %dma_start3A_35 = tpu.memref_slice %arg12[%dma_start3A, %dma_start3A_33, %dma_start3A_34] : memref<2x4x512xi32, #tpu.memory_space<vmem>> -> memref<1x1x512xi32, #tpu.memory_space<vmem>>
        %dma_start3A_36 = tpu.memref_squeeze %dma_start3A_35 : memref<1x1x512xi32, #tpu.memory_space<vmem>> -> memref<512xi32, #tpu.memory_space<vmem>>
        %dma_start3A_37 = arith.constant 0 : i32
        %dma_start3A_38 = arith.constant 0 : i32
        %dma_start3A_39 = tpu.memref_slice %arg4[%dma_start3A_37, %dma_start3A_38] : memref<100096x16xf32, #tpu.memory_space<hbm>> -> memref<100096x16xf32, #tpu.memory_space<hbm>>
        tpu.enqueue_indirect_dma source(%dma_start3A_39 : memref<100096x16xf32, #tpu.memory_space<hbm>>) target(%arg14 : memref<512x16xf32, #tpu.memory_space<vmem>>) offsets(%dma_start3A_36 : memref<512xi32, #tpu.memory_space<vmem>>) semaphore(%arg17 : memref<!tpu.dma_semaphore, #tpu.memory_space<semaphore_mem>>)
        %dma_start3A_40 = arith.constant 0 : i32
        %dma_start3A_41 = arith.constant 1 : i32
        %dma_start3A_42 = arith.constant 0 : i32
        %dma_start3A_43 = tpu.memref_slice %arg12[%dma_start3A_40, %dma_start3A_41, %dma_start3A_42] : memref<2x4x512xi32, #tpu.memory_space<vmem>> -> memref<1x1x512xi32, #tpu.memory_space<vmem>>
        %dma_start3A_44 = tpu.memref_squeeze %dma_start3A_43 : memref<1x1x512xi32, #tpu.memory_space<vmem>> -> memref<512xi32, #tpu.memory_space<vmem>>
        %dma_start3A_45 = arith.constant 0 : i32
        %dma_start3A_46 = arith.constant 0 : i32
        %dma_start3A_47 = tpu.memref_slice %arg4[%dma_start3A_45, %dma_start3A_46] : memref<100096x16xf32, #tpu.memory_space<hbm>> -> memref<100096x16xf32, #tpu.memory_space<hbm>>
        tpu.enqueue_indirect_dma source(%dma_start3A_47 : memref<100096x16xf32, #tpu.memory_space<hbm>>) target(%arg15 : memref<512x16xf32, #tpu.memory_space<vmem>>) offsets(%dma_start3A_44 : memref<512xi32, #tpu.memory_space<vmem>>) semaphore(%arg18 : memref<!tpu.dma_semaphore, #tpu.memory_space<semaphore_mem>>)
        %dma_wait3A = arith.constant 0 : i32
        %dma_wait3A_48 = arith.constant 0 : i32
        %dma_wait3A_49 = arith.constant 0 : i32
        %dma_wait3A_50 = tpu.memref_slice %arg12[%dma_wait3A, %dma_wait3A_48, %dma_wait3A_49] : memref<2x4x512xi32, #tpu.memory_space<vmem>> -> memref<1x1x512xi32, #tpu.memory_space<vmem>>
        %dma_wait3A_51 = tpu.memref_squeeze %dma_wait3A_50 : memref<1x1x512xi32, #tpu.memory_space<vmem>> -> memref<512xi32, #tpu.memory_space<vmem>>
        %dma_wait3A_52 = arith.constant 0 : i32
        %dma_wait3A_53 = arith.constant 0 : i32
        %dma_wait3A_54 = tpu.memref_slice %arg4[%dma_wait3A_52, %dma_wait3A_53] : memref<100096x16xf32, #tpu.memory_space<hbm>> -> memref<100096x16xf32, #tpu.memory_space<hbm>>
        tpu.wait_indirect_dma semaphore(%arg17 : memref<!tpu.dma_semaphore, #tpu.memory_space<semaphore_mem>>) src(%dma_wait3A_54 : memref<100096x16xf32, #tpu.memory_space<hbm>>) dst(%arg14 : memref<512x16xf32, #tpu.memory_space<vmem>>)
        %dma_start3A_55 = arith.constant 0 : i32
        %dma_start3A_56 = arith.constant 0 : i32
        %dma_start3A_57 = arith.constant 0 : i32
        %dma_start3A_58 = tpu.memref_slice %arg13[%dma_start3A_55, %dma_start3A_56, %dma_start3A_57] : memref<2x4x512xi32, #tpu.memory_space<vmem>> -> memref<1x1x512xi32, #tpu.memory_space<vmem>>
        %dma_start3A_59 = tpu.memref_squeeze %dma_start3A_58 : memref<1x1x512xi32, #tpu.memory_space<vmem>> -> memref<512xi32, #tpu.memory_space<vmem>>
        %dma_start3A_60 = arith.constant 0 : i32
        %dma_start3A_61 = arith.constant 0 : i32
        %dma_start3A_62 = tpu.memref_slice %arg16[%dma_start3A_60, %dma_start3A_61] : memref<100096x16xf32, #tpu.memory_space<vmem_shared>> -> memref<100096x16xf32, #tpu.memory_space<vmem_shared>>
        tpu.enqueue_indirect_dma source(%arg14 : memref<512x16xf32, #tpu.memory_space<vmem>>) target(%dma_start3A_62 : memref<100096x16xf32, #tpu.memory_space<vmem_shared>>) offsets(%dma_start3A_59 : memref<512xi32, #tpu.memory_space<vmem>>) semaphore(%arg19 : memref<!tpu.dma_semaphore, #tpu.memory_space<semaphore_mem>>) {add = true}
        %dma_wait3A_63 = arith.constant 0 : i32
        %dma_wait3A_64 = arith.constant 0 : i32
        %dma_wait3A_65 = arith.constant 0 : i32
        %dma_wait3A_66 = tpu.memref_slice %arg13[%dma_wait3A_63, %dma_wait3A_64, %dma_wait3A_65] : memref<2x4x512xi32, #tpu.memory_space<vmem>> -> memref<1x1x512xi32, #tpu.memory_space<vmem>>
        %dma_wait3A_67 = tpu.memref_squeeze %dma_wait3A_66 : memref<1x1x512xi32, #tpu.memory_space<vmem>> -> memref<512xi32, #tpu.memory_space<vmem>>
        %dma_wait3A_68 = arith.constant 0 : i32
        %dma_wait3A_69 = arith.constant 0 : i32
        %dma_wait3A_70 = tpu.memref_slice %arg16[%dma_wait3A_68, %dma_wait3A_69] : memref<100096x16xf32, #tpu.memory_space<vmem_shared>> -> memref<100096x16xf32, #tpu.memory_space<vmem_shared>>
        tpu.wait_indirect_dma semaphore(%arg19 : memref<!tpu.dma_semaphore, #tpu.memory_space<semaphore_mem>>) src(%arg14 : memref<512x16xf32, #tpu.memory_space<vmem>>) dst(%dma_wait3A_70 : memref<100096x16xf32, #tpu.memory_space<vmem_shared>>)
        %dma_start3A_71 = arith.constant 0 : i32
        %dma_start3A_72 = arith.constant 2 : i32
        %dma_start3A_73 = arith.constant 0 : i32
        %dma_start3A_74 = tpu.memref_slice %arg12[%dma_start3A_71, %dma_start3A_72, %dma_start3A_73] : memref<2x4x512xi32, #tpu.memory_space<vmem>> -> memref<1x1x512xi32, #tpu.memory_space<vmem>>
        %dma_start3A_75 = tpu.memref_squeeze %dma_start3A_74 : memref<1x1x512xi32, #tpu.memory_space<vmem>> -> memref<512xi32, #tpu.memory_space<vmem>>
        %dma_start3A_76 = arith.constant 0 : i32
        %dma_start3A_77 = arith.constant 0 : i32
        %dma_start3A_78 = tpu.memref_slice %arg4[%dma_start3A_76, %dma_start3A_77] : memref<100096x16xf32, #tpu.memory_space<hbm>> -> memref<100096x16xf32, #tpu.memory_space<hbm>>
        tpu.enqueue_indirect_dma source(%dma_start3A_78 : memref<100096x16xf32, #tpu.memory_space<hbm>>) target(%arg14 : memref<512x16xf32, #tpu.memory_space<vmem>>) offsets(%dma_start3A_75 : memref<512xi32, #tpu.memory_space<vmem>>) semaphore(%arg17 : memref<!tpu.dma_semaphore, #tpu.memory_space<semaphore_mem>>)
        %dma_wait3A_79 = arith.constant 0 : i32
        %dma_wait3A_80 = arith.constant 1 : i32
        %dma_wait3A_81 = arith.constant 0 : i32
        %dma_wait3A_82 = tpu.memref_slice %arg12[%dma_wait3A_79, %dma_wait3A_80, %dma_wait3A_81] : memref<2x4x512xi32, #tpu.memory_space<vmem>> -> memref<1x1x512xi32, #tpu.memory_space<vmem>>
        %dma_wait3A_83 = tpu.memref_squeeze %dma_wait3A_82 : memref<1x1x512xi32, #tpu.memory_space<vmem>> -> memref<512xi32, #tpu.memory_space<vmem>>
        %dma_wait3A_84 = arith.constant 0 : i32
        %dma_wait3A_85 = arith.constant 0 : i32
        %dma_wait3A_86 = tpu.memref_slice %arg4[%dma_wait3A_84, %dma_wait3A_85] : memref<100096x16xf32, #tpu.memory_space<hbm>> -> memref<100096x16xf32, #tpu.memory_space<hbm>>
        tpu.wait_indirect_dma semaphore(%arg18 : memref<!tpu.dma_semaphore, #tpu.memory_space<semaphore_mem>>) src(%dma_wait3A_86 : memref<100096x16xf32, #tpu.memory_space<hbm>>) dst(%arg15 : memref<512x16xf32, #tpu.memory_space<vmem>>)
        %dma_start3A_87 = arith.constant 0 : i32
        %dma_start3A_88 = arith.constant 1 : i32
        %dma_start3A_89 = arith.constant 0 : i32
        %dma_start3A_90 = tpu.memref_slice %arg13[%dma_start3A_87, %dma_start3A_88, %dma_start3A_89] : memref<2x4x512xi32, #tpu.memory_space<vmem>> -> memref<1x1x512xi32, #tpu.memory_space<vmem>>
        %dma_start3A_91 = tpu.memref_squeeze %dma_start3A_90 : memref<1x1x512xi32, #tpu.memory_space<vmem>> -> memref<512xi32, #tpu.memory_space<vmem>>
        %dma_start3A_92 = arith.constant 0 : i32
        %dma_start3A_93 = arith.constant 0 : i32
        %dma_start3A_94 = tpu.memref_slice %arg16[%dma_start3A_92, %dma_start3A_93] : memref<100096x16xf32, #tpu.memory_space<vmem_shared>> -> memref<100096x16xf32, #tpu.memory_space<vmem_shared>>
        tpu.enqueue_indirect_dma source(%arg15 : memref<512x16xf32, #tpu.memory_space<vmem>>) target(%dma_start3A_94 : memref<100096x16xf32, #tpu.memory_space<vmem_shared>>) offsets(%dma_start3A_91 : memref<512xi32, #tpu.memory_space<vmem>>) semaphore(%arg20 : memref<!tpu.dma_semaphore, #tpu.memory_space<semaphore_mem>>) {add = true}
        %dma_wait3A_95 = arith.constant 0 : i32
        %dma_wait3A_96 = arith.constant 1 : i32
        %dma_wait3A_97 = arith.constant 0 : i32
        %dma_wait3A_98 = tpu.memref_slice %arg13[%dma_wait3A_95, %dma_wait3A_96, %dma_wait3A_97] : memref<2x4x512xi32, #tpu.memory_space<vmem>> -> memref<1x1x512xi32, #tpu.memory_space<vmem>>
        %dma_wait3A_99 = tpu.memref_squeeze %dma_wait3A_98 : memref<1x1x512xi32, #tpu.memory_space<vmem>> -> memref<512xi32, #tpu.memory_space<vmem>>
        %dma_wait3A_100 = arith.constant 0 : i32
        %dma_wait3A_101 = arith.constant 0 : i32
        %dma_wait3A_102 = tpu.memref_slice %arg16[%dma_wait3A_100, %dma_wait3A_101] : memref<100096x16xf32, #tpu.memory_space<vmem_shared>> -> memref<100096x16xf32, #tpu.memory_space<vmem_shared>>
        tpu.wait_indirect_dma semaphore(%arg20 : memref<!tpu.dma_semaphore, #tpu.memory_space<semaphore_mem>>) src(%arg15 : memref<512x16xf32, #tpu.memory_space<vmem>>) dst(%dma_wait3A_102 : memref<100096x16xf32, #tpu.memory_space<vmem_shared>>)
        %dma_start3A_103 = arith.constant 0 : i32
        %dma_start3A_104 = arith.constant 3 : i32
        %dma_start3A_105 = arith.constant 0 : i32
        %dma_start3A_106 = tpu.memref_slice %arg12[%dma_start3A_103, %dma_start3A_104, %dma_start3A_105] : memref<2x4x512xi32, #tpu.memory_space<vmem>> -> memref<1x1x512xi32, #tpu.memory_space<vmem>>
        %dma_start3A_107 = tpu.memref_squeeze %dma_start3A_106 : memref<1x1x512xi32, #tpu.memory_space<vmem>> -> memref<512xi32, #tpu.memory_space<vmem>>
        %dma_start3A_108 = arith.constant 0 : i32
        %dma_start3A_109 = arith.constant 0 : i32
        %dma_start3A_110 = tpu.memref_slice %arg4[%dma_start3A_108, %dma_start3A_109] : memref<100096x16xf32, #tpu.memory_space<hbm>> -> memref<100096x16xf32, #tpu.memory_space<hbm>>
        tpu.enqueue_indirect_dma source(%dma_start3A_110 : memref<100096x16xf32, #tpu.memory_space<hbm>>) target(%arg15 : memref<512x16xf32, #tpu.memory_space<vmem>>) offsets(%dma_start3A_107 : memref<512xi32, #tpu.memory_space<vmem>>) semaphore(%arg18 : memref<!tpu.dma_semaphore, #tpu.memory_space<semaphore_mem>>)
        %dma_wait3A_111 = arith.constant 0 : i32
        %dma_wait3A_112 = arith.constant 2 : i32
        %dma_wait3A_113 = arith.constant 0 : i32
        %dma_wait3A_114 = tpu.memref_slice %arg12[%dma_wait3A_111, %dma_wait3A_112, %dma_wait3A_113] : memref<2x4x512xi32, #tpu.memory_space<vmem>> -> memref<1x1x512xi32, #tpu.memory_space<vmem>>
        %dma_wait3A_115 = tpu.memref_squeeze %dma_wait3A_114 : memref<1x1x512xi32, #tpu.memory_space<vmem>> -> memref<512xi32, #tpu.memory_space<vmem>>
        %dma_wait3A_116 = arith.constant 0 : i32
        %dma_wait3A_117 = arith.constant 0 : i32
        %dma_wait3A_118 = tpu.memref_slice %arg4[%dma_wait3A_116, %dma_wait3A_117] : memref<100096x16xf32, #tpu.memory_space<hbm>> -> memref<100096x16xf32, #tpu.memory_space<hbm>>
        tpu.wait_indirect_dma semaphore(%arg17 : memref<!tpu.dma_semaphore, #tpu.memory_space<semaphore_mem>>) src(%dma_wait3A_118 : memref<100096x16xf32, #tpu.memory_space<hbm>>) dst(%arg14 : memref<512x16xf32, #tpu.memory_space<vmem>>)
        %dma_start3A_119 = arith.constant 0 : i32
        %dma_start3A_120 = arith.constant 2 : i32
        %dma_start3A_121 = arith.constant 0 : i32
        %dma_start3A_122 = tpu.memref_slice %arg13[%dma_start3A_119, %dma_start3A_120, %dma_start3A_121] : memref<2x4x512xi32, #tpu.memory_space<vmem>> -> memref<1x1x512xi32, #tpu.memory_space<vmem>>
        %dma_start3A_123 = tpu.memref_squeeze %dma_start3A_122 : memref<1x1x512xi32, #tpu.memory_space<vmem>> -> memref<512xi32, #tpu.memory_space<vmem>>
        %dma_start3A_124 = arith.constant 0 : i32
        %dma_start3A_125 = arith.constant 0 : i32
        %dma_start3A_126 = tpu.memref_slice %arg16[%dma_start3A_124, %dma_start3A_125] : memref<100096x16xf32, #tpu.memory_space<vmem_shared>> -> memref<100096x16xf32, #tpu.memory_space<vmem_shared>>
        tpu.enqueue_indirect_dma source(%arg14 : memref<512x16xf32, #tpu.memory_space<vmem>>) target(%dma_start3A_126 : memref<100096x16xf32, #tpu.memory_space<vmem_shared>>) offsets(%dma_start3A_123 : memref<512xi32, #tpu.memory_space<vmem>>) semaphore(%arg19 : memref<!tpu.dma_semaphore, #tpu.memory_space<semaphore_mem>>) {add = true}
        %dma_wait3A_127 = arith.constant 0 : i32
        %dma_wait3A_128 = arith.constant 2 : i32
        %dma_wait3A_129 = arith.constant 0 : i32
        %dma_wait3A_130 = tpu.memref_slice %arg13[%dma_wait3A_127, %dma_wait3A_128, %dma_wait3A_129] : memref<2x4x512xi32, #tpu.memory_space<vmem>> -> memref<1x1x512xi32, #tpu.memory_space<vmem>>
        %dma_wait3A_131 = tpu.memref_squeeze %dma_wait3A_130 : memref<1x1x512xi32, #tpu.memory_space<vmem>> -> memref<512xi32, #tpu.memory_space<vmem>>
        %dma_wait3A_132 = arith.constant 0 : i32
        %dma_wait3A_133 = arith.constant 0 : i32
        %dma_wait3A_134 = tpu.memref_slice %arg16[%dma_wait3A_132, %dma_wait3A_133] : memref<100096x16xf32, #tpu.memory_space<vmem_shared>> -> memref<100096x16xf32, #tpu.memory_space<vmem_shared>>
        tpu.wait_indirect_dma semaphore(%arg19 : memref<!tpu.dma_semaphore, #tpu.memory_space<semaphore_mem>>) src(%arg14 : memref<512x16xf32, #tpu.memory_space<vmem>>) dst(%dma_wait3A_134 : memref<100096x16xf32, #tpu.memory_space<vmem_shared>>)
        %dma_start3A_135 = arith.constant 1 : i32
        %dma_start3A_136 = arith.constant 0 : i32
        %dma_start3A_137 = arith.constant 0 : i32
        %dma_start3A_138 = tpu.memref_slice %arg12[%dma_start3A_135, %dma_start3A_136, %dma_start3A_137] : memref<2x4x512xi32, #tpu.memory_space<vmem>> -> memref<1x1x512xi32, #tpu.memory_space<vmem>>
        %dma_start3A_139 = tpu.memref_squeeze %dma_start3A_138 : memref<1x1x512xi32, #tpu.memory_space<vmem>> -> memref<512xi32, #tpu.memory_space<vmem>>
        %dma_start3A_140 = arith.constant 0 : i32
        %dma_start3A_141 = arith.constant 0 : i32
        %dma_start3A_142 = tpu.memref_slice %arg4[%dma_start3A_140, %dma_start3A_141] : memref<100096x16xf32, #tpu.memory_space<hbm>> -> memref<100096x16xf32, #tpu.memory_space<hbm>>
        tpu.enqueue_indirect_dma source(%dma_start3A_142 : memref<100096x16xf32, #tpu.memory_space<hbm>>) target(%arg14 : memref<512x16xf32, #tpu.memory_space<vmem>>) offsets(%dma_start3A_139 : memref<512xi32, #tpu.memory_space<vmem>>) semaphore(%arg17 : memref<!tpu.dma_semaphore, #tpu.memory_space<semaphore_mem>>)
        %dma_wait3A_143 = arith.constant 0 : i32
        %dma_wait3A_144 = arith.constant 3 : i32
        %dma_wait3A_145 = arith.constant 0 : i32
        %dma_wait3A_146 = tpu.memref_slice %arg12[%dma_wait3A_143, %dma_wait3A_144, %dma_wait3A_145] : memref<2x4x512xi32, #tpu.memory_space<vmem>> -> memref<1x1x512xi32, #tpu.memory_space<vmem>>
        %dma_wait3A_147 = tpu.memref_squeeze %dma_wait3A_146 : memref<1x1x512xi32, #tpu.memory_space<vmem>> -> memref<512xi32, #tpu.memory_space<vmem>>
        %dma_wait3A_148 = arith.constant 0 : i32
        %dma_wait3A_149 = arith.constant 0 : i32
        %dma_wait3A_150 = tpu.memref_slice %arg4[%dma_wait3A_148, %dma_wait3A_149] : memref<100096x16xf32, #tpu.memory_space<hbm>> -> memref<100096x16xf32, #tpu.memory_space<hbm>>
        tpu.wait_indirect_dma semaphore(%arg18 : memref<!tpu.dma_semaphore, #tpu.memory_space<semaphore_mem>>) src(%dma_wait3A_150 : memref<100096x16xf32, #tpu.memory_space<hbm>>) dst(%arg15 : memref<512x16xf32, #tpu.memory_space<vmem>>)
        %dma_start3A_151 = arith.constant 0 : i32
        %dma_start3A_152 = arith.constant 3 : i32
        %dma_start3A_153 = arith.constant 0 : i32
        %dma_start3A_154 = tpu.memref_slice %arg13[%dma_start3A_151, %dma_start3A_152, %dma_start3A_153] : memref<2x4x512xi32, #tpu.memory_space<vmem>> -> memref<1x1x512xi32, #tpu.memory_space<vmem>>
        %dma_start3A_155 = tpu.memref_squeeze %dma_start3A_154 : memref<1x1x512xi32, #tpu.memory_space<vmem>> -> memref<512xi32, #tpu.memory_space<vmem>>
        %dma_start3A_156 = arith.constant 0 : i32
        %dma_start3A_157 = arith.constant 0 : i32
        %dma_start3A_158 = tpu.memref_slice %arg16[%dma_start3A_156, %dma_start3A_157] : memref<100096x16xf32, #tpu.memory_space<vmem_shared>> -> memref<100096x16xf32, #tpu.memory_space<vmem_shared>>
        tpu.enqueue_indirect_dma source(%arg15 : memref<512x16xf32, #tpu.memory_space<vmem>>) target(%dma_start3A_158 : memref<100096x16xf32, #tpu.memory_space<vmem_shared>>) offsets(%dma_start3A_155 : memref<512xi32, #tpu.memory_space<vmem>>) semaphore(%arg20 : memref<!tpu.dma_semaphore, #tpu.memory_space<semaphore_mem>>) {add = true}
        %dma_wait3A_159 = arith.constant 0 : i32
        %dma_wait3A_160 = arith.constant 3 : i32
        %dma_wait3A_161 = arith.constant 0 : i32
        %dma_wait3A_162 = tpu.memref_slice %arg13[%dma_wait3A_159, %dma_wait3A_160, %dma_wait3A_161] : memref<2x4x512xi32, #tpu.memory_space<vmem>> -> memref<1x1x512xi32, #tpu.memory_space<vmem>>
        %dma_wait3A_163 = tpu.memref_squeeze %dma_wait3A_162 : memref<1x1x512xi32, #tpu.memory_space<vmem>> -> memref<512xi32, #tpu.memory_space<vmem>>
        %dma_wait3A_164 = arith.constant 0 : i32
        %dma_wait3A_165 = arith.constant 0 : i32
        %dma_wait3A_166 = tpu.memref_slice %arg16[%dma_wait3A_164, %dma_wait3A_165] : memref<100096x16xf32, #tpu.memory_space<vmem_shared>> -> memref<100096x16xf32, #tpu.memory_space<vmem_shared>>
        tpu.wait_indirect_dma semaphore(%arg20 : memref<!tpu.dma_semaphore, #tpu.memory_space<semaphore_mem>>) src(%arg15 : memref<512x16xf32, #tpu.memory_space<vmem>>) dst(%dma_wait3A_166 : memref<100096x16xf32, #tpu.memory_space<vmem_shared>>)
        %dma_start3A_167 = arith.constant 1 : i32
        %dma_start3A_168 = arith.constant 1 : i32
        %dma_start3A_169 = arith.constant 0 : i32
        %dma_start3A_170 = tpu.memref_slice %arg12[%dma_start3A_167, %dma_start3A_168, %dma_start3A_169] : memref<2x4x512xi32, #tpu.memory_space<vmem>> -> memref<1x1x512xi32, #tpu.memory_space<vmem>>
        %dma_start3A_171 = tpu.memref_squeeze %dma_start3A_170 : memref<1x1x512xi32, #tpu.memory_space<vmem>> -> memref<512xi32, #tpu.memory_space<vmem>>
        %dma_start3A_172 = arith.constant 0 : i32
        %dma_start3A_173 = arith.constant 0 : i32
        %dma_start3A_174 = tpu.memref_slice %arg4[%dma_start3A_172, %dma_start3A_173] : memref<100096x16xf32, #tpu.memory_space<hbm>> -> memref<100096x16xf32, #tpu.memory_space<hbm>>
        tpu.enqueue_indirect_dma source(%dma_start3A_174 : memref<100096x16xf32, #tpu.memory_space<hbm>>) target(%arg15 : memref<512x16xf32, #tpu.memory_space<vmem>>) offsets(%dma_start3A_171 : memref<512xi32, #tpu.memory_space<vmem>>) semaphore(%arg18 : memref<!tpu.dma_semaphore, #tpu.memory_space<semaphore_mem>>)
        %dma_wait3A_175 = arith.constant 1 : i32
        %dma_wait3A_176 = arith.constant 0 : i32
        %dma_wait3A_177 = arith.constant 0 : i32
        %dma_wait3A_178 = tpu.memref_slice %arg12[%dma_wait3A_175, %dma_wait3A_176, %dma_wait3A_177] : memref<2x4x512xi32, #tpu.memory_space<vmem>> -> memref<1x1x512xi32, #tpu.memory_space<vmem>>
        %dma_wait3A_179 = tpu.memref_squeeze %dma_wait3A_178 : memref<1x1x512xi32, #tpu.memory_space<vmem>> -> memref<512xi32, #tpu.memory_space<vmem>>
        %dma_wait3A_180 = arith.constant 0 : i32
        %dma_wait3A_181 = arith.constant 0 : i32
        %dma_wait3A_182 = tpu.memref_slice %arg4[%dma_wait3A_180, %dma_wait3A_181] : memref<100096x16xf32, #tpu.memory_space<hbm>> -> memref<100096x16xf32, #tpu.memory_space<hbm>>
        tpu.wait_indirect_dma semaphore(%arg17 : memref<!tpu.dma_semaphore, #tpu.memory_space<semaphore_mem>>) src(%dma_wait3A_182 : memref<100096x16xf32, #tpu.memory_space<hbm>>) dst(%arg14 : memref<512x16xf32, #tpu.memory_space<vmem>>)
        %dma_start3A_183 = arith.constant 1 : i32
        %dma_start3A_184 = arith.constant 0 : i32
        %dma_start3A_185 = arith.constant 0 : i32
        %dma_start3A_186 = tpu.memref_slice %arg13[%dma_start3A_183, %dma_start3A_184, %dma_start3A_185] : memref<2x4x512xi32, #tpu.memory_space<vmem>> -> memref<1x1x512xi32, #tpu.memory_space<vmem>>
        %dma_start3A_187 = tpu.memref_squeeze %dma_start3A_186 : memref<1x1x512xi32, #tpu.memory_space<vmem>> -> memref<512xi32, #tpu.memory_space<vmem>>
        %dma_start3A_188 = arith.constant 0 : i32
        %dma_start3A_189 = arith.constant 0 : i32
        %dma_start3A_190 = tpu.memref_slice %arg16[%dma_start3A_188, %dma_start3A_189] : memref<100096x16xf32, #tpu.memory_space<vmem_shared>> -> memref<100096x16xf32, #tpu.memory_space<vmem_shared>>
        tpu.enqueue_indirect_dma source(%arg14 : memref<512x16xf32, #tpu.memory_space<vmem>>) target(%dma_start3A_190 : memref<100096x16xf32, #tpu.memory_space<vmem_shared>>) offsets(%dma_start3A_187 : memref<512xi32, #tpu.memory_space<vmem>>) semaphore(%arg19 : memref<!tpu.dma_semaphore, #tpu.memory_space<semaphore_mem>>) {add = true}
        %dma_wait3A_191 = arith.constant 1 : i32
        %dma_wait3A_192 = arith.constant 0 : i32
        %dma_wait3A_193 = arith.constant 0 : i32
        %dma_wait3A_194 = tpu.memref_slice %arg13[%dma_wait3A_191, %dma_wait3A_192, %dma_wait3A_193] : memref<2x4x512xi32, #tpu.memory_space<vmem>> -> memref<1x1x512xi32, #tpu.memory_space<vmem>>
        %dma_wait3A_195 = tpu.memref_squeeze %dma_wait3A_194 : memref<1x1x512xi32, #tpu.memory_space<vmem>> -> memref<512xi32, #tpu.memory_space<vmem>>
        %dma_wait3A_196 = arith.constant 0 : i32
        %dma_wait3A_197 = arith.constant 0 : i32
        %dma_wait3A_198 = tpu.memref_slice %arg16[%dma_wait3A_196, %dma_wait3A_197] : memref<100096x16xf32, #tpu.memory_space<vmem_shared>> -> memref<100096x16xf32, #tpu.memory_space<vmem_shared>>
        tpu.wait_indirect_dma semaphore(%arg19 : memref<!tpu.dma_semaphore, #tpu.memory_space<semaphore_mem>>) src(%arg14 : memref<512x16xf32, #tpu.memory_space<vmem>>) dst(%dma_wait3A_198 : memref<100096x16xf32, #tpu.memory_space<vmem_shared>>)
        %dma_start3A_199 = arith.constant 1 : i32
        %dma_start3A_200 = arith.constant 2 : i32
        %dma_start3A_201 = arith.constant 0 : i32
        %dma_start3A_202 = tpu.memref_slice %arg12[%dma_start3A_199, %dma_start3A_200, %dma_start3A_201] : memref<2x4x512xi32, #tpu.memory_space<vmem>> -> memref<1x1x512xi32, #tpu.memory_space<vmem>>
        %dma_start3A_203 = tpu.memref_squeeze %dma_start3A_202 : memref<1x1x512xi32, #tpu.memory_space<vmem>> -> memref<512xi32, #tpu.memory_space<vmem>>
        %dma_start3A_204 = arith.constant 0 : i32
        %dma_start3A_205 = arith.constant 0 : i32
        %dma_start3A_206 = tpu.memref_slice %arg4[%dma_start3A_204, %dma_start3A_205] : memref<100096x16xf32, #tpu.memory_space<hbm>> -> memref<100096x16xf32, #tpu.memory_space<hbm>>
        tpu.enqueue_indirect_dma source(%dma_start3A_206 : memref<100096x16xf32, #tpu.memory_space<hbm>>) target(%arg14 : memref<512x16xf32, #tpu.memory_space<vmem>>) offsets(%dma_start3A_203 : memref<512xi32, #tpu.memory_space<vmem>>) semaphore(%arg17 : memref<!tpu.dma_semaphore, #tpu.memory_space<semaphore_mem>>)
        %dma_wait3A_207 = arith.constant 1 : i32
        %dma_wait3A_208 = arith.constant 1 : i32
        %dma_wait3A_209 = arith.constant 0 : i32
        %dma_wait3A_210 = tpu.memref_slice %arg12[%dma_wait3A_207, %dma_wait3A_208, %dma_wait3A_209] : memref<2x4x512xi32, #tpu.memory_space<vmem>> -> memref<1x1x512xi32, #tpu.memory_space<vmem>>
        %dma_wait3A_211 = tpu.memref_squeeze %dma_wait3A_210 : memref<1x1x512xi32, #tpu.memory_space<vmem>> -> memref<512xi32, #tpu.memory_space<vmem>>
        %dma_wait3A_212 = arith.constant 0 : i32
        %dma_wait3A_213 = arith.constant 0 : i32
        %dma_wait3A_214 = tpu.memref_slice %arg4[%dma_wait3A_212, %dma_wait3A_213] : memref<100096x16xf32, #tpu.memory_space<hbm>> -> memref<100096x16xf32, #tpu.memory_space<hbm>>
        tpu.wait_indirect_dma semaphore(%arg18 : memref<!tpu.dma_semaphore, #tpu.memory_space<semaphore_mem>>) src(%dma_wait3A_214 : memref<100096x16xf32, #tpu.memory_space<hbm>>) dst(%arg15 : memref<512x16xf32, #tpu.memory_space<vmem>>)
        %dma_start3A_215 = arith.constant 1 : i32
        %dma_start3A_216 = arith.constant 1 : i32
        %dma_start3A_217 = arith.constant 0 : i32
        %dma_start3A_218 = tpu.memref_slice %arg13[%dma_start3A_215, %dma_start3A_216, %dma_start3A_217] : memref<2x4x512xi32, #tpu.memory_space<vmem>> -> memref<1x1x512xi32, #tpu.memory_space<vmem>>
        %dma_start3A_219 = tpu.memref_squeeze %dma_start3A_218 : memref<1x1x512xi32, #tpu.memory_space<vmem>> -> memref<512xi32, #tpu.memory_space<vmem>>
        %dma_start3A_220 = arith.constant 0 : i32
        %dma_start3A_221 = arith.constant 0 : i32
        %dma_start3A_222 = tpu.memref_slice %arg16[%dma_start3A_220, %dma_start3A_221] : memref<100096x16xf32, #tpu.memory_space<vmem_shared>> -> memref<100096x16xf32, #tpu.memory_space<vmem_shared>>
        tpu.enqueue_indirect_dma source(%arg15 : memref<512x16xf32, #tpu.memory_space<vmem>>) target(%dma_start3A_222 : memref<100096x16xf32, #tpu.memory_space<vmem_shared>>) offsets(%dma_start3A_219 : memref<512xi32, #tpu.memory_space<vmem>>) semaphore(%arg20 : memref<!tpu.dma_semaphore, #tpu.memory_space<semaphore_mem>>) {add = true}
        %dma_wait3A_223 = arith.constant 1 : i32
        %dma_wait3A_224 = arith.constant 1 : i32
        %dma_wait3A_225 = arith.constant 0 : i32
        %dma_wait3A_226 = tpu.memref_slice %arg13[%dma_wait3A_223, %dma_wait3A_224, %dma_wait3A_225] : memref<2x4x512xi32, #tpu.memory_space<vmem>> -> memref<1x1x512xi32, #tpu.memory_space<vmem>>
        %dma_wait3A_227 = tpu.memref_squeeze %dma_wait3A_226 : memref<1x1x512xi32, #tpu.memory_space<vmem>> -> memref<512xi32, #tpu.memory_space<vmem>>
        %dma_wait3A_228 = arith.constant 0 : i32
        %dma_wait3A_229 = arith.constant 0 : i32
        %dma_wait3A_230 = tpu.memref_slice %arg16[%dma_wait3A_228, %dma_wait3A_229] : memref<100096x16xf32, #tpu.memory_space<vmem_shared>> -> memref<100096x16xf32, #tpu.memory_space<vmem_shared>>
        tpu.wait_indirect_dma semaphore(%arg20 : memref<!tpu.dma_semaphore, #tpu.memory_space<semaphore_mem>>) src(%arg15 : memref<512x16xf32, #tpu.memory_space<vmem>>) dst(%dma_wait3A_230 : memref<100096x16xf32, #tpu.memory_space<vmem_shared>>)
        %dma_start3A_231 = arith.constant 1 : i32
        %dma_start3A_232 = arith.constant 3 : i32
        %dma_start3A_233 = arith.constant 0 : i32
        %dma_start3A_234 = tpu.memref_slice %arg12[%dma_start3A_231, %dma_start3A_232, %dma_start3A_233] : memref<2x4x512xi32, #tpu.memory_space<vmem>> -> memref<1x1x512xi32, #tpu.memory_space<vmem>>
        %dma_start3A_235 = tpu.memref_squeeze %dma_start3A_234 : memref<1x1x512xi32, #tpu.memory_space<vmem>> -> memref<512xi32, #tpu.memory_space<vmem>>
        %dma_start3A_236 = arith.constant 0 : i32
        %dma_start3A_237 = arith.constant 0 : i32
        %dma_start3A_238 = tpu.memref_slice %arg4[%dma_start3A_236, %dma_start3A_237] : memref<100096x16xf32, #tpu.memory_space<hbm>> -> memref<100096x16xf32, #tpu.memory_space<hbm>>
        tpu.enqueue_indirect_dma source(%dma_start3A_238 : memref<100096x16xf32, #tpu.memory_space<hbm>>) target(%arg15 : memref<512x16xf32, #tpu.memory_space<vmem>>) offsets(%dma_start3A_235 : memref<512xi32, #tpu.memory_space<vmem>>) semaphore(%arg18 : memref<!tpu.dma_semaphore, #tpu.memory_space<semaphore_mem>>)
        %dma_wait3A_239 = arith.constant 1 : i32
        %dma_wait3A_240 = arith.constant 2 : i32
        %dma_wait3A_241 = arith.constant 0 : i32
        %dma_wait3A_242 = tpu.memref_slice %arg12[%dma_wait3A_239, %dma_wait3A_240, %dma_wait3A_241] : memref<2x4x512xi32, #tpu.memory_space<vmem>> -> memref<1x1x512xi32, #tpu.memory_space<vmem>>
        %dma_wait3A_243 = tpu.memref_squeeze %dma_wait3A_242 : memref<1x1x512xi32, #tpu.memory_space<vmem>> -> memref<512xi32, #tpu.memory_space<vmem>>
        %dma_wait3A_244 = arith.constant 0 : i32
        %dma_wait3A_245 = arith.constant 0 : i32
        %dma_wait3A_246 = tpu.memref_slice %arg4[%dma_wait3A_244, %dma_wait3A_245] : memref<100096x16xf32, #tpu.memory_space<hbm>> -> memref<100096x16xf32, #tpu.memory_space<hbm>>
        tpu.wait_indirect_dma semaphore(%arg17 : memref<!tpu.dma_semaphore, #tpu.memory_space<semaphore_mem>>) src(%dma_wait3A_246 : memref<100096x16xf32, #tpu.memory_space<hbm>>) dst(%arg14 : memref<512x16xf32, #tpu.memory_space<vmem>>)
        %dma_start3A_247 = arith.constant 1 : i32
        %dma_start3A_248 = arith.constant 2 : i32
        %dma_start3A_249 = arith.constant 0 : i32
        %dma_start3A_250 = tpu.memref_slice %arg13[%dma_start3A_247, %dma_start3A_248, %dma_start3A_249] : memref<2x4x512xi32, #tpu.memory_space<vmem>> -> memref<1x1x512xi32, #tpu.memory_space<vmem>>
        %dma_start3A_251 = tpu.memref_squeeze %dma_start3A_250 : memref<1x1x512xi32, #tpu.memory_space<vmem>> -> memref<512xi32, #tpu.memory_space<vmem>>
        %dma_start3A_252 = arith.constant 0 : i32
        %dma_start3A_253 = arith.constant 0 : i32
        %dma_start3A_254 = tpu.memref_slice %arg16[%dma_start3A_252, %dma_start3A_253] : memref<100096x16xf32, #tpu.memory_space<vmem_shared>> -> memref<100096x16xf32, #tpu.memory_space<vmem_shared>>
        tpu.enqueue_indirect_dma source(%arg14 : memref<512x16xf32, #tpu.memory_space<vmem>>) target(%dma_start3A_254 : memref<100096x16xf32, #tpu.memory_space<vmem_shared>>) offsets(%dma_start3A_251 : memref<512xi32, #tpu.memory_space<vmem>>) semaphore(%arg19 : memref<!tpu.dma_semaphore, #tpu.memory_space<semaphore_mem>>) {add = true}
        %dma_wait3A_255 = arith.constant 1 : i32
        %dma_wait3A_256 = arith.constant 3 : i32
        %dma_wait3A_257 = arith.constant 0 : i32
        %dma_wait3A_258 = tpu.memref_slice %arg12[%dma_wait3A_255, %dma_wait3A_256, %dma_wait3A_257] : memref<2x4x512xi32, #tpu.memory_space<vmem>> -> memref<1x1x512xi32, #tpu.memory_space<vmem>>
        %dma_wait3A_259 = tpu.memref_squeeze %dma_wait3A_258 : memref<1x1x512xi32, #tpu.memory_space<vmem>> -> memref<512xi32, #tpu.memory_space<vmem>>
        %dma_wait3A_260 = arith.constant 0 : i32
        %dma_wait3A_261 = arith.constant 0 : i32
        %dma_wait3A_262 = tpu.memref_slice %arg4[%dma_wait3A_260, %dma_wait3A_261] : memref<100096x16xf32, #tpu.memory_space<hbm>> -> memref<100096x16xf32, #tpu.memory_space<hbm>>
        tpu.wait_indirect_dma semaphore(%arg18 : memref<!tpu.dma_semaphore, #tpu.memory_space<semaphore_mem>>) src(%dma_wait3A_262 : memref<100096x16xf32, #tpu.memory_space<hbm>>) dst(%arg15 : memref<512x16xf32, #tpu.memory_space<vmem>>)
        %dma_start3A_263 = arith.constant 1 : i32
        %dma_start3A_264 = arith.constant 3 : i32
        %dma_start3A_265 = arith.constant 0 : i32
        %dma_start3A_266 = tpu.memref_slice %arg13[%dma_start3A_263, %dma_start3A_264, %dma_start3A_265] : memref<2x4x512xi32, #tpu.memory_space<vmem>> -> memref<1x1x512xi32, #tpu.memory_space<vmem>>
        %dma_start3A_267 = tpu.memref_squeeze %dma_start3A_266 : memref<1x1x512xi32, #tpu.memory_space<vmem>> -> memref<512xi32, #tpu.memory_space<vmem>>
        %dma_start3A_268 = arith.constant 0 : i32
        %dma_start3A_269 = arith.constant 0 : i32
        %dma_start3A_270 = tpu.memref_slice %arg16[%dma_start3A_268, %dma_start3A_269] : memref<100096x16xf32, #tpu.memory_space<vmem_shared>> -> memref<100096x16xf32, #tpu.memory_space<vmem_shared>>
        tpu.enqueue_indirect_dma source(%arg15 : memref<512x16xf32, #tpu.memory_space<vmem>>) target(%dma_start3A_270 : memref<100096x16xf32, #tpu.memory_space<vmem_shared>>) offsets(%dma_start3A_267 : memref<512xi32, #tpu.memory_space<vmem>>) semaphore(%arg20 : memref<!tpu.dma_semaphore, #tpu.memory_space<semaphore_mem>>) {add = true}
        %dma_wait3A_271 = arith.constant 1 : i32
        %dma_wait3A_272 = arith.constant 2 : i32
        %dma_wait3A_273 = arith.constant 0 : i32
        %dma_wait3A_274 = tpu.memref_slice %arg13[%dma_wait3A_271, %dma_wait3A_272, %dma_wait3A_273] : memref<2x4x512xi32, #tpu.memory_space<vmem>> -> memref<1x1x512xi32, #tpu.memory_space<vmem>>
        %dma_wait3A_275 = tpu.memref_squeeze %dma_wait3A_274 : memref<1x1x512xi32, #tpu.memory_space<vmem>> -> memref<512xi32, #tpu.memory_space<vmem>>
        %dma_wait3A_276 = arith.constant 0 : i32
        %dma_wait3A_277 = arith.constant 0 : i32
        %dma_wait3A_278 = tpu.memref_slice %arg16[%dma_wait3A_276, %dma_wait3A_277] : memref<100096x16xf32, #tpu.memory_space<vmem_shared>> -> memref<100096x16xf32, #tpu.memory_space<vmem_shared>>
        tpu.wait_indirect_dma semaphore(%arg19 : memref<!tpu.dma_semaphore, #tpu.memory_space<semaphore_mem>>) src(%arg14 : memref<512x16xf32, #tpu.memory_space<vmem>>) dst(%dma_wait3A_278 : memref<100096x16xf32, #tpu.memory_space<vmem_shared>>)
        %dma_wait3A_279 = arith.constant 1 : i32
        %dma_wait3A_280 = arith.constant 3 : i32
        %dma_wait3A_281 = arith.constant 0 : i32
        %dma_wait3A_282 = tpu.memref_slice %arg13[%dma_wait3A_279, %dma_wait3A_280, %dma_wait3A_281] : memref<2x4x512xi32, #tpu.memory_space<vmem>> -> memref<1x1x512xi32, #tpu.memory_space<vmem>>
        %dma_wait3A_283 = tpu.memref_squeeze %dma_wait3A_282 : memref<1x1x512xi32, #tpu.memory_space<vmem>> -> memref<512xi32, #tpu.memory_space<vmem>>
        %dma_wait3A_284 = arith.constant 0 : i32
        %dma_wait3A_285 = arith.constant 0 : i32
        %dma_wait3A_286 = tpu.memref_slice %arg16[%dma_wait3A_284, %dma_wait3A_285] : memref<100096x16xf32, #tpu.memory_space<vmem_shared>> -> memref<100096x16xf32, #tpu.memory_space<vmem_shared>>
        tpu.wait_indirect_dma semaphore(%arg20 : memref<!tpu.dma_semaphore, #tpu.memory_space<semaphore_mem>>) src(%arg15 : memref<512x16xf32, #tpu.memory_space<vmem>>) dst(%dma_wait3A_286 : memref<100096x16xf32, #tpu.memory_space<vmem_shared>>)
        %scan3A_287 = arith.constant 0 : i32
        scf.yield %scan3A_287 : i32
      }
      %scan3A_23 = arith.constant 25 : i32
      %barrier3A_24 = arith.constant 0 : index
      tpu.barrier barrier_id(%barrier3A_24)
      "tpu.region"() ({
        %run_scoped3A = tpu.sem_alloc : memref<!tpu.dma_semaphore, #tpu.memory_space<semaphore_mem>>
        %dma_start3A = arith.constant 0 : i32
        %dma_start3A_25 = tpu.memref_slice %arg8[%mul3A_0, %dma_start3A] : memref<100096x16xf32, #tpu.memory_space<hbm>> -> memref<6256x16xf32, #tpu.memory_space<hbm>>
        %dma_start3A_26 = arith.constant 0 : i32
        %dma_start3A_27 = tpu.memref_slice %arg16[%mul3A_0, %dma_start3A_26] : memref<100096x16xf32, #tpu.memory_space<vmem_shared>> -> memref<6256x16xf32, #tpu.memory_space<vmem_shared>>
        tpu.enqueue_dma source(%dma_start3A_27 : memref<6256x16xf32, #tpu.memory_space<vmem_shared>>) target(%dma_start3A_25 : memref<6256x16xf32, #tpu.memory_space<hbm>>) target_semaphore(%run_scoped3A : memref<!tpu.dma_semaphore, #tpu.memory_space<semaphore_mem>>)
        %dma_wait3A = arith.constant 0 : i32
        %dma_wait3A_28 = tpu.memref_slice %arg8[%mul3A_0, %dma_wait3A] : memref<100096x16xf32, #tpu.memory_space<hbm>> -> memref<6256x16xf32, #tpu.memory_space<hbm>>
        %dma_wait3A_29 = arith.constant 0 : i32
        %dma_wait3A_30 = tpu.memref_slice %arg16[%mul3A_0, %dma_wait3A_29] : memref<100096x16xf32, #tpu.memory_space<vmem_shared>> -> memref<6256x16xf32, #tpu.memory_space<vmem_shared>>
        tpu.wait_dma2 semaphore(%run_scoped3A : memref<!tpu.dma_semaphore, #tpu.memory_space<semaphore_mem>>) src(%dma_wait3A_30 : memref<6256x16xf32, #tpu.memory_space<vmem_shared>>) dst(%dma_wait3A_28 : memref<6256x16xf32, #tpu.memory_space<hbm>>)
        tpu.yield
      }) : () -> ()
    } else {
    }
    %eq3A_3 = arith.constant 0 : i32
    %eq3A_4 = arith.cmpi eq, %arg0, %eq3A_3 : i32
    %convert_element_type3A_5 = arith.extui %eq3A_4 : i1 to i32
    %cond3A_6 = arith.constant 0 : i32
    %cond3A_7 = arith.cmpi ne, %convert_element_type3A_5, %cond3A_6 : i32
    scf.if %cond3A_7 {
      "tpu.region"() ({
        %run_scoped3A = tpu.sem_alloc : memref<!tpu.dma_semaphore, #tpu.memory_space<semaphore_mem>>
        %dma_start3A = arith.constant 0 : i32
        %dma_start3A_25 = tpu.memref_slice %arg16[%mul3A_0, %dma_start3A] : memref<100096x16xf32, #tpu.memory_space<vmem_shared>> -> memref<6256x16xf32, #tpu.memory_space<vmem_shared>>
        %dma_start3A_26 = arith.constant 0 : i32
        %dma_start3A_27 = tpu.memref_slice %arg5[%mul3A_0, %dma_start3A_26] : memref<100096x16xf32, #tpu.memory_space<hbm>> -> memref<6256x16xf32, #tpu.memory_space<hbm>>
        tpu.enqueue_dma source(%dma_start3A_27 : memref<6256x16xf32, #tpu.memory_space<hbm>>) target(%dma_start3A_25 : memref<6256x16xf32, #tpu.memory_space<vmem_shared>>) target_semaphore(%run_scoped3A : memref<!tpu.dma_semaphore, #tpu.memory_space<semaphore_mem>>)
        %dma_wait3A = arith.constant 0 : i32
        %dma_wait3A_28 = tpu.memref_slice %arg16[%mul3A_0, %dma_wait3A] : memref<100096x16xf32, #tpu.memory_space<vmem_shared>> -> memref<6256x16xf32, #tpu.memory_space<vmem_shared>>
        %dma_wait3A_29 = arith.constant 0 : i32
        %dma_wait3A_30 = tpu.memref_slice %arg5[%mul3A_0, %dma_wait3A_29] : memref<100096x16xf32, #tpu.memory_space<hbm>> -> memref<6256x16xf32, #tpu.memory_space<hbm>>
        tpu.wait_dma2 semaphore(%run_scoped3A : memref<!tpu.dma_semaphore, #tpu.memory_space<semaphore_mem>>) src(%dma_wait3A_30 : memref<6256x16xf32, #tpu.memory_space<hbm>>) dst(%dma_wait3A_28 : memref<6256x16xf32, #tpu.memory_space<vmem_shared>>)
        tpu.yield
      }) : () -> ()
      %barrier3A = arith.constant 0 : index
      tpu.barrier barrier_id(%barrier3A)
      %scan3A = arith.constant 0 : i32
      %scan3A_18 = arith.constant 0 : i32
      %scan3A_19 = arith.constant 25 : i32
      %scan3A_20 = arith.addi %scan3A_18, %scan3A_19 : i32
      %scan3A_21 = arith.constant 1 : i32
      %scan3A_22 = scf.for %scan3A_25 = %scan3A_18 to %scan3A_20 step %scan3A_21 iter_args(%scan3A_26 = %scan3A) -> (i32)  : i32 {
        %mul3A_27 = arith.constant 25 : i32
        %mul3A_28 = arith.muli %arg1, %mul3A_27 : i32
        %add3A = arith.addi %mul3A_28, %scan3A_25 : i32
        %mul3A_29 = arith.constant 2 : i32
        %mul3A_30 = arith.muli %mul3A_29, %add3A : i32
        "tpu.region"() ({
          %run_scoped3A = tpu.sem_alloc : memref<!tpu.dma_semaphore, #tpu.memory_space<semaphore_mem>>
          %dma_start3A_288 = arith.constant 0 : i32
          %dma_start3A_289 = arith.constant 0 : i32
          %dma_start3A_290 = tpu.memref_slice %arg2[%mul3A_30, %dma_start3A_288, %dma_start3A_289] : memref<800x4x512xi32, #tpu.memory_space<hbm>> -> memref<2x4x512xi32, #tpu.memory_space<hbm>>
          %dma_start3A_291 = arith.constant 0 : i32
          %dma_start3A_292 = arith.constant 0 : i32
          %dma_start3A_293 = tpu.memref_slice %arg2[%mul3A_30, %dma_start3A_291, %dma_start3A_292] : memref<800x4x512xi32, #tpu.memory_space<hbm>> -> memref<2x4x512xi32, #tpu.memory_space<hbm>>
          tpu.enqueue_dma source(%dma_start3A_293 : memref<2x4x512xi32, #tpu.memory_space<hbm>>) target(%arg12 : memref<2x4x512xi32, #tpu.memory_space<vmem>>) target_semaphore(%run_scoped3A : memref<!tpu.dma_semaphore, #tpu.memory_space<semaphore_mem>>)
          %dma_wait3A_294 = arith.constant 0 : i32
          %dma_wait3A_295 = arith.constant 0 : i32
          %dma_wait3A_296 = tpu.memref_slice %arg2[%mul3A_30, %dma_wait3A_294, %dma_wait3A_295] : memref<800x4x512xi32, #tpu.memory_space<hbm>> -> memref<2x4x512xi32, #tpu.memory_space<hbm>>
          %dma_wait3A_297 = arith.constant 0 : i32
          %dma_wait3A_298 = arith.constant 0 : i32
          %dma_wait3A_299 = tpu.memref_slice %arg2[%mul3A_30, %dma_wait3A_297, %dma_wait3A_298] : memref<800x4x512xi32, #tpu.memory_space<hbm>> -> memref<2x4x512xi32, #tpu.memory_space<hbm>>
          tpu.wait_dma2 semaphore(%run_scoped3A : memref<!tpu.dma_semaphore, #tpu.memory_space<semaphore_mem>>) src(%dma_wait3A_299 : memref<2x4x512xi32, #tpu.memory_space<hbm>>) dst(%arg12 : memref<2x4x512xi32, #tpu.memory_space<vmem>>)
          tpu.yield
        }) : () -> ()
        %mul3A_31 = arith.constant 2 : i32
        %mul3A_32 = arith.muli %mul3A_31, %add3A : i32
        "tpu.region"() ({
          %run_scoped3A = tpu.sem_alloc : memref<!tpu.dma_semaphore, #tpu.memory_space<semaphore_mem>>
          %dma_start3A_288 = arith.constant 0 : i32
          %dma_start3A_289 = arith.constant 0 : i32
          %dma_start3A_290 = tpu.memref_slice %arg3[%mul3A_32, %dma_start3A_288, %dma_start3A_289] : memref<800x4x512xi32, #tpu.memory_space<hbm>> -> memref<2x4x512xi32, #tpu.memory_space<hbm>>
          %dma_start3A_291 = arith.constant 0 : i32
          %dma_start3A_292 = arith.constant 0 : i32
          %dma_start3A_293 = tpu.memref_slice %arg3[%mul3A_32, %dma_start3A_291, %dma_start3A_292] : memref<800x4x512xi32, #tpu.memory_space<hbm>> -> memref<2x4x512xi32, #tpu.memory_space<hbm>>
          tpu.enqueue_dma source(%dma_start3A_293 : memref<2x4x512xi32, #tpu.memory_space<hbm>>) target(%arg13 : memref<2x4x512xi32, #tpu.memory_space<vmem>>) target_semaphore(%run_scoped3A : memref<!tpu.dma_semaphore, #tpu.memory_space<semaphore_mem>>)
          %dma_wait3A_294 = arith.constant 0 : i32
          %dma_wait3A_295 = arith.constant 0 : i32
          %dma_wait3A_296 = tpu.memref_slice %arg3[%mul3A_32, %dma_wait3A_294, %dma_wait3A_295] : memref<800x4x512xi32, #tpu.memory_space<hbm>> -> memref<2x4x512xi32, #tpu.memory_space<hbm>>
          %dma_wait3A_297 = arith.constant 0 : i32
          %dma_wait3A_298 = arith.constant 0 : i32
          %dma_wait3A_299 = tpu.memref_slice %arg3[%mul3A_32, %dma_wait3A_297, %dma_wait3A_298] : memref<800x4x512xi32, #tpu.memory_space<hbm>> -> memref<2x4x512xi32, #tpu.memory_space<hbm>>
          tpu.wait_dma2 semaphore(%run_scoped3A : memref<!tpu.dma_semaphore, #tpu.memory_space<semaphore_mem>>) src(%dma_wait3A_299 : memref<2x4x512xi32, #tpu.memory_space<hbm>>) dst(%arg13 : memref<2x4x512xi32, #tpu.memory_space<vmem>>)
          tpu.yield
        }) : () -> ()
        %dma_start3A = arith.constant 0 : i32
        %dma_start3A_33 = arith.constant 0 : i32
        %dma_start3A_34 = arith.constant 0 : i32
        %dma_start3A_35 = tpu.memref_slice %arg12[%dma_start3A, %dma_start3A_33, %dma_start3A_34] : memref<2x4x512xi32, #tpu.memory_space<vmem>> -> memref<1x1x512xi32, #tpu.memory_space<vmem>>
        %dma_start3A_36 = tpu.memref_squeeze %dma_start3A_35 : memref<1x1x512xi32, #tpu.memory_space<vmem>> -> memref<512xi32, #tpu.memory_space<vmem>>
        %dma_start3A_37 = arith.constant 0 : i32
        %dma_start3A_38 = arith.constant 0 : i32
        %dma_start3A_39 = tpu.memref_slice %arg5[%dma_start3A_37, %dma_start3A_38] : memref<100096x16xf32, #tpu.memory_space<hbm>> -> memref<100096x16xf32, #tpu.memory_space<hbm>>
        tpu.enqueue_indirect_dma source(%dma_start3A_39 : memref<100096x16xf32, #tpu.memory_space<hbm>>) target(%arg14 : memref<512x16xf32, #tpu.memory_space<vmem>>) offsets(%dma_start3A_36 : memref<512xi32, #tpu.memory_space<vmem>>) semaphore(%arg17 : memref<!tpu.dma_semaphore, #tpu.memory_space<semaphore_mem>>)
        %dma_start3A_40 = arith.constant 0 : i32
        %dma_start3A_41 = arith.constant 1 : i32
        %dma_start3A_42 = arith.constant 0 : i32
        %dma_start3A_43 = tpu.memref_slice %arg12[%dma_start3A_40, %dma_start3A_41, %dma_start3A_42] : memref<2x4x512xi32, #tpu.memory_space<vmem>> -> memref<1x1x512xi32, #tpu.memory_space<vmem>>
        %dma_start3A_44 = tpu.memref_squeeze %dma_start3A_43 : memref<1x1x512xi32, #tpu.memory_space<vmem>> -> memref<512xi32, #tpu.memory_space<vmem>>
        %dma_start3A_45 = arith.constant 0 : i32
        %dma_start3A_46 = arith.constant 0 : i32
        %dma_start3A_47 = tpu.memref_slice %arg5[%dma_start3A_45, %dma_start3A_46] : memref<100096x16xf32, #tpu.memory_space<hbm>> -> memref<100096x16xf32, #tpu.memory_space<hbm>>
        tpu.enqueue_indirect_dma source(%dma_start3A_47 : memref<100096x16xf32, #tpu.memory_space<hbm>>) target(%arg15 : memref<512x16xf32, #tpu.memory_space<vmem>>) offsets(%dma_start3A_44 : memref<512xi32, #tpu.memory_space<vmem>>) semaphore(%arg18 : memref<!tpu.dma_semaphore, #tpu.memory_space<semaphore_mem>>)
        %dma_wait3A = arith.constant 0 : i32
        %dma_wait3A_48 = arith.constant 0 : i32
        %dma_wait3A_49 = arith.constant 0 : i32
        %dma_wait3A_50 = tpu.memref_slice %arg12[%dma_wait3A, %dma_wait3A_48, %dma_wait3A_49] : memref<2x4x512xi32, #tpu.memory_space<vmem>> -> memref<1x1x512xi32, #tpu.memory_space<vmem>>
        %dma_wait3A_51 = tpu.memref_squeeze %dma_wait3A_50 : memref<1x1x512xi32, #tpu.memory_space<vmem>> -> memref<512xi32, #tpu.memory_space<vmem>>
        %dma_wait3A_52 = arith.constant 0 : i32
        %dma_wait3A_53 = arith.constant 0 : i32
        %dma_wait3A_54 = tpu.memref_slice %arg5[%dma_wait3A_52, %dma_wait3A_53] : memref<100096x16xf32, #tpu.memory_space<hbm>> -> memref<100096x16xf32, #tpu.memory_space<hbm>>
        tpu.wait_indirect_dma semaphore(%arg17 : memref<!tpu.dma_semaphore, #tpu.memory_space<semaphore_mem>>) src(%dma_wait3A_54 : memref<100096x16xf32, #tpu.memory_space<hbm>>) dst(%arg14 : memref<512x16xf32, #tpu.memory_space<vmem>>)
        %dma_start3A_55 = arith.constant 0 : i32
        %dma_start3A_56 = arith.constant 0 : i32
        %dma_start3A_57 = arith.constant 0 : i32
        %dma_start3A_58 = tpu.memref_slice %arg13[%dma_start3A_55, %dma_start3A_56, %dma_start3A_57] : memref<2x4x512xi32, #tpu.memory_space<vmem>> -> memref<1x1x512xi32, #tpu.memory_space<vmem>>
        %dma_start3A_59 = tpu.memref_squeeze %dma_start3A_58 : memref<1x1x512xi32, #tpu.memory_space<vmem>> -> memref<512xi32, #tpu.memory_space<vmem>>
        %dma_start3A_60 = arith.constant 0 : i32
        %dma_start3A_61 = arith.constant 0 : i32
        %dma_start3A_62 = tpu.memref_slice %arg16[%dma_start3A_60, %dma_start3A_61] : memref<100096x16xf32, #tpu.memory_space<vmem_shared>> -> memref<100096x16xf32, #tpu.memory_space<vmem_shared>>
        tpu.enqueue_indirect_dma source(%arg14 : memref<512x16xf32, #tpu.memory_space<vmem>>) target(%dma_start3A_62 : memref<100096x16xf32, #tpu.memory_space<vmem_shared>>) offsets(%dma_start3A_59 : memref<512xi32, #tpu.memory_space<vmem>>) semaphore(%arg19 : memref<!tpu.dma_semaphore, #tpu.memory_space<semaphore_mem>>) {add = true}
        %dma_wait3A_63 = arith.constant 0 : i32
        %dma_wait3A_64 = arith.constant 0 : i32
        %dma_wait3A_65 = arith.constant 0 : i32
        %dma_wait3A_66 = tpu.memref_slice %arg13[%dma_wait3A_63, %dma_wait3A_64, %dma_wait3A_65] : memref<2x4x512xi32, #tpu.memory_space<vmem>> -> memref<1x1x512xi32, #tpu.memory_space<vmem>>
        %dma_wait3A_67 = tpu.memref_squeeze %dma_wait3A_66 : memref<1x1x512xi32, #tpu.memory_space<vmem>> -> memref<512xi32, #tpu.memory_space<vmem>>
        %dma_wait3A_68 = arith.constant 0 : i32
        %dma_wait3A_69 = arith.constant 0 : i32
        %dma_wait3A_70 = tpu.memref_slice %arg16[%dma_wait3A_68, %dma_wait3A_69] : memref<100096x16xf32, #tpu.memory_space<vmem_shared>> -> memref<100096x16xf32, #tpu.memory_space<vmem_shared>>
        tpu.wait_indirect_dma semaphore(%arg19 : memref<!tpu.dma_semaphore, #tpu.memory_space<semaphore_mem>>) src(%arg14 : memref<512x16xf32, #tpu.memory_space<vmem>>) dst(%dma_wait3A_70 : memref<100096x16xf32, #tpu.memory_space<vmem_shared>>)
        %dma_start3A_71 = arith.constant 0 : i32
        %dma_start3A_72 = arith.constant 2 : i32
        %dma_start3A_73 = arith.constant 0 : i32
        %dma_start3A_74 = tpu.memref_slice %arg12[%dma_start3A_71, %dma_start3A_72, %dma_start3A_73] : memref<2x4x512xi32, #tpu.memory_space<vmem>> -> memref<1x1x512xi32, #tpu.memory_space<vmem>>
        %dma_start3A_75 = tpu.memref_squeeze %dma_start3A_74 : memref<1x1x512xi32, #tpu.memory_space<vmem>> -> memref<512xi32, #tpu.memory_space<vmem>>
        %dma_start3A_76 = arith.constant 0 : i32
        %dma_start3A_77 = arith.constant 0 : i32
        %dma_start3A_78 = tpu.memref_slice %arg5[%dma_start3A_76, %dma_start3A_77] : memref<100096x16xf32, #tpu.memory_space<hbm>> -> memref<100096x16xf32, #tpu.memory_space<hbm>>
        tpu.enqueue_indirect_dma source(%dma_start3A_78 : memref<100096x16xf32, #tpu.memory_space<hbm>>) target(%arg14 : memref<512x16xf32, #tpu.memory_space<vmem>>) offsets(%dma_start3A_75 : memref<512xi32, #tpu.memory_space<vmem>>) semaphore(%arg17 : memref<!tpu.dma_semaphore, #tpu.memory_space<semaphore_mem>>)
        %dma_wait3A_79 = arith.constant 0 : i32
        %dma_wait3A_80 = arith.constant 1 : i32
        %dma_wait3A_81 = arith.constant 0 : i32
        %dma_wait3A_82 = tpu.memref_slice %arg12[%dma_wait3A_79, %dma_wait3A_80, %dma_wait3A_81] : memref<2x4x512xi32, #tpu.memory_space<vmem>> -> memref<1x1x512xi32, #tpu.memory_space<vmem>>
        %dma_wait3A_83 = tpu.memref_squeeze %dma_wait3A_82 : memref<1x1x512xi32, #tpu.memory_space<vmem>> -> memref<512xi32, #tpu.memory_space<vmem>>
        %dma_wait3A_84 = arith.constant 0 : i32
        %dma_wait3A_85 = arith.constant 0 : i32
        %dma_wait3A_86 = tpu.memref_slice %arg5[%dma_wait3A_84, %dma_wait3A_85] : memref<100096x16xf32, #tpu.memory_space<hbm>> -> memref<100096x16xf32, #tpu.memory_space<hbm>>
        tpu.wait_indirect_dma semaphore(%arg18 : memref<!tpu.dma_semaphore, #tpu.memory_space<semaphore_mem>>) src(%dma_wait3A_86 : memref<100096x16xf32, #tpu.memory_space<hbm>>) dst(%arg15 : memref<512x16xf32, #tpu.memory_space<vmem>>)
        %dma_start3A_87 = arith.constant 0 : i32
        %dma_start3A_88 = arith.constant 1 : i32
        %dma_start3A_89 = arith.constant 0 : i32
        %dma_start3A_90 = tpu.memref_slice %arg13[%dma_start3A_87, %dma_start3A_88, %dma_start3A_89] : memref<2x4x512xi32, #tpu.memory_space<vmem>> -> memref<1x1x512xi32, #tpu.memory_space<vmem>>
        %dma_start3A_91 = tpu.memref_squeeze %dma_start3A_90 : memref<1x1x512xi32, #tpu.memory_space<vmem>> -> memref<512xi32, #tpu.memory_space<vmem>>
        %dma_start3A_92 = arith.constant 0 : i32
        %dma_start3A_93 = arith.constant 0 : i32
        %dma_start3A_94 = tpu.memref_slice %arg16[%dma_start3A_92, %dma_start3A_93] : memref<100096x16xf32, #tpu.memory_space<vmem_shared>> -> memref<100096x16xf32, #tpu.memory_space<vmem_shared>>
        tpu.enqueue_indirect_dma source(%arg15 : memref<512x16xf32, #tpu.memory_space<vmem>>) target(%dma_start3A_94 : memref<100096x16xf32, #tpu.memory_space<vmem_shared>>) offsets(%dma_start3A_91 : memref<512xi32, #tpu.memory_space<vmem>>) semaphore(%arg20 : memref<!tpu.dma_semaphore, #tpu.memory_space<semaphore_mem>>) {add = true}
        %dma_wait3A_95 = arith.constant 0 : i32
        %dma_wait3A_96 = arith.constant 1 : i32
        %dma_wait3A_97 = arith.constant 0 : i32
        %dma_wait3A_98 = tpu.memref_slice %arg13[%dma_wait3A_95, %dma_wait3A_96, %dma_wait3A_97] : memref<2x4x512xi32, #tpu.memory_space<vmem>> -> memref<1x1x512xi32, #tpu.memory_space<vmem>>
        %dma_wait3A_99 = tpu.memref_squeeze %dma_wait3A_98 : memref<1x1x512xi32, #tpu.memory_space<vmem>> -> memref<512xi32, #tpu.memory_space<vmem>>
        %dma_wait3A_100 = arith.constant 0 : i32
        %dma_wait3A_101 = arith.constant 0 : i32
        %dma_wait3A_102 = tpu.memref_slice %arg16[%dma_wait3A_100, %dma_wait3A_101] : memref<100096x16xf32, #tpu.memory_space<vmem_shared>> -> memref<100096x16xf32, #tpu.memory_space<vmem_shared>>
        tpu.wait_indirect_dma semaphore(%arg20 : memref<!tpu.dma_semaphore, #tpu.memory_space<semaphore_mem>>) src(%arg15 : memref<512x16xf32, #tpu.memory_space<vmem>>) dst(%dma_wait3A_102 : memref<100096x16xf32, #tpu.memory_space<vmem_shared>>)
        %dma_start3A_103 = arith.constant 0 : i32
        %dma_start3A_104 = arith.constant 3 : i32
        %dma_start3A_105 = arith.constant 0 : i32
        %dma_start3A_106 = tpu.memref_slice %arg12[%dma_start3A_103, %dma_start3A_104, %dma_start3A_105] : memref<2x4x512xi32, #tpu.memory_space<vmem>> -> memref<1x1x512xi32, #tpu.memory_space<vmem>>
        %dma_start3A_107 = tpu.memref_squeeze %dma_start3A_106 : memref<1x1x512xi32, #tpu.memory_space<vmem>> -> memref<512xi32, #tpu.memory_space<vmem>>
        %dma_start3A_108 = arith.constant 0 : i32
        %dma_start3A_109 = arith.constant 0 : i32
        %dma_start3A_110 = tpu.memref_slice %arg5[%dma_start3A_108, %dma_start3A_109] : memref<100096x16xf32, #tpu.memory_space<hbm>> -> memref<100096x16xf32, #tpu.memory_space<hbm>>
        tpu.enqueue_indirect_dma source(%dma_start3A_110 : memref<100096x16xf32, #tpu.memory_space<hbm>>) target(%arg15 : memref<512x16xf32, #tpu.memory_space<vmem>>) offsets(%dma_start3A_107 : memref<512xi32, #tpu.memory_space<vmem>>) semaphore(%arg18 : memref<!tpu.dma_semaphore, #tpu.memory_space<semaphore_mem>>)
        %dma_wait3A_111 = arith.constant 0 : i32
        %dma_wait3A_112 = arith.constant 2 : i32
        %dma_wait3A_113 = arith.constant 0 : i32
        %dma_wait3A_114 = tpu.memref_slice %arg12[%dma_wait3A_111, %dma_wait3A_112, %dma_wait3A_113] : memref<2x4x512xi32, #tpu.memory_space<vmem>> -> memref<1x1x512xi32, #tpu.memory_space<vmem>>
        %dma_wait3A_115 = tpu.memref_squeeze %dma_wait3A_114 : memref<1x1x512xi32, #tpu.memory_space<vmem>> -> memref<512xi32, #tpu.memory_space<vmem>>
        %dma_wait3A_116 = arith.constant 0 : i32
        %dma_wait3A_117 = arith.constant 0 : i32
        %dma_wait3A_118 = tpu.memref_slice %arg5[%dma_wait3A_116, %dma_wait3A_117] : memref<100096x16xf32, #tpu.memory_space<hbm>> -> memref<100096x16xf32, #tpu.memory_space<hbm>>
        tpu.wait_indirect_dma semaphore(%arg17 : memref<!tpu.dma_semaphore, #tpu.memory_space<semaphore_mem>>) src(%dma_wait3A_118 : memref<100096x16xf32, #tpu.memory_space<hbm>>) dst(%arg14 : memref<512x16xf32, #tpu.memory_space<vmem>>)
        %dma_start3A_119 = arith.constant 0 : i32
        %dma_start3A_120 = arith.constant 2 : i32
        %dma_start3A_121 = arith.constant 0 : i32
        %dma_start3A_122 = tpu.memref_slice %arg13[%dma_start3A_119, %dma_start3A_120, %dma_start3A_121] : memref<2x4x512xi32, #tpu.memory_space<vmem>> -> memref<1x1x512xi32, #tpu.memory_space<vmem>>
        %dma_start3A_123 = tpu.memref_squeeze %dma_start3A_122 : memref<1x1x512xi32, #tpu.memory_space<vmem>> -> memref<512xi32, #tpu.memory_space<vmem>>
        %dma_start3A_124 = arith.constant 0 : i32
        %dma_start3A_125 = arith.constant 0 : i32
        %dma_start3A_126 = tpu.memref_slice %arg16[%dma_start3A_124, %dma_start3A_125] : memref<100096x16xf32, #tpu.memory_space<vmem_shared>> -> memref<100096x16xf32, #tpu.memory_space<vmem_shared>>
        tpu.enqueue_indirect_dma source(%arg14 : memref<512x16xf32, #tpu.memory_space<vmem>>) target(%dma_start3A_126 : memref<100096x16xf32, #tpu.memory_space<vmem_shared>>) offsets(%dma_start3A_123 : memref<512xi32, #tpu.memory_space<vmem>>) semaphore(%arg19 : memref<!tpu.dma_semaphore, #tpu.memory_space<semaphore_mem>>) {add = true}
        %dma_wait3A_127 = arith.constant 0 : i32
        %dma_wait3A_128 = arith.constant 2 : i32
        %dma_wait3A_129 = arith.constant 0 : i32
        %dma_wait3A_130 = tpu.memref_slice %arg13[%dma_wait3A_127, %dma_wait3A_128, %dma_wait3A_129] : memref<2x4x512xi32, #tpu.memory_space<vmem>> -> memref<1x1x512xi32, #tpu.memory_space<vmem>>
        %dma_wait3A_131 = tpu.memref_squeeze %dma_wait3A_130 : memref<1x1x512xi32, #tpu.memory_space<vmem>> -> memref<512xi32, #tpu.memory_space<vmem>>
        %dma_wait3A_132 = arith.constant 0 : i32
        %dma_wait3A_133 = arith.constant 0 : i32
        %dma_wait3A_134 = tpu.memref_slice %arg16[%dma_wait3A_132, %dma_wait3A_133] : memref<100096x16xf32, #tpu.memory_space<vmem_shared>> -> memref<100096x16xf32, #tpu.memory_space<vmem_shared>>
        tpu.wait_indirect_dma semaphore(%arg19 : memref<!tpu.dma_semaphore, #tpu.memory_space<semaphore_mem>>) src(%arg14 : memref<512x16xf32, #tpu.memory_space<vmem>>) dst(%dma_wait3A_134 : memref<100096x16xf32, #tpu.memory_space<vmem_shared>>)
        %dma_start3A_135 = arith.constant 1 : i32
        %dma_start3A_136 = arith.constant 0 : i32
        %dma_start3A_137 = arith.constant 0 : i32
        %dma_start3A_138 = tpu.memref_slice %arg12[%dma_start3A_135, %dma_start3A_136, %dma_start3A_137] : memref<2x4x512xi32, #tpu.memory_space<vmem>> -> memref<1x1x512xi32, #tpu.memory_space<vmem>>
        %dma_start3A_139 = tpu.memref_squeeze %dma_start3A_138 : memref<1x1x512xi32, #tpu.memory_space<vmem>> -> memref<512xi32, #tpu.memory_space<vmem>>
        %dma_start3A_140 = arith.constant 0 : i32
        %dma_start3A_141 = arith.constant 0 : i32
        %dma_start3A_142 = tpu.memref_slice %arg5[%dma_start3A_140, %dma_start3A_141] : memref<100096x16xf32, #tpu.memory_space<hbm>> -> memref<100096x16xf32, #tpu.memory_space<hbm>>
        tpu.enqueue_indirect_dma source(%dma_start3A_142 : memref<100096x16xf32, #tpu.memory_space<hbm>>) target(%arg14 : memref<512x16xf32, #tpu.memory_space<vmem>>) offsets(%dma_start3A_139 : memref<512xi32, #tpu.memory_space<vmem>>) semaphore(%arg17 : memref<!tpu.dma_semaphore, #tpu.memory_space<semaphore_mem>>)
        %dma_wait3A_143 = arith.constant 0 : i32
        %dma_wait3A_144 = arith.constant 3 : i32
        %dma_wait3A_145 = arith.constant 0 : i32
        %dma_wait3A_146 = tpu.memref_slice %arg12[%dma_wait3A_143, %dma_wait3A_144, %dma_wait3A_145] : memref<2x4x512xi32, #tpu.memory_space<vmem>> -> memref<1x1x512xi32, #tpu.memory_space<vmem>>
        %dma_wait3A_147 = tpu.memref_squeeze %dma_wait3A_146 : memref<1x1x512xi32, #tpu.memory_space<vmem>> -> memref<512xi32, #tpu.memory_space<vmem>>
        %dma_wait3A_148 = arith.constant 0 : i32
        %dma_wait3A_149 = arith.constant 0 : i32
        %dma_wait3A_150 = tpu.memref_slice %arg5[%dma_wait3A_148, %dma_wait3A_149] : memref<100096x16xf32, #tpu.memory_space<hbm>> -> memref<100096x16xf32, #tpu.memory_space<hbm>>
        tpu.wait_indirect_dma semaphore(%arg18 : memref<!tpu.dma_semaphore, #tpu.memory_space<semaphore_mem>>) src(%dma_wait3A_150 : memref<100096x16xf32, #tpu.memory_space<hbm>>) dst(%arg15 : memref<512x16xf32, #tpu.memory_space<vmem>>)
        %dma_start3A_151 = arith.constant 0 : i32
        %dma_start3A_152 = arith.constant 3 : i32
        %dma_start3A_153 = arith.constant 0 : i32
        %dma_start3A_154 = tpu.memref_slice %arg13[%dma_start3A_151, %dma_start3A_152, %dma_start3A_153] : memref<2x4x512xi32, #tpu.memory_space<vmem>> -> memref<1x1x512xi32, #tpu.memory_space<vmem>>
        %dma_start3A_155 = tpu.memref_squeeze %dma_start3A_154 : memref<1x1x512xi32, #tpu.memory_space<vmem>> -> memref<512xi32, #tpu.memory_space<vmem>>
        %dma_start3A_156 = arith.constant 0 : i32
        %dma_start3A_157 = arith.constant 0 : i32
        %dma_start3A_158 = tpu.memref_slice %arg16[%dma_start3A_156, %dma_start3A_157] : memref<100096x16xf32, #tpu.memory_space<vmem_shared>> -> memref<100096x16xf32, #tpu.memory_space<vmem_shared>>
        tpu.enqueue_indirect_dma source(%arg15 : memref<512x16xf32, #tpu.memory_space<vmem>>) target(%dma_start3A_158 : memref<100096x16xf32, #tpu.memory_space<vmem_shared>>) offsets(%dma_start3A_155 : memref<512xi32, #tpu.memory_space<vmem>>) semaphore(%arg20 : memref<!tpu.dma_semaphore, #tpu.memory_space<semaphore_mem>>) {add = true}
        %dma_wait3A_159 = arith.constant 0 : i32
        %dma_wait3A_160 = arith.constant 3 : i32
        %dma_wait3A_161 = arith.constant 0 : i32
        %dma_wait3A_162 = tpu.memref_slice %arg13[%dma_wait3A_159, %dma_wait3A_160, %dma_wait3A_161] : memref<2x4x512xi32, #tpu.memory_space<vmem>> -> memref<1x1x512xi32, #tpu.memory_space<vmem>>
        %dma_wait3A_163 = tpu.memref_squeeze %dma_wait3A_162 : memref<1x1x512xi32, #tpu.memory_space<vmem>> -> memref<512xi32, #tpu.memory_space<vmem>>
        %dma_wait3A_164 = arith.constant 0 : i32
        %dma_wait3A_165 = arith.constant 0 : i32
        %dma_wait3A_166 = tpu.memref_slice %arg16[%dma_wait3A_164, %dma_wait3A_165] : memref<100096x16xf32, #tpu.memory_space<vmem_shared>> -> memref<100096x16xf32, #tpu.memory_space<vmem_shared>>
        tpu.wait_indirect_dma semaphore(%arg20 : memref<!tpu.dma_semaphore, #tpu.memory_space<semaphore_mem>>) src(%arg15 : memref<512x16xf32, #tpu.memory_space<vmem>>) dst(%dma_wait3A_166 : memref<100096x16xf32, #tpu.memory_space<vmem_shared>>)
        %dma_start3A_167 = arith.constant 1 : i32
        %dma_start3A_168 = arith.constant 1 : i32
        %dma_start3A_169 = arith.constant 0 : i32
        %dma_start3A_170 = tpu.memref_slice %arg12[%dma_start3A_167, %dma_start3A_168, %dma_start3A_169] : memref<2x4x512xi32, #tpu.memory_space<vmem>> -> memref<1x1x512xi32, #tpu.memory_space<vmem>>
        %dma_start3A_171 = tpu.memref_squeeze %dma_start3A_170 : memref<1x1x512xi32, #tpu.memory_space<vmem>> -> memref<512xi32, #tpu.memory_space<vmem>>
        %dma_start3A_172 = arith.constant 0 : i32
        %dma_start3A_173 = arith.constant 0 : i32
        %dma_start3A_174 = tpu.memref_slice %arg5[%dma_start3A_172, %dma_start3A_173] : memref<100096x16xf32, #tpu.memory_space<hbm>> -> memref<100096x16xf32, #tpu.memory_space<hbm>>
        tpu.enqueue_indirect_dma source(%dma_start3A_174 : memref<100096x16xf32, #tpu.memory_space<hbm>>) target(%arg15 : memref<512x16xf32, #tpu.memory_space<vmem>>) offsets(%dma_start3A_171 : memref<512xi32, #tpu.memory_space<vmem>>) semaphore(%arg18 : memref<!tpu.dma_semaphore, #tpu.memory_space<semaphore_mem>>)
        %dma_wait3A_175 = arith.constant 1 : i32
        %dma_wait3A_176 = arith.constant 0 : i32
        %dma_wait3A_177 = arith.constant 0 : i32
        %dma_wait3A_178 = tpu.memref_slice %arg12[%dma_wait3A_175, %dma_wait3A_176, %dma_wait3A_177] : memref<2x4x512xi32, #tpu.memory_space<vmem>> -> memref<1x1x512xi32, #tpu.memory_space<vmem>>
        %dma_wait3A_179 = tpu.memref_squeeze %dma_wait3A_178 : memref<1x1x512xi32, #tpu.memory_space<vmem>> -> memref<512xi32, #tpu.memory_space<vmem>>
        %dma_wait3A_180 = arith.constant 0 : i32
        %dma_wait3A_181 = arith.constant 0 : i32
        %dma_wait3A_182 = tpu.memref_slice %arg5[%dma_wait3A_180, %dma_wait3A_181] : memref<100096x16xf32, #tpu.memory_space<hbm>> -> memref<100096x16xf32, #tpu.memory_space<hbm>>
        tpu.wait_indirect_dma semaphore(%arg17 : memref<!tpu.dma_semaphore, #tpu.memory_space<semaphore_mem>>) src(%dma_wait3A_182 : memref<100096x16xf32, #tpu.memory_space<hbm>>) dst(%arg14 : memref<512x16xf32, #tpu.memory_space<vmem>>)
        %dma_start3A_183 = arith.constant 1 : i32
        %dma_start3A_184 = arith.constant 0 : i32
        %dma_start3A_185 = arith.constant 0 : i32
        %dma_start3A_186 = tpu.memref_slice %arg13[%dma_start3A_183, %dma_start3A_184, %dma_start3A_185] : memref<2x4x512xi32, #tpu.memory_space<vmem>> -> memref<1x1x512xi32, #tpu.memory_space<vmem>>
        %dma_start3A_187 = tpu.memref_squeeze %dma_start3A_186 : memref<1x1x512xi32, #tpu.memory_space<vmem>> -> memref<512xi32, #tpu.memory_space<vmem>>
        %dma_start3A_188 = arith.constant 0 : i32
        %dma_start3A_189 = arith.constant 0 : i32
        %dma_start3A_190 = tpu.memref_slice %arg16[%dma_start3A_188, %dma_start3A_189] : memref<100096x16xf32, #tpu.memory_space<vmem_shared>> -> memref<100096x16xf32, #tpu.memory_space<vmem_shared>>
        tpu.enqueue_indirect_dma source(%arg14 : memref<512x16xf32, #tpu.memory_space<vmem>>) target(%dma_start3A_190 : memref<100096x16xf32, #tpu.memory_space<vmem_shared>>) offsets(%dma_start3A_187 : memref<512xi32, #tpu.memory_space<vmem>>) semaphore(%arg19 : memref<!tpu.dma_semaphore, #tpu.memory_space<semaphore_mem>>) {add = true}
        %dma_wait3A_191 = arith.constant 1 : i32
        %dma_wait3A_192 = arith.constant 0 : i32
        %dma_wait3A_193 = arith.constant 0 : i32
        %dma_wait3A_194 = tpu.memref_slice %arg13[%dma_wait3A_191, %dma_wait3A_192, %dma_wait3A_193] : memref<2x4x512xi32, #tpu.memory_space<vmem>> -> memref<1x1x512xi32, #tpu.memory_space<vmem>>
        %dma_wait3A_195 = tpu.memref_squeeze %dma_wait3A_194 : memref<1x1x512xi32, #tpu.memory_space<vmem>> -> memref<512xi32, #tpu.memory_space<vmem>>
        %dma_wait3A_196 = arith.constant 0 : i32
        %dma_wait3A_197 = arith.constant 0 : i32
        %dma_wait3A_198 = tpu.memref_slice %arg16[%dma_wait3A_196, %dma_wait3A_197] : memref<100096x16xf32, #tpu.memory_space<vmem_shared>> -> memref<100096x16xf32, #tpu.memory_space<vmem_shared>>
        tpu.wait_indirect_dma semaphore(%arg19 : memref<!tpu.dma_semaphore, #tpu.memory_space<semaphore_mem>>) src(%arg14 : memref<512x16xf32, #tpu.memory_space<vmem>>) dst(%dma_wait3A_198 : memref<100096x16xf32, #tpu.memory_space<vmem_shared>>)
        %dma_start3A_199 = arith.constant 1 : i32
        %dma_start3A_200 = arith.constant 2 : i32
        %dma_start3A_201 = arith.constant 0 : i32
        %dma_start3A_202 = tpu.memref_slice %arg12[%dma_start3A_199, %dma_start3A_200, %dma_start3A_201] : memref<2x4x512xi32, #tpu.memory_space<vmem>> -> memref<1x1x512xi32, #tpu.memory_space<vmem>>
        %dma_start3A_203 = tpu.memref_squeeze %dma_start3A_202 : memref<1x1x512xi32, #tpu.memory_space<vmem>> -> memref<512xi32, #tpu.memory_space<vmem>>
        %dma_start3A_204 = arith.constant 0 : i32
        %dma_start3A_205 = arith.constant 0 : i32
        %dma_start3A_206 = tpu.memref_slice %arg5[%dma_start3A_204, %dma_start3A_205] : memref<100096x16xf32, #tpu.memory_space<hbm>> -> memref<100096x16xf32, #tpu.memory_space<hbm>>
        tpu.enqueue_indirect_dma source(%dma_start3A_206 : memref<100096x16xf32, #tpu.memory_space<hbm>>) target(%arg14 : memref<512x16xf32, #tpu.memory_space<vmem>>) offsets(%dma_start3A_203 : memref<512xi32, #tpu.memory_space<vmem>>) semaphore(%arg17 : memref<!tpu.dma_semaphore, #tpu.memory_space<semaphore_mem>>)
        %dma_wait3A_207 = arith.constant 1 : i32
        %dma_wait3A_208 = arith.constant 1 : i32
        %dma_wait3A_209 = arith.constant 0 : i32
        %dma_wait3A_210 = tpu.memref_slice %arg12[%dma_wait3A_207, %dma_wait3A_208, %dma_wait3A_209] : memref<2x4x512xi32, #tpu.memory_space<vmem>> -> memref<1x1x512xi32, #tpu.memory_space<vmem>>
        %dma_wait3A_211 = tpu.memref_squeeze %dma_wait3A_210 : memref<1x1x512xi32, #tpu.memory_space<vmem>> -> memref<512xi32, #tpu.memory_space<vmem>>
        %dma_wait3A_212 = arith.constant 0 : i32
        %dma_wait3A_213 = arith.constant 0 : i32
        %dma_wait3A_214 = tpu.memref_slice %arg5[%dma_wait3A_212, %dma_wait3A_213] : memref<100096x16xf32, #tpu.memory_space<hbm>> -> memref<100096x16xf32, #tpu.memory_space<hbm>>
        tpu.wait_indirect_dma semaphore(%arg18 : memref<!tpu.dma_semaphore, #tpu.memory_space<semaphore_mem>>) src(%dma_wait3A_214 : memref<100096x16xf32, #tpu.memory_space<hbm>>) dst(%arg15 : memref<512x16xf32, #tpu.memory_space<vmem>>)
        %dma_start3A_215 = arith.constant 1 : i32
        %dma_start3A_216 = arith.constant 1 : i32
        %dma_start3A_217 = arith.constant 0 : i32
        %dma_start3A_218 = tpu.memref_slice %arg13[%dma_start3A_215, %dma_start3A_216, %dma_start3A_217] : memref<2x4x512xi32, #tpu.memory_space<vmem>> -> memref<1x1x512xi32, #tpu.memory_space<vmem>>
        %dma_start3A_219 = tpu.memref_squeeze %dma_start3A_218 : memref<1x1x512xi32, #tpu.memory_space<vmem>> -> memref<512xi32, #tpu.memory_space<vmem>>
        %dma_start3A_220 = arith.constant 0 : i32
        %dma_start3A_221 = arith.constant 0 : i32
        %dma_start3A_222 = tpu.memref_slice %arg16[%dma_start3A_220, %dma_start3A_221] : memref<100096x16xf32, #tpu.memory_space<vmem_shared>> -> memref<100096x16xf32, #tpu.memory_space<vmem_shared>>
        tpu.enqueue_indirect_dma source(%arg15 : memref<512x16xf32, #tpu.memory_space<vmem>>) target(%dma_start3A_222 : memref<100096x16xf32, #tpu.memory_space<vmem_shared>>) offsets(%dma_start3A_219 : memref<512xi32, #tpu.memory_space<vmem>>) semaphore(%arg20 : memref<!tpu.dma_semaphore, #tpu.memory_space<semaphore_mem>>) {add = true}
        %dma_wait3A_223 = arith.constant 1 : i32
        %dma_wait3A_224 = arith.constant 1 : i32
        %dma_wait3A_225 = arith.constant 0 : i32
        %dma_wait3A_226 = tpu.memref_slice %arg13[%dma_wait3A_223, %dma_wait3A_224, %dma_wait3A_225] : memref<2x4x512xi32, #tpu.memory_space<vmem>> -> memref<1x1x512xi32, #tpu.memory_space<vmem>>
        %dma_wait3A_227 = tpu.memref_squeeze %dma_wait3A_226 : memref<1x1x512xi32, #tpu.memory_space<vmem>> -> memref<512xi32, #tpu.memory_space<vmem>>
        %dma_wait3A_228 = arith.constant 0 : i32
        %dma_wait3A_229 = arith.constant 0 : i32
        %dma_wait3A_230 = tpu.memref_slice %arg16[%dma_wait3A_228, %dma_wait3A_229] : memref<100096x16xf32, #tpu.memory_space<vmem_shared>> -> memref<100096x16xf32, #tpu.memory_space<vmem_shared>>
        tpu.wait_indirect_dma semaphore(%arg20 : memref<!tpu.dma_semaphore, #tpu.memory_space<semaphore_mem>>) src(%arg15 : memref<512x16xf32, #tpu.memory_space<vmem>>) dst(%dma_wait3A_230 : memref<100096x16xf32, #tpu.memory_space<vmem_shared>>)
        %dma_start3A_231 = arith.constant 1 : i32
        %dma_start3A_232 = arith.constant 3 : i32
        %dma_start3A_233 = arith.constant 0 : i32
        %dma_start3A_234 = tpu.memref_slice %arg12[%dma_start3A_231, %dma_start3A_232, %dma_start3A_233] : memref<2x4x512xi32, #tpu.memory_space<vmem>> -> memref<1x1x512xi32, #tpu.memory_space<vmem>>
        %dma_start3A_235 = tpu.memref_squeeze %dma_start3A_234 : memref<1x1x512xi32, #tpu.memory_space<vmem>> -> memref<512xi32, #tpu.memory_space<vmem>>
        %dma_start3A_236 = arith.constant 0 : i32
        %dma_start3A_237 = arith.constant 0 : i32
        %dma_start3A_238 = tpu.memref_slice %arg5[%dma_start3A_236, %dma_start3A_237] : memref<100096x16xf32, #tpu.memory_space<hbm>> -> memref<100096x16xf32, #tpu.memory_space<hbm>>
        tpu.enqueue_indirect_dma source(%dma_start3A_238 : memref<100096x16xf32, #tpu.memory_space<hbm>>) target(%arg15 : memref<512x16xf32, #tpu.memory_space<vmem>>) offsets(%dma_start3A_235 : memref<512xi32, #tpu.memory_space<vmem>>) semaphore(%arg18 : memref<!tpu.dma_semaphore, #tpu.memory_space<semaphore_mem>>)
        %dma_wait3A_239 = arith.constant 1 : i32
        %dma_wait3A_240 = arith.constant 2 : i32
        %dma_wait3A_241 = arith.constant 0 : i32
        %dma_wait3A_242 = tpu.memref_slice %arg12[%dma_wait3A_239, %dma_wait3A_240, %dma_wait3A_241] : memref<2x4x512xi32, #tpu.memory_space<vmem>> -> memref<1x1x512xi32, #tpu.memory_space<vmem>>
        %dma_wait3A_243 = tpu.memref_squeeze %dma_wait3A_242 : memref<1x1x512xi32, #tpu.memory_space<vmem>> -> memref<512xi32, #tpu.memory_space<vmem>>
        %dma_wait3A_244 = arith.constant 0 : i32
        %dma_wait3A_245 = arith.constant 0 : i32
        %dma_wait3A_246 = tpu.memref_slice %arg5[%dma_wait3A_244, %dma_wait3A_245] : memref<100096x16xf32, #tpu.memory_space<hbm>> -> memref<100096x16xf32, #tpu.memory_space<hbm>>
        tpu.wait_indirect_dma semaphore(%arg17 : memref<!tpu.dma_semaphore, #tpu.memory_space<semaphore_mem>>) src(%dma_wait3A_246 : memref<100096x16xf32, #tpu.memory_space<hbm>>) dst(%arg14 : memref<512x16xf32, #tpu.memory_space<vmem>>)
        %dma_start3A_247 = arith.constant 1 : i32
        %dma_start3A_248 = arith.constant 2 : i32
        %dma_start3A_249 = arith.constant 0 : i32
        %dma_start3A_250 = tpu.memref_slice %arg13[%dma_start3A_247, %dma_start3A_248, %dma_start3A_249] : memref<2x4x512xi32, #tpu.memory_space<vmem>> -> memref<1x1x512xi32, #tpu.memory_space<vmem>>
        %dma_start3A_251 = tpu.memref_squeeze %dma_start3A_250 : memref<1x1x512xi32, #tpu.memory_space<vmem>> -> memref<512xi32, #tpu.memory_space<vmem>>
        %dma_start3A_252 = arith.constant 0 : i32
        %dma_start3A_253 = arith.constant 0 : i32
        %dma_start3A_254 = tpu.memref_slice %arg16[%dma_start3A_252, %dma_start3A_253] : memref<100096x16xf32, #tpu.memory_space<vmem_shared>> -> memref<100096x16xf32, #tpu.memory_space<vmem_shared>>
        tpu.enqueue_indirect_dma source(%arg14 : memref<512x16xf32, #tpu.memory_space<vmem>>) target(%dma_start3A_254 : memref<100096x16xf32, #tpu.memory_space<vmem_shared>>) offsets(%dma_start3A_251 : memref<512xi32, #tpu.memory_space<vmem>>) semaphore(%arg19 : memref<!tpu.dma_semaphore, #tpu.memory_space<semaphore_mem>>) {add = true}
        %dma_wait3A_255 = arith.constant 1 : i32
        %dma_wait3A_256 = arith.constant 3 : i32
        %dma_wait3A_257 = arith.constant 0 : i32
        %dma_wait3A_258 = tpu.memref_slice %arg12[%dma_wait3A_255, %dma_wait3A_256, %dma_wait3A_257] : memref<2x4x512xi32, #tpu.memory_space<vmem>> -> memref<1x1x512xi32, #tpu.memory_space<vmem>>
        %dma_wait3A_259 = tpu.memref_squeeze %dma_wait3A_258 : memref<1x1x512xi32, #tpu.memory_space<vmem>> -> memref<512xi32, #tpu.memory_space<vmem>>
        %dma_wait3A_260 = arith.constant 0 : i32
        %dma_wait3A_261 = arith.constant 0 : i32
        %dma_wait3A_262 = tpu.memref_slice %arg5[%dma_wait3A_260, %dma_wait3A_261] : memref<100096x16xf32, #tpu.memory_space<hbm>> -> memref<100096x16xf32, #tpu.memory_space<hbm>>
        tpu.wait_indirect_dma semaphore(%arg18 : memref<!tpu.dma_semaphore, #tpu.memory_space<semaphore_mem>>) src(%dma_wait3A_262 : memref<100096x16xf32, #tpu.memory_space<hbm>>) dst(%arg15 : memref<512x16xf32, #tpu.memory_space<vmem>>)
        %dma_start3A_263 = arith.constant 1 : i32
        %dma_start3A_264 = arith.constant 3 : i32
        %dma_start3A_265 = arith.constant 0 : i32
        %dma_start3A_266 = tpu.memref_slice %arg13[%dma_start3A_263, %dma_start3A_264, %dma_start3A_265] : memref<2x4x512xi32, #tpu.memory_space<vmem>> -> memref<1x1x512xi32, #tpu.memory_space<vmem>>
        %dma_start3A_267 = tpu.memref_squeeze %dma_start3A_266 : memref<1x1x512xi32, #tpu.memory_space<vmem>> -> memref<512xi32, #tpu.memory_space<vmem>>
        %dma_start3A_268 = arith.constant 0 : i32
        %dma_start3A_269 = arith.constant 0 : i32
        %dma_start3A_270 = tpu.memref_slice %arg16[%dma_start3A_268, %dma_start3A_269] : memref<100096x16xf32, #tpu.memory_space<vmem_shared>> -> memref<100096x16xf32, #tpu.memory_space<vmem_shared>>
        tpu.enqueue_indirect_dma source(%arg15 : memref<512x16xf32, #tpu.memory_space<vmem>>) target(%dma_start3A_270 : memref<100096x16xf32, #tpu.memory_space<vmem_shared>>) offsets(%dma_start3A_267 : memref<512xi32, #tpu.memory_space<vmem>>) semaphore(%arg20 : memref<!tpu.dma_semaphore, #tpu.memory_space<semaphore_mem>>) {add = true}
        %dma_wait3A_271 = arith.constant 1 : i32
        %dma_wait3A_272 = arith.constant 2 : i32
        %dma_wait3A_273 = arith.constant 0 : i32
        %dma_wait3A_274 = tpu.memref_slice %arg13[%dma_wait3A_271, %dma_wait3A_272, %dma_wait3A_273] : memref<2x4x512xi32, #tpu.memory_space<vmem>> -> memref<1x1x512xi32, #tpu.memory_space<vmem>>
        %dma_wait3A_275 = tpu.memref_squeeze %dma_wait3A_274 : memref<1x1x512xi32, #tpu.memory_space<vmem>> -> memref<512xi32, #tpu.memory_space<vmem>>
        %dma_wait3A_276 = arith.constant 0 : i32
        %dma_wait3A_277 = arith.constant 0 : i32
        %dma_wait3A_278 = tpu.memref_slice %arg16[%dma_wait3A_276, %dma_wait3A_277] : memref<100096x16xf32, #tpu.memory_space<vmem_shared>> -> memref<100096x16xf32, #tpu.memory_space<vmem_shared>>
        tpu.wait_indirect_dma semaphore(%arg19 : memref<!tpu.dma_semaphore, #tpu.memory_space<semaphore_mem>>) src(%arg14 : memref<512x16xf32, #tpu.memory_space<vmem>>) dst(%dma_wait3A_278 : memref<100096x16xf32, #tpu.memory_space<vmem_shared>>)
        %dma_wait3A_279 = arith.constant 1 : i32
        %dma_wait3A_280 = arith.constant 3 : i32
        %dma_wait3A_281 = arith.constant 0 : i32
        %dma_wait3A_282 = tpu.memref_slice %arg13[%dma_wait3A_279, %dma_wait3A_280, %dma_wait3A_281] : memref<2x4x512xi32, #tpu.memory_space<vmem>> -> memref<1x1x512xi32, #tpu.memory_space<vmem>>
        %dma_wait3A_283 = tpu.memref_squeeze %dma_wait3A_282 : memref<1x1x512xi32, #tpu.memory_space<vmem>> -> memref<512xi32, #tpu.memory_space<vmem>>
        %dma_wait3A_284 = arith.constant 0 : i32
        %dma_wait3A_285 = arith.constant 0 : i32
        %dma_wait3A_286 = tpu.memref_slice %arg16[%dma_wait3A_284, %dma_wait3A_285] : memref<100096x16xf32, #tpu.memory_space<vmem_shared>> -> memref<100096x16xf32, #tpu.memory_space<vmem_shared>>
        tpu.wait_indirect_dma semaphore(%arg20 : memref<!tpu.dma_semaphore, #tpu.memory_space<semaphore_mem>>) src(%arg15 : memref<512x16xf32, #tpu.memory_space<vmem>>) dst(%dma_wait3A_286 : memref<100096x16xf32, #tpu.memory_space<vmem_shared>>)
        %scan3A_287 = arith.constant 0 : i32
        scf.yield %scan3A_287 : i32
      }
      %scan3A_23 = arith.constant 25 : i32
      %barrier3A_24 = arith.constant 0 : index
      tpu.barrier barrier_id(%barrier3A_24)
      "tpu.region"() ({
        %run_scoped3A = tpu.sem_alloc : memref<!tpu.dma_semaphore, #tpu.memory_space<semaphore_mem>>
        %dma_start3A = arith.constant 0 : i32
        %dma_start3A_25 = tpu.memref_slice %arg9[%mul3A_0, %dma_start3A] : memref<100096x16xf32, #tpu.memory_space<hbm>> -> memref<6256x16xf32, #tpu.memory_space<hbm>>
        %dma_start3A_26 = arith.constant 0 : i32
        %dma_start3A_27 = tpu.memref_slice %arg16[%mul3A_0, %dma_start3A_26] : memref<100096x16xf32, #tpu.memory_space<vmem_shared>> -> memref<6256x16xf32, #tpu.memory_space<vmem_shared>>
        tpu.enqueue_dma source(%dma_start3A_27 : memref<6256x16xf32, #tpu.memory_space<vmem_shared>>) target(%dma_start3A_25 : memref<6256x16xf32, #tpu.memory_space<hbm>>) target_semaphore(%run_scoped3A : memref<!tpu.dma_semaphore, #tpu.memory_space<semaphore_mem>>)
        %dma_wait3A = arith.constant 0 : i32
        %dma_wait3A_28 = tpu.memref_slice %arg9[%mul3A_0, %dma_wait3A] : memref<100096x16xf32, #tpu.memory_space<hbm>> -> memref<6256x16xf32, #tpu.memory_space<hbm>>
        %dma_wait3A_29 = arith.constant 0 : i32
        %dma_wait3A_30 = tpu.memref_slice %arg16[%mul3A_0, %dma_wait3A_29] : memref<100096x16xf32, #tpu.memory_space<vmem_shared>> -> memref<6256x16xf32, #tpu.memory_space<vmem_shared>>
        tpu.wait_dma2 semaphore(%run_scoped3A : memref<!tpu.dma_semaphore, #tpu.memory_space<semaphore_mem>>) src(%dma_wait3A_30 : memref<6256x16xf32, #tpu.memory_space<vmem_shared>>) dst(%dma_wait3A_28 : memref<6256x16xf32, #tpu.memory_space<hbm>>)
        tpu.yield
      }) : () -> ()
    } else {
    }
    %eq3A_8 = arith.constant 1 : i32
    %eq3A_9 = arith.cmpi eq, %arg0, %eq3A_8 : i32
    %convert_element_type3A_10 = arith.extui %eq3A_9 : i1 to i32
    %cond3A_11 = arith.constant 0 : i32
    %cond3A_12 = arith.cmpi ne, %convert_element_type3A_10, %cond3A_11 : i32
    scf.if %cond3A_12 {
      "tpu.region"() ({
        %run_scoped3A = tpu.sem_alloc : memref<!tpu.dma_semaphore, #tpu.memory_space<semaphore_mem>>
        %dma_start3A = arith.constant 0 : i32
        %dma_start3A_25 = tpu.memref_slice %arg16[%mul3A_0, %dma_start3A] : memref<100096x16xf32, #tpu.memory_space<vmem_shared>> -> memref<6256x16xf32, #tpu.memory_space<vmem_shared>>
        %dma_start3A_26 = arith.constant 0 : i32
        %dma_start3A_27 = tpu.memref_slice %arg6[%mul3A_0, %dma_start3A_26] : memref<100096x16xf32, #tpu.memory_space<hbm>> -> memref<6256x16xf32, #tpu.memory_space<hbm>>
        tpu.enqueue_dma source(%dma_start3A_27 : memref<6256x16xf32, #tpu.memory_space<hbm>>) target(%dma_start3A_25 : memref<6256x16xf32, #tpu.memory_space<vmem_shared>>) target_semaphore(%run_scoped3A : memref<!tpu.dma_semaphore, #tpu.memory_space<semaphore_mem>>)
        %dma_wait3A = arith.constant 0 : i32
        %dma_wait3A_28 = tpu.memref_slice %arg16[%mul3A_0, %dma_wait3A] : memref<100096x16xf32, #tpu.memory_space<vmem_shared>> -> memref<6256x16xf32, #tpu.memory_space<vmem_shared>>
        %dma_wait3A_29 = arith.constant 0 : i32
        %dma_wait3A_30 = tpu.memref_slice %arg6[%mul3A_0, %dma_wait3A_29] : memref<100096x16xf32, #tpu.memory_space<hbm>> -> memref<6256x16xf32, #tpu.memory_space<hbm>>
        tpu.wait_dma2 semaphore(%run_scoped3A : memref<!tpu.dma_semaphore, #tpu.memory_space<semaphore_mem>>) src(%dma_wait3A_30 : memref<6256x16xf32, #tpu.memory_space<hbm>>) dst(%dma_wait3A_28 : memref<6256x16xf32, #tpu.memory_space<vmem_shared>>)
        tpu.yield
      }) : () -> ()
      %barrier3A = arith.constant 0 : index
      tpu.barrier barrier_id(%barrier3A)
      %scan3A = arith.constant 0 : i32
      %scan3A_18 = arith.constant 0 : i32
      %scan3A_19 = arith.constant 25 : i32
      %scan3A_20 = arith.addi %scan3A_18, %scan3A_19 : i32
      %scan3A_21 = arith.constant 1 : i32
      %scan3A_22 = scf.for %scan3A_25 = %scan3A_18 to %scan3A_20 step %scan3A_21 iter_args(%scan3A_26 = %scan3A) -> (i32)  : i32 {
        %mul3A_27 = arith.constant 25 : i32
        %mul3A_28 = arith.muli %arg1, %mul3A_27 : i32
        %add3A = arith.addi %mul3A_28, %scan3A_25 : i32
        %mul3A_29 = arith.constant 2 : i32
        %mul3A_30 = arith.muli %mul3A_29, %add3A : i32
        "tpu.region"() ({
          %run_scoped3A = tpu.sem_alloc : memref<!tpu.dma_semaphore, #tpu.memory_space<semaphore_mem>>
          %dma_start3A_288 = arith.constant 0 : i32
          %dma_start3A_289 = arith.constant 0 : i32
          %dma_start3A_290 = tpu.memref_slice %arg2[%mul3A_30, %dma_start3A_288, %dma_start3A_289] : memref<800x4x512xi32, #tpu.memory_space<hbm>> -> memref<2x4x512xi32, #tpu.memory_space<hbm>>
          %dma_start3A_291 = arith.constant 0 : i32
          %dma_start3A_292 = arith.constant 0 : i32
          %dma_start3A_293 = tpu.memref_slice %arg2[%mul3A_30, %dma_start3A_291, %dma_start3A_292] : memref<800x4x512xi32, #tpu.memory_space<hbm>> -> memref<2x4x512xi32, #tpu.memory_space<hbm>>
          tpu.enqueue_dma source(%dma_start3A_293 : memref<2x4x512xi32, #tpu.memory_space<hbm>>) target(%arg12 : memref<2x4x512xi32, #tpu.memory_space<vmem>>) target_semaphore(%run_scoped3A : memref<!tpu.dma_semaphore, #tpu.memory_space<semaphore_mem>>)
          %dma_wait3A_294 = arith.constant 0 : i32
          %dma_wait3A_295 = arith.constant 0 : i32
          %dma_wait3A_296 = tpu.memref_slice %arg2[%mul3A_30, %dma_wait3A_294, %dma_wait3A_295] : memref<800x4x512xi32, #tpu.memory_space<hbm>> -> memref<2x4x512xi32, #tpu.memory_space<hbm>>
          %dma_wait3A_297 = arith.constant 0 : i32
          %dma_wait3A_298 = arith.constant 0 : i32
          %dma_wait3A_299 = tpu.memref_slice %arg2[%mul3A_30, %dma_wait3A_297, %dma_wait3A_298] : memref<800x4x512xi32, #tpu.memory_space<hbm>> -> memref<2x4x512xi32, #tpu.memory_space<hbm>>
          tpu.wait_dma2 semaphore(%run_scoped3A : memref<!tpu.dma_semaphore, #tpu.memory_space<semaphore_mem>>) src(%dma_wait3A_299 : memref<2x4x512xi32, #tpu.memory_space<hbm>>) dst(%arg12 : memref<2x4x512xi32, #tpu.memory_space<vmem>>)
          tpu.yield
        }) : () -> ()
        %mul3A_31 = arith.constant 2 : i32
        %mul3A_32 = arith.muli %mul3A_31, %add3A : i32
        "tpu.region"() ({
          %run_scoped3A = tpu.sem_alloc : memref<!tpu.dma_semaphore, #tpu.memory_space<semaphore_mem>>
          %dma_start3A_288 = arith.constant 0 : i32
          %dma_start3A_289 = arith.constant 0 : i32
          %dma_start3A_290 = tpu.memref_slice %arg3[%mul3A_32, %dma_start3A_288, %dma_start3A_289] : memref<800x4x512xi32, #tpu.memory_space<hbm>> -> memref<2x4x512xi32, #tpu.memory_space<hbm>>
          %dma_start3A_291 = arith.constant 0 : i32
          %dma_start3A_292 = arith.constant 0 : i32
          %dma_start3A_293 = tpu.memref_slice %arg3[%mul3A_32, %dma_start3A_291, %dma_start3A_292] : memref<800x4x512xi32, #tpu.memory_space<hbm>> -> memref<2x4x512xi32, #tpu.memory_space<hbm>>
          tpu.enqueue_dma source(%dma_start3A_293 : memref<2x4x512xi32, #tpu.memory_space<hbm>>) target(%arg13 : memref<2x4x512xi32, #tpu.memory_space<vmem>>) target_semaphore(%run_scoped3A : memref<!tpu.dma_semaphore, #tpu.memory_space<semaphore_mem>>)
          %dma_wait3A_294 = arith.constant 0 : i32
          %dma_wait3A_295 = arith.constant 0 : i32
          %dma_wait3A_296 = tpu.memref_slice %arg3[%mul3A_32, %dma_wait3A_294, %dma_wait3A_295] : memref<800x4x512xi32, #tpu.memory_space<hbm>> -> memref<2x4x512xi32, #tpu.memory_space<hbm>>
          %dma_wait3A_297 = arith.constant 0 : i32
          %dma_wait3A_298 = arith.constant 0 : i32
          %dma_wait3A_299 = tpu.memref_slice %arg3[%mul3A_32, %dma_wait3A_297, %dma_wait3A_298] : memref<800x4x512xi32, #tpu.memory_space<hbm>> -> memref<2x4x512xi32, #tpu.memory_space<hbm>>
          tpu.wait_dma2 semaphore(%run_scoped3A : memref<!tpu.dma_semaphore, #tpu.memory_space<semaphore_mem>>) src(%dma_wait3A_299 : memref<2x4x512xi32, #tpu.memory_space<hbm>>) dst(%arg13 : memref<2x4x512xi32, #tpu.memory_space<vmem>>)
          tpu.yield
        }) : () -> ()
        %dma_start3A = arith.constant 0 : i32
        %dma_start3A_33 = arith.constant 0 : i32
        %dma_start3A_34 = arith.constant 0 : i32
        %dma_start3A_35 = tpu.memref_slice %arg12[%dma_start3A, %dma_start3A_33, %dma_start3A_34] : memref<2x4x512xi32, #tpu.memory_space<vmem>> -> memref<1x1x512xi32, #tpu.memory_space<vmem>>
        %dma_start3A_36 = tpu.memref_squeeze %dma_start3A_35 : memref<1x1x512xi32, #tpu.memory_space<vmem>> -> memref<512xi32, #tpu.memory_space<vmem>>
        %dma_start3A_37 = arith.constant 0 : i32
        %dma_start3A_38 = arith.constant 0 : i32
        %dma_start3A_39 = tpu.memref_slice %arg6[%dma_start3A_37, %dma_start3A_38] : memref<100096x16xf32, #tpu.memory_space<hbm>> -> memref<100096x16xf32, #tpu.memory_space<hbm>>
        tpu.enqueue_indirect_dma source(%dma_start3A_39 : memref<100096x16xf32, #tpu.memory_space<hbm>>) target(%arg14 : memref<512x16xf32, #tpu.memory_space<vmem>>) offsets(%dma_start3A_36 : memref<512xi32, #tpu.memory_space<vmem>>) semaphore(%arg17 : memref<!tpu.dma_semaphore, #tpu.memory_space<semaphore_mem>>)
        %dma_start3A_40 = arith.constant 0 : i32
        %dma_start3A_41 = arith.constant 1 : i32
        %dma_start3A_42 = arith.constant 0 : i32
        %dma_start3A_43 = tpu.memref_slice %arg12[%dma_start3A_40, %dma_start3A_41, %dma_start3A_42] : memref<2x4x512xi32, #tpu.memory_space<vmem>> -> memref<1x1x512xi32, #tpu.memory_space<vmem>>
        %dma_start3A_44 = tpu.memref_squeeze %dma_start3A_43 : memref<1x1x512xi32, #tpu.memory_space<vmem>> -> memref<512xi32, #tpu.memory_space<vmem>>
        %dma_start3A_45 = arith.constant 0 : i32
        %dma_start3A_46 = arith.constant 0 : i32
        %dma_start3A_47 = tpu.memref_slice %arg6[%dma_start3A_45, %dma_start3A_46] : memref<100096x16xf32, #tpu.memory_space<hbm>> -> memref<100096x16xf32, #tpu.memory_space<hbm>>
        tpu.enqueue_indirect_dma source(%dma_start3A_47 : memref<100096x16xf32, #tpu.memory_space<hbm>>) target(%arg15 : memref<512x16xf32, #tpu.memory_space<vmem>>) offsets(%dma_start3A_44 : memref<512xi32, #tpu.memory_space<vmem>>) semaphore(%arg18 : memref<!tpu.dma_semaphore, #tpu.memory_space<semaphore_mem>>)
        %dma_wait3A = arith.constant 0 : i32
        %dma_wait3A_48 = arith.constant 0 : i32
        %dma_wait3A_49 = arith.constant 0 : i32
        %dma_wait3A_50 = tpu.memref_slice %arg12[%dma_wait3A, %dma_wait3A_48, %dma_wait3A_49] : memref<2x4x512xi32, #tpu.memory_space<vmem>> -> memref<1x1x512xi32, #tpu.memory_space<vmem>>
        %dma_wait3A_51 = tpu.memref_squeeze %dma_wait3A_50 : memref<1x1x512xi32, #tpu.memory_space<vmem>> -> memref<512xi32, #tpu.memory_space<vmem>>
        %dma_wait3A_52 = arith.constant 0 : i32
        %dma_wait3A_53 = arith.constant 0 : i32
        %dma_wait3A_54 = tpu.memref_slice %arg6[%dma_wait3A_52, %dma_wait3A_53] : memref<100096x16xf32, #tpu.memory_space<hbm>> -> memref<100096x16xf32, #tpu.memory_space<hbm>>
        tpu.wait_indirect_dma semaphore(%arg17 : memref<!tpu.dma_semaphore, #tpu.memory_space<semaphore_mem>>) src(%dma_wait3A_54 : memref<100096x16xf32, #tpu.memory_space<hbm>>) dst(%arg14 : memref<512x16xf32, #tpu.memory_space<vmem>>)
        %dma_start3A_55 = arith.constant 0 : i32
        %dma_start3A_56 = arith.constant 0 : i32
        %dma_start3A_57 = arith.constant 0 : i32
        %dma_start3A_58 = tpu.memref_slice %arg13[%dma_start3A_55, %dma_start3A_56, %dma_start3A_57] : memref<2x4x512xi32, #tpu.memory_space<vmem>> -> memref<1x1x512xi32, #tpu.memory_space<vmem>>
        %dma_start3A_59 = tpu.memref_squeeze %dma_start3A_58 : memref<1x1x512xi32, #tpu.memory_space<vmem>> -> memref<512xi32, #tpu.memory_space<vmem>>
        %dma_start3A_60 = arith.constant 0 : i32
        %dma_start3A_61 = arith.constant 0 : i32
        %dma_start3A_62 = tpu.memref_slice %arg16[%dma_start3A_60, %dma_start3A_61] : memref<100096x16xf32, #tpu.memory_space<vmem_shared>> -> memref<100096x16xf32, #tpu.memory_space<vmem_shared>>
        tpu.enqueue_indirect_dma source(%arg14 : memref<512x16xf32, #tpu.memory_space<vmem>>) target(%dma_start3A_62 : memref<100096x16xf32, #tpu.memory_space<vmem_shared>>) offsets(%dma_start3A_59 : memref<512xi32, #tpu.memory_space<vmem>>) semaphore(%arg19 : memref<!tpu.dma_semaphore, #tpu.memory_space<semaphore_mem>>) {add = true}
        %dma_wait3A_63 = arith.constant 0 : i32
        %dma_wait3A_64 = arith.constant 0 : i32
        %dma_wait3A_65 = arith.constant 0 : i32
        %dma_wait3A_66 = tpu.memref_slice %arg13[%dma_wait3A_63, %dma_wait3A_64, %dma_wait3A_65] : memref<2x4x512xi32, #tpu.memory_space<vmem>> -> memref<1x1x512xi32, #tpu.memory_space<vmem>>
        %dma_wait3A_67 = tpu.memref_squeeze %dma_wait3A_66 : memref<1x1x512xi32, #tpu.memory_space<vmem>> -> memref<512xi32, #tpu.memory_space<vmem>>
        %dma_wait3A_68 = arith.constant 0 : i32
        %dma_wait3A_69 = arith.constant 0 : i32
        %dma_wait3A_70 = tpu.memref_slice %arg16[%dma_wait3A_68, %dma_wait3A_69] : memref<100096x16xf32, #tpu.memory_space<vmem_shared>> -> memref<100096x16xf32, #tpu.memory_space<vmem_shared>>
        tpu.wait_indirect_dma semaphore(%arg19 : memref<!tpu.dma_semaphore, #tpu.memory_space<semaphore_mem>>) src(%arg14 : memref<512x16xf32, #tpu.memory_space<vmem>>) dst(%dma_wait3A_70 : memref<100096x16xf32, #tpu.memory_space<vmem_shared>>)
        %dma_start3A_71 = arith.constant 0 : i32
        %dma_start3A_72 = arith.constant 2 : i32
        %dma_start3A_73 = arith.constant 0 : i32
        %dma_start3A_74 = tpu.memref_slice %arg12[%dma_start3A_71, %dma_start3A_72, %dma_start3A_73] : memref<2x4x512xi32, #tpu.memory_space<vmem>> -> memref<1x1x512xi32, #tpu.memory_space<vmem>>
        %dma_start3A_75 = tpu.memref_squeeze %dma_start3A_74 : memref<1x1x512xi32, #tpu.memory_space<vmem>> -> memref<512xi32, #tpu.memory_space<vmem>>
        %dma_start3A_76 = arith.constant 0 : i32
        %dma_start3A_77 = arith.constant 0 : i32
        %dma_start3A_78 = tpu.memref_slice %arg6[%dma_start3A_76, %dma_start3A_77] : memref<100096x16xf32, #tpu.memory_space<hbm>> -> memref<100096x16xf32, #tpu.memory_space<hbm>>
        tpu.enqueue_indirect_dma source(%dma_start3A_78 : memref<100096x16xf32, #tpu.memory_space<hbm>>) target(%arg14 : memref<512x16xf32, #tpu.memory_space<vmem>>) offsets(%dma_start3A_75 : memref<512xi32, #tpu.memory_space<vmem>>) semaphore(%arg17 : memref<!tpu.dma_semaphore, #tpu.memory_space<semaphore_mem>>)
        %dma_wait3A_79 = arith.constant 0 : i32
        %dma_wait3A_80 = arith.constant 1 : i32
        %dma_wait3A_81 = arith.constant 0 : i32
        %dma_wait3A_82 = tpu.memref_slice %arg12[%dma_wait3A_79, %dma_wait3A_80, %dma_wait3A_81] : memref<2x4x512xi32, #tpu.memory_space<vmem>> -> memref<1x1x512xi32, #tpu.memory_space<vmem>>
        %dma_wait3A_83 = tpu.memref_squeeze %dma_wait3A_82 : memref<1x1x512xi32, #tpu.memory_space<vmem>> -> memref<512xi32, #tpu.memory_space<vmem>>
        %dma_wait3A_84 = arith.constant 0 : i32
        %dma_wait3A_85 = arith.constant 0 : i32
        %dma_wait3A_86 = tpu.memref_slice %arg6[%dma_wait3A_84, %dma_wait3A_85] : memref<100096x16xf32, #tpu.memory_space<hbm>> -> memref<100096x16xf32, #tpu.memory_space<hbm>>
        tpu.wait_indirect_dma semaphore(%arg18 : memref<!tpu.dma_semaphore, #tpu.memory_space<semaphore_mem>>) src(%dma_wait3A_86 : memref<100096x16xf32, #tpu.memory_space<hbm>>) dst(%arg15 : memref<512x16xf32, #tpu.memory_space<vmem>>)
        %dma_start3A_87 = arith.constant 0 : i32
        %dma_start3A_88 = arith.constant 1 : i32
        %dma_start3A_89 = arith.constant 0 : i32
        %dma_start3A_90 = tpu.memref_slice %arg13[%dma_start3A_87, %dma_start3A_88, %dma_start3A_89] : memref<2x4x512xi32, #tpu.memory_space<vmem>> -> memref<1x1x512xi32, #tpu.memory_space<vmem>>
        %dma_start3A_91 = tpu.memref_squeeze %dma_start3A_90 : memref<1x1x512xi32, #tpu.memory_space<vmem>> -> memref<512xi32, #tpu.memory_space<vmem>>
        %dma_start3A_92 = arith.constant 0 : i32
        %dma_start3A_93 = arith.constant 0 : i32
        %dma_start3A_94 = tpu.memref_slice %arg16[%dma_start3A_92, %dma_start3A_93] : memref<100096x16xf32, #tpu.memory_space<vmem_shared>> -> memref<100096x16xf32, #tpu.memory_space<vmem_shared>>
        tpu.enqueue_indirect_dma source(%arg15 : memref<512x16xf32, #tpu.memory_space<vmem>>) target(%dma_start3A_94 : memref<100096x16xf32, #tpu.memory_space<vmem_shared>>) offsets(%dma_start3A_91 : memref<512xi32, #tpu.memory_space<vmem>>) semaphore(%arg20 : memref<!tpu.dma_semaphore, #tpu.memory_space<semaphore_mem>>) {add = true}
        %dma_wait3A_95 = arith.constant 0 : i32
        %dma_wait3A_96 = arith.constant 1 : i32
        %dma_wait3A_97 = arith.constant 0 : i32
        %dma_wait3A_98 = tpu.memref_slice %arg13[%dma_wait3A_95, %dma_wait3A_96, %dma_wait3A_97] : memref<2x4x512xi32, #tpu.memory_space<vmem>> -> memref<1x1x512xi32, #tpu.memory_space<vmem>>
        %dma_wait3A_99 = tpu.memref_squeeze %dma_wait3A_98 : memref<1x1x512xi32, #tpu.memory_space<vmem>> -> memref<512xi32, #tpu.memory_space<vmem>>
        %dma_wait3A_100 = arith.constant 0 : i32
        %dma_wait3A_101 = arith.constant 0 : i32
        %dma_wait3A_102 = tpu.memref_slice %arg16[%dma_wait3A_100, %dma_wait3A_101] : memref<100096x16xf32, #tpu.memory_space<vmem_shared>> -> memref<100096x16xf32, #tpu.memory_space<vmem_shared>>
        tpu.wait_indirect_dma semaphore(%arg20 : memref<!tpu.dma_semaphore, #tpu.memory_space<semaphore_mem>>) src(%arg15 : memref<512x16xf32, #tpu.memory_space<vmem>>) dst(%dma_wait3A_102 : memref<100096x16xf32, #tpu.memory_space<vmem_shared>>)
        %dma_start3A_103 = arith.constant 0 : i32
        %dma_start3A_104 = arith.constant 3 : i32
        %dma_start3A_105 = arith.constant 0 : i32
        %dma_start3A_106 = tpu.memref_slice %arg12[%dma_start3A_103, %dma_start3A_104, %dma_start3A_105] : memref<2x4x512xi32, #tpu.memory_space<vmem>> -> memref<1x1x512xi32, #tpu.memory_space<vmem>>
        %dma_start3A_107 = tpu.memref_squeeze %dma_start3A_106 : memref<1x1x512xi32, #tpu.memory_space<vmem>> -> memref<512xi32, #tpu.memory_space<vmem>>
        %dma_start3A_108 = arith.constant 0 : i32
        %dma_start3A_109 = arith.constant 0 : i32
        %dma_start3A_110 = tpu.memref_slice %arg6[%dma_start3A_108, %dma_start3A_109] : memref<100096x16xf32, #tpu.memory_space<hbm>> -> memref<100096x16xf32, #tpu.memory_space<hbm>>
        tpu.enqueue_indirect_dma source(%dma_start3A_110 : memref<100096x16xf32, #tpu.memory_space<hbm>>) target(%arg15 : memref<512x16xf32, #tpu.memory_space<vmem>>) offsets(%dma_start3A_107 : memref<512xi32, #tpu.memory_space<vmem>>) semaphore(%arg18 : memref<!tpu.dma_semaphore, #tpu.memory_space<semaphore_mem>>)
        %dma_wait3A_111 = arith.constant 0 : i32
        %dma_wait3A_112 = arith.constant 2 : i32
        %dma_wait3A_113 = arith.constant 0 : i32
        %dma_wait3A_114 = tpu.memref_slice %arg12[%dma_wait3A_111, %dma_wait3A_112, %dma_wait3A_113] : memref<2x4x512xi32, #tpu.memory_space<vmem>> -> memref<1x1x512xi32, #tpu.memory_space<vmem>>
        %dma_wait3A_115 = tpu.memref_squeeze %dma_wait3A_114 : memref<1x1x512xi32, #tpu.memory_space<vmem>> -> memref<512xi32, #tpu.memory_space<vmem>>
        %dma_wait3A_116 = arith.constant 0 : i32
        %dma_wait3A_117 = arith.constant 0 : i32
        %dma_wait3A_118 = tpu.memref_slice %arg6[%dma_wait3A_116, %dma_wait3A_117] : memref<100096x16xf32, #tpu.memory_space<hbm>> -> memref<100096x16xf32, #tpu.memory_space<hbm>>
        tpu.wait_indirect_dma semaphore(%arg17 : memref<!tpu.dma_semaphore, #tpu.memory_space<semaphore_mem>>) src(%dma_wait3A_118 : memref<100096x16xf32, #tpu.memory_space<hbm>>) dst(%arg14 : memref<512x16xf32, #tpu.memory_space<vmem>>)
        %dma_start3A_119 = arith.constant 0 : i32
        %dma_start3A_120 = arith.constant 2 : i32
        %dma_start3A_121 = arith.constant 0 : i32
        %dma_start3A_122 = tpu.memref_slice %arg13[%dma_start3A_119, %dma_start3A_120, %dma_start3A_121] : memref<2x4x512xi32, #tpu.memory_space<vmem>> -> memref<1x1x512xi32, #tpu.memory_space<vmem>>
        %dma_start3A_123 = tpu.memref_squeeze %dma_start3A_122 : memref<1x1x512xi32, #tpu.memory_space<vmem>> -> memref<512xi32, #tpu.memory_space<vmem>>
        %dma_start3A_124 = arith.constant 0 : i32
        %dma_start3A_125 = arith.constant 0 : i32
        %dma_start3A_126 = tpu.memref_slice %arg16[%dma_start3A_124, %dma_start3A_125] : memref<100096x16xf32, #tpu.memory_space<vmem_shared>> -> memref<100096x16xf32, #tpu.memory_space<vmem_shared>>
        tpu.enqueue_indirect_dma source(%arg14 : memref<512x16xf32, #tpu.memory_space<vmem>>) target(%dma_start3A_126 : memref<100096x16xf32, #tpu.memory_space<vmem_shared>>) offsets(%dma_start3A_123 : memref<512xi32, #tpu.memory_space<vmem>>) semaphore(%arg19 : memref<!tpu.dma_semaphore, #tpu.memory_space<semaphore_mem>>) {add = true}
        %dma_wait3A_127 = arith.constant 0 : i32
        %dma_wait3A_128 = arith.constant 2 : i32
        %dma_wait3A_129 = arith.constant 0 : i32
        %dma_wait3A_130 = tpu.memref_slice %arg13[%dma_wait3A_127, %dma_wait3A_128, %dma_wait3A_129] : memref<2x4x512xi32, #tpu.memory_space<vmem>> -> memref<1x1x512xi32, #tpu.memory_space<vmem>>
        %dma_wait3A_131 = tpu.memref_squeeze %dma_wait3A_130 : memref<1x1x512xi32, #tpu.memory_space<vmem>> -> memref<512xi32, #tpu.memory_space<vmem>>
        %dma_wait3A_132 = arith.constant 0 : i32
        %dma_wait3A_133 = arith.constant 0 : i32
        %dma_wait3A_134 = tpu.memref_slice %arg16[%dma_wait3A_132, %dma_wait3A_133] : memref<100096x16xf32, #tpu.memory_space<vmem_shared>> -> memref<100096x16xf32, #tpu.memory_space<vmem_shared>>
        tpu.wait_indirect_dma semaphore(%arg19 : memref<!tpu.dma_semaphore, #tpu.memory_space<semaphore_mem>>) src(%arg14 : memref<512x16xf32, #tpu.memory_space<vmem>>) dst(%dma_wait3A_134 : memref<100096x16xf32, #tpu.memory_space<vmem_shared>>)
        %dma_start3A_135 = arith.constant 1 : i32
        %dma_start3A_136 = arith.constant 0 : i32
        %dma_start3A_137 = arith.constant 0 : i32
        %dma_start3A_138 = tpu.memref_slice %arg12[%dma_start3A_135, %dma_start3A_136, %dma_start3A_137] : memref<2x4x512xi32, #tpu.memory_space<vmem>> -> memref<1x1x512xi32, #tpu.memory_space<vmem>>
        %dma_start3A_139 = tpu.memref_squeeze %dma_start3A_138 : memref<1x1x512xi32, #tpu.memory_space<vmem>> -> memref<512xi32, #tpu.memory_space<vmem>>
        %dma_start3A_140 = arith.constant 0 : i32
        %dma_start3A_141 = arith.constant 0 : i32
        %dma_start3A_142 = tpu.memref_slice %arg6[%dma_start3A_140, %dma_start3A_141] : memref<100096x16xf32, #tpu.memory_space<hbm>> -> memref<100096x16xf32, #tpu.memory_space<hbm>>
        tpu.enqueue_indirect_dma source(%dma_start3A_142 : memref<100096x16xf32, #tpu.memory_space<hbm>>) target(%arg14 : memref<512x16xf32, #tpu.memory_space<vmem>>) offsets(%dma_start3A_139 : memref<512xi32, #tpu.memory_space<vmem>>) semaphore(%arg17 : memref<!tpu.dma_semaphore, #tpu.memory_space<semaphore_mem>>)
        %dma_wait3A_143 = arith.constant 0 : i32
        %dma_wait3A_144 = arith.constant 3 : i32
        %dma_wait3A_145 = arith.constant 0 : i32
        %dma_wait3A_146 = tpu.memref_slice %arg12[%dma_wait3A_143, %dma_wait3A_144, %dma_wait3A_145] : memref<2x4x512xi32, #tpu.memory_space<vmem>> -> memref<1x1x512xi32, #tpu.memory_space<vmem>>
        %dma_wait3A_147 = tpu.memref_squeeze %dma_wait3A_146 : memref<1x1x512xi32, #tpu.memory_space<vmem>> -> memref<512xi32, #tpu.memory_space<vmem>>
        %dma_wait3A_148 = arith.constant 0 : i32
        %dma_wait3A_149 = arith.constant 0 : i32
        %dma_wait3A_150 = tpu.memref_slice %arg6[%dma_wait3A_148, %dma_wait3A_149] : memref<100096x16xf32, #tpu.memory_space<hbm>> -> memref<100096x16xf32, #tpu.memory_space<hbm>>
        tpu.wait_indirect_dma semaphore(%arg18 : memref<!tpu.dma_semaphore, #tpu.memory_space<semaphore_mem>>) src(%dma_wait3A_150 : memref<100096x16xf32, #tpu.memory_space<hbm>>) dst(%arg15 : memref<512x16xf32, #tpu.memory_space<vmem>>)
        %dma_start3A_151 = arith.constant 0 : i32
        %dma_start3A_152 = arith.constant 3 : i32
        %dma_start3A_153 = arith.constant 0 : i32
        %dma_start3A_154 = tpu.memref_slice %arg13[%dma_start3A_151, %dma_start3A_152, %dma_start3A_153] : memref<2x4x512xi32, #tpu.memory_space<vmem>> -> memref<1x1x512xi32, #tpu.memory_space<vmem>>
        %dma_start3A_155 = tpu.memref_squeeze %dma_start3A_154 : memref<1x1x512xi32, #tpu.memory_space<vmem>> -> memref<512xi32, #tpu.memory_space<vmem>>
        %dma_start3A_156 = arith.constant 0 : i32
        %dma_start3A_157 = arith.constant 0 : i32
        %dma_start3A_158 = tpu.memref_slice %arg16[%dma_start3A_156, %dma_start3A_157] : memref<100096x16xf32, #tpu.memory_space<vmem_shared>> -> memref<100096x16xf32, #tpu.memory_space<vmem_shared>>
        tpu.enqueue_indirect_dma source(%arg15 : memref<512x16xf32, #tpu.memory_space<vmem>>) target(%dma_start3A_158 : memref<100096x16xf32, #tpu.memory_space<vmem_shared>>) offsets(%dma_start3A_155 : memref<512xi32, #tpu.memory_space<vmem>>) semaphore(%arg20 : memref<!tpu.dma_semaphore, #tpu.memory_space<semaphore_mem>>) {add = true}
        %dma_wait3A_159 = arith.constant 0 : i32
        %dma_wait3A_160 = arith.constant 3 : i32
        %dma_wait3A_161 = arith.constant 0 : i32
        %dma_wait3A_162 = tpu.memref_slice %arg13[%dma_wait3A_159, %dma_wait3A_160, %dma_wait3A_161] : memref<2x4x512xi32, #tpu.memory_space<vmem>> -> memref<1x1x512xi32, #tpu.memory_space<vmem>>
        %dma_wait3A_163 = tpu.memref_squeeze %dma_wait3A_162 : memref<1x1x512xi32, #tpu.memory_space<vmem>> -> memref<512xi32, #tpu.memory_space<vmem>>
        %dma_wait3A_164 = arith.constant 0 : i32
        %dma_wait3A_165 = arith.constant 0 : i32
        %dma_wait3A_166 = tpu.memref_slice %arg16[%dma_wait3A_164, %dma_wait3A_165] : memref<100096x16xf32, #tpu.memory_space<vmem_shared>> -> memref<100096x16xf32, #tpu.memory_space<vmem_shared>>
        tpu.wait_indirect_dma semaphore(%arg20 : memref<!tpu.dma_semaphore, #tpu.memory_space<semaphore_mem>>) src(%arg15 : memref<512x16xf32, #tpu.memory_space<vmem>>) dst(%dma_wait3A_166 : memref<100096x16xf32, #tpu.memory_space<vmem_shared>>)
        %dma_start3A_167 = arith.constant 1 : i32
        %dma_start3A_168 = arith.constant 1 : i32
        %dma_start3A_169 = arith.constant 0 : i32
        %dma_start3A_170 = tpu.memref_slice %arg12[%dma_start3A_167, %dma_start3A_168, %dma_start3A_169] : memref<2x4x512xi32, #tpu.memory_space<vmem>> -> memref<1x1x512xi32, #tpu.memory_space<vmem>>
        %dma_start3A_171 = tpu.memref_squeeze %dma_start3A_170 : memref<1x1x512xi32, #tpu.memory_space<vmem>> -> memref<512xi32, #tpu.memory_space<vmem>>
        %dma_start3A_172 = arith.constant 0 : i32
        %dma_start3A_173 = arith.constant 0 : i32
        %dma_start3A_174 = tpu.memref_slice %arg6[%dma_start3A_172, %dma_start3A_173] : memref<100096x16xf32, #tpu.memory_space<hbm>> -> memref<100096x16xf32, #tpu.memory_space<hbm>>
        tpu.enqueue_indirect_dma source(%dma_start3A_174 : memref<100096x16xf32, #tpu.memory_space<hbm>>) target(%arg15 : memref<512x16xf32, #tpu.memory_space<vmem>>) offsets(%dma_start3A_171 : memref<512xi32, #tpu.memory_space<vmem>>) semaphore(%arg18 : memref<!tpu.dma_semaphore, #tpu.memory_space<semaphore_mem>>)
        %dma_wait3A_175 = arith.constant 1 : i32
        %dma_wait3A_176 = arith.constant 0 : i32
        %dma_wait3A_177 = arith.constant 0 : i32
        %dma_wait3A_178 = tpu.memref_slice %arg12[%dma_wait3A_175, %dma_wait3A_176, %dma_wait3A_177] : memref<2x4x512xi32, #tpu.memory_space<vmem>> -> memref<1x1x512xi32, #tpu.memory_space<vmem>>
        %dma_wait3A_179 = tpu.memref_squeeze %dma_wait3A_178 : memref<1x1x512xi32, #tpu.memory_space<vmem>> -> memref<512xi32, #tpu.memory_space<vmem>>
        %dma_wait3A_180 = arith.constant 0 : i32
        %dma_wait3A_181 = arith.constant 0 : i32
        %dma_wait3A_182 = tpu.memref_slice %arg6[%dma_wait3A_180, %dma_wait3A_181] : memref<100096x16xf32, #tpu.memory_space<hbm>> -> memref<100096x16xf32, #tpu.memory_space<hbm>>
        tpu.wait_indirect_dma semaphore(%arg17 : memref<!tpu.dma_semaphore, #tpu.memory_space<semaphore_mem>>) src(%dma_wait3A_182 : memref<100096x16xf32, #tpu.memory_space<hbm>>) dst(%arg14 : memref<512x16xf32, #tpu.memory_space<vmem>>)
        %dma_start3A_183 = arith.constant 1 : i32
        %dma_start3A_184 = arith.constant 0 : i32
        %dma_start3A_185 = arith.constant 0 : i32
        %dma_start3A_186 = tpu.memref_slice %arg13[%dma_start3A_183, %dma_start3A_184, %dma_start3A_185] : memref<2x4x512xi32, #tpu.memory_space<vmem>> -> memref<1x1x512xi32, #tpu.memory_space<vmem>>
        %dma_start3A_187 = tpu.memref_squeeze %dma_start3A_186 : memref<1x1x512xi32, #tpu.memory_space<vmem>> -> memref<512xi32, #tpu.memory_space<vmem>>
        %dma_start3A_188 = arith.constant 0 : i32
        %dma_start3A_189 = arith.constant 0 : i32
        %dma_start3A_190 = tpu.memref_slice %arg16[%dma_start3A_188, %dma_start3A_189] : memref<100096x16xf32, #tpu.memory_space<vmem_shared>> -> memref<100096x16xf32, #tpu.memory_space<vmem_shared>>
        tpu.enqueue_indirect_dma source(%arg14 : memref<512x16xf32, #tpu.memory_space<vmem>>) target(%dma_start3A_190 : memref<100096x16xf32, #tpu.memory_space<vmem_shared>>) offsets(%dma_start3A_187 : memref<512xi32, #tpu.memory_space<vmem>>) semaphore(%arg19 : memref<!tpu.dma_semaphore, #tpu.memory_space<semaphore_mem>>) {add = true}
        %dma_wait3A_191 = arith.constant 1 : i32
        %dma_wait3A_192 = arith.constant 0 : i32
        %dma_wait3A_193 = arith.constant 0 : i32
        %dma_wait3A_194 = tpu.memref_slice %arg13[%dma_wait3A_191, %dma_wait3A_192, %dma_wait3A_193] : memref<2x4x512xi32, #tpu.memory_space<vmem>> -> memref<1x1x512xi32, #tpu.memory_space<vmem>>
        %dma_wait3A_195 = tpu.memref_squeeze %dma_wait3A_194 : memref<1x1x512xi32, #tpu.memory_space<vmem>> -> memref<512xi32, #tpu.memory_space<vmem>>
        %dma_wait3A_196 = arith.constant 0 : i32
        %dma_wait3A_197 = arith.constant 0 : i32
        %dma_wait3A_198 = tpu.memref_slice %arg16[%dma_wait3A_196, %dma_wait3A_197] : memref<100096x16xf32, #tpu.memory_space<vmem_shared>> -> memref<100096x16xf32, #tpu.memory_space<vmem_shared>>
        tpu.wait_indirect_dma semaphore(%arg19 : memref<!tpu.dma_semaphore, #tpu.memory_space<semaphore_mem>>) src(%arg14 : memref<512x16xf32, #tpu.memory_space<vmem>>) dst(%dma_wait3A_198 : memref<100096x16xf32, #tpu.memory_space<vmem_shared>>)
        %dma_start3A_199 = arith.constant 1 : i32
        %dma_start3A_200 = arith.constant 2 : i32
        %dma_start3A_201 = arith.constant 0 : i32
        %dma_start3A_202 = tpu.memref_slice %arg12[%dma_start3A_199, %dma_start3A_200, %dma_start3A_201] : memref<2x4x512xi32, #tpu.memory_space<vmem>> -> memref<1x1x512xi32, #tpu.memory_space<vmem>>
        %dma_start3A_203 = tpu.memref_squeeze %dma_start3A_202 : memref<1x1x512xi32, #tpu.memory_space<vmem>> -> memref<512xi32, #tpu.memory_space<vmem>>
        %dma_start3A_204 = arith.constant 0 : i32
        %dma_start3A_205 = arith.constant 0 : i32
        %dma_start3A_206 = tpu.memref_slice %arg6[%dma_start3A_204, %dma_start3A_205] : memref<100096x16xf32, #tpu.memory_space<hbm>> -> memref<100096x16xf32, #tpu.memory_space<hbm>>
        tpu.enqueue_indirect_dma source(%dma_start3A_206 : memref<100096x16xf32, #tpu.memory_space<hbm>>) target(%arg14 : memref<512x16xf32, #tpu.memory_space<vmem>>) offsets(%dma_start3A_203 : memref<512xi32, #tpu.memory_space<vmem>>) semaphore(%arg17 : memref<!tpu.dma_semaphore, #tpu.memory_space<semaphore_mem>>)
        %dma_wait3A_207 = arith.constant 1 : i32
        %dma_wait3A_208 = arith.constant 1 : i32
        %dma_wait3A_209 = arith.constant 0 : i32
        %dma_wait3A_210 = tpu.memref_slice %arg12[%dma_wait3A_207, %dma_wait3A_208, %dma_wait3A_209] : memref<2x4x512xi32, #tpu.memory_space<vmem>> -> memref<1x1x512xi32, #tpu.memory_space<vmem>>
        %dma_wait3A_211 = tpu.memref_squeeze %dma_wait3A_210 : memref<1x1x512xi32, #tpu.memory_space<vmem>> -> memref<512xi32, #tpu.memory_space<vmem>>
        %dma_wait3A_212 = arith.constant 0 : i32
        %dma_wait3A_213 = arith.constant 0 : i32
        %dma_wait3A_214 = tpu.memref_slice %arg6[%dma_wait3A_212, %dma_wait3A_213] : memref<100096x16xf32, #tpu.memory_space<hbm>> -> memref<100096x16xf32, #tpu.memory_space<hbm>>
        tpu.wait_indirect_dma semaphore(%arg18 : memref<!tpu.dma_semaphore, #tpu.memory_space<semaphore_mem>>) src(%dma_wait3A_214 : memref<100096x16xf32, #tpu.memory_space<hbm>>) dst(%arg15 : memref<512x16xf32, #tpu.memory_space<vmem>>)
        %dma_start3A_215 = arith.constant 1 : i32
        %dma_start3A_216 = arith.constant 1 : i32
        %dma_start3A_217 = arith.constant 0 : i32
        %dma_start3A_218 = tpu.memref_slice %arg13[%dma_start3A_215, %dma_start3A_216, %dma_start3A_217] : memref<2x4x512xi32, #tpu.memory_space<vmem>> -> memref<1x1x512xi32, #tpu.memory_space<vmem>>
        %dma_start3A_219 = tpu.memref_squeeze %dma_start3A_218 : memref<1x1x512xi32, #tpu.memory_space<vmem>> -> memref<512xi32, #tpu.memory_space<vmem>>
        %dma_start3A_220 = arith.constant 0 : i32
        %dma_start3A_221 = arith.constant 0 : i32
        %dma_start3A_222 = tpu.memref_slice %arg16[%dma_start3A_220, %dma_start3A_221] : memref<100096x16xf32, #tpu.memory_space<vmem_shared>> -> memref<100096x16xf32, #tpu.memory_space<vmem_shared>>
        tpu.enqueue_indirect_dma source(%arg15 : memref<512x16xf32, #tpu.memory_space<vmem>>) target(%dma_start3A_222 : memref<100096x16xf32, #tpu.memory_space<vmem_shared>>) offsets(%dma_start3A_219 : memref<512xi32, #tpu.memory_space<vmem>>) semaphore(%arg20 : memref<!tpu.dma_semaphore, #tpu.memory_space<semaphore_mem>>) {add = true}
        %dma_wait3A_223 = arith.constant 1 : i32
        %dma_wait3A_224 = arith.constant 1 : i32
        %dma_wait3A_225 = arith.constant 0 : i32
        %dma_wait3A_226 = tpu.memref_slice %arg13[%dma_wait3A_223, %dma_wait3A_224, %dma_wait3A_225] : memref<2x4x512xi32, #tpu.memory_space<vmem>> -> memref<1x1x512xi32, #tpu.memory_space<vmem>>
        %dma_wait3A_227 = tpu.memref_squeeze %dma_wait3A_226 : memref<1x1x512xi32, #tpu.memory_space<vmem>> -> memref<512xi32, #tpu.memory_space<vmem>>
        %dma_wait3A_228 = arith.constant 0 : i32
        %dma_wait3A_229 = arith.constant 0 : i32
        %dma_wait3A_230 = tpu.memref_slice %arg16[%dma_wait3A_228, %dma_wait3A_229] : memref<100096x16xf32, #tpu.memory_space<vmem_shared>> -> memref<100096x16xf32, #tpu.memory_space<vmem_shared>>
        tpu.wait_indirect_dma semaphore(%arg20 : memref<!tpu.dma_semaphore, #tpu.memory_space<semaphore_mem>>) src(%arg15 : memref<512x16xf32, #tpu.memory_space<vmem>>) dst(%dma_wait3A_230 : memref<100096x16xf32, #tpu.memory_space<vmem_shared>>)
        %dma_start3A_231 = arith.constant 1 : i32
        %dma_start3A_232 = arith.constant 3 : i32
        %dma_start3A_233 = arith.constant 0 : i32
        %dma_start3A_234 = tpu.memref_slice %arg12[%dma_start3A_231, %dma_start3A_232, %dma_start3A_233] : memref<2x4x512xi32, #tpu.memory_space<vmem>> -> memref<1x1x512xi32, #tpu.memory_space<vmem>>
        %dma_start3A_235 = tpu.memref_squeeze %dma_start3A_234 : memref<1x1x512xi32, #tpu.memory_space<vmem>> -> memref<512xi32, #tpu.memory_space<vmem>>
        %dma_start3A_236 = arith.constant 0 : i32
        %dma_start3A_237 = arith.constant 0 : i32
        %dma_start3A_238 = tpu.memref_slice %arg6[%dma_start3A_236, %dma_start3A_237] : memref<100096x16xf32, #tpu.memory_space<hbm>> -> memref<100096x16xf32, #tpu.memory_space<hbm>>
        tpu.enqueue_indirect_dma source(%dma_start3A_238 : memref<100096x16xf32, #tpu.memory_space<hbm>>) target(%arg15 : memref<512x16xf32, #tpu.memory_space<vmem>>) offsets(%dma_start3A_235 : memref<512xi32, #tpu.memory_space<vmem>>) semaphore(%arg18 : memref<!tpu.dma_semaphore, #tpu.memory_space<semaphore_mem>>)
        %dma_wait3A_239 = arith.constant 1 : i32
        %dma_wait3A_240 = arith.constant 2 : i32
        %dma_wait3A_241 = arith.constant 0 : i32
        %dma_wait3A_242 = tpu.memref_slice %arg12[%dma_wait3A_239, %dma_wait3A_240, %dma_wait3A_241] : memref<2x4x512xi32, #tpu.memory_space<vmem>> -> memref<1x1x512xi32, #tpu.memory_space<vmem>>
        %dma_wait3A_243 = tpu.memref_squeeze %dma_wait3A_242 : memref<1x1x512xi32, #tpu.memory_space<vmem>> -> memref<512xi32, #tpu.memory_space<vmem>>
        %dma_wait3A_244 = arith.constant 0 : i32
        %dma_wait3A_245 = arith.constant 0 : i32
        %dma_wait3A_246 = tpu.memref_slice %arg6[%dma_wait3A_244, %dma_wait3A_245] : memref<100096x16xf32, #tpu.memory_space<hbm>> -> memref<100096x16xf32, #tpu.memory_space<hbm>>
        tpu.wait_indirect_dma semaphore(%arg17 : memref<!tpu.dma_semaphore, #tpu.memory_space<semaphore_mem>>) src(%dma_wait3A_246 : memref<100096x16xf32, #tpu.memory_space<hbm>>) dst(%arg14 : memref<512x16xf32, #tpu.memory_space<vmem>>)
        %dma_start3A_247 = arith.constant 1 : i32
        %dma_start3A_248 = arith.constant 2 : i32
        %dma_start3A_249 = arith.constant 0 : i32
        %dma_start3A_250 = tpu.memref_slice %arg13[%dma_start3A_247, %dma_start3A_248, %dma_start3A_249] : memref<2x4x512xi32, #tpu.memory_space<vmem>> -> memref<1x1x512xi32, #tpu.memory_space<vmem>>
        %dma_start3A_251 = tpu.memref_squeeze %dma_start3A_250 : memref<1x1x512xi32, #tpu.memory_space<vmem>> -> memref<512xi32, #tpu.memory_space<vmem>>
        %dma_start3A_252 = arith.constant 0 : i32
        %dma_start3A_253 = arith.constant 0 : i32
        %dma_start3A_254 = tpu.memref_slice %arg16[%dma_start3A_252, %dma_start3A_253] : memref<100096x16xf32, #tpu.memory_space<vmem_shared>> -> memref<100096x16xf32, #tpu.memory_space<vmem_shared>>
        tpu.enqueue_indirect_dma source(%arg14 : memref<512x16xf32, #tpu.memory_space<vmem>>) target(%dma_start3A_254 : memref<100096x16xf32, #tpu.memory_space<vmem_shared>>) offsets(%dma_start3A_251 : memref<512xi32, #tpu.memory_space<vmem>>) semaphore(%arg19 : memref<!tpu.dma_semaphore, #tpu.memory_space<semaphore_mem>>) {add = true}
        %dma_wait3A_255 = arith.constant 1 : i32
        %dma_wait3A_256 = arith.constant 3 : i32
        %dma_wait3A_257 = arith.constant 0 : i32
        %dma_wait3A_258 = tpu.memref_slice %arg12[%dma_wait3A_255, %dma_wait3A_256, %dma_wait3A_257] : memref<2x4x512xi32, #tpu.memory_space<vmem>> -> memref<1x1x512xi32, #tpu.memory_space<vmem>>
        %dma_wait3A_259 = tpu.memref_squeeze %dma_wait3A_258 : memref<1x1x512xi32, #tpu.memory_space<vmem>> -> memref<512xi32, #tpu.memory_space<vmem>>
        %dma_wait3A_260 = arith.constant 0 : i32
        %dma_wait3A_261 = arith.constant 0 : i32
        %dma_wait3A_262 = tpu.memref_slice %arg6[%dma_wait3A_260, %dma_wait3A_261] : memref<100096x16xf32, #tpu.memory_space<hbm>> -> memref<100096x16xf32, #tpu.memory_space<hbm>>
        tpu.wait_indirect_dma semaphore(%arg18 : memref<!tpu.dma_semaphore, #tpu.memory_space<semaphore_mem>>) src(%dma_wait3A_262 : memref<100096x16xf32, #tpu.memory_space<hbm>>) dst(%arg15 : memref<512x16xf32, #tpu.memory_space<vmem>>)
        %dma_start3A_263 = arith.constant 1 : i32
        %dma_start3A_264 = arith.constant 3 : i32
        %dma_start3A_265 = arith.constant 0 : i32
        %dma_start3A_266 = tpu.memref_slice %arg13[%dma_start3A_263, %dma_start3A_264, %dma_start3A_265] : memref<2x4x512xi32, #tpu.memory_space<vmem>> -> memref<1x1x512xi32, #tpu.memory_space<vmem>>
        %dma_start3A_267 = tpu.memref_squeeze %dma_start3A_266 : memref<1x1x512xi32, #tpu.memory_space<vmem>> -> memref<512xi32, #tpu.memory_space<vmem>>
        %dma_start3A_268 = arith.constant 0 : i32
        %dma_start3A_269 = arith.constant 0 : i32
        %dma_start3A_270 = tpu.memref_slice %arg16[%dma_start3A_268, %dma_start3A_269] : memref<100096x16xf32, #tpu.memory_space<vmem_shared>> -> memref<100096x16xf32, #tpu.memory_space<vmem_shared>>
        tpu.enqueue_indirect_dma source(%arg15 : memref<512x16xf32, #tpu.memory_space<vmem>>) target(%dma_start3A_270 : memref<100096x16xf32, #tpu.memory_space<vmem_shared>>) offsets(%dma_start3A_267 : memref<512xi32, #tpu.memory_space<vmem>>) semaphore(%arg20 : memref<!tpu.dma_semaphore, #tpu.memory_space<semaphore_mem>>) {add = true}
        %dma_wait3A_271 = arith.constant 1 : i32
        %dma_wait3A_272 = arith.constant 2 : i32
        %dma_wait3A_273 = arith.constant 0 : i32
        %dma_wait3A_274 = tpu.memref_slice %arg13[%dma_wait3A_271, %dma_wait3A_272, %dma_wait3A_273] : memref<2x4x512xi32, #tpu.memory_space<vmem>> -> memref<1x1x512xi32, #tpu.memory_space<vmem>>
        %dma_wait3A_275 = tpu.memref_squeeze %dma_wait3A_274 : memref<1x1x512xi32, #tpu.memory_space<vmem>> -> memref<512xi32, #tpu.memory_space<vmem>>
        %dma_wait3A_276 = arith.constant 0 : i32
        %dma_wait3A_277 = arith.constant 0 : i32
        %dma_wait3A_278 = tpu.memref_slice %arg16[%dma_wait3A_276, %dma_wait3A_277] : memref<100096x16xf32, #tpu.memory_space<vmem_shared>> -> memref<100096x16xf32, #tpu.memory_space<vmem_shared>>
        tpu.wait_indirect_dma semaphore(%arg19 : memref<!tpu.dma_semaphore, #tpu.memory_space<semaphore_mem>>) src(%arg14 : memref<512x16xf32, #tpu.memory_space<vmem>>) dst(%dma_wait3A_278 : memref<100096x16xf32, #tpu.memory_space<vmem_shared>>)
        %dma_wait3A_279 = arith.constant 1 : i32
        %dma_wait3A_280 = arith.constant 3 : i32
        %dma_wait3A_281 = arith.constant 0 : i32
        %dma_wait3A_282 = tpu.memref_slice %arg13[%dma_wait3A_279, %dma_wait3A_280, %dma_wait3A_281] : memref<2x4x512xi32, #tpu.memory_space<vmem>> -> memref<1x1x512xi32, #tpu.memory_space<vmem>>
        %dma_wait3A_283 = tpu.memref_squeeze %dma_wait3A_282 : memref<1x1x512xi32, #tpu.memory_space<vmem>> -> memref<512xi32, #tpu.memory_space<vmem>>
        %dma_wait3A_284 = arith.constant 0 : i32
        %dma_wait3A_285 = arith.constant 0 : i32
        %dma_wait3A_286 = tpu.memref_slice %arg16[%dma_wait3A_284, %dma_wait3A_285] : memref<100096x16xf32, #tpu.memory_space<vmem_shared>> -> memref<100096x16xf32, #tpu.memory_space<vmem_shared>>
        tpu.wait_indirect_dma semaphore(%arg20 : memref<!tpu.dma_semaphore, #tpu.memory_space<semaphore_mem>>) src(%arg15 : memref<512x16xf32, #tpu.memory_space<vmem>>) dst(%dma_wait3A_286 : memref<100096x16xf32, #tpu.memory_space<vmem_shared>>)
        %scan3A_287 = arith.constant 0 : i32
        scf.yield %scan3A_287 : i32
      }
      %scan3A_23 = arith.constant 25 : i32
      %barrier3A_24 = arith.constant 0 : index
      tpu.barrier barrier_id(%barrier3A_24)
      "tpu.region"() ({
        %run_scoped3A = tpu.sem_alloc : memref<!tpu.dma_semaphore, #tpu.memory_space<semaphore_mem>>
        %dma_start3A = arith.constant 0 : i32
        %dma_start3A_25 = tpu.memref_slice %arg10[%mul3A_0, %dma_start3A] : memref<100096x16xf32, #tpu.memory_space<hbm>> -> memref<6256x16xf32, #tpu.memory_space<hbm>>
        %dma_start3A_26 = arith.constant 0 : i32
        %dma_start3A_27 = tpu.memref_slice %arg16[%mul3A_0, %dma_start3A_26] : memref<100096x16xf32, #tpu.memory_space<vmem_shared>> -> memref<6256x16xf32, #tpu.memory_space<vmem_shared>>
        tpu.enqueue_dma source(%dma_start3A_27 : memref<6256x16xf32, #tpu.memory_space<vmem_shared>>) target(%dma_start3A_25 : memref<6256x16xf32, #tpu.memory_space<hbm>>) target_semaphore(%run_scoped3A : memref<!tpu.dma_semaphore, #tpu.memory_space<semaphore_mem>>)
        %dma_wait3A = arith.constant 0 : i32
        %dma_wait3A_28 = tpu.memref_slice %arg10[%mul3A_0, %dma_wait3A] : memref<100096x16xf32, #tpu.memory_space<hbm>> -> memref<6256x16xf32, #tpu.memory_space<hbm>>
        %dma_wait3A_29 = arith.constant 0 : i32
        %dma_wait3A_30 = tpu.memref_slice %arg16[%mul3A_0, %dma_wait3A_29] : memref<100096x16xf32, #tpu.memory_space<vmem_shared>> -> memref<6256x16xf32, #tpu.memory_space<vmem_shared>>
        tpu.wait_dma2 semaphore(%run_scoped3A : memref<!tpu.dma_semaphore, #tpu.memory_space<semaphore_mem>>) src(%dma_wait3A_30 : memref<6256x16xf32, #tpu.memory_space<vmem_shared>>) dst(%dma_wait3A_28 : memref<6256x16xf32, #tpu.memory_space<hbm>>)
        tpu.yield
      }) : () -> ()
    } else {
    }
    %eq3A_13 = arith.constant 1 : i32
    %eq3A_14 = arith.cmpi eq, %arg0, %eq3A_13 : i32
    %convert_element_type3A_15 = arith.extui %eq3A_14 : i1 to i32
    %cond3A_16 = arith.constant 0 : i32
    %cond3A_17 = arith.cmpi ne, %convert_element_type3A_15, %cond3A_16 : i32
    scf.if %cond3A_17 {
      "tpu.region"() ({
        %run_scoped3A = tpu.sem_alloc : memref<!tpu.dma_semaphore, #tpu.memory_space<semaphore_mem>>
        %dma_start3A = arith.constant 0 : i32
        %dma_start3A_25 = tpu.memref_slice %arg16[%mul3A_0, %dma_start3A] : memref<100096x16xf32, #tpu.memory_space<vmem_shared>> -> memref<6256x16xf32, #tpu.memory_space<vmem_shared>>
        %dma_start3A_26 = arith.constant 0 : i32
        %dma_start3A_27 = tpu.memref_slice %arg7[%mul3A_0, %dma_start3A_26] : memref<100096x16xf32, #tpu.memory_space<hbm>> -> memref<6256x16xf32, #tpu.memory_space<hbm>>
        tpu.enqueue_dma source(%dma_start3A_27 : memref<6256x16xf32, #tpu.memory_space<hbm>>) target(%dma_start3A_25 : memref<6256x16xf32, #tpu.memory_space<vmem_shared>>) target_semaphore(%run_scoped3A : memref<!tpu.dma_semaphore, #tpu.memory_space<semaphore_mem>>)
        %dma_wait3A = arith.constant 0 : i32
        %dma_wait3A_28 = tpu.memref_slice %arg16[%mul3A_0, %dma_wait3A] : memref<100096x16xf32, #tpu.memory_space<vmem_shared>> -> memref<6256x16xf32, #tpu.memory_space<vmem_shared>>
        %dma_wait3A_29 = arith.constant 0 : i32
        %dma_wait3A_30 = tpu.memref_slice %arg7[%mul3A_0, %dma_wait3A_29] : memref<100096x16xf32, #tpu.memory_space<hbm>> -> memref<6256x16xf32, #tpu.memory_space<hbm>>
        tpu.wait_dma2 semaphore(%run_scoped3A : memref<!tpu.dma_semaphore, #tpu.memory_space<semaphore_mem>>) src(%dma_wait3A_30 : memref<6256x16xf32, #tpu.memory_space<hbm>>) dst(%dma_wait3A_28 : memref<6256x16xf32, #tpu.memory_space<vmem_shared>>)
        tpu.yield
      }) : () -> ()
      %barrier3A = arith.constant 0 : index
      tpu.barrier barrier_id(%barrier3A)
      %scan3A = arith.constant 0 : i32
      %scan3A_18 = arith.constant 0 : i32
      %scan3A_19 = arith.constant 25 : i32
      %scan3A_20 = arith.addi %scan3A_18, %scan3A_19 : i32
      %scan3A_21 = arith.constant 1 : i32
      %scan3A_22 = scf.for %scan3A_25 = %scan3A_18 to %scan3A_20 step %scan3A_21 iter_args(%scan3A_26 = %scan3A) -> (i32)  : i32 {
        %mul3A_27 = arith.constant 25 : i32
        %mul3A_28 = arith.muli %arg1, %mul3A_27 : i32
        %add3A = arith.addi %mul3A_28, %scan3A_25 : i32
        %mul3A_29 = arith.constant 2 : i32
        %mul3A_30 = arith.muli %mul3A_29, %add3A : i32
        "tpu.region"() ({
          %run_scoped3A = tpu.sem_alloc : memref<!tpu.dma_semaphore, #tpu.memory_space<semaphore_mem>>
          %dma_start3A_288 = arith.constant 0 : i32
          %dma_start3A_289 = arith.constant 0 : i32
          %dma_start3A_290 = tpu.memref_slice %arg2[%mul3A_30, %dma_start3A_288, %dma_start3A_289] : memref<800x4x512xi32, #tpu.memory_space<hbm>> -> memref<2x4x512xi32, #tpu.memory_space<hbm>>
          %dma_start3A_291 = arith.constant 0 : i32
          %dma_start3A_292 = arith.constant 0 : i32
          %dma_start3A_293 = tpu.memref_slice %arg2[%mul3A_30, %dma_start3A_291, %dma_start3A_292] : memref<800x4x512xi32, #tpu.memory_space<hbm>> -> memref<2x4x512xi32, #tpu.memory_space<hbm>>
          tpu.enqueue_dma source(%dma_start3A_293 : memref<2x4x512xi32, #tpu.memory_space<hbm>>) target(%arg12 : memref<2x4x512xi32, #tpu.memory_space<vmem>>) target_semaphore(%run_scoped3A : memref<!tpu.dma_semaphore, #tpu.memory_space<semaphore_mem>>)
          %dma_wait3A_294 = arith.constant 0 : i32
          %dma_wait3A_295 = arith.constant 0 : i32
          %dma_wait3A_296 = tpu.memref_slice %arg2[%mul3A_30, %dma_wait3A_294, %dma_wait3A_295] : memref<800x4x512xi32, #tpu.memory_space<hbm>> -> memref<2x4x512xi32, #tpu.memory_space<hbm>>
          %dma_wait3A_297 = arith.constant 0 : i32
          %dma_wait3A_298 = arith.constant 0 : i32
          %dma_wait3A_299 = tpu.memref_slice %arg2[%mul3A_30, %dma_wait3A_297, %dma_wait3A_298] : memref<800x4x512xi32, #tpu.memory_space<hbm>> -> memref<2x4x512xi32, #tpu.memory_space<hbm>>
          tpu.wait_dma2 semaphore(%run_scoped3A : memref<!tpu.dma_semaphore, #tpu.memory_space<semaphore_mem>>) src(%dma_wait3A_299 : memref<2x4x512xi32, #tpu.memory_space<hbm>>) dst(%arg12 : memref<2x4x512xi32, #tpu.memory_space<vmem>>)
          tpu.yield
        }) : () -> ()
        %mul3A_31 = arith.constant 2 : i32
        %mul3A_32 = arith.muli %mul3A_31, %add3A : i32
        "tpu.region"() ({
          %run_scoped3A = tpu.sem_alloc : memref<!tpu.dma_semaphore, #tpu.memory_space<semaphore_mem>>
          %dma_start3A_288 = arith.constant 0 : i32
          %dma_start3A_289 = arith.constant 0 : i32
          %dma_start3A_290 = tpu.memref_slice %arg3[%mul3A_32, %dma_start3A_288, %dma_start3A_289] : memref<800x4x512xi32, #tpu.memory_space<hbm>> -> memref<2x4x512xi32, #tpu.memory_space<hbm>>
          %dma_start3A_291 = arith.constant 0 : i32
          %dma_start3A_292 = arith.constant 0 : i32
          %dma_start3A_293 = tpu.memref_slice %arg3[%mul3A_32, %dma_start3A_291, %dma_start3A_292] : memref<800x4x512xi32, #tpu.memory_space<hbm>> -> memref<2x4x512xi32, #tpu.memory_space<hbm>>
          tpu.enqueue_dma source(%dma_start3A_293 : memref<2x4x512xi32, #tpu.memory_space<hbm>>) target(%arg13 : memref<2x4x512xi32, #tpu.memory_space<vmem>>) target_semaphore(%run_scoped3A : memref<!tpu.dma_semaphore, #tpu.memory_space<semaphore_mem>>)
          %dma_wait3A_294 = arith.constant 0 : i32
          %dma_wait3A_295 = arith.constant 0 : i32
          %dma_wait3A_296 = tpu.memref_slice %arg3[%mul3A_32, %dma_wait3A_294, %dma_wait3A_295] : memref<800x4x512xi32, #tpu.memory_space<hbm>> -> memref<2x4x512xi32, #tpu.memory_space<hbm>>
          %dma_wait3A_297 = arith.constant 0 : i32
          %dma_wait3A_298 = arith.constant 0 : i32
          %dma_wait3A_299 = tpu.memref_slice %arg3[%mul3A_32, %dma_wait3A_297, %dma_wait3A_298] : memref<800x4x512xi32, #tpu.memory_space<hbm>> -> memref<2x4x512xi32, #tpu.memory_space<hbm>>
          tpu.wait_dma2 semaphore(%run_scoped3A : memref<!tpu.dma_semaphore, #tpu.memory_space<semaphore_mem>>) src(%dma_wait3A_299 : memref<2x4x512xi32, #tpu.memory_space<hbm>>) dst(%arg13 : memref<2x4x512xi32, #tpu.memory_space<vmem>>)
          tpu.yield
        }) : () -> ()
        %dma_start3A = arith.constant 0 : i32
        %dma_start3A_33 = arith.constant 0 : i32
        %dma_start3A_34 = arith.constant 0 : i32
        %dma_start3A_35 = tpu.memref_slice %arg12[%dma_start3A, %dma_start3A_33, %dma_start3A_34] : memref<2x4x512xi32, #tpu.memory_space<vmem>> -> memref<1x1x512xi32, #tpu.memory_space<vmem>>
        %dma_start3A_36 = tpu.memref_squeeze %dma_start3A_35 : memref<1x1x512xi32, #tpu.memory_space<vmem>> -> memref<512xi32, #tpu.memory_space<vmem>>
        %dma_start3A_37 = arith.constant 0 : i32
        %dma_start3A_38 = arith.constant 0 : i32
        %dma_start3A_39 = tpu.memref_slice %arg7[%dma_start3A_37, %dma_start3A_38] : memref<100096x16xf32, #tpu.memory_space<hbm>> -> memref<100096x16xf32, #tpu.memory_space<hbm>>
        tpu.enqueue_indirect_dma source(%dma_start3A_39 : memref<100096x16xf32, #tpu.memory_space<hbm>>) target(%arg14 : memref<512x16xf32, #tpu.memory_space<vmem>>) offsets(%dma_start3A_36 : memref<512xi32, #tpu.memory_space<vmem>>) semaphore(%arg17 : memref<!tpu.dma_semaphore, #tpu.memory_space<semaphore_mem>>)
        %dma_start3A_40 = arith.constant 0 : i32
        %dma_start3A_41 = arith.constant 1 : i32
        %dma_start3A_42 = arith.constant 0 : i32
        %dma_start3A_43 = tpu.memref_slice %arg12[%dma_start3A_40, %dma_start3A_41, %dma_start3A_42] : memref<2x4x512xi32, #tpu.memory_space<vmem>> -> memref<1x1x512xi32, #tpu.memory_space<vmem>>
        %dma_start3A_44 = tpu.memref_squeeze %dma_start3A_43 : memref<1x1x512xi32, #tpu.memory_space<vmem>> -> memref<512xi32, #tpu.memory_space<vmem>>
        %dma_start3A_45 = arith.constant 0 : i32
        %dma_start3A_46 = arith.constant 0 : i32
        %dma_start3A_47 = tpu.memref_slice %arg7[%dma_start3A_45, %dma_start3A_46] : memref<100096x16xf32, #tpu.memory_space<hbm>> -> memref<100096x16xf32, #tpu.memory_space<hbm>>
        tpu.enqueue_indirect_dma source(%dma_start3A_47 : memref<100096x16xf32, #tpu.memory_space<hbm>>) target(%arg15 : memref<512x16xf32, #tpu.memory_space<vmem>>) offsets(%dma_start3A_44 : memref<512xi32, #tpu.memory_space<vmem>>) semaphore(%arg18 : memref<!tpu.dma_semaphore, #tpu.memory_space<semaphore_mem>>)
        %dma_wait3A = arith.constant 0 : i32
        %dma_wait3A_48 = arith.constant 0 : i32
        %dma_wait3A_49 = arith.constant 0 : i32
        %dma_wait3A_50 = tpu.memref_slice %arg12[%dma_wait3A, %dma_wait3A_48, %dma_wait3A_49] : memref<2x4x512xi32, #tpu.memory_space<vmem>> -> memref<1x1x512xi32, #tpu.memory_space<vmem>>
        %dma_wait3A_51 = tpu.memref_squeeze %dma_wait3A_50 : memref<1x1x512xi32, #tpu.memory_space<vmem>> -> memref<512xi32, #tpu.memory_space<vmem>>
        %dma_wait3A_52 = arith.constant 0 : i32
        %dma_wait3A_53 = arith.constant 0 : i32
        %dma_wait3A_54 = tpu.memref_slice %arg7[%dma_wait3A_52, %dma_wait3A_53] : memref<100096x16xf32, #tpu.memory_space<hbm>> -> memref<100096x16xf32, #tpu.memory_space<hbm>>
        tpu.wait_indirect_dma semaphore(%arg17 : memref<!tpu.dma_semaphore, #tpu.memory_space<semaphore_mem>>) src(%dma_wait3A_54 : memref<100096x16xf32, #tpu.memory_space<hbm>>) dst(%arg14 : memref<512x16xf32, #tpu.memory_space<vmem>>)
        %dma_start3A_55 = arith.constant 0 : i32
        %dma_start3A_56 = arith.constant 0 : i32
        %dma_start3A_57 = arith.constant 0 : i32
        %dma_start3A_58 = tpu.memref_slice %arg13[%dma_start3A_55, %dma_start3A_56, %dma_start3A_57] : memref<2x4x512xi32, #tpu.memory_space<vmem>> -> memref<1x1x512xi32, #tpu.memory_space<vmem>>
        %dma_start3A_59 = tpu.memref_squeeze %dma_start3A_58 : memref<1x1x512xi32, #tpu.memory_space<vmem>> -> memref<512xi32, #tpu.memory_space<vmem>>
        %dma_start3A_60 = arith.constant 0 : i32
        %dma_start3A_61 = arith.constant 0 : i32
        %dma_start3A_62 = tpu.memref_slice %arg16[%dma_start3A_60, %dma_start3A_61] : memref<100096x16xf32, #tpu.memory_space<vmem_shared>> -> memref<100096x16xf32, #tpu.memory_space<vmem_shared>>
        tpu.enqueue_indirect_dma source(%arg14 : memref<512x16xf32, #tpu.memory_space<vmem>>) target(%dma_start3A_62 : memref<100096x16xf32, #tpu.memory_space<vmem_shared>>) offsets(%dma_start3A_59 : memref<512xi32, #tpu.memory_space<vmem>>) semaphore(%arg19 : memref<!tpu.dma_semaphore, #tpu.memory_space<semaphore_mem>>) {add = true}
        %dma_wait3A_63 = arith.constant 0 : i32
        %dma_wait3A_64 = arith.constant 0 : i32
        %dma_wait3A_65 = arith.constant 0 : i32
        %dma_wait3A_66 = tpu.memref_slice %arg13[%dma_wait3A_63, %dma_wait3A_64, %dma_wait3A_65] : memref<2x4x512xi32, #tpu.memory_space<vmem>> -> memref<1x1x512xi32, #tpu.memory_space<vmem>>
        %dma_wait3A_67 = tpu.memref_squeeze %dma_wait3A_66 : memref<1x1x512xi32, #tpu.memory_space<vmem>> -> memref<512xi32, #tpu.memory_space<vmem>>
        %dma_wait3A_68 = arith.constant 0 : i32
        %dma_wait3A_69 = arith.constant 0 : i32
        %dma_wait3A_70 = tpu.memref_slice %arg16[%dma_wait3A_68, %dma_wait3A_69] : memref<100096x16xf32, #tpu.memory_space<vmem_shared>> -> memref<100096x16xf32, #tpu.memory_space<vmem_shared>>
        tpu.wait_indirect_dma semaphore(%arg19 : memref<!tpu.dma_semaphore, #tpu.memory_space<semaphore_mem>>) src(%arg14 : memref<512x16xf32, #tpu.memory_space<vmem>>) dst(%dma_wait3A_70 : memref<100096x16xf32, #tpu.memory_space<vmem_shared>>)
        %dma_start3A_71 = arith.constant 0 : i32
        %dma_start3A_72 = arith.constant 2 : i32
        %dma_start3A_73 = arith.constant 0 : i32
        %dma_start3A_74 = tpu.memref_slice %arg12[%dma_start3A_71, %dma_start3A_72, %dma_start3A_73] : memref<2x4x512xi32, #tpu.memory_space<vmem>> -> memref<1x1x512xi32, #tpu.memory_space<vmem>>
        %dma_start3A_75 = tpu.memref_squeeze %dma_start3A_74 : memref<1x1x512xi32, #tpu.memory_space<vmem>> -> memref<512xi32, #tpu.memory_space<vmem>>
        %dma_start3A_76 = arith.constant 0 : i32
        %dma_start3A_77 = arith.constant 0 : i32
        %dma_start3A_78 = tpu.memref_slice %arg7[%dma_start3A_76, %dma_start3A_77] : memref<100096x16xf32, #tpu.memory_space<hbm>> -> memref<100096x16xf32, #tpu.memory_space<hbm>>
        tpu.enqueue_indirect_dma source(%dma_start3A_78 : memref<100096x16xf32, #tpu.memory_space<hbm>>) target(%arg14 : memref<512x16xf32, #tpu.memory_space<vmem>>) offsets(%dma_start3A_75 : memref<512xi32, #tpu.memory_space<vmem>>) semaphore(%arg17 : memref<!tpu.dma_semaphore, #tpu.memory_space<semaphore_mem>>)
        %dma_wait3A_79 = arith.constant 0 : i32
        %dma_wait3A_80 = arith.constant 1 : i32
        %dma_wait3A_81 = arith.constant 0 : i32
        %dma_wait3A_82 = tpu.memref_slice %arg12[%dma_wait3A_79, %dma_wait3A_80, %dma_wait3A_81] : memref<2x4x512xi32, #tpu.memory_space<vmem>> -> memref<1x1x512xi32, #tpu.memory_space<vmem>>
        %dma_wait3A_83 = tpu.memref_squeeze %dma_wait3A_82 : memref<1x1x512xi32, #tpu.memory_space<vmem>> -> memref<512xi32, #tpu.memory_space<vmem>>
        %dma_wait3A_84 = arith.constant 0 : i32
        %dma_wait3A_85 = arith.constant 0 : i32
        %dma_wait3A_86 = tpu.memref_slice %arg7[%dma_wait3A_84, %dma_wait3A_85] : memref<100096x16xf32, #tpu.memory_space<hbm>> -> memref<100096x16xf32, #tpu.memory_space<hbm>>
        tpu.wait_indirect_dma semaphore(%arg18 : memref<!tpu.dma_semaphore, #tpu.memory_space<semaphore_mem>>) src(%dma_wait3A_86 : memref<100096x16xf32, #tpu.memory_space<hbm>>) dst(%arg15 : memref<512x16xf32, #tpu.memory_space<vmem>>)
        %dma_start3A_87 = arith.constant 0 : i32
        %dma_start3A_88 = arith.constant 1 : i32
        %dma_start3A_89 = arith.constant 0 : i32
        %dma_start3A_90 = tpu.memref_slice %arg13[%dma_start3A_87, %dma_start3A_88, %dma_start3A_89] : memref<2x4x512xi32, #tpu.memory_space<vmem>> -> memref<1x1x512xi32, #tpu.memory_space<vmem>>
        %dma_start3A_91 = tpu.memref_squeeze %dma_start3A_90 : memref<1x1x512xi32, #tpu.memory_space<vmem>> -> memref<512xi32, #tpu.memory_space<vmem>>
        %dma_start3A_92 = arith.constant 0 : i32
        %dma_start3A_93 = arith.constant 0 : i32
        %dma_start3A_94 = tpu.memref_slice %arg16[%dma_start3A_92, %dma_start3A_93] : memref<100096x16xf32, #tpu.memory_space<vmem_shared>> -> memref<100096x16xf32, #tpu.memory_space<vmem_shared>>
        tpu.enqueue_indirect_dma source(%arg15 : memref<512x16xf32, #tpu.memory_space<vmem>>) target(%dma_start3A_94 : memref<100096x16xf32, #tpu.memory_space<vmem_shared>>) offsets(%dma_start3A_91 : memref<512xi32, #tpu.memory_space<vmem>>) semaphore(%arg20 : memref<!tpu.dma_semaphore, #tpu.memory_space<semaphore_mem>>) {add = true}
        %dma_wait3A_95 = arith.constant 0 : i32
        %dma_wait3A_96 = arith.constant 1 : i32
        %dma_wait3A_97 = arith.constant 0 : i32
        %dma_wait3A_98 = tpu.memref_slice %arg13[%dma_wait3A_95, %dma_wait3A_96, %dma_wait3A_97] : memref<2x4x512xi32, #tpu.memory_space<vmem>> -> memref<1x1x512xi32, #tpu.memory_space<vmem>>
        %dma_wait3A_99 = tpu.memref_squeeze %dma_wait3A_98 : memref<1x1x512xi32, #tpu.memory_space<vmem>> -> memref<512xi32, #tpu.memory_space<vmem>>
        %dma_wait3A_100 = arith.constant 0 : i32
        %dma_wait3A_101 = arith.constant 0 : i32
        %dma_wait3A_102 = tpu.memref_slice %arg16[%dma_wait3A_100, %dma_wait3A_101] : memref<100096x16xf32, #tpu.memory_space<vmem_shared>> -> memref<100096x16xf32, #tpu.memory_space<vmem_shared>>
        tpu.wait_indirect_dma semaphore(%arg20 : memref<!tpu.dma_semaphore, #tpu.memory_space<semaphore_mem>>) src(%arg15 : memref<512x16xf32, #tpu.memory_space<vmem>>) dst(%dma_wait3A_102 : memref<100096x16xf32, #tpu.memory_space<vmem_shared>>)
        %dma_start3A_103 = arith.constant 0 : i32
        %dma_start3A_104 = arith.constant 3 : i32
        %dma_start3A_105 = arith.constant 0 : i32
        %dma_start3A_106 = tpu.memref_slice %arg12[%dma_start3A_103, %dma_start3A_104, %dma_start3A_105] : memref<2x4x512xi32, #tpu.memory_space<vmem>> -> memref<1x1x512xi32, #tpu.memory_space<vmem>>
        %dma_start3A_107 = tpu.memref_squeeze %dma_start3A_106 : memref<1x1x512xi32, #tpu.memory_space<vmem>> -> memref<512xi32, #tpu.memory_space<vmem>>
        %dma_start3A_108 = arith.constant 0 : i32
        %dma_start3A_109 = arith.constant 0 : i32
        %dma_start3A_110 = tpu.memref_slice %arg7[%dma_start3A_108, %dma_start3A_109] : memref<100096x16xf32, #tpu.memory_space<hbm>> -> memref<100096x16xf32, #tpu.memory_space<hbm>>
        tpu.enqueue_indirect_dma source(%dma_start3A_110 : memref<100096x16xf32, #tpu.memory_space<hbm>>) target(%arg15 : memref<512x16xf32, #tpu.memory_space<vmem>>) offsets(%dma_start3A_107 : memref<512xi32, #tpu.memory_space<vmem>>) semaphore(%arg18 : memref<!tpu.dma_semaphore, #tpu.memory_space<semaphore_mem>>)
        %dma_wait3A_111 = arith.constant 0 : i32
        %dma_wait3A_112 = arith.constant 2 : i32
        %dma_wait3A_113 = arith.constant 0 : i32
        %dma_wait3A_114 = tpu.memref_slice %arg12[%dma_wait3A_111, %dma_wait3A_112, %dma_wait3A_113] : memref<2x4x512xi32, #tpu.memory_space<vmem>> -> memref<1x1x512xi32, #tpu.memory_space<vmem>>
        %dma_wait3A_115 = tpu.memref_squeeze %dma_wait3A_114 : memref<1x1x512xi32, #tpu.memory_space<vmem>> -> memref<512xi32, #tpu.memory_space<vmem>>
        %dma_wait3A_116 = arith.constant 0 : i32
        %dma_wait3A_117 = arith.constant 0 : i32
        %dma_wait3A_118 = tpu.memref_slice %arg7[%dma_wait3A_116, %dma_wait3A_117] : memref<100096x16xf32, #tpu.memory_space<hbm>> -> memref<100096x16xf32, #tpu.memory_space<hbm>>
        tpu.wait_indirect_dma semaphore(%arg17 : memref<!tpu.dma_semaphore, #tpu.memory_space<semaphore_mem>>) src(%dma_wait3A_118 : memref<100096x16xf32, #tpu.memory_space<hbm>>) dst(%arg14 : memref<512x16xf32, #tpu.memory_space<vmem>>)
        %dma_start3A_119 = arith.constant 0 : i32
        %dma_start3A_120 = arith.constant 2 : i32
        %dma_start3A_121 = arith.constant 0 : i32
        %dma_start3A_122 = tpu.memref_slice %arg13[%dma_start3A_119, %dma_start3A_120, %dma_start3A_121] : memref<2x4x512xi32, #tpu.memory_space<vmem>> -> memref<1x1x512xi32, #tpu.memory_space<vmem>>
        %dma_start3A_123 = tpu.memref_squeeze %dma_start3A_122 : memref<1x1x512xi32, #tpu.memory_space<vmem>> -> memref<512xi32, #tpu.memory_space<vmem>>
        %dma_start3A_124 = arith.constant 0 : i32
        %dma_start3A_125 = arith.constant 0 : i32
        %dma_start3A_126 = tpu.memref_slice %arg16[%dma_start3A_124, %dma_start3A_125] : memref<100096x16xf32, #tpu.memory_space<vmem_shared>> -> memref<100096x16xf32, #tpu.memory_space<vmem_shared>>
        tpu.enqueue_indirect_dma source(%arg14 : memref<512x16xf32, #tpu.memory_space<vmem>>) target(%dma_start3A_126 : memref<100096x16xf32, #tpu.memory_space<vmem_shared>>) offsets(%dma_start3A_123 : memref<512xi32, #tpu.memory_space<vmem>>) semaphore(%arg19 : memref<!tpu.dma_semaphore, #tpu.memory_space<semaphore_mem>>) {add = true}
        %dma_wait3A_127 = arith.constant 0 : i32
        %dma_wait3A_128 = arith.constant 2 : i32
        %dma_wait3A_129 = arith.constant 0 : i32
        %dma_wait3A_130 = tpu.memref_slice %arg13[%dma_wait3A_127, %dma_wait3A_128, %dma_wait3A_129] : memref<2x4x512xi32, #tpu.memory_space<vmem>> -> memref<1x1x512xi32, #tpu.memory_space<vmem>>
        %dma_wait3A_131 = tpu.memref_squeeze %dma_wait3A_130 : memref<1x1x512xi32, #tpu.memory_space<vmem>> -> memref<512xi32, #tpu.memory_space<vmem>>
        %dma_wait3A_132 = arith.constant 0 : i32
        %dma_wait3A_133 = arith.constant 0 : i32
        %dma_wait3A_134 = tpu.memref_slice %arg16[%dma_wait3A_132, %dma_wait3A_133] : memref<100096x16xf32, #tpu.memory_space<vmem_shared>> -> memref<100096x16xf32, #tpu.memory_space<vmem_shared>>
        tpu.wait_indirect_dma semaphore(%arg19 : memref<!tpu.dma_semaphore, #tpu.memory_space<semaphore_mem>>) src(%arg14 : memref<512x16xf32, #tpu.memory_space<vmem>>) dst(%dma_wait3A_134 : memref<100096x16xf32, #tpu.memory_space<vmem_shared>>)
        %dma_start3A_135 = arith.constant 1 : i32
        %dma_start3A_136 = arith.constant 0 : i32
        %dma_start3A_137 = arith.constant 0 : i32
        %dma_start3A_138 = tpu.memref_slice %arg12[%dma_start3A_135, %dma_start3A_136, %dma_start3A_137] : memref<2x4x512xi32, #tpu.memory_space<vmem>> -> memref<1x1x512xi32, #tpu.memory_space<vmem>>
        %dma_start3A_139 = tpu.memref_squeeze %dma_start3A_138 : memref<1x1x512xi32, #tpu.memory_space<vmem>> -> memref<512xi32, #tpu.memory_space<vmem>>
        %dma_start3A_140 = arith.constant 0 : i32
        %dma_start3A_141 = arith.constant 0 : i32
        %dma_start3A_142 = tpu.memref_slice %arg7[%dma_start3A_140, %dma_start3A_141] : memref<100096x16xf32, #tpu.memory_space<hbm>> -> memref<100096x16xf32, #tpu.memory_space<hbm>>
        tpu.enqueue_indirect_dma source(%dma_start3A_142 : memref<100096x16xf32, #tpu.memory_space<hbm>>) target(%arg14 : memref<512x16xf32, #tpu.memory_space<vmem>>) offsets(%dma_start3A_139 : memref<512xi32, #tpu.memory_space<vmem>>) semaphore(%arg17 : memref<!tpu.dma_semaphore, #tpu.memory_space<semaphore_mem>>)
        %dma_wait3A_143 = arith.constant 0 : i32
        %dma_wait3A_144 = arith.constant 3 : i32
        %dma_wait3A_145 = arith.constant 0 : i32
        %dma_wait3A_146 = tpu.memref_slice %arg12[%dma_wait3A_143, %dma_wait3A_144, %dma_wait3A_145] : memref<2x4x512xi32, #tpu.memory_space<vmem>> -> memref<1x1x512xi32, #tpu.memory_space<vmem>>
        %dma_wait3A_147 = tpu.memref_squeeze %dma_wait3A_146 : memref<1x1x512xi32, #tpu.memory_space<vmem>> -> memref<512xi32, #tpu.memory_space<vmem>>
        %dma_wait3A_148 = arith.constant 0 : i32
        %dma_wait3A_149 = arith.constant 0 : i32
        %dma_wait3A_150 = tpu.memref_slice %arg7[%dma_wait3A_148, %dma_wait3A_149] : memref<100096x16xf32, #tpu.memory_space<hbm>> -> memref<100096x16xf32, #tpu.memory_space<hbm>>
        tpu.wait_indirect_dma semaphore(%arg18 : memref<!tpu.dma_semaphore, #tpu.memory_space<semaphore_mem>>) src(%dma_wait3A_150 : memref<100096x16xf32, #tpu.memory_space<hbm>>) dst(%arg15 : memref<512x16xf32, #tpu.memory_space<vmem>>)
        %dma_start3A_151 = arith.constant 0 : i32
        %dma_start3A_152 = arith.constant 3 : i32
        %dma_start3A_153 = arith.constant 0 : i32
        %dma_start3A_154 = tpu.memref_slice %arg13[%dma_start3A_151, %dma_start3A_152, %dma_start3A_153] : memref<2x4x512xi32, #tpu.memory_space<vmem>> -> memref<1x1x512xi32, #tpu.memory_space<vmem>>
        %dma_start3A_155 = tpu.memref_squeeze %dma_start3A_154 : memref<1x1x512xi32, #tpu.memory_space<vmem>> -> memref<512xi32, #tpu.memory_space<vmem>>
        %dma_start3A_156 = arith.constant 0 : i32
        %dma_start3A_157 = arith.constant 0 : i32
        %dma_start3A_158 = tpu.memref_slice %arg16[%dma_start3A_156, %dma_start3A_157] : memref<100096x16xf32, #tpu.memory_space<vmem_shared>> -> memref<100096x16xf32, #tpu.memory_space<vmem_shared>>
        tpu.enqueue_indirect_dma source(%arg15 : memref<512x16xf32, #tpu.memory_space<vmem>>) target(%dma_start3A_158 : memref<100096x16xf32, #tpu.memory_space<vmem_shared>>) offsets(%dma_start3A_155 : memref<512xi32, #tpu.memory_space<vmem>>) semaphore(%arg20 : memref<!tpu.dma_semaphore, #tpu.memory_space<semaphore_mem>>) {add = true}
        %dma_wait3A_159 = arith.constant 0 : i32
        %dma_wait3A_160 = arith.constant 3 : i32
        %dma_wait3A_161 = arith.constant 0 : i32
        %dma_wait3A_162 = tpu.memref_slice %arg13[%dma_wait3A_159, %dma_wait3A_160, %dma_wait3A_161] : memref<2x4x512xi32, #tpu.memory_space<vmem>> -> memref<1x1x512xi32, #tpu.memory_space<vmem>>
        %dma_wait3A_163 = tpu.memref_squeeze %dma_wait3A_162 : memref<1x1x512xi32, #tpu.memory_space<vmem>> -> memref<512xi32, #tpu.memory_space<vmem>>
        %dma_wait3A_164 = arith.constant 0 : i32
        %dma_wait3A_165 = arith.constant 0 : i32
        %dma_wait3A_166 = tpu.memref_slice %arg16[%dma_wait3A_164, %dma_wait3A_165] : memref<100096x16xf32, #tpu.memory_space<vmem_shared>> -> memref<100096x16xf32, #tpu.memory_space<vmem_shared>>
        tpu.wait_indirect_dma semaphore(%arg20 : memref<!tpu.dma_semaphore, #tpu.memory_space<semaphore_mem>>) src(%arg15 : memref<512x16xf32, #tpu.memory_space<vmem>>) dst(%dma_wait3A_166 : memref<100096x16xf32, #tpu.memory_space<vmem_shared>>)
        %dma_start3A_167 = arith.constant 1 : i32
        %dma_start3A_168 = arith.constant 1 : i32
        %dma_start3A_169 = arith.constant 0 : i32
        %dma_start3A_170 = tpu.memref_slice %arg12[%dma_start3A_167, %dma_start3A_168, %dma_start3A_169] : memref<2x4x512xi32, #tpu.memory_space<vmem>> -> memref<1x1x512xi32, #tpu.memory_space<vmem>>
        %dma_start3A_171 = tpu.memref_squeeze %dma_start3A_170 : memref<1x1x512xi32, #tpu.memory_space<vmem>> -> memref<512xi32, #tpu.memory_space<vmem>>
        %dma_start3A_172 = arith.constant 0 : i32
        %dma_start3A_173 = arith.constant 0 : i32
        %dma_start3A_174 = tpu.memref_slice %arg7[%dma_start3A_172, %dma_start3A_173] : memref<100096x16xf32, #tpu.memory_space<hbm>> -> memref<100096x16xf32, #tpu.memory_space<hbm>>
        tpu.enqueue_indirect_dma source(%dma_start3A_174 : memref<100096x16xf32, #tpu.memory_space<hbm>>) target(%arg15 : memref<512x16xf32, #tpu.memory_space<vmem>>) offsets(%dma_start3A_171 : memref<512xi32, #tpu.memory_space<vmem>>) semaphore(%arg18 : memref<!tpu.dma_semaphore, #tpu.memory_space<semaphore_mem>>)
        %dma_wait3A_175 = arith.constant 1 : i32
        %dma_wait3A_176 = arith.constant 0 : i32
        %dma_wait3A_177 = arith.constant 0 : i32
        %dma_wait3A_178 = tpu.memref_slice %arg12[%dma_wait3A_175, %dma_wait3A_176, %dma_wait3A_177] : memref<2x4x512xi32, #tpu.memory_space<vmem>> -> memref<1x1x512xi32, #tpu.memory_space<vmem>>
        %dma_wait3A_179 = tpu.memref_squeeze %dma_wait3A_178 : memref<1x1x512xi32, #tpu.memory_space<vmem>> -> memref<512xi32, #tpu.memory_space<vmem>>
        %dma_wait3A_180 = arith.constant 0 : i32
        %dma_wait3A_181 = arith.constant 0 : i32
        %dma_wait3A_182 = tpu.memref_slice %arg7[%dma_wait3A_180, %dma_wait3A_181] : memref<100096x16xf32, #tpu.memory_space<hbm>> -> memref<100096x16xf32, #tpu.memory_space<hbm>>
        tpu.wait_indirect_dma semaphore(%arg17 : memref<!tpu.dma_semaphore, #tpu.memory_space<semaphore_mem>>) src(%dma_wait3A_182 : memref<100096x16xf32, #tpu.memory_space<hbm>>) dst(%arg14 : memref<512x16xf32, #tpu.memory_space<vmem>>)
        %dma_start3A_183 = arith.constant 1 : i32
        %dma_start3A_184 = arith.constant 0 : i32
        %dma_start3A_185 = arith.constant 0 : i32
        %dma_start3A_186 = tpu.memref_slice %arg13[%dma_start3A_183, %dma_start3A_184, %dma_start3A_185] : memref<2x4x512xi32, #tpu.memory_space<vmem>> -> memref<1x1x512xi32, #tpu.memory_space<vmem>>
        %dma_start3A_187 = tpu.memref_squeeze %dma_start3A_186 : memref<1x1x512xi32, #tpu.memory_space<vmem>> -> memref<512xi32, #tpu.memory_space<vmem>>
        %dma_start3A_188 = arith.constant 0 : i32
        %dma_start3A_189 = arith.constant 0 : i32
        %dma_start3A_190 = tpu.memref_slice %arg16[%dma_start3A_188, %dma_start3A_189] : memref<100096x16xf32, #tpu.memory_space<vmem_shared>> -> memref<100096x16xf32, #tpu.memory_space<vmem_shared>>
        tpu.enqueue_indirect_dma source(%arg14 : memref<512x16xf32, #tpu.memory_space<vmem>>) target(%dma_start3A_190 : memref<100096x16xf32, #tpu.memory_space<vmem_shared>>) offsets(%dma_start3A_187 : memref<512xi32, #tpu.memory_space<vmem>>) semaphore(%arg19 : memref<!tpu.dma_semaphore, #tpu.memory_space<semaphore_mem>>) {add = true}
        %dma_wait3A_191 = arith.constant 1 : i32
        %dma_wait3A_192 = arith.constant 0 : i32
        %dma_wait3A_193 = arith.constant 0 : i32
        %dma_wait3A_194 = tpu.memref_slice %arg13[%dma_wait3A_191, %dma_wait3A_192, %dma_wait3A_193] : memref<2x4x512xi32, #tpu.memory_space<vmem>> -> memref<1x1x512xi32, #tpu.memory_space<vmem>>
        %dma_wait3A_195 = tpu.memref_squeeze %dma_wait3A_194 : memref<1x1x512xi32, #tpu.memory_space<vmem>> -> memref<512xi32, #tpu.memory_space<vmem>>
        %dma_wait3A_196 = arith.constant 0 : i32
        %dma_wait3A_197 = arith.constant 0 : i32
        %dma_wait3A_198 = tpu.memref_slice %arg16[%dma_wait3A_196, %dma_wait3A_197] : memref<100096x16xf32, #tpu.memory_space<vmem_shared>> -> memref<100096x16xf32, #tpu.memory_space<vmem_shared>>
        tpu.wait_indirect_dma semaphore(%arg19 : memref<!tpu.dma_semaphore, #tpu.memory_space<semaphore_mem>>) src(%arg14 : memref<512x16xf32, #tpu.memory_space<vmem>>) dst(%dma_wait3A_198 : memref<100096x16xf32, #tpu.memory_space<vmem_shared>>)
        %dma_start3A_199 = arith.constant 1 : i32
        %dma_start3A_200 = arith.constant 2 : i32
        %dma_start3A_201 = arith.constant 0 : i32
        %dma_start3A_202 = tpu.memref_slice %arg12[%dma_start3A_199, %dma_start3A_200, %dma_start3A_201] : memref<2x4x512xi32, #tpu.memory_space<vmem>> -> memref<1x1x512xi32, #tpu.memory_space<vmem>>
        %dma_start3A_203 = tpu.memref_squeeze %dma_start3A_202 : memref<1x1x512xi32, #tpu.memory_space<vmem>> -> memref<512xi32, #tpu.memory_space<vmem>>
        %dma_start3A_204 = arith.constant 0 : i32
        %dma_start3A_205 = arith.constant 0 : i32
        %dma_start3A_206 = tpu.memref_slice %arg7[%dma_start3A_204, %dma_start3A_205] : memref<100096x16xf32, #tpu.memory_space<hbm>> -> memref<100096x16xf32, #tpu.memory_space<hbm>>
        tpu.enqueue_indirect_dma source(%dma_start3A_206 : memref<100096x16xf32, #tpu.memory_space<hbm>>) target(%arg14 : memref<512x16xf32, #tpu.memory_space<vmem>>) offsets(%dma_start3A_203 : memref<512xi32, #tpu.memory_space<vmem>>) semaphore(%arg17 : memref<!tpu.dma_semaphore, #tpu.memory_space<semaphore_mem>>)
        %dma_wait3A_207 = arith.constant 1 : i32
        %dma_wait3A_208 = arith.constant 1 : i32
        %dma_wait3A_209 = arith.constant 0 : i32
        %dma_wait3A_210 = tpu.memref_slice %arg12[%dma_wait3A_207, %dma_wait3A_208, %dma_wait3A_209] : memref<2x4x512xi32, #tpu.memory_space<vmem>> -> memref<1x1x512xi32, #tpu.memory_space<vmem>>
        %dma_wait3A_211 = tpu.memref_squeeze %dma_wait3A_210 : memref<1x1x512xi32, #tpu.memory_space<vmem>> -> memref<512xi32, #tpu.memory_space<vmem>>
        %dma_wait3A_212 = arith.constant 0 : i32
        %dma_wait3A_213 = arith.constant 0 : i32
        %dma_wait3A_214 = tpu.memref_slice %arg7[%dma_wait3A_212, %dma_wait3A_213] : memref<100096x16xf32, #tpu.memory_space<hbm>> -> memref<100096x16xf32, #tpu.memory_space<hbm>>
        tpu.wait_indirect_dma semaphore(%arg18 : memref<!tpu.dma_semaphore, #tpu.memory_space<semaphore_mem>>) src(%dma_wait3A_214 : memref<100096x16xf32, #tpu.memory_space<hbm>>) dst(%arg15 : memref<512x16xf32, #tpu.memory_space<vmem>>)
        %dma_start3A_215 = arith.constant 1 : i32
        %dma_start3A_216 = arith.constant 1 : i32
        %dma_start3A_217 = arith.constant 0 : i32
        %dma_start3A_218 = tpu.memref_slice %arg13[%dma_start3A_215, %dma_start3A_216, %dma_start3A_217] : memref<2x4x512xi32, #tpu.memory_space<vmem>> -> memref<1x1x512xi32, #tpu.memory_space<vmem>>
        %dma_start3A_219 = tpu.memref_squeeze %dma_start3A_218 : memref<1x1x512xi32, #tpu.memory_space<vmem>> -> memref<512xi32, #tpu.memory_space<vmem>>
        %dma_start3A_220 = arith.constant 0 : i32
        %dma_start3A_221 = arith.constant 0 : i32
        %dma_start3A_222 = tpu.memref_slice %arg16[%dma_start3A_220, %dma_start3A_221] : memref<100096x16xf32, #tpu.memory_space<vmem_shared>> -> memref<100096x16xf32, #tpu.memory_space<vmem_shared>>
        tpu.enqueue_indirect_dma source(%arg15 : memref<512x16xf32, #tpu.memory_space<vmem>>) target(%dma_start3A_222 : memref<100096x16xf32, #tpu.memory_space<vmem_shared>>) offsets(%dma_start3A_219 : memref<512xi32, #tpu.memory_space<vmem>>) semaphore(%arg20 : memref<!tpu.dma_semaphore, #tpu.memory_space<semaphore_mem>>) {add = true}
        %dma_wait3A_223 = arith.constant 1 : i32
        %dma_wait3A_224 = arith.constant 1 : i32
        %dma_wait3A_225 = arith.constant 0 : i32
        %dma_wait3A_226 = tpu.memref_slice %arg13[%dma_wait3A_223, %dma_wait3A_224, %dma_wait3A_225] : memref<2x4x512xi32, #tpu.memory_space<vmem>> -> memref<1x1x512xi32, #tpu.memory_space<vmem>>
        %dma_wait3A_227 = tpu.memref_squeeze %dma_wait3A_226 : memref<1x1x512xi32, #tpu.memory_space<vmem>> -> memref<512xi32, #tpu.memory_space<vmem>>
        %dma_wait3A_228 = arith.constant 0 : i32
        %dma_wait3A_229 = arith.constant 0 : i32
        %dma_wait3A_230 = tpu.memref_slice %arg16[%dma_wait3A_228, %dma_wait3A_229] : memref<100096x16xf32, #tpu.memory_space<vmem_shared>> -> memref<100096x16xf32, #tpu.memory_space<vmem_shared>>
        tpu.wait_indirect_dma semaphore(%arg20 : memref<!tpu.dma_semaphore, #tpu.memory_space<semaphore_mem>>) src(%arg15 : memref<512x16xf32, #tpu.memory_space<vmem>>) dst(%dma_wait3A_230 : memref<100096x16xf32, #tpu.memory_space<vmem_shared>>)
        %dma_start3A_231 = arith.constant 1 : i32
        %dma_start3A_232 = arith.constant 3 : i32
        %dma_start3A_233 = arith.constant 0 : i32
        %dma_start3A_234 = tpu.memref_slice %arg12[%dma_start3A_231, %dma_start3A_232, %dma_start3A_233] : memref<2x4x512xi32, #tpu.memory_space<vmem>> -> memref<1x1x512xi32, #tpu.memory_space<vmem>>
        %dma_start3A_235 = tpu.memref_squeeze %dma_start3A_234 : memref<1x1x512xi32, #tpu.memory_space<vmem>> -> memref<512xi32, #tpu.memory_space<vmem>>
        %dma_start3A_236 = arith.constant 0 : i32
        %dma_start3A_237 = arith.constant 0 : i32
        %dma_start3A_238 = tpu.memref_slice %arg7[%dma_start3A_236, %dma_start3A_237] : memref<100096x16xf32, #tpu.memory_space<hbm>> -> memref<100096x16xf32, #tpu.memory_space<hbm>>
        tpu.enqueue_indirect_dma source(%dma_start3A_238 : memref<100096x16xf32, #tpu.memory_space<hbm>>) target(%arg15 : memref<512x16xf32, #tpu.memory_space<vmem>>) offsets(%dma_start3A_235 : memref<512xi32, #tpu.memory_space<vmem>>) semaphore(%arg18 : memref<!tpu.dma_semaphore, #tpu.memory_space<semaphore_mem>>)
        %dma_wait3A_239 = arith.constant 1 : i32
        %dma_wait3A_240 = arith.constant 2 : i32
        %dma_wait3A_241 = arith.constant 0 : i32
        %dma_wait3A_242 = tpu.memref_slice %arg12[%dma_wait3A_239, %dma_wait3A_240, %dma_wait3A_241] : memref<2x4x512xi32, #tpu.memory_space<vmem>> -> memref<1x1x512xi32, #tpu.memory_space<vmem>>
        %dma_wait3A_243 = tpu.memref_squeeze %dma_wait3A_242 : memref<1x1x512xi32, #tpu.memory_space<vmem>> -> memref<512xi32, #tpu.memory_space<vmem>>
        %dma_wait3A_244 = arith.constant 0 : i32
        %dma_wait3A_245 = arith.constant 0 : i32
        %dma_wait3A_246 = tpu.memref_slice %arg7[%dma_wait3A_244, %dma_wait3A_245] : memref<100096x16xf32, #tpu.memory_space<hbm>> -> memref<100096x16xf32, #tpu.memory_space<hbm>>
        tpu.wait_indirect_dma semaphore(%arg17 : memref<!tpu.dma_semaphore, #tpu.memory_space<semaphore_mem>>) src(%dma_wait3A_246 : memref<100096x16xf32, #tpu.memory_space<hbm>>) dst(%arg14 : memref<512x16xf32, #tpu.memory_space<vmem>>)
        %dma_start3A_247 = arith.constant 1 : i32
        %dma_start3A_248 = arith.constant 2 : i32
        %dma_start3A_249 = arith.constant 0 : i32
        %dma_start3A_250 = tpu.memref_slice %arg13[%dma_start3A_247, %dma_start3A_248, %dma_start3A_249] : memref<2x4x512xi32, #tpu.memory_space<vmem>> -> memref<1x1x512xi32, #tpu.memory_space<vmem>>
        %dma_start3A_251 = tpu.memref_squeeze %dma_start3A_250 : memref<1x1x512xi32, #tpu.memory_space<vmem>> -> memref<512xi32, #tpu.memory_space<vmem>>
        %dma_start3A_252 = arith.constant 0 : i32
        %dma_start3A_253 = arith.constant 0 : i32
        %dma_start3A_254 = tpu.memref_slice %arg16[%dma_start3A_252, %dma_start3A_253] : memref<100096x16xf32, #tpu.memory_space<vmem_shared>> -> memref<100096x16xf32, #tpu.memory_space<vmem_shared>>
        tpu.enqueue_indirect_dma source(%arg14 : memref<512x16xf32, #tpu.memory_space<vmem>>) target(%dma_start3A_254 : memref<100096x16xf32, #tpu.memory_space<vmem_shared>>) offsets(%dma_start3A_251 : memref<512xi32, #tpu.memory_space<vmem>>) semaphore(%arg19 : memref<!tpu.dma_semaphore, #tpu.memory_space<semaphore_mem>>) {add = true}
        %dma_wait3A_255 = arith.constant 1 : i32
        %dma_wait3A_256 = arith.constant 3 : i32
        %dma_wait3A_257 = arith.constant 0 : i32
        %dma_wait3A_258 = tpu.memref_slice %arg12[%dma_wait3A_255, %dma_wait3A_256, %dma_wait3A_257] : memref<2x4x512xi32, #tpu.memory_space<vmem>> -> memref<1x1x512xi32, #tpu.memory_space<vmem>>
        %dma_wait3A_259 = tpu.memref_squeeze %dma_wait3A_258 : memref<1x1x512xi32, #tpu.memory_space<vmem>> -> memref<512xi32, #tpu.memory_space<vmem>>
        %dma_wait3A_260 = arith.constant 0 : i32
        %dma_wait3A_261 = arith.constant 0 : i32
        %dma_wait3A_262 = tpu.memref_slice %arg7[%dma_wait3A_260, %dma_wait3A_261] : memref<100096x16xf32, #tpu.memory_space<hbm>> -> memref<100096x16xf32, #tpu.memory_space<hbm>>
        tpu.wait_indirect_dma semaphore(%arg18 : memref<!tpu.dma_semaphore, #tpu.memory_space<semaphore_mem>>) src(%dma_wait3A_262 : memref<100096x16xf32, #tpu.memory_space<hbm>>) dst(%arg15 : memref<512x16xf32, #tpu.memory_space<vmem>>)
        %dma_start3A_263 = arith.constant 1 : i32
        %dma_start3A_264 = arith.constant 3 : i32
        %dma_start3A_265 = arith.constant 0 : i32
        %dma_start3A_266 = tpu.memref_slice %arg13[%dma_start3A_263, %dma_start3A_264, %dma_start3A_265] : memref<2x4x512xi32, #tpu.memory_space<vmem>> -> memref<1x1x512xi32, #tpu.memory_space<vmem>>
        %dma_start3A_267 = tpu.memref_squeeze %dma_start3A_266 : memref<1x1x512xi32, #tpu.memory_space<vmem>> -> memref<512xi32, #tpu.memory_space<vmem>>
        %dma_start3A_268 = arith.constant 0 : i32
        %dma_start3A_269 = arith.constant 0 : i32
        %dma_start3A_270 = tpu.memref_slice %arg16[%dma_start3A_268, %dma_start3A_269] : memref<100096x16xf32, #tpu.memory_space<vmem_shared>> -> memref<100096x16xf32, #tpu.memory_space<vmem_shared>>
        tpu.enqueue_indirect_dma source(%arg15 : memref<512x16xf32, #tpu.memory_space<vmem>>) target(%dma_start3A_270 : memref<100096x16xf32, #tpu.memory_space<vmem_shared>>) offsets(%dma_start3A_267 : memref<512xi32, #tpu.memory_space<vmem>>) semaphore(%arg20 : memref<!tpu.dma_semaphore, #tpu.memory_space<semaphore_mem>>) {add = true}
        %dma_wait3A_271 = arith.constant 1 : i32
        %dma_wait3A_272 = arith.constant 2 : i32
        %dma_wait3A_273 = arith.constant 0 : i32
        %dma_wait3A_274 = tpu.memref_slice %arg13[%dma_wait3A_271, %dma_wait3A_272, %dma_wait3A_273] : memref<2x4x512xi32, #tpu.memory_space<vmem>> -> memref<1x1x512xi32, #tpu.memory_space<vmem>>
        %dma_wait3A_275 = tpu.memref_squeeze %dma_wait3A_274 : memref<1x1x512xi32, #tpu.memory_space<vmem>> -> memref<512xi32, #tpu.memory_space<vmem>>
        %dma_wait3A_276 = arith.constant 0 : i32
        %dma_wait3A_277 = arith.constant 0 : i32
        %dma_wait3A_278 = tpu.memref_slice %arg16[%dma_wait3A_276, %dma_wait3A_277] : memref<100096x16xf32, #tpu.memory_space<vmem_shared>> -> memref<100096x16xf32, #tpu.memory_space<vmem_shared>>
        tpu.wait_indirect_dma semaphore(%arg19 : memref<!tpu.dma_semaphore, #tpu.memory_space<semaphore_mem>>) src(%arg14 : memref<512x16xf32, #tpu.memory_space<vmem>>) dst(%dma_wait3A_278 : memref<100096x16xf32, #tpu.memory_space<vmem_shared>>)
        %dma_wait3A_279 = arith.constant 1 : i32
        %dma_wait3A_280 = arith.constant 3 : i32
        %dma_wait3A_281 = arith.constant 0 : i32
        %dma_wait3A_282 = tpu.memref_slice %arg13[%dma_wait3A_279, %dma_wait3A_280, %dma_wait3A_281] : memref<2x4x512xi32, #tpu.memory_space<vmem>> -> memref<1x1x512xi32, #tpu.memory_space<vmem>>
        %dma_wait3A_283 = tpu.memref_squeeze %dma_wait3A_282 : memref<1x1x512xi32, #tpu.memory_space<vmem>> -> memref<512xi32, #tpu.memory_space<vmem>>
        %dma_wait3A_284 = arith.constant 0 : i32
        %dma_wait3A_285 = arith.constant 0 : i32
        %dma_wait3A_286 = tpu.memref_slice %arg16[%dma_wait3A_284, %dma_wait3A_285] : memref<100096x16xf32, #tpu.memory_space<vmem_shared>> -> memref<100096x16xf32, #tpu.memory_space<vmem_shared>>
        tpu.wait_indirect_dma semaphore(%arg20 : memref<!tpu.dma_semaphore, #tpu.memory_space<semaphore_mem>>) src(%arg15 : memref<512x16xf32, #tpu.memory_space<vmem>>) dst(%dma_wait3A_286 : memref<100096x16xf32, #tpu.memory_space<vmem_shared>>)
        %scan3A_287 = arith.constant 0 : i32
        scf.yield %scan3A_287 : i32
      }
      %scan3A_23 = arith.constant 25 : i32
      %barrier3A_24 = arith.constant 0 : index
      tpu.barrier barrier_id(%barrier3A_24)
      "tpu.region"() ({
        %run_scoped3A = tpu.sem_alloc : memref<!tpu.dma_semaphore, #tpu.memory_space<semaphore_mem>>
        %dma_start3A = arith.constant 0 : i32
        %dma_start3A_25 = tpu.memref_slice %arg11[%mul3A_0, %dma_start3A] : memref<100096x16xf32, #tpu.memory_space<hbm>> -> memref<6256x16xf32, #tpu.memory_space<hbm>>
        %dma_start3A_26 = arith.constant 0 : i32
        %dma_start3A_27 = tpu.memref_slice %arg16[%mul3A_0, %dma_start3A_26] : memref<100096x16xf32, #tpu.memory_space<vmem_shared>> -> memref<6256x16xf32, #tpu.memory_space<vmem_shared>>
        tpu.enqueue_dma source(%dma_start3A_27 : memref<6256x16xf32, #tpu.memory_space<vmem_shared>>) target(%dma_start3A_25 : memref<6256x16xf32, #tpu.memory_space<hbm>>) target_semaphore(%run_scoped3A : memref<!tpu.dma_semaphore, #tpu.memory_space<semaphore_mem>>)
        %dma_wait3A = arith.constant 0 : i32
        %dma_wait3A_28 = tpu.memref_slice %arg11[%mul3A_0, %dma_wait3A] : memref<100096x16xf32, #tpu.memory_space<hbm>> -> memref<6256x16xf32, #tpu.memory_space<hbm>>
        %dma_wait3A_29 = arith.constant 0 : i32
        %dma_wait3A_30 = tpu.memref_slice %arg16[%mul3A_0, %dma_wait3A_29] : memref<100096x16xf32, #tpu.memory_space<vmem_shared>> -> memref<6256x16xf32, #tpu.memory_space<vmem_shared>>
        tpu.wait_dma2 semaphore(%run_scoped3A : memref<!tpu.dma_semaphore, #tpu.memory_space<semaphore_mem>>) src(%dma_wait3A_30 : memref<6256x16xf32, #tpu.memory_space<vmem_shared>>) dst(%dma_wait3A_28 : memref<6256x16xf32, #tpu.memory_space<hbm>>)
        tpu.yield
      }) : () -> ()
    } else {
    }
    return
  }
}

#map = affine_map<(d0, d1) -> (0, 0, 0)>
#map1 = affine_map<(d0, d1) -> (0)>
module attributes {stable_mosaic.version = 14 : i64} {
  func.func @_deg_body(%arg0: i32, %arg1: i32, %arg2: memref<800x4x512xi32, #tpu.memory_space<hbm>>, %arg3: memref<200192xf32, #tpu.memory_space<hbm>>, %arg4: memref<4x512xi32, #tpu.memory_space<vmem>>, %arg5: memref<4x512xi32, #tpu.memory_space<vmem>>, %arg6: memref<512xf32, #tpu.memory_space<vmem>>, %arg7: memref<6256xf32, #tpu.memory_space<vmem>>, %arg8: memref<100096xf32, #tpu.memory_space<vmem_shared>>, %arg9: memref<!tpu.dma_semaphore, #tpu.memory_space<semaphore_mem>>, %arg10: memref<!tpu.dma_semaphore, #tpu.memory_space<semaphore_mem>>) attributes {dimension_semantics = [#tpu.dimension_semantics<core_parallel>, #tpu.dimension_semantics<subcore_parallel>], iteration_bounds = array<i64: 2, 16>, scalar_prefetch = 0 : i64, scratch_operands = 7 : i64, tpu.core_type = #tpu.core_type<sc_vector_subcore>, window_params = [{transform_indices = #map}, {transform_indices = #map1}]} {
    %mul3A = arith.constant 16 : i32
    %mul3A_0 = arith.muli %arg0, %mul3A : i32
    %add3A = arith.addi %mul3A_0, %arg1 : i32
    %scan3A = arith.constant 0 : i32
    %scan3A_1 = arith.constant 0 : i32
    %scan3A_2 = arith.constant 391 : i32
    %scan3A_3 = arith.addi %scan3A_1, %scan3A_2 : i32
    %scan3A_4 = arith.constant 1 : i32
    %scan3A_5 = scf.for %scan3A_78 = %scan3A_1 to %scan3A_3 step %scan3A_4 iter_args(%scan3A_79 = %scan3A) -> (i32)  : i32 {
      %broadcast_in_dim3A = arith.constant 0.000000e+00 : f32
      %broadcast_in_dim3A_80 = vector.broadcast %broadcast_in_dim3A : f32 to vector<16xf32>
      %mul3A_81 = arith.constant 16 : i32
      %mul3A_82 = arith.muli %scan3A_78, %mul3A_81 : i32
      %swap3A = arith.index_cast %mul3A_82 : i32 to index
      %swap3A_83 = tpu.vector_load %arg7[%swap3A] {strides = array<i32>} : memref<6256xf32, #tpu.memory_space<vmem>>, vector<16xf32>,
      %swap3A_84 = vector.shape_cast %swap3A_83 : vector<16xf32> to vector<16xf32>
      %swap3A_85 = vector.shape_cast %broadcast_in_dim3A_80 : vector<16xf32> to vector<16xf32>
      tpu.vector_store %arg7[%swap3A], %swap3A_85 {strides = array<i32>} : memref<6256xf32, #tpu.memory_space<vmem>>, vector<16xf32>,
      %scan3A_86 = arith.constant 0 : i32
      scf.yield %scan3A_86 : i32
    }
    %scan3A_6 = arith.constant 391 : i32
    %scan3A_7 = arith.constant 0 : i32
    %scan3A_8 = arith.constant 0 : i32
    %scan3A_9 = arith.constant 32 : i32
    %scan3A_10 = arith.addi %scan3A_8, %scan3A_9 : i32
    %scan3A_11 = arith.constant 1 : i32
    %scan3A_12 = scf.for %scan3A_78 = %scan3A_8 to %scan3A_10 step %scan3A_11 iter_args(%scan3A_79 = %scan3A_7) -> (i32)  : i32 {
      %broadcast_in_dim3A = arith.constant 1.000000e+00 : f32
      %broadcast_in_dim3A_80 = vector.broadcast %broadcast_in_dim3A : f32 to vector<16xf32>
      %mul3A_81 = arith.constant 16 : i32
      %mul3A_82 = arith.muli %scan3A_78, %mul3A_81 : i32
      %swap3A = arith.index_cast %mul3A_82 : i32 to index
      %swap3A_83 = tpu.vector_load %arg6[%swap3A] {strides = array<i32>} : memref<512xf32, #tpu.memory_space<vmem>>, vector<16xf32>,
      %swap3A_84 = vector.shape_cast %swap3A_83 : vector<16xf32> to vector<16xf32>
      %swap3A_85 = vector.shape_cast %broadcast_in_dim3A_80 : vector<16xf32> to vector<16xf32>
      tpu.vector_store %arg6[%swap3A], %swap3A_85 {strides = array<i32>} : memref<512xf32, #tpu.memory_space<vmem>>, vector<16xf32>,
      %scan3A_86 = arith.constant 0 : i32
      scf.yield %scan3A_86 : i32
    }
    %scan3A_13 = arith.constant 32 : i32
    %mul3A_14 = arith.constant 6256 : i32
    %mul3A_15 = arith.muli %arg1, %mul3A_14 : i32
    "tpu.region"() ({
      %run_scoped3A = tpu.sem_alloc : memref<!tpu.dma_semaphore, #tpu.memory_space<semaphore_mem>>
      %dma_start3A = tpu.memref_slice %arg8[%mul3A_15] : memref<100096xf32, #tpu.memory_space<vmem_shared>> -> memref<6256xf32, #tpu.memory_space<vmem_shared>>
      %dma_start3A_78 = tpu.memref_slice %arg8[%mul3A_15] : memref<100096xf32, #tpu.memory_space<vmem_shared>> -> memref<6256xf32, #tpu.memory_space<vmem_shared>>
      tpu.enqueue_dma source(%arg7 : memref<6256xf32, #tpu.memory_space<vmem>>) target(%dma_start3A_78 : memref<6256xf32, #tpu.memory_space<vmem_shared>>) target_semaphore(%run_scoped3A : memref<!tpu.dma_semaphore, #tpu.memory_space<semaphore_mem>>)
      %dma_wait3A_79 = tpu.memref_slice %arg8[%mul3A_15] : memref<100096xf32, #tpu.memory_space<vmem_shared>> -> memref<6256xf32, #tpu.memory_space<vmem_shared>>
      %dma_wait3A_80 = tpu.memref_slice %arg8[%mul3A_15] : memref<100096xf32, #tpu.memory_space<vmem_shared>> -> memref<6256xf32, #tpu.memory_space<vmem_shared>>
      tpu.wait_dma2 semaphore(%run_scoped3A : memref<!tpu.dma_semaphore, #tpu.memory_space<semaphore_mem>>) src(%arg7 : memref<6256xf32, #tpu.memory_space<vmem>>) dst(%dma_wait3A_80 : memref<6256xf32, #tpu.memory_space<vmem_shared>>)
      tpu.yield
    }) : () -> ()
    %barrier3A = arith.constant 0 : index
    tpu.barrier barrier_id(%barrier3A)
    %scan3A_16 = arith.constant 0 : i32
    %scan3A_17 = arith.constant 0 : i32
    %scan3A_18 = arith.constant 25 : i32
    %scan3A_19 = arith.addi %scan3A_17, %scan3A_18 : i32
    %scan3A_20 = arith.constant 1 : i32
    %scan3A_21 = scf.for %scan3A_78 = %scan3A_17 to %scan3A_19 step %scan3A_20 iter_args(%scan3A_79 = %scan3A_16) -> (i32)  : i32 {
      %jit3A = arith.constant 2 : i32
      %eq3A = arith.constant 0 : i32
      %eq3A_80 = arith.cmpi eq, %jit3A, %eq3A : i32
      %jit3A_81 = arith.constant 1 : i32
      %select_n3A = arith.select %eq3A_80, %jit3A_81, %jit3A : i32
      %rem3A = arith.remsi %scan3A_78, %select_n3A : i32
      %ne3A = arith.constant 0 : i32
      %ne3A_82 = arith.cmpi ne, %rem3A, %ne3A : i32
      %lt3A = arith.constant 0 : i32
      %lt3A_83 = arith.cmpi slt, %rem3A, %lt3A : i32
      %lt3A_84 = arith.constant 0 : i32
      %lt3A_85 = arith.cmpi slt, %select_n3A, %lt3A_84 : i32
      %ne3A_86 = arith.xori %lt3A_83, %lt3A_85 : i1
      %and3A = arith.andi %ne3A_86, %ne3A_82 : i1
      %add3A_87 = arith.addi %rem3A, %select_n3A : i32
      %select_n3A_88 = arith.select %and3A, %add3A_87, %rem3A : i32
      %eq3A_89 = arith.constant 0 : i32
      %eq3A_90 = arith.cmpi eq, %select_n3A_88, %eq3A_89 : i32
      %convert_element_type3A = arith.extui %eq3A_90 : i1 to i32
      %cond3A = arith.constant 0 : i32
      %cond3A_91 = arith.cmpi ne, %convert_element_type3A, %cond3A : i32
      scf.if %cond3A_91 {
        %ge3A = arith.constant 2 : i32
        %ge3A_114 = arith.cmpi sge, %scan3A_78, %ge3A : i32
        %convert_element_type3A_115 = arith.extui %ge3A_114 : i1 to i32
        %cond3A_116 = arith.constant 0 : i32
        %cond3A_117 = arith.cmpi ne, %convert_element_type3A_115, %cond3A_116 : i32
        scf.if %cond3A_117 {
          %dma_wait3A_144 = arith.constant 0 : i32
          %dma_wait3A_145 = arith.constant 0 : i32
          %dma_wait3A_146 = tpu.memref_slice %arg4[%dma_wait3A_144, %dma_wait3A_145] : memref<4x512xi32, #tpu.memory_space<vmem>> -> memref<1x512xi32, #tpu.memory_space<vmem>>
          %dma_wait3A_147 = tpu.memref_squeeze %dma_wait3A_146 : memref<1x512xi32, #tpu.memory_space<vmem>> -> memref<512xi32, #tpu.memory_space<vmem>>
          %dma_wait3A_148 = arith.constant 0 : i32
          %dma_wait3A_149 = tpu.memref_slice %arg8[%dma_wait3A_148] : memref<100096xf32, #tpu.memory_space<vmem_shared>> -> memref<100096xf32, #tpu.memory_space<vmem_shared>>
          tpu.wait_indirect_dma semaphore(%arg9 : memref<!tpu.dma_semaphore, #tpu.memory_space<semaphore_mem>>) src(%arg6 : memref<512xf32, #tpu.memory_space<vmem>>) dst(%dma_wait3A_149 : memref<100096xf32, #tpu.memory_space<vmem_shared>>)
          %dma_wait3A_150 = arith.constant 1 : i32
          %dma_wait3A_151 = arith.constant 0 : i32
          %dma_wait3A_152 = tpu.memref_slice %arg4[%dma_wait3A_150, %dma_wait3A_151] : memref<4x512xi32, #tpu.memory_space<vmem>> -> memref<1x512xi32, #tpu.memory_space<vmem>>
          %dma_wait3A_153 = tpu.memref_squeeze %dma_wait3A_152 : memref<1x512xi32, #tpu.memory_space<vmem>> -> memref<512xi32, #tpu.memory_space<vmem>>
          %dma_wait3A_154 = arith.constant 0 : i32
          %dma_wait3A_155 = tpu.memref_slice %arg8[%dma_wait3A_154] : memref<100096xf32, #tpu.memory_space<vmem_shared>> -> memref<100096xf32, #tpu.memory_space<vmem_shared>>
          tpu.wait_indirect_dma semaphore(%arg9 : memref<!tpu.dma_semaphore, #tpu.memory_space<semaphore_mem>>) src(%arg6 : memref<512xf32, #tpu.memory_space<vmem>>) dst(%dma_wait3A_155 : memref<100096xf32, #tpu.memory_space<vmem_shared>>)
          %dma_wait3A_156 = arith.constant 2 : i32
          %dma_wait3A_157 = arith.constant 0 : i32
          %dma_wait3A_158 = tpu.memref_slice %arg4[%dma_wait3A_156, %dma_wait3A_157] : memref<4x512xi32, #tpu.memory_space<vmem>> -> memref<1x512xi32, #tpu.memory_space<vmem>>
          %dma_wait3A_159 = tpu.memref_squeeze %dma_wait3A_158 : memref<1x512xi32, #tpu.memory_space<vmem>> -> memref<512xi32, #tpu.memory_space<vmem>>
          %dma_wait3A_160 = arith.constant 0 : i32
          %dma_wait3A_161 = tpu.memref_slice %arg8[%dma_wait3A_160] : memref<100096xf32, #tpu.memory_space<vmem_shared>> -> memref<100096xf32, #tpu.memory_space<vmem_shared>>
          tpu.wait_indirect_dma semaphore(%arg9 : memref<!tpu.dma_semaphore, #tpu.memory_space<semaphore_mem>>) src(%arg6 : memref<512xf32, #tpu.memory_space<vmem>>) dst(%dma_wait3A_161 : memref<100096xf32, #tpu.memory_space<vmem_shared>>)
          %dma_wait3A_162 = arith.constant 3 : i32
          %dma_wait3A_163 = arith.constant 0 : i32
          %dma_wait3A_164 = tpu.memref_slice %arg4[%dma_wait3A_162, %dma_wait3A_163] : memref<4x512xi32, #tpu.memory_space<vmem>> -> memref<1x512xi32, #tpu.memory_space<vmem>>
          %dma_wait3A_165 = tpu.memref_squeeze %dma_wait3A_164 : memref<1x512xi32, #tpu.memory_space<vmem>> -> memref<512xi32, #tpu.memory_space<vmem>>
          %dma_wait3A_166 = arith.constant 0 : i32
          %dma_wait3A_167 = tpu.memref_slice %arg8[%dma_wait3A_166] : memref<100096xf32, #tpu.memory_space<vmem_shared>> -> memref<100096xf32, #tpu.memory_space<vmem_shared>>
          tpu.wait_indirect_dma semaphore(%arg9 : memref<!tpu.dma_semaphore, #tpu.memory_space<semaphore_mem>>) src(%arg6 : memref<512xf32, #tpu.memory_space<vmem>>) dst(%dma_wait3A_167 : memref<100096xf32, #tpu.memory_space<vmem_shared>>)
        } else {
        }
        %mul3A_118 = arith.constant 25 : i32
        %mul3A_119 = arith.muli %add3A, %mul3A_118 : i32
        %add3A_120 = arith.addi %mul3A_119, %scan3A_78 : i32
        "tpu.region"() ({
          %run_scoped3A = tpu.sem_alloc : memref<!tpu.dma_semaphore, #tpu.memory_space<semaphore_mem>>
          %dma_start3A_144 = arith.constant 0 : i32
          %dma_start3A_145 = arith.constant 0 : i32
          %dma_start3A_146 = tpu.memref_slice %arg2[%add3A_120, %dma_start3A_144, %dma_start3A_145] : memref<800x4x512xi32, #tpu.memory_space<hbm>> -> memref<1x4x512xi32, #tpu.memory_space<hbm>>
          %dma_start3A_147 = tpu.memref_squeeze %dma_start3A_146 : memref<1x4x512xi32, #tpu.memory_space<hbm>> -> memref<4x512xi32, #tpu.memory_space<hbm>>
          %dma_start3A_148 = arith.constant 0 : i32
          %dma_start3A_149 = arith.constant 0 : i32
          %dma_start3A_150 = tpu.memref_slice %arg2[%add3A_120, %dma_start3A_148, %dma_start3A_149] : memref<800x4x512xi32, #tpu.memory_space<hbm>> -> memref<1x4x512xi32, #tpu.memory_space<hbm>>
          %dma_start3A_151 = tpu.memref_squeeze %dma_start3A_150 : memref<1x4x512xi32, #tpu.memory_space<hbm>> -> memref<4x512xi32, #tpu.memory_space<hbm>>
          tpu.enqueue_dma source(%dma_start3A_151 : memref<4x512xi32, #tpu.memory_space<hbm>>) target(%arg4 : memref<4x512xi32, #tpu.memory_space<vmem>>) target_semaphore(%run_scoped3A : memref<!tpu.dma_semaphore, #tpu.memory_space<semaphore_mem>>)
          %dma_wait3A_152 = arith.constant 0 : i32
          %dma_wait3A_153 = arith.constant 0 : i32
          %dma_wait3A_154 = tpu.memref_slice %arg2[%add3A_120, %dma_wait3A_152, %dma_wait3A_153] : memref<800x4x512xi32, #tpu.memory_space<hbm>> -> memref<1x4x512xi32, #tpu.memory_space<hbm>>
          %dma_wait3A_155 = tpu.memref_squeeze %dma_wait3A_154 : memref<1x4x512xi32, #tpu.memory_space<hbm>> -> memref<4x512xi32, #tpu.memory_space<hbm>>
          %dma_wait3A_156 = arith.constant 0 : i32
          %dma_wait3A_157 = arith.constant 0 : i32
          %dma_wait3A_158 = tpu.memref_slice %arg2[%add3A_120, %dma_wait3A_156, %dma_wait3A_157] : memref<800x4x512xi32, #tpu.memory_space<hbm>> -> memref<1x4x512xi32, #tpu.memory_space<hbm>>
          %dma_wait3A_159 = tpu.memref_squeeze %dma_wait3A_158 : memref<1x4x512xi32, #tpu.memory_space<hbm>> -> memref<4x512xi32, #tpu.memory_space<hbm>>
          tpu.wait_dma2 semaphore(%run_scoped3A : memref<!tpu.dma_semaphore, #tpu.memory_space<semaphore_mem>>) src(%dma_wait3A_159 : memref<4x512xi32, #tpu.memory_space<hbm>>) dst(%arg4 : memref<4x512xi32, #tpu.memory_space<vmem>>)
          tpu.yield
        }) : () -> ()
        %dma_start3A = arith.constant 0 : i32
        %dma_start3A_121 = arith.constant 0 : i32
        %dma_start3A_122 = tpu.memref_slice %arg4[%dma_start3A, %dma_start3A_121] : memref<4x512xi32, #tpu.memory_space<vmem>> -> memref<1x512xi32, #tpu.memory_space<vmem>>
        %dma_start3A_123 = tpu.memref_squeeze %dma_start3A_122 : memref<1x512xi32, #tpu.memory_space<vmem>> -> memref<512xi32, #tpu.memory_space<vmem>>
        %dma_start3A_124 = arith.constant 0 : i32
        %dma_start3A_125 = tpu.memref_slice %arg8[%dma_start3A_124] : memref<100096xf32, #tpu.memory_space<vmem_shared>> -> memref<100096xf32, #tpu.memory_space<vmem_shared>>
        tpu.enqueue_indirect_dma source(%arg6 : memref<512xf32, #tpu.memory_space<vmem>>) target(%dma_start3A_125 : memref<100096xf32, #tpu.memory_space<vmem_shared>>) offsets(%dma_start3A_123 : memref<512xi32, #tpu.memory_space<vmem>>) semaphore(%arg9 : memref<!tpu.dma_semaphore, #tpu.memory_space<semaphore_mem>>) {add = true}
        %dma_start3A_126 = arith.constant 1 : i32
        %dma_start3A_127 = arith.constant 0 : i32
        %dma_start3A_128 = tpu.memref_slice %arg4[%dma_start3A_126, %dma_start3A_127] : memref<4x512xi32, #tpu.memory_space<vmem>> -> memref<1x512xi32, #tpu.memory_space<vmem>>
        %dma_start3A_129 = tpu.memref_squeeze %dma_start3A_128 : memref<1x512xi32, #tpu.memory_space<vmem>> -> memref<512xi32, #tpu.memory_space<vmem>>
        %dma_start3A_130 = arith.constant 0 : i32
        %dma_start3A_131 = tpu.memref_slice %arg8[%dma_start3A_130] : memref<100096xf32, #tpu.memory_space<vmem_shared>> -> memref<100096xf32, #tpu.memory_space<vmem_shared>>
        tpu.enqueue_indirect_dma source(%arg6 : memref<512xf32, #tpu.memory_space<vmem>>) target(%dma_start3A_131 : memref<100096xf32, #tpu.memory_space<vmem_shared>>) offsets(%dma_start3A_129 : memref<512xi32, #tpu.memory_space<vmem>>) semaphore(%arg9 : memref<!tpu.dma_semaphore, #tpu.memory_space<semaphore_mem>>) {add = true}
        %dma_start3A_132 = arith.constant 2 : i32
        %dma_start3A_133 = arith.constant 0 : i32
        %dma_start3A_134 = tpu.memref_slice %arg4[%dma_start3A_132, %dma_start3A_133] : memref<4x512xi32, #tpu.memory_space<vmem>> -> memref<1x512xi32, #tpu.memory_space<vmem>>
        %dma_start3A_135 = tpu.memref_squeeze %dma_start3A_134 : memref<1x512xi32, #tpu.memory_space<vmem>> -> memref<512xi32, #tpu.memory_space<vmem>>
        %dma_start3A_136 = arith.constant 0 : i32
        %dma_start3A_137 = tpu.memref_slice %arg8[%dma_start3A_136] : memref<100096xf32, #tpu.memory_space<vmem_shared>> -> memref<100096xf32, #tpu.memory_space<vmem_shared>>
        tpu.enqueue_indirect_dma source(%arg6 : memref<512xf32, #tpu.memory_space<vmem>>) target(%dma_start3A_137 : memref<100096xf32, #tpu.memory_space<vmem_shared>>) offsets(%dma_start3A_135 : memref<512xi32, #tpu.memory_space<vmem>>) semaphore(%arg9 : memref<!tpu.dma_semaphore, #tpu.memory_space<semaphore_mem>>) {add = true}
        %dma_start3A_138 = arith.constant 3 : i32
        %dma_start3A_139 = arith.constant 0 : i32
        %dma_start3A_140 = tpu.memref_slice %arg4[%dma_start3A_138, %dma_start3A_139] : memref<4x512xi32, #tpu.memory_space<vmem>> -> memref<1x512xi32, #tpu.memory_space<vmem>>
        %dma_start3A_141 = tpu.memref_squeeze %dma_start3A_140 : memref<1x512xi32, #tpu.memory_space<vmem>> -> memref<512xi32, #tpu.memory_space<vmem>>
        %dma_start3A_142 = arith.constant 0 : i32
        %dma_start3A_143 = tpu.memref_slice %arg8[%dma_start3A_142] : memref<100096xf32, #tpu.memory_space<vmem_shared>> -> memref<100096xf32, #tpu.memory_space<vmem_shared>>
        tpu.enqueue_indirect_dma source(%arg6 : memref<512xf32, #tpu.memory_space<vmem>>) target(%dma_start3A_143 : memref<100096xf32, #tpu.memory_space<vmem_shared>>) offsets(%dma_start3A_141 : memref<512xi32, #tpu.memory_space<vmem>>) semaphore(%arg9 : memref<!tpu.dma_semaphore, #tpu.memory_space<semaphore_mem>>) {add = true}
      } else {
      }
      %jit3A_92 = arith.constant 2 : i32
      %eq3A_93 = arith.constant 0 : i32
      %eq3A_94 = arith.cmpi eq, %jit3A_92, %eq3A_93 : i32
      %jit3A_95 = arith.constant 1 : i32
      %select_n3A_96 = arith.select %eq3A_94, %jit3A_95, %jit3A_92 : i32
      %rem3A_97 = arith.remsi %scan3A_78, %select_n3A_96 : i32
      %ne3A_98 = arith.constant 0 : i32
      %ne3A_99 = arith.cmpi ne, %rem3A_97, %ne3A_98 : i32
      %lt3A_100 = arith.constant 0 : i32
      %lt3A_101 = arith.cmpi slt, %rem3A_97, %lt3A_100 : i32
      %lt3A_102 = arith.constant 0 : i32
      %lt3A_103 = arith.cmpi slt, %select_n3A_96, %lt3A_102 : i32
      %ne3A_104 = arith.xori %lt3A_101, %lt3A_103 : i1
      %and3A_105 = arith.andi %ne3A_104, %ne3A_99 : i1
      %add3A_106 = arith.addi %rem3A_97, %select_n3A_96 : i32
      %select_n3A_107 = arith.select %and3A_105, %add3A_106, %rem3A_97 : i32
      %eq3A_108 = arith.constant 1 : i32
      %eq3A_109 = arith.cmpi eq, %select_n3A_107, %eq3A_108 : i32
      %convert_element_type3A_110 = arith.extui %eq3A_109 : i1 to i32
      %cond3A_111 = arith.constant 0 : i32
      %cond3A_112 = arith.cmpi ne, %convert_element_type3A_110, %cond3A_111 : i32
      scf.if %cond3A_112 {
        %ge3A = arith.constant 2 : i32
        %ge3A_114 = arith.cmpi sge, %scan3A_78, %ge3A : i32
        %convert_element_type3A_115 = arith.extui %ge3A_114 : i1 to i32
        %cond3A_116 = arith.constant 0 : i32
        %cond3A_117 = arith.cmpi ne, %convert_element_type3A_115, %cond3A_116 : i32
        scf.if %cond3A_117 {
          %dma_wait3A_144 = arith.constant 0 : i32
          %dma_wait3A_145 = arith.constant 0 : i32
          %dma_wait3A_146 = tpu.memref_slice %arg5[%dma_wait3A_144, %dma_wait3A_145] : memref<4x512xi32, #tpu.memory_space<vmem>> -> memref<1x512xi32, #tpu.memory_space<vmem>>
          %dma_wait3A_147 = tpu.memref_squeeze %dma_wait3A_146 : memref<1x512xi32, #tpu.memory_space<vmem>> -> memref<512xi32, #tpu.memory_space<vmem>>
          %dma_wait3A_148 = arith.constant 0 : i32
          %dma_wait3A_149 = tpu.memref_slice %arg8[%dma_wait3A_148] : memref<100096xf32, #tpu.memory_space<vmem_shared>> -> memref<100096xf32, #tpu.memory_space<vmem_shared>>
          tpu.wait_indirect_dma semaphore(%arg10 : memref<!tpu.dma_semaphore, #tpu.memory_space<semaphore_mem>>) src(%arg6 : memref<512xf32, #tpu.memory_space<vmem>>) dst(%dma_wait3A_149 : memref<100096xf32, #tpu.memory_space<vmem_shared>>)
          %dma_wait3A_150 = arith.constant 1 : i32
          %dma_wait3A_151 = arith.constant 0 : i32
          %dma_wait3A_152 = tpu.memref_slice %arg5[%dma_wait3A_150, %dma_wait3A_151] : memref<4x512xi32, #tpu.memory_space<vmem>> -> memref<1x512xi32, #tpu.memory_space<vmem>>
          %dma_wait3A_153 = tpu.memref_squeeze %dma_wait3A_152 : memref<1x512xi32, #tpu.memory_space<vmem>> -> memref<512xi32, #tpu.memory_space<vmem>>
          %dma_wait3A_154 = arith.constant 0 : i32
          %dma_wait3A_155 = tpu.memref_slice %arg8[%dma_wait3A_154] : memref<100096xf32, #tpu.memory_space<vmem_shared>> -> memref<100096xf32, #tpu.memory_space<vmem_shared>>
          tpu.wait_indirect_dma semaphore(%arg10 : memref<!tpu.dma_semaphore, #tpu.memory_space<semaphore_mem>>) src(%arg6 : memref<512xf32, #tpu.memory_space<vmem>>) dst(%dma_wait3A_155 : memref<100096xf32, #tpu.memory_space<vmem_shared>>)
          %dma_wait3A_156 = arith.constant 2 : i32
          %dma_wait3A_157 = arith.constant 0 : i32
          %dma_wait3A_158 = tpu.memref_slice %arg5[%dma_wait3A_156, %dma_wait3A_157] : memref<4x512xi32, #tpu.memory_space<vmem>> -> memref<1x512xi32, #tpu.memory_space<vmem>>
          %dma_wait3A_159 = tpu.memref_squeeze %dma_wait3A_158 : memref<1x512xi32, #tpu.memory_space<vmem>> -> memref<512xi32, #tpu.memory_space<vmem>>
          %dma_wait3A_160 = arith.constant 0 : i32
          %dma_wait3A_161 = tpu.memref_slice %arg8[%dma_wait3A_160] : memref<100096xf32, #tpu.memory_space<vmem_shared>> -> memref<100096xf32, #tpu.memory_space<vmem_shared>>
          tpu.wait_indirect_dma semaphore(%arg10 : memref<!tpu.dma_semaphore, #tpu.memory_space<semaphore_mem>>) src(%arg6 : memref<512xf32, #tpu.memory_space<vmem>>) dst(%dma_wait3A_161 : memref<100096xf32, #tpu.memory_space<vmem_shared>>)
          %dma_wait3A_162 = arith.constant 3 : i32
          %dma_wait3A_163 = arith.constant 0 : i32
          %dma_wait3A_164 = tpu.memref_slice %arg5[%dma_wait3A_162, %dma_wait3A_163] : memref<4x512xi32, #tpu.memory_space<vmem>> -> memref<1x512xi32, #tpu.memory_space<vmem>>
          %dma_wait3A_165 = tpu.memref_squeeze %dma_wait3A_164 : memref<1x512xi32, #tpu.memory_space<vmem>> -> memref<512xi32, #tpu.memory_space<vmem>>
          %dma_wait3A_166 = arith.constant 0 : i32
          %dma_wait3A_167 = tpu.memref_slice %arg8[%dma_wait3A_166] : memref<100096xf32, #tpu.memory_space<vmem_shared>> -> memref<100096xf32, #tpu.memory_space<vmem_shared>>
          tpu.wait_indirect_dma semaphore(%arg10 : memref<!tpu.dma_semaphore, #tpu.memory_space<semaphore_mem>>) src(%arg6 : memref<512xf32, #tpu.memory_space<vmem>>) dst(%dma_wait3A_167 : memref<100096xf32, #tpu.memory_space<vmem_shared>>)
        } else {
        }
        %mul3A_118 = arith.constant 25 : i32
        %mul3A_119 = arith.muli %add3A, %mul3A_118 : i32
        %add3A_120 = arith.addi %mul3A_119, %scan3A_78 : i32
        "tpu.region"() ({
          %run_scoped3A = tpu.sem_alloc : memref<!tpu.dma_semaphore, #tpu.memory_space<semaphore_mem>>
          %dma_start3A_144 = arith.constant 0 : i32
          %dma_start3A_145 = arith.constant 0 : i32
          %dma_start3A_146 = tpu.memref_slice %arg2[%add3A_120, %dma_start3A_144, %dma_start3A_145] : memref<800x4x512xi32, #tpu.memory_space<hbm>> -> memref<1x4x512xi32, #tpu.memory_space<hbm>>
          %dma_start3A_147 = tpu.memref_squeeze %dma_start3A_146 : memref<1x4x512xi32, #tpu.memory_space<hbm>> -> memref<4x512xi32, #tpu.memory_space<hbm>>
          %dma_start3A_148 = arith.constant 0 : i32
          %dma_start3A_149 = arith.constant 0 : i32
          %dma_start3A_150 = tpu.memref_slice %arg2[%add3A_120, %dma_start3A_148, %dma_start3A_149] : memref<800x4x512xi32, #tpu.memory_space<hbm>> -> memref<1x4x512xi32, #tpu.memory_space<hbm>>
          %dma_start3A_151 = tpu.memref_squeeze %dma_start3A_150 : memref<1x4x512xi32, #tpu.memory_space<hbm>> -> memref<4x512xi32, #tpu.memory_space<hbm>>
          tpu.enqueue_dma source(%dma_start3A_151 : memref<4x512xi32, #tpu.memory_space<hbm>>) target(%arg5 : memref<4x512xi32, #tpu.memory_space<vmem>>) target_semaphore(%run_scoped3A : memref<!tpu.dma_semaphore, #tpu.memory_space<semaphore_mem>>)
          %dma_wait3A_152 = arith.constant 0 : i32
          %dma_wait3A_153 = arith.constant 0 : i32
          %dma_wait3A_154 = tpu.memref_slice %arg2[%add3A_120, %dma_wait3A_152, %dma_wait3A_153] : memref<800x4x512xi32, #tpu.memory_space<hbm>> -> memref<1x4x512xi32, #tpu.memory_space<hbm>>
          %dma_wait3A_155 = tpu.memref_squeeze %dma_wait3A_154 : memref<1x4x512xi32, #tpu.memory_space<hbm>> -> memref<4x512xi32, #tpu.memory_space<hbm>>
          %dma_wait3A_156 = arith.constant 0 : i32
          %dma_wait3A_157 = arith.constant 0 : i32
          %dma_wait3A_158 = tpu.memref_slice %arg2[%add3A_120, %dma_wait3A_156, %dma_wait3A_157] : memref<800x4x512xi32, #tpu.memory_space<hbm>> -> memref<1x4x512xi32, #tpu.memory_space<hbm>>
          %dma_wait3A_159 = tpu.memref_squeeze %dma_wait3A_158 : memref<1x4x512xi32, #tpu.memory_space<hbm>> -> memref<4x512xi32, #tpu.memory_space<hbm>>
          tpu.wait_dma2 semaphore(%run_scoped3A : memref<!tpu.dma_semaphore, #tpu.memory_space<semaphore_mem>>) src(%dma_wait3A_159 : memref<4x512xi32, #tpu.memory_space<hbm>>) dst(%arg5 : memref<4x512xi32, #tpu.memory_space<vmem>>)
          tpu.yield
        }) : () -> ()
        %dma_start3A = arith.constant 0 : i32
        %dma_start3A_121 = arith.constant 0 : i32
        %dma_start3A_122 = tpu.memref_slice %arg5[%dma_start3A, %dma_start3A_121] : memref<4x512xi32, #tpu.memory_space<vmem>> -> memref<1x512xi32, #tpu.memory_space<vmem>>
        %dma_start3A_123 = tpu.memref_squeeze %dma_start3A_122 : memref<1x512xi32, #tpu.memory_space<vmem>> -> memref<512xi32, #tpu.memory_space<vmem>>
        %dma_start3A_124 = arith.constant 0 : i32
        %dma_start3A_125 = tpu.memref_slice %arg8[%dma_start3A_124] : memref<100096xf32, #tpu.memory_space<vmem_shared>> -> memref<100096xf32, #tpu.memory_space<vmem_shared>>
        tpu.enqueue_indirect_dma source(%arg6 : memref<512xf32, #tpu.memory_space<vmem>>) target(%dma_start3A_125 : memref<100096xf32, #tpu.memory_space<vmem_shared>>) offsets(%dma_start3A_123 : memref<512xi32, #tpu.memory_space<vmem>>) semaphore(%arg10 : memref<!tpu.dma_semaphore, #tpu.memory_space<semaphore_mem>>) {add = true}
        %dma_start3A_126 = arith.constant 1 : i32
        %dma_start3A_127 = arith.constant 0 : i32
        %dma_start3A_128 = tpu.memref_slice %arg5[%dma_start3A_126, %dma_start3A_127] : memref<4x512xi32, #tpu.memory_space<vmem>> -> memref<1x512xi32, #tpu.memory_space<vmem>>
        %dma_start3A_129 = tpu.memref_squeeze %dma_start3A_128 : memref<1x512xi32, #tpu.memory_space<vmem>> -> memref<512xi32, #tpu.memory_space<vmem>>
        %dma_start3A_130 = arith.constant 0 : i32
        %dma_start3A_131 = tpu.memref_slice %arg8[%dma_start3A_130] : memref<100096xf32, #tpu.memory_space<vmem_shared>> -> memref<100096xf32, #tpu.memory_space<vmem_shared>>
        tpu.enqueue_indirect_dma source(%arg6 : memref<512xf32, #tpu.memory_space<vmem>>) target(%dma_start3A_131 : memref<100096xf32, #tpu.memory_space<vmem_shared>>) offsets(%dma_start3A_129 : memref<512xi32, #tpu.memory_space<vmem>>) semaphore(%arg10 : memref<!tpu.dma_semaphore, #tpu.memory_space<semaphore_mem>>) {add = true}
        %dma_start3A_132 = arith.constant 2 : i32
        %dma_start3A_133 = arith.constant 0 : i32
        %dma_start3A_134 = tpu.memref_slice %arg5[%dma_start3A_132, %dma_start3A_133] : memref<4x512xi32, #tpu.memory_space<vmem>> -> memref<1x512xi32, #tpu.memory_space<vmem>>
        %dma_start3A_135 = tpu.memref_squeeze %dma_start3A_134 : memref<1x512xi32, #tpu.memory_space<vmem>> -> memref<512xi32, #tpu.memory_space<vmem>>
        %dma_start3A_136 = arith.constant 0 : i32
        %dma_start3A_137 = tpu.memref_slice %arg8[%dma_start3A_136] : memref<100096xf32, #tpu.memory_space<vmem_shared>> -> memref<100096xf32, #tpu.memory_space<vmem_shared>>
        tpu.enqueue_indirect_dma source(%arg6 : memref<512xf32, #tpu.memory_space<vmem>>) target(%dma_start3A_137 : memref<100096xf32, #tpu.memory_space<vmem_shared>>) offsets(%dma_start3A_135 : memref<512xi32, #tpu.memory_space<vmem>>) semaphore(%arg10 : memref<!tpu.dma_semaphore, #tpu.memory_space<semaphore_mem>>) {add = true}
        %dma_start3A_138 = arith.constant 3 : i32
        %dma_start3A_139 = arith.constant 0 : i32
        %dma_start3A_140 = tpu.memref_slice %arg5[%dma_start3A_138, %dma_start3A_139] : memref<4x512xi32, #tpu.memory_space<vmem>> -> memref<1x512xi32, #tpu.memory_space<vmem>>
        %dma_start3A_141 = tpu.memref_squeeze %dma_start3A_140 : memref<1x512xi32, #tpu.memory_space<vmem>> -> memref<512xi32, #tpu.memory_space<vmem>>
        %dma_start3A_142 = arith.constant 0 : i32
        %dma_start3A_143 = tpu.memref_slice %arg8[%dma_start3A_142] : memref<100096xf32, #tpu.memory_space<vmem_shared>> -> memref<100096xf32, #tpu.memory_space<vmem_shared>>
        tpu.enqueue_indirect_dma source(%arg6 : memref<512xf32, #tpu.memory_space<vmem>>) target(%dma_start3A_143 : memref<100096xf32, #tpu.memory_space<vmem_shared>>) offsets(%dma_start3A_141 : memref<512xi32, #tpu.memory_space<vmem>>) semaphore(%arg10 : memref<!tpu.dma_semaphore, #tpu.memory_space<semaphore_mem>>) {add = true}
      } else {
      }
      %scan3A_113 = arith.constant 0 : i32
      scf.yield %scan3A_113 : i32
    }
    %scan3A_22 = arith.constant 25 : i32
    %dma_wait3A = arith.constant 0 : i32
    %dma_wait3A_23 = arith.constant 0 : i32
    %dma_wait3A_24 = tpu.memref_slice %arg4[%dma_wait3A, %dma_wait3A_23] : memref<4x512xi32, #tpu.memory_space<vmem>> -> memref<1x512xi32, #tpu.memory_space<vmem>>
    %dma_wait3A_25 = tpu.memref_squeeze %dma_wait3A_24 : memref<1x512xi32, #tpu.memory_space<vmem>> -> memref<512xi32, #tpu.memory_space<vmem>>
    %dma_wait3A_26 = arith.constant 0 : i32
    %dma_wait3A_27 = tpu.memref_slice %arg8[%dma_wait3A_26] : memref<100096xf32, #tpu.memory_space<vmem_shared>> -> memref<100096xf32, #tpu.memory_space<vmem_shared>>
    tpu.wait_indirect_dma semaphore(%arg9 : memref<!tpu.dma_semaphore, #tpu.memory_space<semaphore_mem>>) src(%arg6 : memref<512xf32, #tpu.memory_space<vmem>>) dst(%dma_wait3A_27 : memref<100096xf32, #tpu.memory_space<vmem_shared>>)
    %dma_wait3A_28 = arith.constant 1 : i32
    %dma_wait3A_29 = arith.constant 0 : i32
    %dma_wait3A_30 = tpu.memref_slice %arg4[%dma_wait3A_28, %dma_wait3A_29] : memref<4x512xi32, #tpu.memory_space<vmem>> -> memref<1x512xi32, #tpu.memory_space<vmem>>
    %dma_wait3A_31 = tpu.memref_squeeze %dma_wait3A_30 : memref<1x512xi32, #tpu.memory_space<vmem>> -> memref<512xi32, #tpu.memory_space<vmem>>
    %dma_wait3A_32 = arith.constant 0 : i32
    %dma_wait3A_33 = tpu.memref_slice %arg8[%dma_wait3A_32] : memref<100096xf32, #tpu.memory_space<vmem_shared>> -> memref<100096xf32, #tpu.memory_space<vmem_shared>>
    tpu.wait_indirect_dma semaphore(%arg9 : memref<!tpu.dma_semaphore, #tpu.memory_space<semaphore_mem>>) src(%arg6 : memref<512xf32, #tpu.memory_space<vmem>>) dst(%dma_wait3A_33 : memref<100096xf32, #tpu.memory_space<vmem_shared>>)
    %dma_wait3A_34 = arith.constant 2 : i32
    %dma_wait3A_35 = arith.constant 0 : i32
    %dma_wait3A_36 = tpu.memref_slice %arg4[%dma_wait3A_34, %dma_wait3A_35] : memref<4x512xi32, #tpu.memory_space<vmem>> -> memref<1x512xi32, #tpu.memory_space<vmem>>
    %dma_wait3A_37 = tpu.memref_squeeze %dma_wait3A_36 : memref<1x512xi32, #tpu.memory_space<vmem>> -> memref<512xi32, #tpu.memory_space<vmem>>
    %dma_wait3A_38 = arith.constant 0 : i32
    %dma_wait3A_39 = tpu.memref_slice %arg8[%dma_wait3A_38] : memref<100096xf32, #tpu.memory_space<vmem_shared>> -> memref<100096xf32, #tpu.memory_space<vmem_shared>>
    tpu.wait_indirect_dma semaphore(%arg9 : memref<!tpu.dma_semaphore, #tpu.memory_space<semaphore_mem>>) src(%arg6 : memref<512xf32, #tpu.memory_space<vmem>>) dst(%dma_wait3A_39 : memref<100096xf32, #tpu.memory_space<vmem_shared>>)
    %dma_wait3A_40 = arith.constant 3 : i32
    %dma_wait3A_41 = arith.constant 0 : i32
    %dma_wait3A_42 = tpu.memref_slice %arg4[%dma_wait3A_40, %dma_wait3A_41] : memref<4x512xi32, #tpu.memory_space<vmem>> -> memref<1x512xi32, #tpu.memory_space<vmem>>
    %dma_wait3A_43 = tpu.memref_squeeze %dma_wait3A_42 : memref<1x512xi32, #tpu.memory_space<vmem>> -> memref<512xi32, #tpu.memory_space<vmem>>
    %dma_wait3A_44 = arith.constant 0 : i32
    %dma_wait3A_45 = tpu.memref_slice %arg8[%dma_wait3A_44] : memref<100096xf32, #tpu.memory_space<vmem_shared>> -> memref<100096xf32, #tpu.memory_space<vmem_shared>>
    tpu.wait_indirect_dma semaphore(%arg9 : memref<!tpu.dma_semaphore, #tpu.memory_space<semaphore_mem>>) src(%arg6 : memref<512xf32, #tpu.memory_space<vmem>>) dst(%dma_wait3A_45 : memref<100096xf32, #tpu.memory_space<vmem_shared>>)
    %dma_wait3A_46 = arith.constant 0 : i32
    %dma_wait3A_47 = arith.constant 0 : i32
    %dma_wait3A_48 = tpu.memref_slice %arg5[%dma_wait3A_46, %dma_wait3A_47] : memref<4x512xi32, #tpu.memory_space<vmem>> -> memref<1x512xi32, #tpu.memory_space<vmem>>
    %dma_wait3A_49 = tpu.memref_squeeze %dma_wait3A_48 : memref<1x512xi32, #tpu.memory_space<vmem>> -> memref<512xi32, #tpu.memory_space<vmem>>
    %dma_wait3A_50 = arith.constant 0 : i32
    %dma_wait3A_51 = tpu.memref_slice %arg8[%dma_wait3A_50] : memref<100096xf32, #tpu.memory_space<vmem_shared>> -> memref<100096xf32, #tpu.memory_space<vmem_shared>>
    tpu.wait_indirect_dma semaphore(%arg10 : memref<!tpu.dma_semaphore, #tpu.memory_space<semaphore_mem>>) src(%arg6 : memref<512xf32, #tpu.memory_space<vmem>>) dst(%dma_wait3A_51 : memref<100096xf32, #tpu.memory_space<vmem_shared>>)
    %dma_wait3A_52 = arith.constant 1 : i32
    %dma_wait3A_53 = arith.constant 0 : i32
    %dma_wait3A_54 = tpu.memref_slice %arg5[%dma_wait3A_52, %dma_wait3A_53] : memref<4x512xi32, #tpu.memory_space<vmem>> -> memref<1x512xi32, #tpu.memory_space<vmem>>
    %dma_wait3A_55 = tpu.memref_squeeze %dma_wait3A_54 : memref<1x512xi32, #tpu.memory_space<vmem>> -> memref<512xi32, #tpu.memory_space<vmem>>
    %dma_wait3A_56 = arith.constant 0 : i32
    %dma_wait3A_57 = tpu.memref_slice %arg8[%dma_wait3A_56] : memref<100096xf32, #tpu.memory_space<vmem_shared>> -> memref<100096xf32, #tpu.memory_space<vmem_shared>>
    tpu.wait_indirect_dma semaphore(%arg10 : memref<!tpu.dma_semaphore, #tpu.memory_space<semaphore_mem>>) src(%arg6 : memref<512xf32, #tpu.memory_space<vmem>>) dst(%dma_wait3A_57 : memref<100096xf32, #tpu.memory_space<vmem_shared>>)
    %dma_wait3A_58 = arith.constant 2 : i32
    %dma_wait3A_59 = arith.constant 0 : i32
    %dma_wait3A_60 = tpu.memref_slice %arg5[%dma_wait3A_58, %dma_wait3A_59] : memref<4x512xi32, #tpu.memory_space<vmem>> -> memref<1x512xi32, #tpu.memory_space<vmem>>
    %dma_wait3A_61 = tpu.memref_squeeze %dma_wait3A_60 : memref<1x512xi32, #tpu.memory_space<vmem>> -> memref<512xi32, #tpu.memory_space<vmem>>
    %dma_wait3A_62 = arith.constant 0 : i32
    %dma_wait3A_63 = tpu.memref_slice %arg8[%dma_wait3A_62] : memref<100096xf32, #tpu.memory_space<vmem_shared>> -> memref<100096xf32, #tpu.memory_space<vmem_shared>>
    tpu.wait_indirect_dma semaphore(%arg10 : memref<!tpu.dma_semaphore, #tpu.memory_space<semaphore_mem>>) src(%arg6 : memref<512xf32, #tpu.memory_space<vmem>>) dst(%dma_wait3A_63 : memref<100096xf32, #tpu.memory_space<vmem_shared>>)
    %dma_wait3A_64 = arith.constant 3 : i32
    %dma_wait3A_65 = arith.constant 0 : i32
    %dma_wait3A_66 = tpu.memref_slice %arg5[%dma_wait3A_64, %dma_wait3A_65] : memref<4x512xi32, #tpu.memory_space<vmem>> -> memref<1x512xi32, #tpu.memory_space<vmem>>
    %dma_wait3A_67 = tpu.memref_squeeze %dma_wait3A_66 : memref<1x512xi32, #tpu.memory_space<vmem>> -> memref<512xi32, #tpu.memory_space<vmem>>
    %dma_wait3A_68 = arith.constant 0 : i32
    %dma_wait3A_69 = tpu.memref_slice %arg8[%dma_wait3A_68] : memref<100096xf32, #tpu.memory_space<vmem_shared>> -> memref<100096xf32, #tpu.memory_space<vmem_shared>>
    tpu.wait_indirect_dma semaphore(%arg10 : memref<!tpu.dma_semaphore, #tpu.memory_space<semaphore_mem>>) src(%arg6 : memref<512xf32, #tpu.memory_space<vmem>>) dst(%dma_wait3A_69 : memref<100096xf32, #tpu.memory_space<vmem_shared>>)
    %barrier3A_70 = arith.constant 0 : index
    tpu.barrier barrier_id(%barrier3A_70)
    %mul3A_71 = arith.constant 6256 : i32
    %mul3A_72 = arith.muli %arg1, %mul3A_71 : i32
    "tpu.region"() ({
      %run_scoped3A = tpu.sem_alloc : memref<!tpu.dma_semaphore, #tpu.memory_space<semaphore_mem>>
      %dma_start3A = tpu.memref_slice %arg8[%mul3A_72] : memref<100096xf32, #tpu.memory_space<vmem_shared>> -> memref<6256xf32, #tpu.memory_space<vmem_shared>>
      %dma_start3A_78 = tpu.memref_slice %arg8[%mul3A_72] : memref<100096xf32, #tpu.memory_space<vmem_shared>> -> memref<6256xf32, #tpu.memory_space<vmem_shared>>
      tpu.enqueue_dma source(%dma_start3A_78 : memref<6256xf32, #tpu.memory_space<vmem_shared>>) target(%arg7 : memref<6256xf32, #tpu.memory_space<vmem>>) target_semaphore(%run_scoped3A : memref<!tpu.dma_semaphore, #tpu.memory_space<semaphore_mem>>)
      %dma_wait3A_79 = tpu.memref_slice %arg8[%mul3A_72] : memref<100096xf32, #tpu.memory_space<vmem_shared>> -> memref<6256xf32, #tpu.memory_space<vmem_shared>>
      %dma_wait3A_80 = tpu.memref_slice %arg8[%mul3A_72] : memref<100096xf32, #tpu.memory_space<vmem_shared>> -> memref<6256xf32, #tpu.memory_space<vmem_shared>>
      tpu.wait_dma2 semaphore(%run_scoped3A : memref<!tpu.dma_semaphore, #tpu.memory_space<semaphore_mem>>) src(%dma_wait3A_80 : memref<6256xf32, #tpu.memory_space<vmem_shared>>) dst(%arg7 : memref<6256xf32, #tpu.memory_space<vmem>>)
      tpu.yield
    }) : () -> ()
    %mul3A_73 = arith.constant 100096 : i32
    %mul3A_74 = arith.muli %arg0, %mul3A_73 : i32
    %mul3A_75 = arith.constant 6256 : i32
    %mul3A_76 = arith.muli %arg1, %mul3A_75 : i32
    %add3A_77 = arith.addi %mul3A_74, %mul3A_76 : i32
    "tpu.region"() ({
      %run_scoped3A = tpu.sem_alloc : memref<!tpu.dma_semaphore, #tpu.memory_space<semaphore_mem>>
      %dma_start3A = tpu.memref_slice %arg3[%add3A_77] : memref<200192xf32, #tpu.memory_space<hbm>> -> memref<6256xf32, #tpu.memory_space<hbm>>
      %dma_start3A_78 = tpu.memref_slice %arg3[%add3A_77] : memref<200192xf32, #tpu.memory_space<hbm>> -> memref<6256xf32, #tpu.memory_space<hbm>>
      tpu.enqueue_dma source(%arg7 : memref<6256xf32, #tpu.memory_space<vmem>>) target(%dma_start3A_78 : memref<6256xf32, #tpu.memory_space<hbm>>) target_semaphore(%run_scoped3A : memref<!tpu.dma_semaphore, #tpu.memory_space<semaphore_mem>>)
      %dma_wait3A_79 = tpu.memref_slice %arg3[%add3A_77] : memref<200192xf32, #tpu.memory_space<hbm>> -> memref<6256xf32, #tpu.memory_space<hbm>>
      %dma_wait3A_80 = tpu.memref_slice %arg3[%add3A_77] : memref<200192xf32, #tpu.memory_space<hbm>> -> memref<6256xf32, #tpu.memory_space<hbm>>
      tpu.wait_dma2 semaphore(%run_scoped3A : memref<!tpu.dma_semaphore, #tpu.memory_space<semaphore_mem>>) src(%arg7 : memref<6256xf32, #tpu.memory_space<vmem>>) dst(%dma_wait3A_80 : memref<6256xf32, #tpu.memory_space<hbm>>)
      tpu.yield
    }) : () -> ()
    return
  }
}

module attributes {stable_mosaic.version = 14 : i64} {
  func.func @_lin1_body(%arg0: i32, %arg1: memref<512x48xf32, #tpu.memory_space<vmem>>, %arg2: memref<512x8xf32, #tpu.memory_space<vmem>>, %arg3: memref<512x8xf32, #tpu.memory_space<vmem>>, %arg4: memref<48x512xf32, #tpu.memory_space<vmem>>, %arg5: memref<1x512xf32, #tpu.memory_space<vmem>>, %arg6: memref<8x128xf32, #tpu.memory_space<vmem>>, %arg7: memref<512x128xf32, #tpu.memory_space<vmem>>, %arg8: memref<512x128xf32, #tpu.memory_space<vmem>>, %arg9: memref<512x128xf32, #tpu.memory_space<vmem>>, %arg10: memref<512x128xf32, #tpu.memory_space<vmem>>, %arg11: memref<512x128xf32, #tpu.memory_space<vmem>>) attributes {dimension_semantics = [#tpu.dimension_semantics<arbitrary>], iteration_bounds = array<i64: 25>, scalar_prefetch = 0 : i64, scratch_operands = 0 : i64, tpu.core_type = #tpu.core_type<tc>, window_params = [{transform_indices = @transform_0, window_bounds = array<i64: 512, 48>}, {transform_indices = @transform_1, window_bounds = array<i64: 512, 8>}, {transform_indices = @transform_2, window_bounds = array<i64: 512, 8>}, {pipeline_mode = #tpu.pipeline_mode<synchronous>, transform_indices = @transform_3, window_bounds = array<i64: 48, 512>}, {pipeline_mode = #tpu.pipeline_mode<synchronous>, transform_indices = @transform_4, window_bounds = array<i64: 1, 512>}, {pipeline_mode = #tpu.pipeline_mode<synchronous>, transform_indices = @transform_5, window_bounds = array<i64: 8, 128>}, {transform_indices = @transform_6, window_bounds = array<i64: 512, 128>}, {transform_indices = @transform_7, window_bounds = array<i64: 512, 128>}, {transform_indices = @transform_8, window_bounds = array<i64: 512, 128>}, {transform_indices = @transform_9, window_bounds = array<i64: 512, 128>}, {transform_indices = @transform_10, window_bounds = array<i64: 512, 128>}]} {
    %get3A = arith.constant 0 : index
    %get3A_0 = arith.constant 0 : index
    %get3A_1 = vector.load %arg2[%get3A, %get3A_0] : memref<512x8xf32, #tpu.memory_space<vmem>>, vector<512x8xf32>
    %get3A_2 = arith.constant 0 : index
    %get3A_3 = arith.constant 0 : index
    %get3A_4 = vector.load %arg3[%get3A_2, %get3A_3] : memref<512x8xf32, #tpu.memory_space<vmem>>, vector<512x8xf32>
    %add3A = arith.addf %get3A_1, %get3A_4 : vector<512x8xf32>
    %add3A_5 = arith.constant 1.000000e+00 : f32
    %add3A_6 = vector.broadcast %add3A_5 : f32 to vector<512x8xf32>
    %add3A_7 = arith.addf %add3A, %add3A_6 : vector<512x8xf32>
    %rsqrt3A = math.rsqrt %add3A_7 : vector<512x8xf32>
    %get3A_8 = arith.constant 0 : index
    %get3A_9 = arith.constant 0 : index
    %get3A_10 = vector.load %arg6[%get3A_8, %get3A_9] : memref<8x128xf32, #tpu.memory_space<vmem>>, vector<8x128xf32>
    %dot_general3A = arith.constant dense<0.000000e+00> : vector<512x128xf32>
    %dot_general3A_11 = tpu.matmul %rsqrt3A, %get3A_10, %dot_general3A {dimension_numbers = #tpu.dot_dimension_numbers<[1], [0], [0], [1], [0, 0, 1, 1], [], []>, transpose_lhs_hint = false} : vector<512x8xf32>, vector<8x128xf32>, vector<512x128xf32> -> vector<512x128xf32>
    %get3A_12 = arith.constant 0 : index
    %get3A_13 = arith.constant 0 : index
    %get3A_14 = vector.load %arg1[%get3A_12, %get3A_13] : memref<512x48xf32, #tpu.memory_space<vmem>>, vector<512x48xf32>
    %get3A_15 = arith.constant 0 : index
    %get3A_16 = arith.constant 0 : index
    %get3A_17 = vector.load %arg4[%get3A_15, %get3A_16] : memref<48x512xf32, #tpu.memory_space<vmem>>, vector<48x512xf32>
    %dot_general3A_18 = arith.constant dense<0.000000e+00> : vector<512x512xf32>
    %dot_general3A_19 = tpu.matmul %get3A_14, %get3A_17, %dot_general3A_18 {dimension_numbers = #tpu.dot_dimension_numbers<[1], [0], [0], [1], [0, 0, 1, 1], [], []>, transpose_lhs_hint = false} : vector<512x48xf32>, vector<48x512xf32>, vector<512x512xf32> -> vector<512x512xf32>
    %get3A_20 = arith.constant 0 : index
    %get3A_21 = arith.constant 0 : index
    %get3A_22 = vector.load %arg5[%get3A_20, %get3A_21] : memref<1x512xf32, #tpu.memory_space<vmem>>, vector<1x512xf32>
    %add3A_23 = vector.broadcast %get3A_22 : vector<1x512xf32> to vector<512x512xf32>
    %add3A_24 = arith.addf %dot_general3A_19, %add3A_23 : vector<512x512xf32>
    %slice3A = vector.extract_strided_slice %add3A_24 {offsets = [0, 0], sizes = [512, 128], strides = [1, 1]} : vector<512x512xf32> to vector<512x128xf32>
    %mul3A = arith.mulf %slice3A, %dot_general3A_11 : vector<512x128xf32>
    %swap3A = arith.constant 0 : index
    %swap3A_25 = arith.constant 0 : index
    %swap3A_26 = vector.load %arg7[%swap3A, %swap3A_25] : memref<512x128xf32, #tpu.memory_space<vmem>>, vector<512x128xf32>
    tpu.vector_store %arg7[%swap3A, %swap3A_25], %mul3A {strides = array<i32>} : memref<512x128xf32, #tpu.memory_space<vmem>>, vector<512x128xf32>,
    %slice3A_27 = vector.extract_strided_slice %add3A_24 {offsets = [0, 128], sizes = [512, 128], strides = [1, 1]} : vector<512x512xf32> to vector<512x128xf32>
    %mul3A_28 = arith.mulf %slice3A_27, %dot_general3A_11 : vector<512x128xf32>
    %swap3A_29 = arith.constant 0 : index
    %swap3A_30 = arith.constant 0 : index
    %swap3A_31 = vector.load %arg8[%swap3A_29, %swap3A_30] : memref<512x128xf32, #tpu.memory_space<vmem>>, vector<512x128xf32>
    tpu.vector_store %arg8[%swap3A_29, %swap3A_30], %mul3A_28 {strides = array<i32>} : memref<512x128xf32, #tpu.memory_space<vmem>>, vector<512x128xf32>,
    %slice3A_32 = vector.extract_strided_slice %add3A_24 {offsets = [0, 256], sizes = [512, 128], strides = [1, 1]} : vector<512x512xf32> to vector<512x128xf32>
    %mul3A_33 = arith.mulf %slice3A_32, %dot_general3A_11 : vector<512x128xf32>
    %swap3A_34 = arith.constant 0 : index
    %swap3A_35 = arith.constant 0 : index
    %swap3A_36 = vector.load %arg9[%swap3A_34, %swap3A_35] : memref<512x128xf32, #tpu.memory_space<vmem>>, vector<512x128xf32>
    tpu.vector_store %arg9[%swap3A_34, %swap3A_35], %mul3A_33 {strides = array<i32>} : memref<512x128xf32, #tpu.memory_space<vmem>>, vector<512x128xf32>,
    %slice3A_37 = vector.extract_strided_slice %add3A_24 {offsets = [0, 384], sizes = [512, 128], strides = [1, 1]} : vector<512x512xf32> to vector<512x128xf32>
    %mul3A_38 = arith.mulf %slice3A_37, %dot_general3A_11 : vector<512x128xf32>
    %swap3A_39 = arith.constant 0 : index
    %swap3A_40 = arith.constant 0 : index
    %swap3A_41 = vector.load %arg10[%swap3A_39, %swap3A_40] : memref<512x128xf32, #tpu.memory_space<vmem>>, vector<512x128xf32>
    tpu.vector_store %arg10[%swap3A_39, %swap3A_40], %mul3A_38 {strides = array<i32>} : memref<512x128xf32, #tpu.memory_space<vmem>>, vector<512x128xf32>,
    %swap3A_42 = arith.constant 0 : index
    %swap3A_43 = arith.constant 0 : index
    %swap3A_44 = vector.load %arg11[%swap3A_42, %swap3A_43] : memref<512x128xf32, #tpu.memory_space<vmem>>, vector<512x128xf32>
    tpu.vector_store %arg11[%swap3A_42, %swap3A_43], %dot_general3A_11 {strides = array<i32>} : memref<512x128xf32, #tpu.memory_space<vmem>>, vector<512x128xf32>,
    return
  }
  func.func @transform_0(%arg0: i32) -> (i32, i32) {
    %c0_i32 = arith.constant 0 : i32
    %c0_i32_0 = arith.constant 0 : i32
    return %arg0, %c0_i32 : i32, i32
  }
  func.func @transform_1(%arg0: i32) -> (i32, i32) {
    %c0_i32 = arith.constant 0 : i32
    %c0_i32_0 = arith.constant 0 : i32
    return %arg0, %c0_i32 : i32, i32
  }
  func.func @transform_2(%arg0: i32) -> (i32, i32) {
    %c0_i32 = arith.constant 0 : i32
    %c0_i32_0 = arith.constant 0 : i32
    return %arg0, %c0_i32 : i32, i32
  }
  func.func @transform_3(%arg0: i32) -> (i32, i32) {
    %c0_i32 = arith.constant 0 : i32
    %c0_i32_0 = arith.constant 0 : i32
    %c0_i32_1 = arith.constant 0 : i32
    return %c0_i32, %c0_i32_0 : i32, i32
  }
  func.func @transform_4(%arg0: i32) -> (i32, i32) {
    %c0_i32 = arith.constant 0 : i32
    %c0_i32_0 = arith.constant 0 : i32
    %c0_i32_1 = arith.constant 0 : i32
    return %c0_i32, %c0_i32_0 : i32, i32
  }
  func.func @transform_5(%arg0: i32) -> (i32, i32) {
    %c0_i32 = arith.constant 0 : i32
    %c0_i32_0 = arith.constant 0 : i32
    %c0_i32_1 = arith.constant 0 : i32
    return %c0_i32, %c0_i32_0 : i32, i32
  }
  func.func @transform_6(%arg0: i32) -> (i32, i32) {
    %c0_i32 = arith.constant 0 : i32
    %c0_i32_0 = arith.constant 0 : i32
    return %arg0, %c0_i32 : i32, i32
  }
  func.func @transform_7(%arg0: i32) -> (i32, i32) {
    %c0_i32 = arith.constant 0 : i32
    %c0_i32_0 = arith.constant 0 : i32
    return %arg0, %c0_i32 : i32, i32
  }
  func.func @transform_8(%arg0: i32) -> (i32, i32) {
    %c0_i32 = arith.constant 0 : i32
    %c0_i32_0 = arith.constant 0 : i32
    return %arg0, %c0_i32 : i32, i32
  }
  func.func @transform_9(%arg0: i32) -> (i32, i32) {
    %c0_i32 = arith.constant 0 : i32
    %c0_i32_0 = arith.constant 0 : i32
    return %arg0, %c0_i32 : i32, i32
  }
  func.func @transform_10(%arg0: i32) -> (i32, i32) {
    %c0_i32 = arith.constant 0 : i32
    %c0_i32_0 = arith.constant 0 : i32
    return %arg0, %c0_i32 : i32, i32
  }
}

module attributes {stable_mosaic.version = 14 : i64} {
  func.func @_lin2_body(%arg0: i32, %arg1: memref<512x128xf32, #tpu.memory_space<vmem>>, %arg2: memref<512x128xf32, #tpu.memory_space<vmem>>, %arg3: memref<512x128xf32, #tpu.memory_space<vmem>>, %arg4: memref<512x128xf32, #tpu.memory_space<vmem>>, %arg5: memref<512x128xf32, #tpu.memory_space<vmem>>, %arg6: memref<512x24xf32, #tpu.memory_space<vmem>>, %arg7: memref<1x24xf32, #tpu.memory_space<vmem>>, %arg8: memref<512x24xf32, #tpu.memory_space<vmem>>) attributes {dimension_semantics = [#tpu.dimension_semantics<arbitrary>], iteration_bounds = array<i64: 25>, scalar_prefetch = 0 : i64, scratch_operands = 0 : i64, tpu.core_type = #tpu.core_type<tc>, window_params = [{transform_indices = @transform_0, window_bounds = array<i64: 512, 128>}, {transform_indices = @transform_1, window_bounds = array<i64: 512, 128>}, {transform_indices = @transform_2, window_bounds = array<i64: 512, 128>}, {transform_indices = @transform_3, window_bounds = array<i64: 512, 128>}, {transform_indices = @transform_4, window_bounds = array<i64: 512, 128>}, {pipeline_mode = #tpu.pipeline_mode<synchronous>, transform_indices = @transform_5, window_bounds = array<i64: 512, 24>}, {pipeline_mode = #tpu.pipeline_mode<synchronous>, transform_indices = @transform_6, window_bounds = array<i64: 1, 24>}, {transform_indices = @transform_7, window_bounds = array<i64: 512, 24>}]} {
    %get3A = arith.constant 0 : index
    %get3A_0 = arith.constant 0 : index
    %get3A_1 = vector.load %arg5[%get3A, %get3A_0] : memref<512x128xf32, #tpu.memory_space<vmem>>, vector<512x128xf32>
    %get3A_2 = arith.constant 0 : index
    %get3A_3 = arith.constant 0 : index
    %get3A_4 = vector.load %arg1[%get3A_2, %get3A_3] : memref<512x128xf32, #tpu.memory_space<vmem>>, vector<512x128xf32>
    %max3A = arith.constant 0.000000e+00 : f32
    %max3A_5 = vector.broadcast %max3A : f32 to vector<512x128xf32>
    %max3A_6 = arith.maximumf %get3A_4, %max3A_5 : vector<512x128xf32>
    %mul3A = arith.mulf %get3A_1, %max3A_6 : vector<512x128xf32>
    %get3A_7 = arith.constant 0 : index
    %get3A_8 = arith.constant 0 : index
    %get3A_9 = vector.load %arg6[%get3A_7, %get3A_8] : memref<512x24xf32, #tpu.memory_space<vmem>>, vector<128x24xf32>
    %dot_general3A = arith.constant dense<0.000000e+00> : vector<512x24xf32>
    %dot_general3A_10 = tpu.matmul %mul3A, %get3A_9, %dot_general3A {dimension_numbers = #tpu.dot_dimension_numbers<[1], [0], [0], [1], [0, 0, 1, 1], [], []>, transpose_lhs_hint = false} : vector<512x128xf32>, vector<128x24xf32>, vector<512x24xf32> -> vector<512x24xf32>
    %get3A_11 = arith.constant 0 : index
    %get3A_12 = arith.constant 0 : index
    %get3A_13 = vector.load %arg2[%get3A_11, %get3A_12] : memref<512x128xf32, #tpu.memory_space<vmem>>, vector<512x128xf32>
    %max3A_14 = arith.constant 0.000000e+00 : f32
    %max3A_15 = vector.broadcast %max3A_14 : f32 to vector<512x128xf32>
    %max3A_16 = arith.maximumf %get3A_13, %max3A_15 : vector<512x128xf32>
    %mul3A_17 = arith.mulf %get3A_1, %max3A_16 : vector<512x128xf32>
    %get3A_18 = arith.constant 128 : index
    %get3A_19 = arith.constant 0 : index
    %get3A_20 = vector.load %arg6[%get3A_18, %get3A_19] : memref<512x24xf32, #tpu.memory_space<vmem>>, vector<128x24xf32>
    %dot_general3A_21 = arith.constant dense<0.000000e+00> : vector<512x24xf32>
    %dot_general3A_22 = tpu.matmul %mul3A_17, %get3A_20, %dot_general3A_21 {dimension_numbers = #tpu.dot_dimension_numbers<[1], [0], [0], [1], [0, 0, 1, 1], [], []>, transpose_lhs_hint = false} : vector<512x128xf32>, vector<128x24xf32>, vector<512x24xf32> -> vector<512x24xf32>
    %add3A = arith.addf %dot_general3A_10, %dot_general3A_22 : vector<512x24xf32>
    %get3A_23 = arith.constant 0 : index
    %get3A_24 = arith.constant 0 : index
    %get3A_25 = vector.load %arg3[%get3A_23, %get3A_24] : memref<512x128xf32, #tpu.memory_space<vmem>>, vector<512x128xf32>
    %max3A_26 = arith.constant 0.000000e+00 : f32
    %max3A_27 = vector.broadcast %max3A_26 : f32 to vector<512x128xf32>
    %max3A_28 = arith.maximumf %get3A_25, %max3A_27 : vector<512x128xf32>
    %mul3A_29 = arith.mulf %get3A_1, %max3A_28 : vector<512x128xf32>
    %get3A_30 = arith.constant 256 : index
    %get3A_31 = arith.constant 0 : index
    %get3A_32 = vector.load %arg6[%get3A_30, %get3A_31] : memref<512x24xf32, #tpu.memory_space<vmem>>, vector<128x24xf32>
    %dot_general3A_33 = arith.constant dense<0.000000e+00> : vector<512x24xf32>
    %dot_general3A_34 = tpu.matmul %mul3A_29, %get3A_32, %dot_general3A_33 {dimension_numbers = #tpu.dot_dimension_numbers<[1], [0], [0], [1], [0, 0, 1, 1], [], []>, transpose_lhs_hint = false} : vector<512x128xf32>, vector<128x24xf32>, vector<512x24xf32> -> vector<512x24xf32>
    %add3A_35 = arith.addf %add3A, %dot_general3A_34 : vector<512x24xf32>
    %get3A_36 = arith.constant 0 : index
    %get3A_37 = arith.constant 0 : index
    %get3A_38 = vector.load %arg4[%get3A_36, %get3A_37] : memref<512x128xf32, #tpu.memory_space<vmem>>, vector<512x128xf32>
    %max3A_39 = arith.constant 0.000000e+00 : f32
    %max3A_40 = vector.broadcast %max3A_39 : f32 to vector<512x128xf32>
    %max3A_41 = arith.maximumf %get3A_38, %max3A_40 : vector<512x128xf32>
    %mul3A_42 = arith.mulf %get3A_1, %max3A_41 : vector<512x128xf32>
    %get3A_43 = arith.constant 384 : index
    %get3A_44 = arith.constant 0 : index
    %get3A_45 = vector.load %arg6[%get3A_43, %get3A_44] : memref<512x24xf32, #tpu.memory_space<vmem>>, vector<128x24xf32>
    %dot_general3A_46 = arith.constant dense<0.000000e+00> : vector<512x24xf32>
    %dot_general3A_47 = tpu.matmul %mul3A_42, %get3A_45, %dot_general3A_46 {dimension_numbers = #tpu.dot_dimension_numbers<[1], [0], [0], [1], [0, 0, 1, 1], [], []>, transpose_lhs_hint = false} : vector<512x128xf32>, vector<128x24xf32>, vector<512x24xf32> -> vector<512x24xf32>
    %add3A_48 = arith.addf %add3A_35, %dot_general3A_47 : vector<512x24xf32>
    %get3A_49 = arith.constant 0 : index
    %get3A_50 = arith.constant 0 : index
    %get3A_51 = vector.load %arg7[%get3A_49, %get3A_50] : memref<1x24xf32, #tpu.memory_space<vmem>>, vector<1x24xf32>
    %add3A_52 = vector.broadcast %get3A_51 : vector<1x24xf32> to vector<512x24xf32>
    %add3A_53 = arith.addf %add3A_48, %add3A_52 : vector<512x24xf32>
    %swap3A = arith.constant 0 : index
    %swap3A_54 = arith.constant 0 : index
    %swap3A_55 = vector.load %arg8[%swap3A, %swap3A_54] : memref<512x24xf32, #tpu.memory_space<vmem>>, vector<512x24xf32>
    tpu.vector_store %arg8[%swap3A, %swap3A_54], %add3A_53 {strides = array<i32>} : memref<512x24xf32, #tpu.memory_space<vmem>>, vector<512x24xf32>,
    return
  }
  func.func @transform_0(%arg0: i32) -> (i32, i32) {
    %c0_i32 = arith.constant 0 : i32
    %c0_i32_0 = arith.constant 0 : i32
    return %arg0, %c0_i32 : i32, i32
  }
  func.func @transform_1(%arg0: i32) -> (i32, i32) {
    %c0_i32 = arith.constant 0 : i32
    %c0_i32_0 = arith.constant 0 : i32
    return %arg0, %c0_i32 : i32, i32
  }
  func.func @transform_2(%arg0: i32) -> (i32, i32) {
    %c0_i32 = arith.constant 0 : i32
    %c0_i32_0 = arith.constant 0 : i32
    return %arg0, %c0_i32 : i32, i32
  }
  func.func @transform_3(%arg0: i32) -> (i32, i32) {
    %c0_i32 = arith.constant 0 : i32
    %c0_i32_0 = arith.constant 0 : i32
    return %arg0, %c0_i32 : i32, i32
  }
  func.func @transform_4(%arg0: i32) -> (i32, i32) {
    %c0_i32 = arith.constant 0 : i32
    %c0_i32_0 = arith.constant 0 : i32
    return %arg0, %c0_i32 : i32, i32
  }
  func.func @transform_5(%arg0: i32) -> (i32, i32) {
    %c0_i32 = arith.constant 0 : i32
    %c0_i32_0 = arith.constant 0 : i32
    %c0_i32_1 = arith.constant 0 : i32
    return %c0_i32, %c0_i32_0 : i32, i32
  }
  func.func @transform_6(%arg0: i32) -> (i32, i32) {
    %c0_i32 = arith.constant 0 : i32
    %c0_i32_0 = arith.constant 0 : i32
    %c0_i32_1 = arith.constant 0 : i32
    return %c0_i32, %c0_i32_0 : i32, i32
  }
  func.func @transform_7(%arg0: i32) -> (i32, i32) {
    %c0_i32 = arith.constant 0 : i32
    %c0_i32_0 = arith.constant 0 : i32
    return %arg0, %c0_i32 : i32, i32
  }
}

</mosaic_0001>

<sc_bundles>
// kernel: kernel.6.cloned.1.call-start
scs
__scs_entry_jumppad:
0x0: {  	(pc) =	sbr.rel $0x88, $3  }
0x1: {  	(tag) =	ssettag $0x0;
	lr =	simm.s32 $0x1  }
0x2: {  	[smem:$0x3F9B] =	sst lr;
	_ =	strace $0xD0000000  }
0x3: {  	_ = 	snop  }
0x4: {  	_ = 	snop  }
0x5: {  	_ = 	snop  }
0x6: {  	_ = 	snop  }
0x7: {  	_ = 	snop  }
__scs_overlays_trampoline_lowered:
0x8: {  	[smem:$0x3FAA] =	sst s0  }
0x9: {  	[smem:$0x3FAB] =	sst s1  }
0xa: {  	[smem:$0x3FAC] =	sst s2  }
0xb: {  	[smem:$0x3FAD] =	sst s3  }
0xc: {  	[smem:$0x3FAE] =	sst s4  }
0xd: {  	[smem:$0x3FAF] =	sst s5  }
0xe: {  	[smem:$0x3FB0] =	sst s6  }
0xf: {  	[smem:$0x3FB1] =	sst s7  }
0x10: {  	[smem:$0x3FB2] =	sst s8  }
0x11: {  	[smem:$0x3FB3] =	sst s9;
	s0 =	simm.s32 @!p0 $0x0  }
0x12: {  	s1 =	sld [smem:$0x3F99];
	s0 =	simm.s32 @p0 $0x1  }
0x13: {  	[smem:$0x3FB4] =	sst s0;
	s0 =	simm.s32 @!p1 $0x0  }
0x14: {  	s2 =	sld [smem:$0x3F98];
	s0 =	simm.s32 @p1 $0x1  }
0x15: {  	[smem:$0x3FB5] =	sst s0;
	s0 =	simm.s32 @!p2 $0x0  }
0x16: {  	s3 =	sld [smem:$0x3FDB];
	s0 =	simm.s32 @p2 $0x1  }
0x17: {  	s4 =	simm.s32 $0x1BF5;
	[smem:$0x3FB7] =	sst s0  }
0x18: {  	s0 =	sld [smem:$0x3F9A];
	_ =	swait.ge [sflag:s4], $0x0  }
0x19: {  	s7 =	sld [smem:$0x3F9B]  }
0x1a: {  	s8 =	sadd.s32 $0xFFFFE003, lr  }
0x1b: {  	s9 =	sadd.s32 $0xFFFFFEF7, lr;
	s5 =	simm.s32 $0xFFFFFFFF;
	p2 =	slt.u32 s8, $0xFFFFF086  }
0x1c: {  	p1 =	slt.u32 s9, $0xF7A;
	s5 =	simm.s32 @!p2 $0x0  }
0x1d: {  	s5 =	simm.s32 @p1 $0x1;
	p0 =	seq.s32 s7, s2  }
0x1e: {  	s7 =	smul.u32 @!p0 $0xF7A, s2;
	p2 =	seq.s32 @!p0 s5, $0x0  }
0x1f: {  	s9 =	smul.u32 $0xF7A, s1;
	s8 =	simm.s32 @!p0 $0x1BF5;
	p2 =	por !p2, p0  }
0x20: {  	[sflag:s8] =	ssyncset.s32 @!p0 $0xFFFFF086;
	s6 =	sadd.s32 @!p0 s3, s7;
	s7 =	simm.s32 @!p0 $0x108  }
0x21: {  	s3 =	sadd.s32 s3, s9;
	s6 =	sadd.s32 @!p0 $0x88, s6;
	s7 =	simm.s32 @p2 $0x1082  }
0x22: {  	[simem:s7], [sflag:s8] =	dma.local @!p0 [hbm:s6], $0xF7A  }
0x23: {  	s9 =	sor.u32 $0xD0000000, s2;
	s6 =	simm.s32 $0x108;
	_ =	swait.ge @!p0 [sflag:s8], $0x0  }
0x24: {  	s3 =	sadd.s32 $0x88, s3;
	s6 =	simm.s32 @!p1 $0x1082;
	[sflag:s4] =	ssyncset.s32 $0xFFFFF086  }
0x25: {  	[simem:s6], [sflag:s4] =	dma.local [hbm:s3], $0xF7A  }
0x26: {  	[smem:$0x3F9B] =	sst s1;
	(tag) =	ssettag s2;
	_ =	strace s9  }
0x27: {  	s1 =	sld [smem:$0x3FAB]  }
0x28: {  	s2 =	sld [smem:$0x3FAC]  }
0x29: {  	s4 =	sld [smem:$0x3FAE]  }
0x2a: {  	p0 =	seq.s32 s5, $0x0;
	s5 =	sld [smem:$0x3FAF]  }
0x2b: {  	s6 =	sld [smem:$0x3FB0]  }
0x2c: {  	s7 =	sld [smem:$0x3FB1]  }
0x2d: {  	s3 =	simm.s32 $0x108;
	s8 =	sld [smem:$0x3FB2]  }
0x2e: {  	s3 =	simm.s32 @!p0 $0x1082;
	s9 =	sld [smem:$0x3FB3]  }
0x2f: {  	lr =	sadd.s32 s0, s3;
	s0 =	sld [smem:$0x3FAA]  }
0x30: {  	s3 =	sld [smem:$0x3FAD]  }
0x31: {  	[smem:$0x3FB6] =	sst s10  }
0x32: {  	s10 =	sld [smem:$0x3FB4];
	_ =	sdelay $0x3  }
0x33: {  	p0 =	seq.s32 s10, $0x1;
	s10 =	sld [smem:$0x3FB6];
	_ =	sdelay $0x3  }
0x34: {  	[smem:$0x3FB6] =	sst s10  }
0x35: {  	s10 =	sld [smem:$0x3FB5];
	_ =	sdelay $0x3  }
0x36: {  	p1 =	seq.s32 s10, $0x1;
	s10 =	sld [smem:$0x3FB6];
	_ =	sdelay $0x3  }
0x37: {  	[smem:$0x3FB6] =	sst s10  }
0x38: {  	s10 =	sld [smem:$0x3FB7]  }
0x39: {  	_ = 	snop;
	(pc) =	sbr.ind lr, $3  }
0x3a: {  	_ = 	snop  }
0x3b: {  	_ = 	snop  }
0x3c: {  	p2 =	seq.s32 s10, $0x1;
	s10 =	sld [smem:$0x3FB6]  }
0x3d: {  	_ =	shalt  }
0x3e: {  	_ =	shalt  }
0x3f: {  	_ =	shalt  }
0x40: {  	_ =	shalt  }
0x41: {  	_ =	shalt  }
0x42: {  	_ =	shalt  }
0x43: {  	_ =	shalt  }
0x44: {  	_ =	shalt  }
0x45: {  	_ =	shalt  }
0x46: {  	_ =	shalt  }
0x47: {  	_ =	shalt  }
0x48: {  	_ =	shalt  }
0x49: {  	_ =	shalt  }
0x4a: {  	_ =	shalt  }
0x4b: {  	_ =	shalt  }
0x4c: {  	_ =	shalt  }
0x4d: {  	_ =	shalt  }
0x4e: {  	_ =	shalt  }
0x4f: {  	_ =	shalt  }
0x50: {  	_ =	shalt  }
0x51: {  	_ =	shalt  }
0x52: {  	_ =	shalt  }
0x53: {  	_ =	shalt  }
0x54: {  	_ =	shalt  }
0x55: {  	_ =	shalt  }
0x56: {  	_ =	shalt  }
0x57: {  	_ =	shalt  }
0x58: {  	_ =	shalt  }
0x59: {  	_ =	shalt  }
0x5a: {  	_ =	shalt  }
0x5b: {  	_ =	shalt  }
0x5c: {  	_ =	shalt  }
0x5d: {  	_ =	shalt  }
0x5e: {  	_ =	shalt  }
0x5f: {  	_ =	shalt  }
0x60: {  	_ =	shalt  }
0x61: {  	_ =	shalt  }
0x62: {  	_ =	shalt  }
0x63: {  	_ =	shalt  }
0x64: {  	_ =	shalt  }
0x65: {  	_ =	shalt  }
0x66: {  	_ =	shalt  }
0x67: {  	_ =	shalt  }
0x68: {  	_ =	shalt  }
0x69: {  	_ =	shalt  }
0x6a: {  	_ =	shalt  }
0x6b: {  	_ =	shalt  }
0x6c: {  	_ =	shalt  }
0x6d: {  	_ =	shalt  }
0x6e: {  	_ =	shalt  }
0x6f: {  	_ =	shalt  }
0x70: {  	_ =	shalt  }
0x71: {  	_ =	shalt  }
0x72: {  	_ =	shalt  }
0x73: {  	_ =	shalt  }
0x74: {  	_ =	shalt  }
0x75: {  	_ =	shalt  }
0x76: {  	_ =	shalt  }
0x77: {  	_ =	shalt  }
0x78: {  	_ =	shalt  }
0x79: {  	_ =	shalt  }
0x7a: {  	_ =	shalt  }
0x7b: {  	_ =	shalt  }
0x7c: {  	_ =	shalt  }
0x7d: {  	_ =	shalt  }
0x7e: {  	_ =	shalt  }
0x7f: {  	_ =	shalt  }
0x80: {  	_ =	shalt  }
0x81: {  	_ =	shalt  }
0x82: {  	_ =	shalt  }
0x83: {  	_ =	shalt  }
0x84: {  	_ =	shalt  }
0x85: {  	_ =	shalt  }
0x86: {  	_ =	shalt  }
0x87: {  	_ =	shalt  }
.Lfunc_end0:
.L_simem_size_0:
called_computation_lowered:
.L_overlay_start_0:
0x88: {  	s2 =	sld [smem:$0x3FD9]  }
0x89: {  	s3 =	sld [smem:$0x3FFE];
	_ =	sdelay $0x1  }
0x8a: {  	s1 =	srdreg.scid  }
0x8b: {  	s0 =	sand.u32 $0x1, s1  }
0x8c: {  	s17 =	sshll.u32 s0, $0xA;
	s2 =	sadd.s32 s3, s2  }
0x8d: {  	s2 =	sadd.s32 s2, s17  }
0x8e: {  	[smem:$0x3FC2] =	sst s2  }
0x8f: {  	_ = 	snop  }
0x90: {  	s2 =	sld [smem:$0x3FD0];
	(tm) =	ssettm $0x1  }
0x91: {  	s18 =	sld [smem:$0x3FFB];
	_ =	sdelay $0x3  }
0x92: {  	_ =	strace s18  }
0x93: {  	s3 =	sld [smem:$0x3FFC];
	_ =	sdelay $0x3  }
0x94: {  	_ =	strace s3  }
0x95: {  	s3 =	sld [smem:$0x3FFD];
	_ =	sdelay $0x3  }
0x96: {  	_ =	strace s3  }
0x97: {  	_ =	strace $0x8FFFFFFF  }
0x98: {  	s19 =	sld [smem:$0x3FDB];
	_ =	sdelay $0x1  }
0x99: {  	s4 =	simm.s32 $_scs_section_size  }
0x9a: {  	s5 =	simm.s32 $_size__tile_overlayer_lowered;
	s6 =	simm.s32 $_tile_overlayer_lowered  }
0x9b: {  	s22 =	simm.s32 $0x1BFF;
	s21 =	sshll.u32 s6, $0x1;
	s3 =	sadd.s32 s4, s19  }
0x9c: {  	s7 =	simm.s32 $0x0;
	s20 =	sshll.u32 s5, $0x1;
	s5 =	sadd.s32 s21, s3  }
0x9d: {  	[timem:s7], [sflag:s22] =	dma.local [hbm:s5], s20  }
0x9e: {  	_ =	swait.ge [sflag:s22], s20  }
0x9f: {  	s4 =	ssub.s32 $0x0, s20;
	[sflag:s22] =	ssyncset.done $0x0  }
0xa0: {  	[sflag:s22] =	ssyncadd.s32 s4;
	_ =	sdelay $0x1  }
0xa1: {  	s23 =	simm.s32 $0x1B8B  }
0xa2: {  	_ =	swait.ge [sflag:s23], $0x1  }
0xa3: {  	[sflag:s23] =	ssyncset.done $0x0  }
0xa4: {  	s25 =	simm.s32 $0x1B8E;
	s24 =	sld [smem:$0x3FFE];
	[sflag:s23] =	ssyncadd.s32 $0xFFFFFFFF  }
0xa5: {  	s26 =	simm.s32 $execute0_lowered;
	[smem:$0x3FD2] =	sst s25  }
0xa6: {  	s5 =	sshll.u32 s26, $0x1;
	_ =	strace $0x80000046;
	[dreg:$0x1] =	wrdreg $0xFFFFFFFF  }
0xa7: {  	s28 =	simm.s32 $_size_execute0_lowered;
	s3 =	sadd.s32 s3, s5;
	[dreg:$0x0] =	wrdreg $0x0  }
0xa8: {  	s5 =	sshll.u32 s28, $0x1;
	[dreg:$0x2] =	wrdreg s3  }
0xa9: {  	[dreg:$0x3] =	wrdreg s5  }
0xaa: {  	[dreg:$0x4] =	wrdreg $0xC0  }
0xab: {  	_ =	task [dreg:s7], $0x5FFFF  }
0xac: {  	[dreg:$0x1] =	wrdreg $0xFFFFFFFF  }
0xad: {  	[dreg:$0x0] =	wrdreg $0x60  }
0xae: {  	[dreg:$0x2] =	wrdreg s24  }
0xaf: {  	[dreg:$0x3] =	wrdreg s2  }
0xb0: {  	[dreg:$0x4] =	wrdreg $0x2A700  }
0xb1: {  	[dreg:$0x5] =	wrdreg $0x9  }
0xb2: {  	_ =	task.clear_ibuf [dreg:s7], $0x6FFFF;
	_ =	strace $0x90000046  }
0xb3: {  	s29 =	simm.s32 $0x9;
	_ =	strace $0x80000048  }
0xb4: {  	_ =	swait.ge [sflag:s29], $0x1  }
0xb5: {  	[sflag:s29] =	ssyncadd.s32 $0xFFFFFFFF  }
0xb6: {  	_ =	strace $0x90000048  }
0xb7: {  	_ =	sfence  }
0xb8: {  	s30 =	sld [smem:$0x0];
	_ =	sdelay $0x2  }
0xb9: {  	s31 =	sshll.u32 s1, $0xD;
	s1 =	sshrl.u32 s1, $0x2  }
0xba: {  	s3 =	sand.u32 $0x4000, s31;
	s1 =	sadd.s32 s1, s30  }
0xbb: {  	s0 =	sor.u32 s3, s0;
	s1 =	sshll.u32 s1, $0x11  }
0xbc: {  	s0 =	sor.u32 s1, s0  }
0xbd: {  	s0 =	sadd.s32 $0x8F2B, s0  }
0xbe: {  	[sflag:s0] =	ssyncadd.remote.s32 $0x1  }
0xbf: {  	_ =	sfence.sel $0xFFFF  }
0xc0: {  	[dreg:$0x0] =	wrdreg $0xFFFFFFFF;
	(pc) =	sbr.abs _section_cstart, $3  }
0xc1: {  	[dreg:$0x1] =	wrdreg $0xFFFFFFFF  }
0xc2: {  	_ =	task.clear_ibuf [dreg:s7], $0x2FFFF;
	_ =	strace $0x9FFFFFFF  }
0xc3: {  	(tm) =	ssettm $0x7FFFFFFF  }
tec
execute0_lowered:
.L_overlay_start_1:
0x0: {  	(tag) =	ssettag $0x1  }
0x1: {  	s4 =	rddreg [dreg:$0x0]  }
0x2: {  	s5 =	rddreg [dreg:$0x1]  }
0x3: {  	s0 =	srdreg.scid;
	s2 =	rddreg [dreg:$0x2]  }
0x4: {  	s1 =	stileid.u32;
	s3 =	simm.s32 $0x0;
	s11 =	simm.s32 $0x2  }
0x5: {  	s12 =	simm.s32 $0x800;
	s13 =	simm.s32 $0x200;
	s14 =	simm.s32 $0x1000  }
0x6: {  	s15 =	simm.s32 $0xA00;
	s16 =	simm.s32 $0xC00;
	s8 =	smul.u32 $0x1870, s1  }
0x7: {  	s17 =	simm.s32 $0xE00;
	s6 =	sand.u32 $0x1, s0;
	s10 =	smul.u32 $0x1900, s1  }
0x8: {  	s18 =	simm.s32 $0x0;
	s0 =	rddreg [dreg:$0x3];
	s7 =	smul.u32 $0x19000, s6  }
0x9: {  	[smem:$0x7FF] =	sst s3;
	s9 =	smul.u32 $0x18700, s6;
	s30 =	ssub.s32 $0x2, s6  }
.Ltmp0:
0xa: {  	_ =	strace $0x80000047;
	s6 =	sshrl.u32 s30, $0x1;
	(pc) =	sbr.rel .LBB2_1-.Ltmp0, $4  }
0xb: {  	s7 =	sadd.s32 s7, s4;
	s9 =	sadd.s32 s8, s9;
	s6 =	ssub.s32 s30, s6  }
0xc: {  	s4 =	sadd.s32 s8, s2;
	s8 =	simm.s32 $0x1200;
	s31 =	sshrl.u32 s9, $0x3  }
0xd: {  	s6 =	smax.u32 s6, $0x1;
	s7 =	sadd.s32 s10, s7;
	s9 =	simm.s32 $0x3  }
0xe: {  	v0 =	vimm.f32 $0.0e+00;
	v1 =	vimm.f32 $1.000000000e+00;
	s10 =	simm.s32 $0x1;
	s5 =	sadd.s32 s5, s31;
	s7 =	sadd.s32 $0x34800, s7  }
.LBB2_7:
0xf: {  	_ =	swait.ge [sflag:s10], $0x200  }
0x10: {  	[sflag:s10] =	ssyncset.done $0x0  }
0x11: {  	[sflag:s10] =	ssyncadd.s32 $0xFFFFFE00  }
0x12: {  	_ =	swait.ge [sflag:s10], $0x200  }
0x13: {  	[sflag:s10] =	ssyncset.done $0x0  }
0x14: {  	[sflag:s10] =	ssyncadd.s32 $0xFFFFFE00  }
0x15: {  	_ =	swait.ge [sflag:s10], $0x200  }
0x16: {  	[sflag:s10] =	ssyncset.done $0x0  }
0x17: {  	[sflag:s10] =	ssyncadd.s32 $0xFFFFFE00  }
0x18: {  	_ =	swait.ge [sflag:s10], $0x200  }
0x19: {  	[sflag:s10] =	ssyncset.done $0x0  }
0x1a: {  	[sflag:s10] =	ssyncadd.s32 $0xFFFFFE00  }
0x1b: {  	_ =	swait.ge [sflag:s11], $0x200  }
0x1c: {  	[sflag:s11] =	ssyncset.done $0x0  }
0x1d: {  	[sflag:s11] =	ssyncadd.s32 $0xFFFFFE00  }
0x1e: {  	_ =	swait.ge [sflag:s11], $0x200  }
0x1f: {  	[sflag:s11] =	ssyncset.done $0x0  }
0x20: {  	[sflag:s11] =	ssyncadd.s32 $0xFFFFFE00  }
0x21: {  	_ =	swait.ge [sflag:s11], $0x200  }
0x22: {  	[sflag:s11] =	ssyncset.done $0x0  }
0x23: {  	[sflag:s11] =	ssyncadd.s32 $0xFFFFFE00  }
0x24: {  	_ =	swait.ge [sflag:s11], $0x200  }
0x25: {  	[sflag:s11] =	ssyncset.done $0x0  }
0x26: {  	[sflag:s11] =	ssyncadd.s32 $0xFFFFFE00  }
0x27: {  	[bflag:$0x0] =	sbarrier.arrive $0xFFFF  }
0x28: {  	[tilespmem:s8], [sflag:$0x3] =	stream.linear.gather [spmem:s4], $0x1870, $0x38;
	[tilespmem:$0x42E0] =	vst v63  }
0x29: {  	s18 =	sadd.s32 $0x1, s18;
	_ =	swait.ge [sflag:s9], $0x1870  }
0x2a: {  	p0 =	sne.s32 s18, s6;
	[sflag:s9] =	ssyncset.done $0x0  }
.Ltmp1:
0x2b: {  	[sflag:s9] =	ssyncadd.s32 $0xFFFFE790;
	(pc) =	sbr.rel @!p0 .LBB2_8-.Ltmp1, $4  }
0x2c: {  	[hbm4b:s5+s3] =	stream.linear.scatter [tilespmem:s8], [sflag:$0x3], $0x1870, $0x38;
	[tilespmem:$0x42E0] =	vst v63  }
0x2d: {  	_ =	swait.ge [sflag:s9], $0x1870  }
0x2e: {  	[sflag:s9] =	ssyncset.done $0x0  }
0x2f: {  	[sflag:s9] =	ssyncadd.s32 $0xFFFFE790  }
.LBB2_1:
0x30: {  	s19 =	simm.s32 $0x40;
	s20 =	simm.s32 $0x0  }
.LBB2_2:
0x31: {  	p0 =	sne.s32 s19, $0x6180;
	[tilespmem:s20+$0x1200] =	vst v0;
	s20 =	smov.u32 s19;
	s19 =	sadd.s32 $0x40, s19  }
.Ltmp2:
0x32: {  	(pc) =	sbr.rel @p0 .LBB2_2-.Ltmp2, $2  }
0x33: {  	_ =	sdelay $0x2  }
0x34: {  	s20 =	sshra.s32 s20, $0x2  }
0x35: {  	[tilespmem:s20+$0x1200] =	vst v0  }
0x36: {  	[tilespmem:$0x1000] =	vst v1  }
0x37: {  	[tilespmem:$0x1010] =	vst v1  }
0x38: {  	[tilespmem:$0x1020] =	vst v1  }
0x39: {  	[tilespmem:$0x1030] =	vst v1  }
0x3a: {  	[tilespmem:$0x1040] =	vst v1  }
0x3b: {  	[tilespmem:$0x1050] =	vst v1  }
0x3c: {  	[tilespmem:$0x1060] =	vst v1  }
0x3d: {  	[tilespmem:$0x1070] =	vst v1  }
0x3e: {  	[tilespmem:$0x1080] =	vst v1  }
0x3f: {  	[tilespmem:$0x1090] =	vst v1  }
0x40: {  	[tilespmem:$0x10A0] =	vst v1  }
0x41: {  	[tilespmem:$0x10B0] =	vst v1  }
0x42: {  	[tilespmem:$0x10C0] =	vst v1  }
0x43: {  	[tilespmem:$0x10D0] =	vst v1  }
0x44: {  	[tilespmem:$0x10E0] =	vst v1  }
0x45: {  	[tilespmem:$0x10F0] =	vst v1  }
0x46: {  	[tilespmem:$0x1100] =	vst v1  }
0x47: {  	[tilespmem:$0x1110] =	vst v1  }
0x48: {  	[tilespmem:$0x1120] =	vst v1  }
0x49: {  	[tilespmem:$0x1130] =	vst v1  }
0x4a: {  	[tilespmem:$0x1140] =	vst v1  }
0x4b: {  	[tilespmem:$0x1150] =	vst v1  }
0x4c: {  	[tilespmem:$0x1160] =	vst v1  }
0x4d: {  	[tilespmem:$0x1170] =	vst v1  }
0x4e: {  	[tilespmem:$0x1180] =	vst v1  }
0x4f: {  	[tilespmem:$0x1190] =	vst v1  }
0x50: {  	[tilespmem:$0x11A0] =	vst v1  }
0x51: {  	[tilespmem:$0x11B0] =	vst v1  }
0x52: {  	[tilespmem:$0x11C0] =	vst v1  }
0x53: {  	[tilespmem:$0x11D0] =	vst v1  }
0x54: {  	[tilespmem:$0x11E0] =	vst v1  }
0x55: {  	[tilespmem:$0x11F0] =	vst v1  }
0x56: {  	[spmem:s4] =	stream.linear.scatter [tilespmem:s8], [sflag:$0x3], $0x1870, $0x38;
	[tilespmem:$0x42E0] =	vst v63  }
.Ltmp3:
0x57: {  	_ =	swait.ge [sflag:s9], $0x1870;
	(pc) =	sbr.rel .LBB2_4-.Ltmp3, $4  }
0x58: {  	[sflag:s9] =	ssyncset.done $0x0  }
0x59: {  	[sflag:s9] =	ssyncadd.s32 $0xFFFFE790  }
0x5a: {  	[bflag:$0x0] =	sbarrier.arrive $0xFFFF  }
0x5b: {  	s19 =	simm.s32 $0x0;
	s20 =	smov.u32 s7  }
.LBB2_6:
0x5c: {  	s19 =	sadd.s32 $0x1, s19  }
0x5d: {  	p0 =	sne.s32 s19, $0x19  }
.Ltmp4:
0x5e: {  	_ = 	snop;
	(pc) =	sbr.rel @!p0 .LBB2_7-.Ltmp4, $2  }
0x5f: {  	_ =	sdelay $0x2  }
0x60: {  	s20 =	sadd.s32 $0x100, s20  }
.LBB2_4:
0x61: {  	s21 =	sand.u32 $0x1, s19  }
0x62: {  	p0 =	seq.s32 s21, $0x1  }
0x63: {  	p1 =	slt.u32 @!p0 s19, $0x2  }
0x64: {  	p1 =	por p1, p0  }
0x65: {  	s22 =	simm.s32 @!p1 $0x1  }
0x66: {  	_ =	swait.ge @!p1 [sflag:s22], $0x200  }
0x67: {  	[sflag:s22] =	ssyncset.done @!p1 $0x0  }
0x68: {  	[sflag:s22] =	ssyncadd.s32 @!p1 $0xFFFFFE00  }
0x69: {  	_ =	swait.ge @!p1 [sflag:s22], $0x200  }
0x6a: {  	[sflag:s22] =	ssyncset.done @!p1 $0x0  }
0x6b: {  	[sflag:s22] =	ssyncadd.s32 @!p1 $0xFFFFFE00  }
0x6c: {  	_ =	swait.ge @!p1 [sflag:s22], $0x200  }
0x6d: {  	[sflag:s22] =	ssyncset.done @!p1 $0x0  }
0x6e: {  	[sflag:s22] =	ssyncadd.s32 @!p1 $0xFFFFFE00  }
0x6f: {  	_ =	swait.ge @!p1 [sflag:s22], $0x200  }
0x70: {  	[sflag:s22] =	ssyncset.done @!p1 $0x0  }
0x71: {  	s23 =	simm.s32 @!p0 $0x3;
	[sflag:s22] =	ssyncadd.s32 @!p1 $0xFFFFFE00;
	s22 =	simm.s32 @!p0 $0x0  }
0x72: {  	[tilespmem:s22], [sflag:$0x3] =	stream.linear.gather @!p0 [hbm4b:s20+s22], $0x800, $0x38;
	[tilespmem:$0x42E0] =	vst v63  }
0x73: {  	_ =	swait.ge @!p0 [sflag:s23], $0x800  }
0x74: {  	[sflag:s23] =	ssyncset.done @!p0 $0x0  }
0x75: {  	s24 =	simm.s32 @!p0 $0x1000;
	[sflag:s23] =	ssyncadd.s32 @!p0 $0xFFFFF800;
	s23 =	simm.s32 @!p0 $0x200  }
0x76: {  	[spmem:s2] =	stream.indirect.scatter.add.f32 @!p0 [tilespmem:s24], [sflag:$0x1], $0x1, s22, s23, $0xb8;
	[tilespmem:$0x42E0] =	vst v63  }
0x77: {  	_ = 	snop  }
0x78: {  	[spmem:s2] =	stream.indirect.scatter.add.f32 @!p0 [tilespmem:s24], [sflag:$0x1], $0x1, s23, s23, $0xb8;
	[tilespmem:$0x42E0] =	vst v63  }
0x79: {  	s22 =	simm.s32 @!p0 $0x400  }
0x7a: {  	[spmem:s2] =	stream.indirect.scatter.add.f32 @!p0 [tilespmem:s24], [sflag:$0x1], $0x1, s22, s23, $0xb8;
	[tilespmem:$0x42E0] =	vst v63  }
0x7b: {  	p1 =	seq.s32 @!p0 s21, $0x0;
	s22 =	simm.s32 @!p0 $0x600  }
0x7c: {  	[spmem:s2] =	stream.indirect.scatter.add.f32 @!p0 [tilespmem:s24], [sflag:$0x1], $0x1, s22, s23, $0xb8;
	[tilespmem:$0x42E0] =	vst v63  }
0x7d: {  	p0 =	por p0, !p1  }
.Ltmp5:
0x7e: {  	_ = 	snop;
	(pc) =	sbr.rel @!p0 .LBB2_6-.Ltmp5, $1  }
0x7f: {  	_ =	sdelay $0x3  }
0x80: {  	p0 =	slt.u32 s19, $0x2  }
0x81: {  	s21 =	simm.s32 @!p0 $0x2  }
0x82: {  	_ =	swait.ge @!p0 [sflag:s21], $0x200  }
0x83: {  	[sflag:s21] =	ssyncset.done @!p0 $0x0  }
0x84: {  	[sflag:s21] =	ssyncadd.s32 @!p0 $0xFFFFFE00  }
0x85: {  	_ =	swait.ge @!p0 [sflag:s21], $0x200  }
0x86: {  	[sflag:s21] =	ssyncset.done @!p0 $0x0  }
0x87: {  	[sflag:s21] =	ssyncadd.s32 @!p0 $0xFFFFFE00  }
0x88: {  	_ =	swait.ge @!p0 [sflag:s21], $0x200  }
0x89: {  	[sflag:s21] =	ssyncset.done @!p0 $0x0  }
0x8a: {  	[sflag:s21] =	ssyncadd.s32 @!p0 $0xFFFFFE00  }
0x8b: {  	_ =	swait.ge @!p0 [sflag:s21], $0x200  }
0x8c: {  	[sflag:s21] =	ssyncset.done @!p0 $0x0  }
0x8d: {  	[sflag:s21] =	ssyncadd.s32 @!p0 $0xFFFFFE00  }
0x8e: {  	[tilespmem:s12], [sflag:$0x3] =	stream.linear.gather [hbm4b:s20+s3], $0x800, $0x38;
	[tilespmem:$0x42E0] =	vst v63  }
0x8f: {  	_ =	swait.ge [sflag:s9], $0x800  }
0x90: {  	[sflag:s9] =	ssyncset.done $0x0  }
0x91: {  	[sflag:s9] =	ssyncadd.s32 $0xFFFFF800  }
0x92: {  	[spmem:s2] =	stream.indirect.scatter.add.f32 [tilespmem:s14], [sflag:$0x2], $0x1, s12, s13, $0xb8;
	[tilespmem:$0x42E0] =	vst v63  }
0x93: {  	_ = 	snop  }
0x94: {  	[spmem:s2] =	stream.indirect.scatter.add.f32 [tilespmem:s14], [sflag:$0x2], $0x1, s15, s13, $0xb8;
	[tilespmem:$0x42E0] =	vst v63  }
.Ltmp6:
0x95: {  	_ = 	snop;
	(pc) =	sbr.rel .LBB2_6-.Ltmp6, $4  }
0x96: {  	_ = 	snop  }
0x97: {  	[spmem:s2] =	stream.indirect.scatter.add.f32 [tilespmem:s14], [sflag:$0x2], $0x1, s16, s13, $0xb8;
	[tilespmem:$0x42E0] =	vst v63  }
0x98: {  	_ = 	snop  }
0x99: {  	[spmem:s2] =	stream.indirect.scatter.add.f32 [tilespmem:s14], [sflag:$0x2], $0x1, s17, s13, $0xb8;
	[tilespmem:$0x42E0] =	vst v63  }
.LBB2_8:
0x9a: {  	_ =	sfence.sel $0x180000  }
0x9b: {  	[bflag:$0x0] =	sbarrier.arrive $0xFFFF  }
0x9c: {  	p0 =	sne.s32 s1, $0x0;
	_ =	strace $0x90000047  }
0x9d: {  	s0 =	sadd.s32 @!p0 $0x100000, s0;
	[bflag:$0x2] =	sbarrier.arrive $0xFFFF  }
0x9e: {  	[sflag:s0] =	ssyncadd.tile.s32 @!p0 $0x1;
	_ =	shalt  }
.Lfunc_end2:
_tile_overlayer_lowered:
.L_overlay_start_2:
0x9f: {  	(tag) =	ssettag $0x2  }
0xa0: {  	s0 =	rddreg [dreg:$0x0];
	s2 =	stileid.u32  }
0xa1: {  	s1 =	rddreg [dreg:$0x1];
	p0 =	sne.s32 s2, $0x0  }
0xa2: {  	s3 =	rddreg [dreg:$0x2];
	[bflag:$0x3] =	sbarrier.arrive $0xFFFF;
	s2 =	simm.s32 @!p0 $0x1C03  }
0xa3: {  	[timem:s3], [sflag:s2] =	dma.local @!p0 [hbm:s0], s1  }
0xa4: {  	s0 =	simm.s32 @!p0 $0x3  }
0xa5: {  	_ =	swait.ge @!p0 [sflag:s0], s1  }
0xa6: {  	s1 =	ssub.s32 @!p0 $0x0, s1;
	[sflag:s0] =	ssyncset.done @!p0 $0x0  }
0xa7: {  	[sflag:s0] =	ssyncadd.s32 @!p0 s1  }
0xa8: {  	[bflag:$0x3] =	sbarrier.arrive $0xFFFF  }
0xa9: {  	_ =	shalt  }

// kernel: kernel.9.cloned.1.call-start
scs
__scs_entry_jumppad:
0x0: {  	(pc) =	sbr.rel $0x88, $3  }
0x1: {  	(tag) =	ssettag $0x0;
	lr =	simm.s32 $0x1  }
0x2: {  	[smem:$0x3F9B] =	sst lr;
	_ =	strace $0xD0000000  }
0x3: {  	_ = 	snop  }
0x4: {  	_ = 	snop  }
0x5: {  	_ = 	snop  }
0x6: {  	_ = 	snop  }
0x7: {  	_ = 	snop  }
__scs_overlays_trampoline_lowered:
0x8: {  	[smem:$0x3FAA] =	sst s0  }
0x9: {  	[smem:$0x3FAB] =	sst s1  }
0xa: {  	[smem:$0x3FAC] =	sst s2  }
0xb: {  	[smem:$0x3FAD] =	sst s3  }
0xc: {  	[smem:$0x3FAE] =	sst s4  }
0xd: {  	[smem:$0x3FAF] =	sst s5  }
0xe: {  	[smem:$0x3FB0] =	sst s6  }
0xf: {  	[smem:$0x3FB1] =	sst s7  }
0x10: {  	[smem:$0x3FB2] =	sst s8  }
0x11: {  	[smem:$0x3FB3] =	sst s9;
	s0 =	simm.s32 @!p0 $0x0  }
0x12: {  	s1 =	sld [smem:$0x3F99];
	s0 =	simm.s32 @p0 $0x1  }
0x13: {  	[smem:$0x3FB4] =	sst s0;
	s0 =	simm.s32 @!p1 $0x0  }
0x14: {  	s2 =	sld [smem:$0x3F98];
	s0 =	simm.s32 @p1 $0x1  }
0x15: {  	[smem:$0x3FB5] =	sst s0;
	s0 =	simm.s32 @!p2 $0x0  }
0x16: {  	s3 =	sld [smem:$0x3FDB];
	s0 =	simm.s32 @p2 $0x1  }
0x17: {  	s4 =	simm.s32 $0x1BF5;
	[smem:$0x3FB7] =	sst s0  }
0x18: {  	s0 =	sld [smem:$0x3F9A];
	_ =	swait.ge [sflag:s4], $0x0  }
0x19: {  	s7 =	sld [smem:$0x3F9B]  }
0x1a: {  	s8 =	sadd.s32 $0xFFFFE003, lr  }
0x1b: {  	s9 =	sadd.s32 $0xFFFFFEF7, lr;
	s5 =	simm.s32 $0xFFFFFFFF;
	p2 =	slt.u32 s8, $0xFFFFF086  }
0x1c: {  	p1 =	slt.u32 s9, $0xF7A;
	s5 =	simm.s32 @!p2 $0x0  }
0x1d: {  	s5 =	simm.s32 @p1 $0x1;
	p0 =	seq.s32 s7, s2  }
0x1e: {  	s7 =	smul.u32 @!p0 $0xF7A, s2;
	p2 =	seq.s32 @!p0 s5, $0x0  }
0x1f: {  	s9 =	smul.u32 $0xF7A, s1;
	s8 =	simm.s32 @!p0 $0x1BF5;
	p2 =	por !p2, p0  }
0x20: {  	[sflag:s8] =	ssyncset.s32 @!p0 $0xFFFFF086;
	s6 =	sadd.s32 @!p0 s3, s7;
	s7 =	simm.s32 @!p0 $0x108  }
0x21: {  	s3 =	sadd.s32 s3, s9;
	s6 =	sadd.s32 @!p0 $0x88, s6;
	s7 =	simm.s32 @p2 $0x1082  }
0x22: {  	[simem:s7], [sflag:s8] =	dma.local @!p0 [hbm:s6], $0xF7A  }
0x23: {  	s9 =	sor.u32 $0xD0000000, s2;
	s6 =	simm.s32 $0x108;
	_ =	swait.ge @!p0 [sflag:s8], $0x0  }
0x24: {  	s3 =	sadd.s32 $0x88, s3;
	s6 =	simm.s32 @!p1 $0x1082;
	[sflag:s4] =	ssyncset.s32 $0xFFFFF086  }
0x25: {  	[simem:s6], [sflag:s4] =	dma.local [hbm:s3], $0xF7A  }
0x26: {  	[smem:$0x3F9B] =	sst s1;
	(tag) =	ssettag s2;
	_ =	strace s9  }
0x27: {  	s1 =	sld [smem:$0x3FAB]  }
0x28: {  	s2 =	sld [smem:$0x3FAC]  }
0x29: {  	s4 =	sld [smem:$0x3FAE]  }
0x2a: {  	p0 =	seq.s32 s5, $0x0;
	s5 =	sld [smem:$0x3FAF]  }
0x2b: {  	s6 =	sld [smem:$0x3FB0]  }
0x2c: {  	s7 =	sld [smem:$0x3FB1]  }
0x2d: {  	s3 =	simm.s32 $0x108;
	s8 =	sld [smem:$0x3FB2]  }
0x2e: {  	s3 =	simm.s32 @!p0 $0x1082;
	s9 =	sld [smem:$0x3FB3]  }
0x2f: {  	lr =	sadd.s32 s0, s3;
	s0 =	sld [smem:$0x3FAA]  }
0x30: {  	s3 =	sld [smem:$0x3FAD]  }
0x31: {  	[smem:$0x3FB6] =	sst s10  }
0x32: {  	s10 =	sld [smem:$0x3FB4];
	_ =	sdelay $0x3  }
0x33: {  	p0 =	seq.s32 s10, $0x1;
	s10 =	sld [smem:$0x3FB6];
	_ =	sdelay $0x3  }
0x34: {  	[smem:$0x3FB6] =	sst s10  }
0x35: {  	s10 =	sld [smem:$0x3FB5];
	_ =	sdelay $0x3  }
0x36: {  	p1 =	seq.s32 s10, $0x1;
	s10 =	sld [smem:$0x3FB6];
	_ =	sdelay $0x3  }
0x37: {  	[smem:$0x3FB6] =	sst s10  }
0x38: {  	s10 =	sld [smem:$0x3FB7]  }
0x39: {  	_ = 	snop;
	(pc) =	sbr.ind lr, $3  }
0x3a: {  	_ = 	snop  }
0x3b: {  	_ = 	snop  }
0x3c: {  	p2 =	seq.s32 s10, $0x1;
	s10 =	sld [smem:$0x3FB6]  }
0x3d: {  	_ =	shalt  }
0x3e: {  	_ =	shalt  }
0x3f: {  	_ =	shalt  }
0x40: {  	_ =	shalt  }
0x41: {  	_ =	shalt  }
0x42: {  	_ =	shalt  }
0x43: {  	_ =	shalt  }
0x44: {  	_ =	shalt  }
0x45: {  	_ =	shalt  }
0x46: {  	_ =	shalt  }
0x47: {  	_ =	shalt  }
0x48: {  	_ =	shalt  }
0x49: {  	_ =	shalt  }
0x4a: {  	_ =	shalt  }
0x4b: {  	_ =	shalt  }
0x4c: {  	_ =	shalt  }
0x4d: {  	_ =	shalt  }
0x4e: {  	_ =	shalt  }
0x4f: {  	_ =	shalt  }
0x50: {  	_ =	shalt  }
0x51: {  	_ =	shalt  }
0x52: {  	_ =	shalt  }
0x53: {  	_ =	shalt  }
0x54: {  	_ =	shalt  }
0x55: {  	_ =	shalt  }
0x56: {  	_ =	shalt  }
0x57: {  	_ =	shalt  }
0x58: {  	_ =	shalt  }
0x59: {  	_ =	shalt  }
0x5a: {  	_ =	shalt  }
0x5b: {  	_ =	shalt  }
0x5c: {  	_ =	shalt  }
0x5d: {  	_ =	shalt  }
0x5e: {  	_ =	shalt  }
0x5f: {  	_ =	shalt  }
0x60: {  	_ =	shalt  }
0x61: {  	_ =	shalt  }
0x62: {  	_ =	shalt  }
0x63: {  	_ =	shalt  }
0x64: {  	_ =	shalt  }
0x65: {  	_ =	shalt  }
0x66: {  	_ =	shalt  }
0x67: {  	_ =	shalt  }
0x68: {  	_ =	shalt  }
0x69: {  	_ =	shalt  }
0x6a: {  	_ =	shalt  }
0x6b: {  	_ =	shalt  }
0x6c: {  	_ =	shalt  }
0x6d: {  	_ =	shalt  }
0x6e: {  	_ =	shalt  }
0x6f: {  	_ =	shalt  }
0x70: {  	_ =	shalt  }
0x71: {  	_ =	shalt  }
0x72: {  	_ =	shalt  }
0x73: {  	_ =	shalt  }
0x74: {  	_ =	shalt  }
0x75: {  	_ =	shalt  }
0x76: {  	_ =	shalt  }
0x77: {  	_ =	shalt  }
0x78: {  	_ =	shalt  }
0x79: {  	_ =	shalt  }
0x7a: {  	_ =	shalt  }
0x7b: {  	_ =	shalt  }
0x7c: {  	_ =	shalt  }
0x7d: {  	_ =	shalt  }
0x7e: {  	_ =	shalt  }
0x7f: {  	_ =	shalt  }
0x80: {  	_ =	shalt  }
0x81: {  	_ =	shalt  }
0x82: {  	_ =	shalt  }
0x83: {  	_ =	shalt  }
0x84: {  	_ =	shalt  }
0x85: {  	_ =	shalt  }
0x86: {  	_ =	shalt  }
0x87: {  	_ =	shalt  }
.Lfunc_end0:
.L_simem_size_0:
called_computation.1_lowered:
.L_overlay_start_0:
0x88: {  	s2 =	sld [smem:$0x3FD9]  }
0x89: {  	s3 =	sld [smem:$0x3FFE];
	_ =	sdelay $0x1  }
0x8a: {  	s1 =	srdreg.scid  }
0x8b: {  	s0 =	sand.u32 $0x1, s1  }
0x8c: {  	s16 =	sshll.u32 s0, $0xA;
	s2 =	sadd.s32 s3, s2  }
0x8d: {  	s2 =	sadd.s32 s2, s16  }
0x8e: {  	[smem:$0x3FC2] =	sst s2  }
0x8f: {  	_ = 	snop  }
0x90: {  	(tm) =	ssettm $0x1  }
0x91: {  	s17 =	sld [smem:$0x3FFB];
	_ =	sdelay $0x3  }
0x92: {  	_ =	strace s17  }
0x93: {  	s2 =	sld [smem:$0x3FFC];
	_ =	sdelay $0x3  }
0x94: {  	_ =	strace s2  }
0x95: {  	s2 =	sld [smem:$0x3FFD];
	_ =	sdelay $0x3  }
0x96: {  	_ =	strace s2  }
0x97: {  	_ =	strace $0x8FFFFFFF  }
0x98: {  	s18 =	sld [smem:$0x3FDB];
	_ =	sdelay $0x1  }
0x99: {  	s19 =	simm.s32 $_scs_section_size  }
0x9a: {  	s4 =	simm.s32 $_size__tile_overlayer_lowered;
	s5 =	simm.s32 $_tile_overlayer_lowered  }
0x9b: {  	s22 =	simm.s32 $0x1BFF;
	s21 =	sshll.u32 s5, $0x1;
	s2 =	sadd.s32 s19, s18  }
0x9c: {  	s6 =	simm.s32 $0x0;
	s20 =	sshll.u32 s4, $0x1;
	s4 =	sadd.s32 s21, s2  }
0x9d: {  	[timem:s6], [sflag:s22] =	dma.local [hbm:s4], s20  }
0x9e: {  	_ =	swait.ge [sflag:s22], s20  }
0x9f: {  	s3 =	ssub.s32 $0x0, s20;
	[sflag:s22] =	ssyncset.done $0x0  }
0xa0: {  	[sflag:s22] =	ssyncadd.s32 s3;
	_ =	sdelay $0x1  }
0xa1: {  	s23 =	simm.s32 $0x1B8B  }
0xa2: {  	_ =	swait.ge [sflag:s23], $0x1  }
0xa3: {  	[sflag:s23] =	ssyncset.done $0x0  }
0xa4: {  	s25 =	simm.s32 $0x1B8E;
	s24 =	sld [smem:$0x3FFE];
	[sflag:s23] =	ssyncadd.s32 $0xFFFFFFFF  }
0xa5: {  	s26 =	simm.s32 $execute0_lowered;
	[smem:$0x3FD2] =	sst s25  }
0xa6: {  	s4 =	sshll.u32 s26, $0x1;
	_ =	strace $0x80000049;
	[dreg:$0x1] =	wrdreg $0xFFFFFFFF  }
0xa7: {  	s28 =	simm.s32 $_size_execute0_lowered;
	s2 =	sadd.s32 s2, s4;
	[dreg:$0x0] =	wrdreg $0x0  }
0xa8: {  	s4 =	sshll.u32 s28, $0x1;
	[dreg:$0x2] =	wrdreg s2  }
0xa9: {  	[dreg:$0x3] =	wrdreg s4  }
0xaa: {  	[dreg:$0x4] =	wrdreg $0xC0  }
0xab: {  	_ =	task [dreg:s6], $0x5FFFF  }
0xac: {  	[dreg:$0x1] =	wrdreg $0xFFFFFFFF  }
0xad: {  	[dreg:$0x0] =	wrdreg $0x60  }
0xae: {  	[dreg:$0x2] =	wrdreg s24  }
0xaf: {  	[dreg:$0x3] =	wrdreg $0x60000  }
0xb0: {  	[dreg:$0x4] =	wrdreg $0x9  }
0xb1: {  	_ =	task.clear_ibuf [dreg:s6], $0x5FFFF;
	_ =	strace $0x90000049  }
0xb2: {  	s29 =	simm.s32 $0x9;
	_ =	strace $0x8000004B  }
0xb3: {  	_ =	swait.ge [sflag:s29], $0x1  }
0xb4: {  	[sflag:s29] =	ssyncadd.s32 $0xFFFFFFFF  }
0xb5: {  	_ =	strace $0x9000004B  }
0xb6: {  	_ =	sfence  }
0xb7: {  	s30 =	sld [smem:$0x0];
	_ =	sdelay $0x2  }
0xb8: {  	s31 =	sshll.u32 s1, $0xD;
	s1 =	sshrl.u32 s1, $0x2  }
0xb9: {  	s3 =	sand.u32 $0x4000, s31;
	s1 =	sadd.s32 s1, s30  }
0xba: {  	s0 =	sor.u32 s3, s0;
	s1 =	sshll.u32 s1, $0x11  }
0xbb: {  	s0 =	sor.u32 s1, s0  }
0xbc: {  	s0 =	sadd.s32 $0x8F2B, s0  }
0xbd: {  	[sflag:s0] =	ssyncadd.remote.s32 $0x1  }
0xbe: {  	_ =	sfence.sel $0xFFFF  }
0xbf: {  	[dreg:$0x0] =	wrdreg $0xFFFFFFFF;
	(pc) =	sbr.abs _section_cstart, $3  }
0xc0: {  	[dreg:$0x1] =	wrdreg $0xFFFFFFFF  }
0xc1: {  	_ =	task.clear_ibuf [dreg:s6], $0x2FFFF;
	_ =	strace $0x9FFFFFFF  }
0xc2: {  	(tm) =	ssettm $0x7FFFFFFF  }
0xc3: {  	_ =	shalt  }
tec
execute0_lowered:
.L_overlay_start_1:
0x0: {  	(tag) =	ssettag $0x1  }
0x1: {  	s0 =	rddreg [dreg:$0x0]  }
0x2: {  	s2 =	rddreg [dreg:$0x1];
	s13 =	stileid.u32;
	s3 =	simm.s32 $0x0  }
0x3: {  	s7 =	srdreg.scid;
	s28 =	simm.s32 $0x4000;
	s29 =	simm.s32 $0x1  }
0x4: {  	s30 =	simm.s32 $0x3;
	s15 =	simm.s32 $0x600;
	s16 =	simm.s32 $0x1400  }
0x5: {  	s31 =	simm.s32 $0x0;
	s1 =	smul.u32 $0x3200, s13;
	[smem:$0x7FF] =	sst s3  }
0x6: {  	s4 =	sadd.s32 $0x66800, s0;
	s8 =	smul.u32 $0x18700, s13;
	s5 =	sadd.s32 $0x97600, s0  }
0x7: {  	s6 =	sadd.s32 $0xC8400, s0;
	s9 =	sand.u32 $0x1, s7;
	s7 =	sadd.s32 $0xF9200, s0  }
0x8: {  	s11 =	sadd.s32 $0x18BC00, s0;
	s25 =	sshll.u32 s13, $0x6;
	s13 =	simm.s32 $0x400  }
0x9: {  	_ =	strace $0x8000004A;
	s10 =	ssub.s32 $0x2, s9;
	[dreg:$0x4] =	wrdreg s11  }
0xa: {  	p0 =	seq.s32 s9, $0x1;
	[dreg:$0xd] =	wrdreg s25;
	s11 =	simm.s32 $0x4  }
0xb: {  	s9 =	simm.s32 $0x800;
	s1 =	sadd.s32 s1, s0;
	s14 =	sshrl.u32 s8, $0x3  }
0xc: {  	s12 =	sshrl.u32 s10, $0x1;
	s8 =	sadd.s32 s8, s2;
	s17 =	sadd.s32 s14, s0  }
0xd: {  	s0 =	sadd.s32 $0x1ED800, s0;
	s18 =	ssub.s32 s10, s12;
	[dreg:$0x3] =	wrdreg s14  }
0xe: {  	s19 =	sadd.s32 s4, s14;
	s21 =	sadd.s32 s5, s14;
	[dreg:$0x5] =	wrdreg s0  }
0xf: {  	s22 =	sadd.s32 s6, s14;
	s24 =	sadd.s32 s7, s14;
	[dreg:$0x6] =	wrdreg s19  }
0x10: {  	s26 =	sshrl.u32 s8, $0x3;
	s14 =	simm.s32 $0x1200;
	[dreg:$0x8] =	wrdreg s21  }
0x11: {  	s10 =	simm.s32 $0x1600;
	s8 =	simm.s32 $0xC00;
	[dreg:$0x9] =	wrdreg s22  }
0x12: {  	s20 =	sadd.s32 $0x15AE00, s17;
	s23 =	sadd.s32 $0x1BCA00, s17;
	[dreg:$0xb] =	wrdreg s24  }
0x13: {  	s0 =	smax.u32 s18, $0x1;
	s19 =	sadd.s32 $0x2800, s1;
	[dreg:$0xf] =	wrdreg s26  }
.Ltmp0:
0x14: {  	s24 =	simm.s32 $0x1000;
	[dreg:$0x7] =	wrdreg s20;
	(pc) =	sbr.rel .LBB2_1-.Ltmp0, $4  }
0x15: {  	s26 =	simm.s32 $0x2000;
	s18 =	simm.s32 $0xA00;
	[dreg:$0xa] =	wrdreg s23  }
0x16: {  	s17 =	simm.s32 $0x1800;
	s21 =	simm.s32 $0x1A00;
	[dreg:$0xc] =	wrdreg s0  }
0x17: {  	s20 =	sadd.s32 $0x34800, s1;
	s0 =	sor.u32 $0x1C05, s25;
	s23 =	simm.s32 $0x5  }
0x18: {  	s25 =	simm.s32 $0x200;
	[dreg:$0xe] =	wrdreg s0;
	s0 =	simm.s32 $0x2  }
.LBB2_11:
0x19: {  	s1 =	sadd.s32 s22, s20;
	[sflag:s11] =	ssyncadd.s32 $0xFFFFE000  }
0x1a: {  	[tilespmem:s3], [sflag:$0x5] =	stream.linear.gather [hbm4b:s1+s3], $0x1000, $0x38;
	[tilespmem:$0x1E700] =	vst v63  }
0x1b: {  	_ =	swait.ge [sflag:s23], $0x1000  }
0x1c: {  	[sflag:s23] =	ssyncset.done $0x0  }
0x1d: {  	s22 =	sadd.s32 s22, s19;
	[sflag:s23] =	ssyncadd.s32 $0xFFFFF000  }
0x1e: {  	[tilespmem:s24], [sflag:$0x5] =	stream.linear.gather [hbm4b:s22+s3], $0x1000, $0x38;
	[tilespmem:$0x1E700] =	vst v63  }
0x1f: {  	_ =	swait.ge [sflag:s23], $0x1000  }
0x20: {  	[sflag:s23] =	ssyncset.done $0x0  }
0x21: {  	[sflag:s23] =	ssyncadd.s32 $0xFFFFF000  }
0x22: {  	[tilespmem:s26], [sflag:$0x1] =	stream.indirect.gather [hbm4b:s7+s25], $0x10, s3, s25, $0xb8;
	[tilespmem:$0x1E700] =	vst v63  }
0x23: {  	_ = 	snop  }
0x24: {  	[tilespmem:s28], [sflag:$0x2] =	stream.indirect.gather [hbm4b:s7+s25], $0x10, s25, s25, $0xb8;
	[tilespmem:$0x1E700] =	vst v63  }
0x25: {  	_ =	swait.ge [sflag:s29], $0x2000  }
0x26: {  	[sflag:s29] =	ssyncset.done $0x0  }
0x27: {  	[sflag:s29] =	ssyncadd.s32 $0xFFFFE000  }
0x28: {  	[spmem:s2] =	stream.indirect.scatter.add.f32 [tilespmem:s26], [sflag:$0x3], $0x10, s24, s25, $0xb8;
	[tilespmem:$0x1E700] =	vst v63  }
0x29: {  	_ =	swait.ge [sflag:s30], $0x2000  }
0x2a: {  	[sflag:s30] =	ssyncset.done $0x0  }
0x2b: {  	[sflag:s30] =	ssyncadd.s32 $0xFFFFE000  }
0x2c: {  	[tilespmem:s26], [sflag:$0x1] =	stream.indirect.gather [hbm4b:s7+s25], $0x10, s13, s25, $0xb8;
	[tilespmem:$0x1E700] =	vst v63  }
0x2d: {  	_ =	swait.ge [sflag:s0], $0x2000  }
0x2e: {  	[sflag:s0] =	ssyncset.done $0x0  }
0x2f: {  	s22 =	simm.s32 $0x1200;
	[sflag:s0] =	ssyncadd.s32 $0xFFFFE000  }
0x30: {  	[spmem:s2] =	stream.indirect.scatter.add.f32 [tilespmem:s28], [sflag:$0x4], $0x10, s22, s25, $0xb8;
	[tilespmem:$0x1E700] =	vst v63  }
0x31: {  	_ =	swait.ge [sflag:s11], $0x2000  }
0x32: {  	[sflag:s11] =	ssyncset.done $0x0  }
0x33: {  	s22 =	simm.s32 $0x600;
	[sflag:s11] =	ssyncadd.s32 $0xFFFFE000  }
0x34: {  	[tilespmem:s28], [sflag:$0x2] =	stream.indirect.gather [hbm4b:s7+s25], $0x10, s22, s25, $0xb8;
	[tilespmem:$0x1E700] =	vst v63  }
0x35: {  	_ =	swait.ge [sflag:s29], $0x2000  }
0x36: {  	[sflag:s29] =	ssyncset.done $0x0  }
0x37: {  	[sflag:s29] =	ssyncadd.s32 $0xFFFFE000  }
0x38: {  	[spmem:s2] =	stream.indirect.scatter.add.f32 [tilespmem:s26], [sflag:$0x3], $0x10, s14, s25, $0xb8;
	[tilespmem:$0x1E700] =	vst v63  }
0x39: {  	_ =	swait.ge [sflag:s30], $0x2000  }
0x3a: {  	[sflag:s30] =	ssyncset.done $0x0  }
0x3b: {  	[sflag:s30] =	ssyncadd.s32 $0xFFFFE000  }
0x3c: {  	[tilespmem:s26], [sflag:$0x1] =	stream.indirect.gather [hbm4b:s7+s25], $0x10, s15, s25, $0xb8;
	[tilespmem:$0x1E700] =	vst v63  }
0x3d: {  	_ =	swait.ge [sflag:s0], $0x2000  }
0x3e: {  	[sflag:s0] =	ssyncset.done $0x0  }
0x3f: {  	[sflag:s0] =	ssyncadd.s32 $0xFFFFE000  }
0x40: {  	[spmem:s2] =	stream.indirect.scatter.add.f32 [tilespmem:s28], [sflag:$0x4], $0x10, s16, s25, $0xb8;
	[tilespmem:$0x1E700] =	vst v63  }
0x41: {  	_ =	swait.ge [sflag:s11], $0x2000  }
0x42: {  	[sflag:s11] =	ssyncset.done $0x0  }
0x43: {  	[sflag:s11] =	ssyncadd.s32 $0xFFFFE000  }
0x44: {  	[tilespmem:s28], [sflag:$0x2] =	stream.indirect.gather [hbm4b:s7+s25], $0x10, s9, s25, $0xb8;
	[tilespmem:$0x1E700] =	vst v63  }
0x45: {  	_ =	swait.ge [sflag:s29], $0x2000  }
0x46: {  	[sflag:s29] =	ssyncset.done $0x0  }
0x47: {  	[sflag:s29] =	ssyncadd.s32 $0xFFFFE000  }
0x48: {  	[spmem:s2] =	stream.indirect.scatter.add.f32 [tilespmem:s26], [sflag:$0x3], $0x10, s10, s25, $0xb8;
	[tilespmem:$0x1E700] =	vst v63  }
0x49: {  	_ =	swait.ge [sflag:s30], $0x2000  }
0x4a: {  	[sflag:s30] =	ssyncset.done $0x0  }
0x4b: {  	[sflag:s30] =	ssyncadd.s32 $0xFFFFE000  }
0x4c: {  	[tilespmem:s26], [sflag:$0x1] =	stream.indirect.gather [hbm4b:s7+s25], $0x10, s18, s25, $0xb8;
	[tilespmem:$0x1E700] =	vst v63  }
0x4d: {  	_ =	swait.ge [sflag:s0], $0x2000  }
0x4e: {  	[sflag:s0] =	ssyncset.done $0x0  }
0x4f: {  	[sflag:s0] =	ssyncadd.s32 $0xFFFFE000  }
0x50: {  	[spmem:s2] =	stream.indirect.scatter.add.f32 [tilespmem:s28], [sflag:$0x4], $0x10, s17, s25, $0xb8;
	[tilespmem:$0x1E700] =	vst v63  }
0x51: {  	_ =	swait.ge [sflag:s11], $0x2000  }
0x52: {  	[sflag:s11] =	ssyncset.done $0x0  }
0x53: {  	[sflag:s11] =	ssyncadd.s32 $0xFFFFE000  }
0x54: {  	[tilespmem:s28], [sflag:$0x2] =	stream.indirect.gather [hbm4b:s7+s25], $0x10, s8, s25, $0xb8;
	[tilespmem:$0x1E700] =	vst v63  }
0x55: {  	_ =	swait.ge [sflag:s29], $0x2000  }
0x56: {  	[sflag:s29] =	ssyncset.done $0x0  }
0x57: {  	[sflag:s29] =	ssyncadd.s32 $0xFFFFE000  }
0x58: {  	[spmem:s2] =	stream.indirect.scatter.add.f32 [tilespmem:s26], [sflag:$0x3], $0x10, s21, s25, $0xb8;
	[tilespmem:$0x1E700] =	vst v63  }
0x59: {  	_ =	swait.ge [sflag:s0], $0x2000  }
0x5a: {  	[sflag:s0] =	ssyncset.done $0x0  }
0x5b: {  	[sflag:s0] =	ssyncadd.s32 $0xFFFFE000  }
0x5c: {  	[spmem:s2] =	stream.indirect.scatter.add.f32 [tilespmem:s28], [sflag:$0x4], $0x10, s12, s25, $0xb8;
	[tilespmem:$0x1E700] =	vst v63  }
0x5d: {  	_ =	swait.ge [sflag:s30], $0x2000  }
0x5e: {  	s14 =	simm.s32 $0x1200;
	[sflag:s30] =	ssyncset.done $0x0  }
0x5f: {  	s15 =	simm.s32 $0x600;
	s16 =	simm.s32 $0x1400;
	[sflag:s30] =	ssyncadd.s32 $0xFFFFE000  }
0x60: {  	s9 =	simm.s32 $0x800;
	s10 =	simm.s32 $0x1600;
	_ =	swait.ge [sflag:s11], $0x2000  }
0x61: {  	s18 =	simm.s32 $0xA00;
	s17 =	simm.s32 $0x1800;
	s1 =	rddreg [dreg:$0x5]  }
0x62: {  	s8 =	simm.s32 $0xC00;
	[sflag:s11] =	ssyncset.done $0x0;
	s22 =	rddreg [dreg:$0xe]  }
0x63: {  	s21 =	simm.s32 $0x1A00;
	s31 =	rddreg [dreg:$0x10];
	[sflag:s11] =	ssyncadd.s32 $0xFFFFE000  }
.LBB2_12:
0x64: {  	s12 =	rddreg [dreg:$0x3];
	[bflag:$0x0] =	sbarrier.arrive $0xFFFF  }
0x65: {  	s1 =	sadd.s32 s1, s12;
	s12 =	rddreg [dreg:$0xf]  }
0x66: {  	[hbm:s1], [sflag:s22] =	dma.local [spmem:s12], $0x30E0  }
0x67: {  	_ =	swait.ge [sflag:s23], $0x30E0  }
0x68: {  	s31 =	sadd.s32 $0x1, s31;
	s22 =	rddreg [dreg:$0xc]  }
0x69: {  	p1 =	sne.s32 s31, s22  }
.Ltmp1:
0x6a: {  	_ = 	snop;
	(pc) =	sbr.rel @!p1 .LBB2_13-.Ltmp1, $3  }
0x6b: {  	_ =	sdelay $0x1  }
0x6c: {  	[sflag:s23] =	ssyncset.done $0x0  }
0x6d: {  	[sflag:s23] =	ssyncadd.s32 $0xFFFFCF20  }
.LBB2_1:
.Ltmp2:
0x6e: {  	(pc) =	sbr.rel @!p0 .LBB2_2-.Ltmp2, $2  }
0x6f: {  	_ =	sdelay $0x2  }
0x70: {  	[dreg:$0x10] =	wrdreg s31  }
0x71: {  	s1 =	rddreg [dreg:$0x9]  }
0x72: {  	s12 =	rddreg [dreg:$0xe]  }
0x73: {  	s13 =	rddreg [dreg:$0xf]  }
0x74: {  	[spmem:s13], [sflag:s12] =	dma.local [hbm:s1], $0x30E0  }
0x75: {  	_ =	swait.ge [sflag:s23], $0x30E0  }
0x76: {  	[sflag:s23] =	ssyncset.done $0x0  }
0x77: {  	[sflag:s23] =	ssyncadd.s32 $0xFFFFCF20  }
0x78: {  	s31 =	sadd.s32 $0x0, s20;
	[bflag:$0x0] =	sbarrier.arrive $0xFFFF  }
0x79: {  	[tilespmem:s3], [sflag:$0x5] =	stream.linear.gather [hbm4b:s31+s3], $0x1000, $0x38;
	[tilespmem:$0x1E700] =	vst v63  }
0x7a: {  	_ =	swait.ge [sflag:s23], $0x1000  }
0x7b: {  	[sflag:s23] =	ssyncset.done $0x0  }
0x7c: {  	s13 =	sadd.s32 $0x0, s19;
	[sflag:s23] =	ssyncadd.s32 $0xFFFFF000  }
0x7d: {  	[tilespmem:s24], [sflag:$0x5] =	stream.linear.gather [hbm4b:s13+s3], $0x1000, $0x38;
	[tilespmem:$0x1E700] =	vst v63  }
0x7e: {  	_ =	swait.ge [sflag:s23], $0x1000  }
0x7f: {  	[sflag:s23] =	ssyncset.done $0x0  }
0x80: {  	[sflag:s23] =	ssyncadd.s32 $0xFFFFF000  }
0x81: {  	[tilespmem:s26], [sflag:$0x1] =	stream.indirect.gather [hbm4b:s6+s25], $0x10, s3, s25, $0xb8;
	[tilespmem:$0x1E700] =	vst v63  }
0x82: {  	_ = 	snop  }
0x83: {  	[tilespmem:s28], [sflag:$0x2] =	stream.indirect.gather [hbm4b:s6+s25], $0x10, s25, s25, $0xb8;
	[tilespmem:$0x1E700] =	vst v63  }
0x84: {  	_ =	swait.ge [sflag:s29], $0x2000  }
0x85: {  	[sflag:s29] =	ssyncset.done $0x0  }
0x86: {  	[sflag:s29] =	ssyncadd.s32 $0xFFFFE000  }
0x87: {  	[spmem:s2] =	stream.indirect.scatter.add.f32 [tilespmem:s26], [sflag:$0x3], $0x10, s24, s25, $0xb8;
	[tilespmem:$0x1E700] =	vst v63  }
0x88: {  	_ =	swait.ge [sflag:s30], $0x2000  }
0x89: {  	[sflag:s30] =	ssyncset.done $0x0  }
0x8a: {  	s22 =	simm.s32 $0x400;
	[sflag:s30] =	ssyncadd.s32 $0xFFFFE000  }
0x8b: {  	[tilespmem:s26], [sflag:$0x1] =	stream.indirect.gather [hbm4b:s6+s25], $0x10, s22, s25, $0xb8;
	[tilespmem:$0x1E700] =	vst v63  }
0x8c: {  	_ =	swait.ge [sflag:s0], $0x2000  }
0x8d: {  	[sflag:s0] =	ssyncset.done $0x0  }
0x8e: {  	[sflag:s0] =	ssyncadd.s32 $0xFFFFE000  }
0x8f: {  	[spmem:s2] =	stream.indirect.scatter.add.f32 [tilespmem:s28], [sflag:$0x4], $0x10, s14, s25, $0xb8;
	[tilespmem:$0x1E700] =	vst v63  }
0x90: {  	_ =	swait.ge [sflag:s11], $0x2000  }
0x91: {  	[sflag:s11] =	ssyncset.done $0x0  }
0x92: {  	[sflag:s11] =	ssyncadd.s32 $0xFFFFE000  }
0x93: {  	[tilespmem:s28], [sflag:$0x2] =	stream.indirect.gather [hbm4b:s6+s25], $0x10, s15, s25, $0xb8;
	[tilespmem:$0x1E700] =	vst v63  }
0x94: {  	_ =	swait.ge [sflag:s29], $0x2000  }
0x95: {  	[sflag:s29] =	ssyncset.done $0x0  }
0x96: {  	[sflag:s29] =	ssyncadd.s32 $0xFFFFE000  }
0x97: {  	[spmem:s2] =	stream.indirect.scatter.add.f32 [tilespmem:s26], [sflag:$0x3], $0x10, s16, s25, $0xb8;
	[tilespmem:$0x1E700] =	vst v63  }
0x98: {  	_ =	swait.ge [sflag:s30], $0x2000  }
0x99: {  	[sflag:s30] =	ssyncset.done $0x0  }
0x9a: {  	[sflag:s30] =	ssyncadd.s32 $0xFFFFE000  }
0x9b: {  	[tilespmem:s26], [sflag:$0x1] =	stream.indirect.gather [hbm4b:s6+s25], $0x10, s9, s25, $0xb8;
	[tilespmem:$0x1E700] =	vst v63  }
0x9c: {  	_ =	swait.ge [sflag:s0], $0x2000  }
0x9d: {  	[sflag:s0] =	ssyncset.done $0x0  }
0x9e: {  	[sflag:s0] =	ssyncadd.s32 $0xFFFFE000  }
0x9f: {  	[spmem:s2] =	stream.indirect.scatter.add.f32 [tilespmem:s28], [sflag:$0x4], $0x10, s10, s25, $0xb8;
	[tilespmem:$0x1E700] =	vst v63  }
0xa0: {  	_ =	swait.ge [sflag:s11], $0x2000  }
0xa1: {  	[sflag:s11] =	ssyncset.done $0x0  }
0xa2: {  	[sflag:s11] =	ssyncadd.s32 $0xFFFFE000  }
0xa3: {  	[tilespmem:s28], [sflag:$0x2] =	stream.indirect.gather [hbm4b:s6+s25], $0x10, s18, s25, $0xb8;
	[tilespmem:$0x1E700] =	vst v63  }
0xa4: {  	_ =	swait.ge [sflag:s29], $0x2000  }
0xa5: {  	[sflag:s29] =	ssyncset.done $0x0  }
0xa6: {  	[sflag:s29] =	ssyncadd.s32 $0xFFFFE000  }
0xa7: {  	[spmem:s2] =	stream.indirect.scatter.add.f32 [tilespmem:s26], [sflag:$0x3], $0x10, s17, s25, $0xb8;
	[tilespmem:$0x1E700] =	vst v63  }
0xa8: {  	_ =	swait.ge [sflag:s30], $0x2000  }
0xa9: {  	[sflag:s30] =	ssyncset.done $0x0  }
0xaa: {  	[sflag:s30] =	ssyncadd.s32 $0xFFFFE000  }
0xab: {  	[tilespmem:s26], [sflag:$0x1] =	stream.indirect.gather [hbm4b:s6+s25], $0x10, s8, s25, $0xb8;
	[tilespmem:$0x1E700] =	vst v63  }
0xac: {  	_ =	swait.ge [sflag:s0], $0x2000  }
0xad: {  	[sflag:s0] =	ssyncset.done $0x0  }
0xae: {  	[sflag:s0] =	ssyncadd.s32 $0xFFFFE000  }
0xaf: {  	[spmem:s2] =	stream.indirect.scatter.add.f32 [tilespmem:s28], [sflag:$0x4], $0x10, s21, s25, $0xb8;
	[tilespmem:$0x1E700] =	vst v63  }
0xb0: {  	_ =	swait.ge [sflag:s11], $0x2000  }
0xb1: {  	[sflag:s11] =	ssyncset.done $0x0  }
0xb2: {  	s21 =	simm.s32 $0xE00;
	[sflag:s11] =	ssyncadd.s32 $0xFFFFE000  }
0xb3: {  	[tilespmem:s28], [sflag:$0x2] =	stream.indirect.gather [hbm4b:s6+s25], $0x10, s21, s25, $0xb8;
	[tilespmem:$0x1E700] =	vst v63  }
0xb4: {  	_ =	swait.ge [sflag:s29], $0x2000  }
0xb5: {  	[sflag:s29] =	ssyncset.done $0x0  }
0xb6: {  	s22 =	simm.s32 $0x1C00;
	[sflag:s29] =	ssyncadd.s32 $0xFFFFE000  }
0xb7: {  	[spmem:s2] =	stream.indirect.scatter.add.f32 [tilespmem:s26], [sflag:$0x3], $0x10, s22, s25, $0xb8;
	[tilespmem:$0x1E700] =	vst v63  }
0xb8: {  	_ =	swait.ge [sflag:s0], $0x2000  }
0xb9: {  	[sflag:s0] =	ssyncset.done $0x0  }
0xba: {  	s1 =	simm.s32 $0x400;
	s31 =	simm.s32 $0x1E00;
	[sflag:s0] =	ssyncadd.s32 $0xFFFFE000  }
0xbb: {  	[spmem:s2] =	stream.indirect.scatter.add.f32 [tilespmem:s28], [sflag:$0x4], $0x10, s31, s25, $0xb8;
	[tilespmem:$0x1E700] =	vst v63  }
0xbc: {  	s14 =	simm.s32 $0x1400;
	s15 =	simm.s32 $0x800;
	_ =	swait.ge [sflag:s30], $0x2000  }
0xbd: {  	s16 =	simm.s32 $0x1600;
	s9 =	simm.s32 $0xA00;
	[sflag:s30] =	ssyncset.done $0x0  }
0xbe: {  	s10 =	simm.s32 $0x1800;
	s18 =	simm.s32 $0xC00;
	[sflag:s30] =	ssyncadd.s32 $0xFFFFE000  }
0xbf: {  	s17 =	simm.s32 $0x1A00;
	s8 =	simm.s32 $0xE00;
	_ =	swait.ge [sflag:s11], $0x2000  }
0xc0: {  	s21 =	simm.s32 $0x1C00;
	s22 =	simm.s32 $0x200;
	[sflag:s11] =	ssyncset.done $0x0  }
.LBB2_8:
0xc1: {  	s12 =	sadd.s32 s22, s20  }
0xc2: {  	[sflag:s11] =	ssyncadd.s32 $0xFFFFE000;
	s13 =	smov.u32 s1;
	s31 =	sadd.s32 $0x200, s1  }
0xc3: {  	[tilespmem:s3], [sflag:$0x5] =	stream.linear.gather [hbm4b:s12+s3], $0x1000, $0x38;
	[tilespmem:$0x1E700] =	vst v63  }
0xc4: {  	p1 =	sne.s32 s1, $0x3000;
	_ =	swait.ge [sflag:s23], $0x1000  }
0xc5: {  	s1 =	sadd.s32 s22, s19;
	[sflag:s23] =	ssyncset.done $0x0  }
0xc6: {  	s22 =	smov.u32 s13;
	s12 =	simm.s32 $0x400;
	[sflag:s23] =	ssyncadd.s32 $0xFFFFF000  }
0xc7: {  	[tilespmem:s24], [sflag:$0x5] =	stream.linear.gather [hbm4b:s1+s3], $0x1000, $0x38;
	[tilespmem:$0x1E700] =	vst v63  }
0xc8: {  	_ =	swait.ge [sflag:s23], $0x1000  }
0xc9: {  	[sflag:s23] =	ssyncset.done $0x0  }
0xca: {  	[sflag:s23] =	ssyncadd.s32 $0xFFFFF000  }
0xcb: {  	[tilespmem:s26], [sflag:$0x1] =	stream.indirect.gather [hbm4b:s6+s25], $0x10, s3, s25, $0xb8;
	[tilespmem:$0x1E700] =	vst v63  }
0xcc: {  	_ = 	snop  }
0xcd: {  	[tilespmem:s28], [sflag:$0x2] =	stream.indirect.gather [hbm4b:s6+s25], $0x10, s25, s25, $0xb8;
	[tilespmem:$0x1E700] =	vst v63  }
0xce: {  	_ =	swait.ge [sflag:s29], $0x2000  }
0xcf: {  	[sflag:s29] =	ssyncset.done $0x0  }
0xd0: {  	[sflag:s29] =	ssyncadd.s32 $0xFFFFE000  }
0xd1: {  	[spmem:s2] =	stream.indirect.scatter.add.f32 [tilespmem:s26], [sflag:$0x3], $0x10, s24, s25, $0xb8;
	[tilespmem:$0x1E700] =	vst v63  }
0xd2: {  	_ =	swait.ge [sflag:s30], $0x2000  }
0xd3: {  	[sflag:s30] =	ssyncset.done $0x0  }
0xd4: {  	[sflag:s30] =	ssyncadd.s32 $0xFFFFE000  }
0xd5: {  	[tilespmem:s26], [sflag:$0x1] =	stream.indirect.gather [hbm4b:s6+s25], $0x10, s12, s25, $0xb8;
	[tilespmem:$0x1E700] =	vst v63  }
0xd6: {  	_ =	swait.ge [sflag:s0], $0x2000  }
0xd7: {  	[sflag:s0] =	ssyncset.done $0x0  }
0xd8: {  	s1 =	simm.s32 $0x1200;
	[sflag:s0] =	ssyncadd.s32 $0xFFFFE000  }
0xd9: {  	[spmem:s2] =	stream.indirect.scatter.add.f32 [tilespmem:s28], [sflag:$0x4], $0x10, s1, s25, $0xb8;
	[tilespmem:$0x1E700] =	vst v63  }
0xda: {  	_ =	swait.ge [sflag:s11], $0x2000  }
0xdb: {  	[sflag:s11] =	ssyncset.done $0x0  }
0xdc: {  	s1 =	simm.s32 $0x600;
	[sflag:s11] =	ssyncadd.s32 $0xFFFFE000  }
0xdd: {  	[tilespmem:s28], [sflag:$0x2] =	stream.indirect.gather [hbm4b:s6+s25], $0x10, s1, s25, $0xb8;
	[tilespmem:$0x1E700] =	vst v63  }
0xde: {  	_ =	swait.ge [sflag:s29], $0x2000  }
0xdf: {  	[sflag:s29] =	ssyncset.done $0x0  }
0xe0: {  	[sflag:s29] =	ssyncadd.s32 $0xFFFFE000  }
0xe1: {  	[spmem:s2] =	stream.indirect.scatter.add.f32 [tilespmem:s26], [sflag:$0x3], $0x10, s14, s25, $0xb8;
	[tilespmem:$0x1E700] =	vst v63  }
0xe2: {  	_ =	swait.ge [sflag:s30], $0x2000  }
0xe3: {  	[sflag:s30] =	ssyncset.done $0x0  }
0xe4: {  	[sflag:s30] =	ssyncadd.s32 $0xFFFFE000  }
0xe5: {  	[tilespmem:s26], [sflag:$0x1] =	stream.indirect.gather [hbm4b:s6+s25], $0x10, s15, s25, $0xb8;
	[tilespmem:$0x1E700] =	vst v63  }
0xe6: {  	_ =	swait.ge [sflag:s0], $0x2000  }
0xe7: {  	[sflag:s0] =	ssyncset.done $0x0  }
0xe8: {  	[sflag:s0] =	ssyncadd.s32 $0xFFFFE000  }
0xe9: {  	[spmem:s2] =	stream.indirect.scatter.add.f32 [tilespmem:s28], [sflag:$0x4], $0x10, s16, s25, $0xb8;
	[tilespmem:$0x1E700] =	vst v63  }
0xea: {  	_ =	swait.ge [sflag:s11], $0x2000  }
0xeb: {  	[sflag:s11] =	ssyncset.done $0x0  }
0xec: {  	[sflag:s11] =	ssyncadd.s32 $0xFFFFE000  }
0xed: {  	[tilespmem:s28], [sflag:$0x2] =	stream.indirect.gather [hbm4b:s6+s25], $0x10, s9, s25, $0xb8;
	[tilespmem:$0x1E700] =	vst v63  }
0xee: {  	_ =	swait.ge [sflag:s29], $0x2000  }
0xef: {  	[sflag:s29] =	ssyncset.done $0x0  }
0xf0: {  	[sflag:s29] =	ssyncadd.s32 $0xFFFFE000  }
0xf1: {  	[spmem:s2] =	stream.indirect.scatter.add.f32 [tilespmem:s26], [sflag:$0x3], $0x10, s10, s25, $0xb8;
	[tilespmem:$0x1E700] =	vst v63  }
0xf2: {  	_ =	swait.ge [sflag:s30], $0x2000  }
0xf3: {  	[sflag:s30] =	ssyncset.done $0x0  }
0xf4: {  	[sflag:s30] =	ssyncadd.s32 $0xFFFFE000  }
0xf5: {  	[tilespmem:s26], [sflag:$0x1] =	stream.indirect.gather [hbm4b:s6+s25], $0x10, s18, s25, $0xb8;
	[tilespmem:$0x1E700] =	vst v63  }
0xf6: {  	_ =	swait.ge [sflag:s0], $0x2000  }
0xf7: {  	[sflag:s0] =	ssyncset.done $0x0  }
0xf8: {  	[sflag:s0] =	ssyncadd.s32 $0xFFFFE000  }
0xf9: {  	[spmem:s2] =	stream.indirect.scatter.add.f32 [tilespmem:s28], [sflag:$0x4], $0x10, s17, s25, $0xb8;
	[tilespmem:$0x1E700] =	vst v63  }
0xfa: {  	_ =	swait.ge [sflag:s11], $0x2000  }
0xfb: {  	[sflag:s11] =	ssyncset.done $0x0  }
0xfc: {  	[sflag:s11] =	ssyncadd.s32 $0xFFFFE000  }
0xfd: {  	[tilespmem:s28], [sflag:$0x2] =	stream.indirect.gather [hbm4b:s6+s25], $0x10, s8, s25, $0xb8;
	[tilespmem:$0x1E700] =	vst v63  }
0xfe: {  	_ =	swait.ge [sflag:s29], $0x2000  }
0xff: {  	[sflag:s29] =	ssyncset.done $0x0  }
0x100: {  	[sflag:s29] =	ssyncadd.s32 $0xFFFFE000  }
0x101: {  	[spmem:s2] =	stream.indirect.scatter.add.f32 [tilespmem:s26], [sflag:$0x3], $0x10, s21, s25, $0xb8;
	[tilespmem:$0x1E700] =	vst v63  }
0x102: {  	_ =	swait.ge [sflag:s0], $0x2000  }
0x103: {  	[sflag:s0] =	ssyncset.done $0x0  }
0x104: {  	s1 =	simm.s32 $0x1E00;
	[sflag:s0] =	ssyncadd.s32 $0xFFFFE000  }
0x105: {  	[spmem:s2] =	stream.indirect.scatter.add.f32 [tilespmem:s28], [sflag:$0x4], $0x10, s1, s25, $0xb8;
	[tilespmem:$0x1E700] =	vst v63  }
.Ltmp3:
0x106: {  	_ =	swait.ge [sflag:s30], $0x2000;
	(pc) =	sbr.rel @p1 .LBB2_8-.Ltmp3, $4  }
0x107: {  	[sflag:s30] =	ssyncset.done $0x0  }
0x108: {  	[sflag:s30] =	ssyncadd.s32 $0xFFFFE000  }
0x109: {  	_ =	swait.ge [sflag:s11], $0x2000  }
0x10a: {  	s1 =	smov.u32 s31;
	[sflag:s11] =	ssyncset.done $0x0  }
0x10b: {  	s1 =	sadd.s32 s22, s20;
	[sflag:s11] =	ssyncadd.s32 $0xFFFFE000  }
0x10c: {  	[tilespmem:s3], [sflag:$0x5] =	stream.linear.gather [hbm4b:s1+s3], $0x1000, $0x38;
	[tilespmem:$0x1E700] =	vst v63  }
0x10d: {  	_ =	swait.ge [sflag:s23], $0x1000  }
0x10e: {  	[sflag:s23] =	ssyncset.done $0x0  }
0x10f: {  	s10 =	sadd.s32 s22, s19;
	[sflag:s23] =	ssyncadd.s32 $0xFFFFF000  }
0x110: {  	[tilespmem:s24], [sflag:$0x5] =	stream.linear.gather [hbm4b:s10+s3], $0x1000, $0x38;
	[tilespmem:$0x1E700] =	vst v63  }
0x111: {  	_ =	swait.ge [sflag:s23], $0x1000  }
0x112: {  	[sflag:s23] =	ssyncset.done $0x0  }
0x113: {  	[sflag:s23] =	ssyncadd.s32 $0xFFFFF000  }
0x114: {  	[tilespmem:s26], [sflag:$0x1] =	stream.indirect.gather [hbm4b:s6+s25], $0x10, s3, s25, $0xb8;
	[tilespmem:$0x1E700] =	vst v63  }
0x115: {  	_ = 	snop  }
0x116: {  	[tilespmem:s28], [sflag:$0x2] =	stream.indirect.gather [hbm4b:s6+s25], $0x10, s25, s25, $0xb8;
	[tilespmem:$0x1E700] =	vst v63  }
0x117: {  	_ =	swait.ge [sflag:s29], $0x2000  }
0x118: {  	[sflag:s29] =	ssyncset.done $0x0  }
0x119: {  	[sflag:s29] =	ssyncadd.s32 $0xFFFFE000  }
0x11a: {  	[spmem:s2] =	stream.indirect.scatter.add.f32 [tilespmem:s26], [sflag:$0x3], $0x10, s24, s25, $0xb8;
	[tilespmem:$0x1E700] =	vst v63  }
0x11b: {  	_ =	swait.ge [sflag:s30], $0x2000  }
0x11c: {  	[sflag:s30] =	ssyncset.done $0x0  }
0x11d: {  	[sflag:s30] =	ssyncadd.s32 $0xFFFFE000  }
0x11e: {  	[tilespmem:s26], [sflag:$0x1] =	stream.indirect.gather [hbm4b:s6+s25], $0x10, s12, s25, $0xb8;
	[tilespmem:$0x1E700] =	vst v63  }
0x11f: {  	_ =	swait.ge [sflag:s0], $0x2000  }
0x120: {  	[sflag:s0] =	ssyncset.done $0x0  }
0x121: {  	s31 =	simm.s32 $0x1200;
	[sflag:s0] =	ssyncadd.s32 $0xFFFFE000  }
0x122: {  	[spmem:s2] =	stream.indirect.scatter.add.f32 [tilespmem:s28], [sflag:$0x4], $0x10, s31, s25, $0xb8;
	[tilespmem:$0x1E700] =	vst v63  }
0x123: {  	_ =	swait.ge [sflag:s11], $0x2000  }
0x124: {  	[sflag:s11] =	ssyncset.done $0x0  }
0x125: {  	s14 =	simm.s32 $0x600;
	[sflag:s11] =	ssyncadd.s32 $0xFFFFE000  }
0x126: {  	[tilespmem:s28], [sflag:$0x2] =	stream.indirect.gather [hbm4b:s6+s25], $0x10, s14, s25, $0xb8;
	[tilespmem:$0x1E700] =	vst v63  }
0x127: {  	_ =	swait.ge [sflag:s29], $0x2000  }
0x128: {  	[sflag:s29] =	ssyncset.done $0x0  }
0x129: {  	s15 =	simm.s32 $0x1400;
	[sflag:s29] =	ssyncadd.s32 $0xFFFFE000  }
0x12a: {  	[spmem:s2] =	stream.indirect.scatter.add.f32 [tilespmem:s26], [sflag:$0x3], $0x10, s15, s25, $0xb8;
	[tilespmem:$0x1E700] =	vst v63  }
0x12b: {  	_ =	swait.ge [sflag:s30], $0x2000  }
0x12c: {  	[sflag:s30] =	ssyncset.done $0x0  }
0x12d: {  	s16 =	simm.s32 $0x800;
	[sflag:s30] =	ssyncadd.s32 $0xFFFFE000  }
0x12e: {  	[tilespmem:s26], [sflag:$0x1] =	stream.indirect.gather [hbm4b:s6+s25], $0x10, s16, s25, $0xb8;
	[tilespmem:$0x1E700] =	vst v63  }
0x12f: {  	_ =	swait.ge [sflag:s0], $0x2000  }
0x130: {  	[sflag:s0] =	ssyncset.done $0x0  }
0x131: {  	s9 =	simm.s32 $0x1600;
	[sflag:s0] =	ssyncadd.s32 $0xFFFFE000  }
0x132: {  	[spmem:s2] =	stream.indirect.scatter.add.f32 [tilespmem:s28], [sflag:$0x4], $0x10, s9, s25, $0xb8;
	[tilespmem:$0x1E700] =	vst v63  }
0x133: {  	_ =	swait.ge [sflag:s11], $0x2000  }
0x134: {  	[sflag:s11] =	ssyncset.done $0x0  }
0x135: {  	s10 =	simm.s32 $0xA00;
	[sflag:s11] =	ssyncadd.s32 $0xFFFFE000  }
0x136: {  	[tilespmem:s28], [sflag:$0x2] =	stream.indirect.gather [hbm4b:s6+s25], $0x10, s10, s25, $0xb8;
	[tilespmem:$0x1E700] =	vst v63  }
0x137: {  	_ =	swait.ge [sflag:s29], $0x2000  }
0x138: {  	[sflag:s29] =	ssyncset.done $0x0  }
0x139: {  	s18 =	simm.s32 $0x1800;
	[sflag:s29] =	ssyncadd.s32 $0xFFFFE000  }
0x13a: {  	[spmem:s2] =	stream.indirect.scatter.add.f32 [tilespmem:s26], [sflag:$0x3], $0x10, s18, s25, $0xb8;
	[tilespmem:$0x1E700] =	vst v63  }
0x13b: {  	_ =	swait.ge [sflag:s30], $0x2000  }
0x13c: {  	[sflag:s30] =	ssyncset.done $0x0  }
0x13d: {  	s17 =	simm.s32 $0xC00;
	[sflag:s30] =	ssyncadd.s32 $0xFFFFE000  }
0x13e: {  	[tilespmem:s26], [sflag:$0x1] =	stream.indirect.gather [hbm4b:s6+s25], $0x10, s17, s25, $0xb8;
	[tilespmem:$0x1E700] =	vst v63  }
0x13f: {  	_ =	swait.ge [sflag:s0], $0x2000  }
0x140: {  	[sflag:s0] =	ssyncset.done $0x0  }
0x141: {  	s8 =	simm.s32 $0x1A00;
	[sflag:s0] =	ssyncadd.s32 $0xFFFFE000  }
0x142: {  	[spmem:s2] =	stream.indirect.scatter.add.f32 [tilespmem:s28], [sflag:$0x4], $0x10, s8, s25, $0xb8;
	[tilespmem:$0x1E700] =	vst v63  }
0x143: {  	_ =	swait.ge [sflag:s11], $0x2000  }
0x144: {  	[sflag:s11] =	ssyncset.done $0x0  }
0x145: {  	s21 =	simm.s32 $0xE00;
	[sflag:s11] =	ssyncadd.s32 $0xFFFFE000  }
0x146: {  	[tilespmem:s28], [sflag:$0x2] =	stream.indirect.gather [hbm4b:s6+s25], $0x10, s21, s25, $0xb8;
	[tilespmem:$0x1E700] =	vst v63  }
0x147: {  	_ =	swait.ge [sflag:s29], $0x2000  }
0x148: {  	[sflag:s29] =	ssyncset.done $0x0  }
0x149: {  	s22 =	simm.s32 $0x1C00;
	[sflag:s29] =	ssyncadd.s32 $0xFFFFE000  }
0x14a: {  	[spmem:s2] =	stream.indirect.scatter.add.f32 [tilespmem:s26], [sflag:$0x3], $0x10, s22, s25, $0xb8;
	[tilespmem:$0x1E700] =	vst v63  }
0x14b: {  	_ =	swait.ge [sflag:s0], $0x2000  }
0x14c: {  	[sflag:s0] =	ssyncset.done $0x0  }
0x14d: {  	s12 =	simm.s32 $0x1E00;
	[sflag:s0] =	ssyncadd.s32 $0xFFFFE000  }
0x14e: {  	[spmem:s2] =	stream.indirect.scatter.add.f32 [tilespmem:s28], [sflag:$0x4], $0x10, s12, s25, $0xb8;
	[tilespmem:$0x1E700] =	vst v63  }
0x14f: {  	_ =	swait.ge [sflag:s30], $0x2000  }
0x150: {  	[sflag:s30] =	ssyncset.done $0x0  }
0x151: {  	[sflag:s30] =	ssyncadd.s32 $0xFFFFE000  }
0x152: {  	_ =	swait.ge [sflag:s11], $0x2000  }
0x153: {  	[sflag:s11] =	ssyncset.done $0x0  }
0x154: {  	[sflag:s11] =	ssyncadd.s32 $0xFFFFE000  }
0x155: {  	[bflag:$0x0] =	sbarrier.arrive $0xFFFF  }
0x156: {  	s1 =	rddreg [dreg:$0xa]  }
0x157: {  	s12 =	rddreg [dreg:$0xe]  }
0x158: {  	s13 =	rddreg [dreg:$0xf]  }
0x159: {  	[hbm:s1], [sflag:s12] =	dma.local [spmem:s13], $0x30E0  }
0x15a: {  	_ =	swait.ge [sflag:s23], $0x30E0  }
0x15b: {  	[sflag:s23] =	ssyncset.done $0x0  }
0x15c: {  	s1 =	rddreg [dreg:$0xb];
	[sflag:s23] =	ssyncadd.s32 $0xFFFFCF20  }
0x15d: {  	[spmem:s13], [sflag:s12] =	dma.local [hbm:s1], $0x30E0  }
0x15e: {  	_ =	swait.ge [sflag:s23], $0x30E0  }
0x15f: {  	[sflag:s23] =	ssyncset.done $0x0  }
0x160: {  	[sflag:s23] =	ssyncadd.s32 $0xFFFFCF20  }
0x161: {  	s13 =	sadd.s32 $0x0, s20;
	[bflag:$0x0] =	sbarrier.arrive $0xFFFF  }
0x162: {  	[tilespmem:s3], [sflag:$0x5] =	stream.linear.gather [hbm4b:s13+s3], $0x1000, $0x38;
	[tilespmem:$0x1E700] =	vst v63  }
0x163: {  	_ =	swait.ge [sflag:s23], $0x1000  }
0x164: {  	[sflag:s23] =	ssyncset.done $0x0  }
0x165: {  	s13 =	sadd.s32 $0x0, s19;
	[sflag:s23] =	ssyncadd.s32 $0xFFFFF000  }
0x166: {  	[tilespmem:s24], [sflag:$0x5] =	stream.linear.gather [hbm4b:s13+s3], $0x1000, $0x38;
	[tilespmem:$0x1E700] =	vst v63  }
0x167: {  	_ =	swait.ge [sflag:s23], $0x1000  }
0x168: {  	[sflag:s23] =	ssyncset.done $0x0  }
0x169: {  	[sflag:s23] =	ssyncadd.s32 $0xFFFFF000  }
0x16a: {  	[tilespmem:s26], [sflag:$0x1] =	stream.indirect.gather [hbm4b:s7+s25], $0x10, s3, s25, $0xb8;
	[tilespmem:$0x1E700] =	vst v63  }
0x16b: {  	_ = 	snop  }
0x16c: {  	[tilespmem:s28], [sflag:$0x2] =	stream.indirect.gather [hbm4b:s7+s25], $0x10, s25, s25, $0xb8;
	[tilespmem:$0x1E700] =	vst v63  }
0x16d: {  	_ =	swait.ge [sflag:s29], $0x2000  }
0x16e: {  	[sflag:s29] =	ssyncset.done $0x0  }
0x16f: {  	[sflag:s29] =	ssyncadd.s32 $0xFFFFE000  }
0x170: {  	[spmem:s2] =	stream.indirect.scatter.add.f32 [tilespmem:s26], [sflag:$0x3], $0x10, s24, s25, $0xb8;
	[tilespmem:$0x1E700] =	vst v63  }
0x171: {  	_ =	swait.ge [sflag:s30], $0x2000  }
0x172: {  	[sflag:s30] =	ssyncset.done $0x0  }
0x173: {  	s12 =	simm.s32 $0x400;
	[sflag:s30] =	ssyncadd.s32 $0xFFFFE000  }
0x174: {  	[tilespmem:s26], [sflag:$0x1] =	stream.indirect.gather [hbm4b:s7+s25], $0x10, s12, s25, $0xb8;
	[tilespmem:$0x1E700] =	vst v63  }
0x175: {  	_ =	swait.ge [sflag:s0], $0x2000  }
0x176: {  	[sflag:s0] =	ssyncset.done $0x0  }
0x177: {  	[sflag:s0] =	ssyncadd.s32 $0xFFFFE000  }
0x178: {  	[spmem:s2] =	stream.indirect.scatter.add.f32 [tilespmem:s28], [sflag:$0x4], $0x10, s31, s25, $0xb8;
	[tilespmem:$0x1E700] =	vst v63  }
0x179: {  	_ =	swait.ge [sflag:s11], $0x2000  }
0x17a: {  	[sflag:s11] =	ssyncset.done $0x0  }
0x17b: {  	[sflag:s11] =	ssyncadd.s32 $0xFFFFE000  }
0x17c: {  	[tilespmem:s28], [sflag:$0x2] =	stream.indirect.gather [hbm4b:s7+s25], $0x10, s14, s25, $0xb8;
	[tilespmem:$0x1E700] =	vst v63  }
0x17d: {  	_ =	swait.ge [sflag:s29], $0x2000  }
0x17e: {  	[sflag:s29] =	ssyncset.done $0x0  }
0x17f: {  	[sflag:s29] =	ssyncadd.s32 $0xFFFFE000  }
0x180: {  	[spmem:s2] =	stream.indirect.scatter.add.f32 [tilespmem:s26], [sflag:$0x3], $0x10, s15, s25, $0xb8;
	[tilespmem:$0x1E700] =	vst v63  }
0x181: {  	_ =	swait.ge [sflag:s30], $0x2000  }
0x182: {  	[sflag:s30] =	ssyncset.done $0x0  }
0x183: {  	[sflag:s30] =	ssyncadd.s32 $0xFFFFE000  }
0x184: {  	[tilespmem:s26], [sflag:$0x1] =	stream.indirect.gather [hbm4b:s7+s25], $0x10, s16, s25, $0xb8;
	[tilespmem:$0x1E700] =	vst v63  }
0x185: {  	_ =	swait.ge [sflag:s0], $0x2000  }
0x186: {  	[sflag:s0] =	ssyncset.done $0x0  }
0x187: {  	[sflag:s0] =	ssyncadd.s32 $0xFFFFE000  }
0x188: {  	[spmem:s2] =	stream.indirect.scatter.add.f32 [tilespmem:s28], [sflag:$0x4], $0x10, s9, s25, $0xb8;
	[tilespmem:$0x1E700] =	vst v63  }
0x189: {  	_ =	swait.ge [sflag:s11], $0x2000  }
0x18a: {  	[sflag:s11] =	ssyncset.done $0x0  }
0x18b: {  	[sflag:s11] =	ssyncadd.s32 $0xFFFFE000  }
0x18c: {  	[tilespmem:s28], [sflag:$0x2] =	stream.indirect.gather [hbm4b:s7+s25], $0x10, s10, s25, $0xb8;
	[tilespmem:$0x1E700] =	vst v63  }
0x18d: {  	_ =	swait.ge [sflag:s29], $0x2000  }
0x18e: {  	[sflag:s29] =	ssyncset.done $0x0  }
0x18f: {  	[sflag:s29] =	ssyncadd.s32 $0xFFFFE000  }
0x190: {  	[spmem:s2] =	stream.indirect.scatter.add.f32 [tilespmem:s26], [sflag:$0x3], $0x10, s18, s25, $0xb8;
	[tilespmem:$0x1E700] =	vst v63  }
0x191: {  	_ =	swait.ge [sflag:s30], $0x2000  }
0x192: {  	[sflag:s30] =	ssyncset.done $0x0  }
0x193: {  	[sflag:s30] =	ssyncadd.s32 $0xFFFFE000  }
0x194: {  	[tilespmem:s26], [sflag:$0x1] =	stream.indirect.gather [hbm4b:s7+s25], $0x10, s17, s25, $0xb8;
	[tilespmem:$0x1E700] =	vst v63  }
0x195: {  	_ =	swait.ge [sflag:s0], $0x2000  }
0x196: {  	[sflag:s0] =	ssyncset.done $0x0  }
0x197: {  	[sflag:s0] =	ssyncadd.s32 $0xFFFFE000  }
0x198: {  	[spmem:s2] =	stream.indirect.scatter.add.f32 [tilespmem:s28], [sflag:$0x4], $0x10, s8, s25, $0xb8;
	[tilespmem:$0x1E700] =	vst v63  }
0x199: {  	_ =	swait.ge [sflag:s11], $0x2000  }
0x19a: {  	[sflag:s11] =	ssyncset.done $0x0  }
0x19b: {  	[sflag:s11] =	ssyncadd.s32 $0xFFFFE000  }
0x19c: {  	[tilespmem:s28], [sflag:$0x2] =	stream.indirect.gather [hbm4b:s7+s25], $0x10, s21, s25, $0xb8;
	[tilespmem:$0x1E700] =	vst v63  }
0x19d: {  	_ =	swait.ge [sflag:s29], $0x2000  }
0x19e: {  	[sflag:s29] =	ssyncset.done $0x0  }
0x19f: {  	[sflag:s29] =	ssyncadd.s32 $0xFFFFE000  }
0x1a0: {  	[spmem:s2] =	stream.indirect.scatter.add.f32 [tilespmem:s26], [sflag:$0x3], $0x10, s22, s25, $0xb8;
	[tilespmem:$0x1E700] =	vst v63  }
0x1a1: {  	_ =	swait.ge [sflag:s0], $0x2000  }
0x1a2: {  	[sflag:s0] =	ssyncset.done $0x0  }
0x1a3: {  	s1 =	simm.s32 $0x400;
	s31 =	simm.s32 $0x1E00;
	[sflag:s0] =	ssyncadd.s32 $0xFFFFE000  }
0x1a4: {  	[spmem:s2] =	stream.indirect.scatter.add.f32 [tilespmem:s28], [sflag:$0x4], $0x10, s31, s25, $0xb8;
	[tilespmem:$0x1E700] =	vst v63  }
0x1a5: {  	s14 =	simm.s32 $0x1400;
	s15 =	simm.s32 $0x800;
	_ =	swait.ge [sflag:s30], $0x2000  }
0x1a6: {  	s16 =	simm.s32 $0x1600;
	s9 =	simm.s32 $0xA00;
	[sflag:s30] =	ssyncset.done $0x0  }
0x1a7: {  	s10 =	simm.s32 $0x1800;
	s18 =	simm.s32 $0xC00;
	[sflag:s30] =	ssyncadd.s32 $0xFFFFE000  }
0x1a8: {  	s17 =	simm.s32 $0x1A00;
	s8 =	simm.s32 $0xE00;
	_ =	swait.ge [sflag:s11], $0x2000  }
0x1a9: {  	s21 =	simm.s32 $0x1C00;
	s22 =	simm.s32 $0x200;
	[sflag:s11] =	ssyncset.done $0x0  }
.LBB2_10:
0x1aa: {  	s12 =	sadd.s32 s22, s20  }
0x1ab: {  	[sflag:s11] =	ssyncadd.s32 $0xFFFFE000;
	s13 =	smov.u32 s1;
	s31 =	sadd.s32 $0x200, s1  }
0x1ac: {  	[tilespmem:s3], [sflag:$0x5] =	stream.linear.gather [hbm4b:s12+s3], $0x1000, $0x38;
	[tilespmem:$0x1E700] =	vst v63  }
0x1ad: {  	s12 =	simm.s32 $0x1E00  }
0x1ae: {  	p1 =	sne.s32 s1, $0x3000;
	_ =	swait.ge [sflag:s23], $0x1000  }
0x1af: {  	s1 =	sadd.s32 s22, s19;
	[sflag:s23] =	ssyncset.done $0x0  }
0x1b0: {  	s22 =	smov.u32 s13;
	s13 =	simm.s32 $0x400;
	[sflag:s23] =	ssyncadd.s32 $0xFFFFF000  }
0x1b1: {  	[tilespmem:s24], [sflag:$0x5] =	stream.linear.gather [hbm4b:s1+s3], $0x1000, $0x38;
	[tilespmem:$0x1E700] =	vst v63  }
0x1b2: {  	_ =	swait.ge [sflag:s23], $0x1000  }
0x1b3: {  	[sflag:s23] =	ssyncset.done $0x0  }
0x1b4: {  	[sflag:s23] =	ssyncadd.s32 $0xFFFFF000  }
0x1b5: {  	[tilespmem:s26], [sflag:$0x1] =	stream.indirect.gather [hbm4b:s7+s25], $0x10, s3, s25, $0xb8;
	[tilespmem:$0x1E700] =	vst v63  }
0x1b6: {  	_ = 	snop  }
0x1b7: {  	[tilespmem:s28], [sflag:$0x2] =	stream.indirect.gather [hbm4b:s7+s25], $0x10, s25, s25, $0xb8;
	[tilespmem:$0x1E700] =	vst v63  }
0x1b8: {  	_ =	swait.ge [sflag:s29], $0x2000  }
0x1b9: {  	[sflag:s29] =	ssyncset.done $0x0  }
0x1ba: {  	[sflag:s29] =	ssyncadd.s32 $0xFFFFE000  }
0x1bb: {  	[spmem:s2] =	stream.indirect.scatter.add.f32 [tilespmem:s26], [sflag:$0x3], $0x10, s24, s25, $0xb8;
	[tilespmem:$0x1E700] =	vst v63  }
0x1bc: {  	_ =	swait.ge [sflag:s30], $0x2000  }
0x1bd: {  	[sflag:s30] =	ssyncset.done $0x0  }
0x1be: {  	[sflag:s30] =	ssyncadd.s32 $0xFFFFE000  }
0x1bf: {  	[tilespmem:s26], [sflag:$0x1] =	stream.indirect.gather [hbm4b:s7+s25], $0x10, s13, s25, $0xb8;
	[tilespmem:$0x1E700] =	vst v63  }
0x1c0: {  	_ =	swait.ge [sflag:s0], $0x2000  }
0x1c1: {  	[sflag:s0] =	ssyncset.done $0x0  }
0x1c2: {  	s1 =	simm.s32 $0x1200;
	[sflag:s0] =	ssyncadd.s32 $0xFFFFE000  }
0x1c3: {  	[spmem:s2] =	stream.indirect.scatter.add.f32 [tilespmem:s28], [sflag:$0x4], $0x10, s1, s25, $0xb8;
	[tilespmem:$0x1E700] =	vst v63  }
0x1c4: {  	_ =	swait.ge [sflag:s11], $0x2000  }
0x1c5: {  	[sflag:s11] =	ssyncset.done $0x0  }
0x1c6: {  	s1 =	simm.s32 $0x600;
	[sflag:s11] =	ssyncadd.s32 $0xFFFFE000  }
0x1c7: {  	[tilespmem:s28], [sflag:$0x2] =	stream.indirect.gather [hbm4b:s7+s25], $0x10, s1, s25, $0xb8;
	[tilespmem:$0x1E700] =	vst v63  }
0x1c8: {  	_ =	swait.ge [sflag:s29], $0x2000  }
0x1c9: {  	[sflag:s29] =	ssyncset.done $0x0  }
0x1ca: {  	[sflag:s29] =	ssyncadd.s32 $0xFFFFE000  }
0x1cb: {  	[spmem:s2] =	stream.indirect.scatter.add.f32 [tilespmem:s26], [sflag:$0x3], $0x10, s14, s25, $0xb8;
	[tilespmem:$0x1E700] =	vst v63  }
0x1cc: {  	_ =	swait.ge [sflag:s30], $0x2000  }
0x1cd: {  	[sflag:s30] =	ssyncset.done $0x0  }
0x1ce: {  	[sflag:s30] =	ssyncadd.s32 $0xFFFFE000  }
0x1cf: {  	[tilespmem:s26], [sflag:$0x1] =	stream.indirect.gather [hbm4b:s7+s25], $0x10, s15, s25, $0xb8;
	[tilespmem:$0x1E700] =	vst v63  }
0x1d0: {  	_ =	swait.ge [sflag:s0], $0x2000  }
0x1d1: {  	[sflag:s0] =	ssyncset.done $0x0  }
0x1d2: {  	[sflag:s0] =	ssyncadd.s32 $0xFFFFE000  }
0x1d3: {  	[spmem:s2] =	stream.indirect.scatter.add.f32 [tilespmem:s28], [sflag:$0x4], $0x10, s16, s25, $0xb8;
	[tilespmem:$0x1E700] =	vst v63  }
0x1d4: {  	_ =	swait.ge [sflag:s11], $0x2000  }
0x1d5: {  	[sflag:s11] =	ssyncset.done $0x0  }
0x1d6: {  	[sflag:s11] =	ssyncadd.s32 $0xFFFFE000  }
0x1d7: {  	[tilespmem:s28], [sflag:$0x2] =	stream.indirect.gather [hbm4b:s7+s25], $0x10, s9, s25, $0xb8;
	[tilespmem:$0x1E700] =	vst v63  }
0x1d8: {  	_ =	swait.ge [sflag:s29], $0x2000  }
0x1d9: {  	[sflag:s29] =	ssyncset.done $0x0  }
0x1da: {  	[sflag:s29] =	ssyncadd.s32 $0xFFFFE000  }
0x1db: {  	[spmem:s2] =	stream.indirect.scatter.add.f32 [tilespmem:s26], [sflag:$0x3], $0x10, s10, s25, $0xb8;
	[tilespmem:$0x1E700] =	vst v63  }
0x1dc: {  	_ =	swait.ge [sflag:s30], $0x2000  }
0x1dd: {  	[sflag:s30] =	ssyncset.done $0x0  }
0x1de: {  	[sflag:s30] =	ssyncadd.s32 $0xFFFFE000  }
0x1df: {  	[tilespmem:s26], [sflag:$0x1] =	stream.indirect.gather [hbm4b:s7+s25], $0x10, s18, s25, $0xb8;
	[tilespmem:$0x1E700] =	vst v63  }
0x1e0: {  	_ =	swait.ge [sflag:s0], $0x2000  }
0x1e1: {  	[sflag:s0] =	ssyncset.done $0x0  }
0x1e2: {  	[sflag:s0] =	ssyncadd.s32 $0xFFFFE000  }
0x1e3: {  	[spmem:s2] =	stream.indirect.scatter.add.f32 [tilespmem:s28], [sflag:$0x4], $0x10, s17, s25, $0xb8;
	[tilespmem:$0x1E700] =	vst v63  }
0x1e4: {  	_ =	swait.ge [sflag:s11], $0x2000  }
0x1e5: {  	[sflag:s11] =	ssyncset.done $0x0  }
0x1e6: {  	[sflag:s11] =	ssyncadd.s32 $0xFFFFE000  }
0x1e7: {  	[tilespmem:s28], [sflag:$0x2] =	stream.indirect.gather [hbm4b:s7+s25], $0x10, s8, s25, $0xb8;
	[tilespmem:$0x1E700] =	vst v63  }
0x1e8: {  	_ =	swait.ge [sflag:s29], $0x2000  }
0x1e9: {  	[sflag:s29] =	ssyncset.done $0x0  }
0x1ea: {  	[sflag:s29] =	ssyncadd.s32 $0xFFFFE000  }
0x1eb: {  	[spmem:s2] =	stream.indirect.scatter.add.f32 [tilespmem:s26], [sflag:$0x3], $0x10, s21, s25, $0xb8;
	[tilespmem:$0x1E700] =	vst v63  }
0x1ec: {  	_ =	swait.ge [sflag:s0], $0x2000  }
0x1ed: {  	[sflag:s0] =	ssyncset.done $0x0  }
0x1ee: {  	[sflag:s0] =	ssyncadd.s32 $0xFFFFE000  }
0x1ef: {  	[spmem:s2] =	stream.indirect.scatter.add.f32 [tilespmem:s28], [sflag:$0x4], $0x10, s12, s25, $0xb8;
	[tilespmem:$0x1E700] =	vst v63  }
.Ltmp4:
0x1f0: {  	_ =	swait.ge [sflag:s30], $0x2000;
	(pc) =	sbr.rel @p1 .LBB2_10-.Ltmp4, $4  }
0x1f1: {  	[sflag:s30] =	ssyncset.done $0x0  }
0x1f2: {  	[sflag:s30] =	ssyncadd.s32 $0xFFFFE000  }
0x1f3: {  	_ =	swait.ge [sflag:s11], $0x2000  }
0x1f4: {  	s1 =	smov.u32 s31;
	[sflag:s11] =	ssyncset.done $0x0  }
.Ltmp5:
0x1f5: {  	_ = 	snop;
	(pc) =	sbr.rel .LBB2_11-.Ltmp5, $1  }
0x1f6: {  	_ =	sdelay $0x3  }
.LBB2_2:
0x1f7: {  	s1 =	rddreg [dreg:$0xd]  }
0x1f8: {  	s12 =	rddreg [dreg:$0xf]  }
0x1f9: {  	s22 =	sor.u32 $0x1C05, s1;
	s1 =	rddreg [dreg:$0x6]  }
0x1fa: {  	[dreg:$0x11] =	wrdreg s22  }
0x1fb: {  	[spmem:s12], [sflag:s22] =	dma.local [hbm:s1], $0x30E0  }
0x1fc: {  	_ =	swait.ge [sflag:s23], $0x30E0  }
0x1fd: {  	[sflag:s23] =	ssyncset.done $0x0  }
0x1fe: {  	[sflag:s23] =	ssyncadd.s32 $0xFFFFCF20  }
0x1ff: {  	s22 =	sadd.s32 $0x0, s20;
	[bflag:$0x0] =	sbarrier.arrive $0xFFFF  }
0x200: {  	[tilespmem:s3], [sflag:$0x5] =	stream.linear.gather [hbm4b:s22+s3], $0x1000, $0x38;
	[tilespmem:$0x1E700] =	vst v63  }
0x201: {  	_ =	swait.ge [sflag:s23], $0x1000  }
0x202: {  	[sflag:s23] =	ssyncset.done $0x0  }
0x203: {  	s12 =	sadd.s32 $0x0, s19;
	[sflag:s23] =	ssyncadd.s32 $0xFFFFF000  }
0x204: {  	[tilespmem:s24], [sflag:$0x5] =	stream.linear.gather [hbm4b:s12+s3], $0x1000, $0x38;
	[tilespmem:$0x1E700] =	vst v63  }
0x205: {  	_ =	swait.ge [sflag:s23], $0x1000  }
0x206: {  	[sflag:s23] =	ssyncset.done $0x0  }
0x207: {  	[sflag:s23] =	ssyncadd.s32 $0xFFFFF000  }
0x208: {  	[tilespmem:s26], [sflag:$0x1] =	stream.indirect.gather [hbm4b:s4+s25], $0x10, s3, s25, $0xb8;
	[tilespmem:$0x1E700] =	vst v63  }
0x209: {  	_ = 	snop  }
0x20a: {  	[tilespmem:s28], [sflag:$0x2] =	stream.indirect.gather [hbm4b:s4+s25], $0x10, s25, s25, $0xb8;
	[tilespmem:$0x1E700] =	vst v63  }
0x20b: {  	_ =	swait.ge [sflag:s29], $0x2000  }
0x20c: {  	[sflag:s29] =	ssyncset.done $0x0  }
0x20d: {  	[sflag:s29] =	ssyncadd.s32 $0xFFFFE000  }
0x20e: {  	[spmem:s2] =	stream.indirect.scatter.add.f32 [tilespmem:s26], [sflag:$0x3], $0x10, s24, s25, $0xb8;
	[tilespmem:$0x1E700] =	vst v63  }
0x20f: {  	_ =	swait.ge [sflag:s30], $0x2000  }
0x210: {  	[sflag:s30] =	ssyncset.done $0x0  }
0x211: {  	[sflag:s30] =	ssyncadd.s32 $0xFFFFE000  }
0x212: {  	[tilespmem:s26], [sflag:$0x1] =	stream.indirect.gather [hbm4b:s4+s25], $0x10, s13, s25, $0xb8;
	[tilespmem:$0x1E700] =	vst v63  }
0x213: {  	_ =	swait.ge [sflag:s0], $0x2000  }
0x214: {  	[sflag:s0] =	ssyncset.done $0x0  }
0x215: {  	[sflag:s0] =	ssyncadd.s32 $0xFFFFE000  }
0x216: {  	[spmem:s2] =	stream.indirect.scatter.add.f32 [tilespmem:s28], [sflag:$0x4], $0x10, s14, s25, $0xb8;
	[tilespmem:$0x1E700] =	vst v63  }
0x217: {  	_ =	swait.ge [sflag:s11], $0x2000  }
0x218: {  	[sflag:s11] =	ssyncset.done $0x0  }
0x219: {  	[sflag:s11] =	ssyncadd.s32 $0xFFFFE000  }
0x21a: {  	[tilespmem:s28], [sflag:$0x2] =	stream.indirect.gather [hbm4b:s4+s25], $0x10, s15, s25, $0xb8;
	[tilespmem:$0x1E700] =	vst v63  }
0x21b: {  	_ =	swait.ge [sflag:s29], $0x2000  }
0x21c: {  	[sflag:s29] =	ssyncset.done $0x0  }
0x21d: {  	[sflag:s29] =	ssyncadd.s32 $0xFFFFE000  }
0x21e: {  	[spmem:s2] =	stream.indirect.scatter.add.f32 [tilespmem:s26], [sflag:$0x3], $0x10, s16, s25, $0xb8;
	[tilespmem:$0x1E700] =	vst v63  }
0x21f: {  	_ =	swait.ge [sflag:s30], $0x2000  }
0x220: {  	[sflag:s30] =	ssyncset.done $0x0  }
0x221: {  	[sflag:s30] =	ssyncadd.s32 $0xFFFFE000  }
0x222: {  	[tilespmem:s26], [sflag:$0x1] =	stream.indirect.gather [hbm4b:s4+s25], $0x10, s9, s25, $0xb8;
	[tilespmem:$0x1E700] =	vst v63  }
0x223: {  	_ =	swait.ge [sflag:s0], $0x2000  }
0x224: {  	[sflag:s0] =	ssyncset.done $0x0  }
0x225: {  	[sflag:s0] =	ssyncadd.s32 $0xFFFFE000  }
0x226: {  	[spmem:s2] =	stream.indirect.scatter.add.f32 [tilespmem:s28], [sflag:$0x4], $0x10, s10, s25, $0xb8;
	[tilespmem:$0x1E700] =	vst v63  }
0x227: {  	_ =	swait.ge [sflag:s11], $0x2000  }
0x228: {  	[sflag:s11] =	ssyncset.done $0x0  }
0x229: {  	[sflag:s11] =	ssyncadd.s32 $0xFFFFE000  }
0x22a: {  	[tilespmem:s28], [sflag:$0x2] =	stream.indirect.gather [hbm4b:s4+s25], $0x10, s18, s25, $0xb8;
	[tilespmem:$0x1E700] =	vst v63  }
0x22b: {  	_ =	swait.ge [sflag:s29], $0x2000  }
0x22c: {  	[sflag:s29] =	ssyncset.done $0x0  }
0x22d: {  	[sflag:s29] =	ssyncadd.s32 $0xFFFFE000  }
0x22e: {  	[spmem:s2] =	stream.indirect.scatter.add.f32 [tilespmem:s26], [sflag:$0x3], $0x10, s17, s25, $0xb8;
	[tilespmem:$0x1E700] =	vst v63  }
0x22f: {  	_ =	swait.ge [sflag:s30], $0x2000  }
0x230: {  	[sflag:s30] =	ssyncset.done $0x0  }
0x231: {  	[sflag:s30] =	ssyncadd.s32 $0xFFFFE000  }
0x232: {  	[tilespmem:s26], [sflag:$0x1] =	stream.indirect.gather [hbm4b:s4+s25], $0x10, s8, s25, $0xb8;
	[tilespmem:$0x1E700] =	vst v63  }
0x233: {  	_ =	swait.ge [sflag:s0], $0x2000  }
0x234: {  	[sflag:s0] =	ssyncset.done $0x0  }
0x235: {  	[sflag:s0] =	ssyncadd.s32 $0xFFFFE000  }
0x236: {  	[spmem:s2] =	stream.indirect.scatter.add.f32 [tilespmem:s28], [sflag:$0x4], $0x10, s21, s25, $0xb8;
	[tilespmem:$0x1E700] =	vst v63  }
0x237: {  	_ =	swait.ge [sflag:s11], $0x2000  }
0x238: {  	[sflag:s11] =	ssyncset.done $0x0  }
0x239: {  	s18 =	simm.s32 $0xE00;
	[sflag:s11] =	ssyncadd.s32 $0xFFFFE000  }
0x23a: {  	[tilespmem:s28], [sflag:$0x2] =	stream.indirect.gather [hbm4b:s4+s25], $0x10, s18, s25, $0xb8;
	[tilespmem:$0x1E700] =	vst v63  }
0x23b: {  	_ =	swait.ge [sflag:s29], $0x2000  }
0x23c: {  	[sflag:s29] =	ssyncset.done $0x0  }
0x23d: {  	s21 =	simm.s32 $0x1C00;
	[sflag:s29] =	ssyncadd.s32 $0xFFFFE000  }
0x23e: {  	[spmem:s2] =	stream.indirect.scatter.add.f32 [tilespmem:s26], [sflag:$0x3], $0x10, s21, s25, $0xb8;
	[tilespmem:$0x1E700] =	vst v63  }
0x23f: {  	_ =	swait.ge [sflag:s0], $0x2000  }
0x240: {  	[sflag:s0] =	ssyncset.done $0x0  }
0x241: {  	s31 =	simm.s32 $0x400;
	s22 =	simm.s32 $0x1E00;
	[sflag:s0] =	ssyncadd.s32 $0xFFFFE000  }
0x242: {  	[spmem:s2] =	stream.indirect.scatter.add.f32 [tilespmem:s28], [sflag:$0x4], $0x10, s22, s25, $0xb8;
	[tilespmem:$0x1E700] =	vst v63  }
0x243: {  	s14 =	simm.s32 $0x1400;
	s15 =	simm.s32 $0x800;
	_ =	swait.ge [sflag:s30], $0x2000  }
0x244: {  	s16 =	simm.s32 $0x1600;
	s9 =	simm.s32 $0xA00;
	[sflag:s30] =	ssyncset.done $0x0  }
0x245: {  	s10 =	simm.s32 $0x1800;
	s17 =	simm.s32 $0x1A00;
	[sflag:s30] =	ssyncadd.s32 $0xFFFFE000  }
0x246: {  	s8 =	simm.s32 $0xE00;
	s18 =	simm.s32 $0xC00;
	_ =	swait.ge [sflag:s11], $0x2000  }
0x247: {  	s21 =	simm.s32 $0x1C00;
	s22 =	simm.s32 $0x200;
	[sflag:s11] =	ssyncset.done $0x0  }
.LBB2_3:
0x248: {  	s12 =	sadd.s32 s22, s20  }
0x249: {  	[sflag:s11] =	ssyncadd.s32 $0xFFFFE000;
	s13 =	smov.u32 s31;
	s1 =	sadd.s32 $0x200, s31  }
0x24a: {  	[tilespmem:s3], [sflag:$0x5] =	stream.linear.gather [hbm4b:s12+s3], $0x1000, $0x38;
	[tilespmem:$0x1E700] =	vst v63  }
0x24b: {  	p1 =	sne.s32 s31, $0x3000;
	_ =	swait.ge [sflag:s23], $0x1000  }
0x24c: {  	s12 =	sadd.s32 s22, s19;
	[sflag:s23] =	ssyncset.done $0x0  }
0x24d: {  	s22 =	smov.u32 s13;
	s13 =	simm.s32 $0x400;
	[sflag:s23] =	ssyncadd.s32 $0xFFFFF000  }
0x24e: {  	[tilespmem:s24], [sflag:$0x5] =	stream.linear.gather [hbm4b:s12+s3], $0x1000, $0x38;
	[tilespmem:$0x1E700] =	vst v63  }
0x24f: {  	s12 =	simm.s32 $0x1E00  }
0x250: {  	_ =	swait.ge [sflag:s23], $0x1000  }
0x251: {  	[sflag:s23] =	ssyncset.done $0x0  }
0x252: {  	[sflag:s23] =	ssyncadd.s32 $0xFFFFF000  }
0x253: {  	[tilespmem:s26], [sflag:$0x1] =	stream.indirect.gather [hbm4b:s4+s25], $0x10, s3, s25, $0xb8;
	[tilespmem:$0x1E700] =	vst v63  }
0x254: {  	_ = 	snop  }
0x255: {  	[tilespmem:s28], [sflag:$0x2] =	stream.indirect.gather [hbm4b:s4+s25], $0x10, s25, s25, $0xb8;
	[tilespmem:$0x1E700] =	vst v63  }
0x256: {  	_ =	swait.ge [sflag:s29], $0x2000  }
0x257: {  	[sflag:s29] =	ssyncset.done $0x0  }
0x258: {  	[sflag:s29] =	ssyncadd.s32 $0xFFFFE000  }
0x259: {  	[spmem:s2] =	stream.indirect.scatter.add.f32 [tilespmem:s26], [sflag:$0x3], $0x10, s24, s25, $0xb8;
	[tilespmem:$0x1E700] =	vst v63  }
0x25a: {  	_ =	swait.ge [sflag:s30], $0x2000  }
0x25b: {  	[sflag:s30] =	ssyncset.done $0x0  }
0x25c: {  	[sflag:s30] =	ssyncadd.s32 $0xFFFFE000  }
0x25d: {  	[tilespmem:s26], [sflag:$0x1] =	stream.indirect.gather [hbm4b:s4+s25], $0x10, s13, s25, $0xb8;
	[tilespmem:$0x1E700] =	vst v63  }
0x25e: {  	_ =	swait.ge [sflag:s0], $0x2000  }
0x25f: {  	[sflag:s0] =	ssyncset.done $0x0  }
0x260: {  	s31 =	simm.s32 $0x1200;
	[sflag:s0] =	ssyncadd.s32 $0xFFFFE000  }
0x261: {  	[spmem:s2] =	stream.indirect.scatter.add.f32 [tilespmem:s28], [sflag:$0x4], $0x10, s31, s25, $0xb8;
	[tilespmem:$0x1E700] =	vst v63  }
0x262: {  	_ =	swait.ge [sflag:s11], $0x2000  }
0x263: {  	[sflag:s11] =	ssyncset.done $0x0  }
0x264: {  	s31 =	simm.s32 $0x600;
	[sflag:s11] =	ssyncadd.s32 $0xFFFFE000  }
0x265: {  	[tilespmem:s28], [sflag:$0x2] =	stream.indirect.gather [hbm4b:s4+s25], $0x10, s31, s25, $0xb8;
	[tilespmem:$0x1E700] =	vst v63  }
0x266: {  	_ =	swait.ge [sflag:s29], $0x2000  }
0x267: {  	[sflag:s29] =	ssyncset.done $0x0  }
0x268: {  	[sflag:s29] =	ssyncadd.s32 $0xFFFFE000  }
0x269: {  	[spmem:s2] =	stream.indirect.scatter.add.f32 [tilespmem:s26], [sflag:$0x3], $0x10, s14, s25, $0xb8;
	[tilespmem:$0x1E700] =	vst v63  }
0x26a: {  	_ =	swait.ge [sflag:s30], $0x2000  }
0x26b: {  	[sflag:s30] =	ssyncset.done $0x0  }
0x26c: {  	[sflag:s30] =	ssyncadd.s32 $0xFFFFE000  }
0x26d: {  	[tilespmem:s26], [sflag:$0x1] =	stream.indirect.gather [hbm4b:s4+s25], $0x10, s15, s25, $0xb8;
	[tilespmem:$0x1E700] =	vst v63  }
0x26e: {  	_ =	swait.ge [sflag:s0], $0x2000  }
0x26f: {  	[sflag:s0] =	ssyncset.done $0x0  }
0x270: {  	[sflag:s0] =	ssyncadd.s32 $0xFFFFE000  }
0x271: {  	[spmem:s2] =	stream.indirect.scatter.add.f32 [tilespmem:s28], [sflag:$0x4], $0x10, s16, s25, $0xb8;
	[tilespmem:$0x1E700] =	vst v63  }
0x272: {  	_ =	swait.ge [sflag:s11], $0x2000  }
0x273: {  	[sflag:s11] =	ssyncset.done $0x0  }
0x274: {  	[sflag:s11] =	ssyncadd.s32 $0xFFFFE000  }
0x275: {  	[tilespmem:s28], [sflag:$0x2] =	stream.indirect.gather [hbm4b:s4+s25], $0x10, s9, s25, $0xb8;
	[tilespmem:$0x1E700] =	vst v63  }
0x276: {  	_ =	swait.ge [sflag:s29], $0x2000  }
0x277: {  	[sflag:s29] =	ssyncset.done $0x0  }
0x278: {  	[sflag:s29] =	ssyncadd.s32 $0xFFFFE000  }
0x279: {  	[spmem:s2] =	stream.indirect.scatter.add.f32 [tilespmem:s26], [sflag:$0x3], $0x10, s10, s25, $0xb8;
	[tilespmem:$0x1E700] =	vst v63  }
0x27a: {  	_ =	swait.ge [sflag:s30], $0x2000  }
0x27b: {  	[sflag:s30] =	ssyncset.done $0x0  }
0x27c: {  	[sflag:s30] =	ssyncadd.s32 $0xFFFFE000  }
0x27d: {  	[tilespmem:s26], [sflag:$0x1] =	stream.indirect.gather [hbm4b:s4+s25], $0x10, s18, s25, $0xb8;
	[tilespmem:$0x1E700] =	vst v63  }
0x27e: {  	_ =	swait.ge [sflag:s0], $0x2000  }
0x27f: {  	[sflag:s0] =	ssyncset.done $0x0  }
0x280: {  	[sflag:s0] =	ssyncadd.s32 $0xFFFFE000  }
0x281: {  	[spmem:s2] =	stream.indirect.scatter.add.f32 [tilespmem:s28], [sflag:$0x4], $0x10, s17, s25, $0xb8;
	[tilespmem:$0x1E700] =	vst v63  }
0x282: {  	_ =	swait.ge [sflag:s11], $0x2000  }
0x283: {  	[sflag:s11] =	ssyncset.done $0x0  }
0x284: {  	[sflag:s11] =	ssyncadd.s32 $0xFFFFE000  }
0x285: {  	[tilespmem:s28], [sflag:$0x2] =	stream.indirect.gather [hbm4b:s4+s25], $0x10, s8, s25, $0xb8;
	[tilespmem:$0x1E700] =	vst v63  }
0x286: {  	_ =	swait.ge [sflag:s29], $0x2000  }
0x287: {  	[sflag:s29] =	ssyncset.done $0x0  }
0x288: {  	[sflag:s29] =	ssyncadd.s32 $0xFFFFE000  }
0x289: {  	[spmem:s2] =	stream.indirect.scatter.add.f32 [tilespmem:s26], [sflag:$0x3], $0x10, s21, s25, $0xb8;
	[tilespmem:$0x1E700] =	vst v63  }
0x28a: {  	_ =	swait.ge [sflag:s0], $0x2000  }
0x28b: {  	[sflag:s0] =	ssyncset.done $0x0  }
0x28c: {  	[sflag:s0] =	ssyncadd.s32 $0xFFFFE000  }
0x28d: {  	[spmem:s2] =	stream.indirect.scatter.add.f32 [tilespmem:s28], [sflag:$0x4], $0x10, s12, s25, $0xb8;
	[tilespmem:$0x1E700] =	vst v63  }
.Ltmp6:
0x28e: {  	_ =	swait.ge [sflag:s30], $0x2000;
	(pc) =	sbr.rel @p1 .LBB2_3-.Ltmp6, $4  }
0x28f: {  	[sflag:s30] =	ssyncset.done $0x0  }
0x290: {  	[sflag:s30] =	ssyncadd.s32 $0xFFFFE000  }
0x291: {  	_ =	swait.ge [sflag:s11], $0x2000  }
0x292: {  	s31 =	smov.u32 s1;
	[sflag:s11] =	ssyncset.done $0x0  }
0x293: {  	s1 =	sadd.s32 s22, s20;
	[sflag:s11] =	ssyncadd.s32 $0xFFFFE000  }
0x294: {  	[tilespmem:s3], [sflag:$0x5] =	stream.linear.gather [hbm4b:s1+s3], $0x1000, $0x38;
	[tilespmem:$0x1E700] =	vst v63  }
0x295: {  	_ =	swait.ge [sflag:s23], $0x1000  }
0x296: {  	[sflag:s23] =	ssyncset.done $0x0  }
0x297: {  	s18 =	sadd.s32 s22, s19;
	[sflag:s23] =	ssyncadd.s32 $0xFFFFF000  }
0x298: {  	[tilespmem:s24], [sflag:$0x5] =	stream.linear.gather [hbm4b:s18+s3], $0x1000, $0x38;
	[tilespmem:$0x1E700] =	vst v63  }
0x299: {  	_ =	swait.ge [sflag:s23], $0x1000  }
0x29a: {  	[sflag:s23] =	ssyncset.done $0x0  }
0x29b: {  	[sflag:s23] =	ssyncadd.s32 $0xFFFFF000  }
0x29c: {  	[tilespmem:s26], [sflag:$0x1] =	stream.indirect.gather [hbm4b:s4+s25], $0x10, s3, s25, $0xb8;
	[tilespmem:$0x1E700] =	vst v63  }
0x29d: {  	_ = 	snop  }
0x29e: {  	[tilespmem:s28], [sflag:$0x2] =	stream.indirect.gather [hbm4b:s4+s25], $0x10, s25, s25, $0xb8;
	[tilespmem:$0x1E700] =	vst v63  }
0x29f: {  	_ =	swait.ge [sflag:s29], $0x2000  }
0x2a0: {  	[sflag:s29] =	ssyncset.done $0x0  }
0x2a1: {  	[sflag:s29] =	ssyncadd.s32 $0xFFFFE000  }
0x2a2: {  	[spmem:s2] =	stream.indirect.scatter.add.f32 [tilespmem:s26], [sflag:$0x3], $0x10, s24, s25, $0xb8;
	[tilespmem:$0x1E700] =	vst v63  }
0x2a3: {  	_ =	swait.ge [sflag:s30], $0x2000  }
0x2a4: {  	[sflag:s30] =	ssyncset.done $0x0  }
0x2a5: {  	[sflag:s30] =	ssyncadd.s32 $0xFFFFE000  }
0x2a6: {  	[tilespmem:s26], [sflag:$0x1] =	stream.indirect.gather [hbm4b:s4+s25], $0x10, s13, s25, $0xb8;
	[tilespmem:$0x1E700] =	vst v63  }
0x2a7: {  	_ =	swait.ge [sflag:s0], $0x2000  }
0x2a8: {  	[sflag:s0] =	ssyncset.done $0x0  }
0x2a9: {  	s21 =	simm.s32 $0x1200;
	[sflag:s0] =	ssyncadd.s32 $0xFFFFE000  }
0x2aa: {  	[spmem:s2] =	stream.indirect.scatter.add.f32 [tilespmem:s28], [sflag:$0x4], $0x10, s21, s25, $0xb8;
	[tilespmem:$0x1E700] =	vst v63  }
0x2ab: {  	_ =	swait.ge [sflag:s11], $0x2000  }
0x2ac: {  	[sflag:s11] =	ssyncset.done $0x0  }
0x2ad: {  	s14 =	simm.s32 $0x600;
	[sflag:s11] =	ssyncadd.s32 $0xFFFFE000  }
0x2ae: {  	[tilespmem:s28], [sflag:$0x2] =	stream.indirect.gather [hbm4b:s4+s25], $0x10, s14, s25, $0xb8;
	[tilespmem:$0x1E700] =	vst v63  }
0x2af: {  	_ =	swait.ge [sflag:s29], $0x2000  }
0x2b0: {  	[sflag:s29] =	ssyncset.done $0x0  }
0x2b1: {  	s15 =	simm.s32 $0x1400;
	[sflag:s29] =	ssyncadd.s32 $0xFFFFE000  }
0x2b2: {  	[spmem:s2] =	stream.indirect.scatter.add.f32 [tilespmem:s26], [sflag:$0x3], $0x10, s15, s25, $0xb8;
	[tilespmem:$0x1E700] =	vst v63  }
0x2b3: {  	_ =	swait.ge [sflag:s30], $0x2000  }
0x2b4: {  	[sflag:s30] =	ssyncset.done $0x0  }
0x2b5: {  	s16 =	simm.s32 $0x800;
	[sflag:s30] =	ssyncadd.s32 $0xFFFFE000  }
0x2b6: {  	[tilespmem:s26], [sflag:$0x1] =	stream.indirect.gather [hbm4b:s4+s25], $0x10, s16, s25, $0xb8;
	[tilespmem:$0x1E700] =	vst v63  }
0x2b7: {  	_ =	swait.ge [sflag:s0], $0x2000  }
0x2b8: {  	[sflag:s0] =	ssyncset.done $0x0  }
0x2b9: {  	s9 =	simm.s32 $0x1600;
	[sflag:s0] =	ssyncadd.s32 $0xFFFFE000  }
0x2ba: {  	[spmem:s2] =	stream.indirect.scatter.add.f32 [tilespmem:s28], [sflag:$0x4], $0x10, s9, s25, $0xb8;
	[tilespmem:$0x1E700] =	vst v63  }
0x2bb: {  	_ =	swait.ge [sflag:s11], $0x2000  }
0x2bc: {  	[sflag:s11] =	ssyncset.done $0x0  }
0x2bd: {  	s10 =	simm.s32 $0xA00;
	[sflag:s11] =	ssyncadd.s32 $0xFFFFE000  }
0x2be: {  	[tilespmem:s28], [sflag:$0x2] =	stream.indirect.gather [hbm4b:s4+s25], $0x10, s10, s25, $0xb8;
	[tilespmem:$0x1E700] =	vst v63  }
0x2bf: {  	_ =	swait.ge [sflag:s29], $0x2000  }
0x2c0: {  	[sflag:s29] =	ssyncset.done $0x0  }
0x2c1: {  	s18 =	simm.s32 $0x1800;
	[sflag:s29] =	ssyncadd.s32 $0xFFFFE000  }
0x2c2: {  	[spmem:s2] =	stream.indirect.scatter.add.f32 [tilespmem:s26], [sflag:$0x3], $0x10, s18, s25, $0xb8;
	[tilespmem:$0x1E700] =	vst v63  }
0x2c3: {  	_ =	swait.ge [sflag:s30], $0x2000  }
0x2c4: {  	[sflag:s30] =	ssyncset.done $0x0  }
0x2c5: {  	s17 =	simm.s32 $0xC00;
	[sflag:s30] =	ssyncadd.s32 $0xFFFFE000  }
0x2c6: {  	[tilespmem:s26], [sflag:$0x1] =	stream.indirect.gather [hbm4b:s4+s25], $0x10, s17, s25, $0xb8;
	[tilespmem:$0x1E700] =	vst v63  }
0x2c7: {  	_ =	swait.ge [sflag:s0], $0x2000  }
0x2c8: {  	[sflag:s0] =	ssyncset.done $0x0  }
0x2c9: {  	s8 =	simm.s32 $0x1A00;
	[sflag:s0] =	ssyncadd.s32 $0xFFFFE000  }
0x2ca: {  	[spmem:s2] =	stream.indirect.scatter.add.f32 [tilespmem:s28], [sflag:$0x4], $0x10, s8, s25, $0xb8;
	[tilespmem:$0x1E700] =	vst v63  }
0x2cb: {  	_ =	swait.ge [sflag:s11], $0x2000  }
0x2cc: {  	[sflag:s11] =	ssyncset.done $0x0  }
0x2cd: {  	s21 =	simm.s32 $0xE00;
	[sflag:s11] =	ssyncadd.s32 $0xFFFFE000  }
0x2ce: {  	[tilespmem:s28], [sflag:$0x2] =	stream.indirect.gather [hbm4b:s4+s25], $0x10, s21, s25, $0xb8;
	[tilespmem:$0x1E700] =	vst v63  }
0x2cf: {  	_ =	swait.ge [sflag:s29], $0x2000  }
0x2d0: {  	[sflag:s29] =	ssyncset.done $0x0  }
0x2d1: {  	s31 =	simm.s32 $0x1C00;
	[sflag:s29] =	ssyncadd.s32 $0xFFFFE000  }
0x2d2: {  	[spmem:s2] =	stream.indirect.scatter.add.f32 [tilespmem:s26], [sflag:$0x3], $0x10, s31, s25, $0xb8;
	[tilespmem:$0x1E700] =	vst v63  }
0x2d3: {  	_ =	swait.ge [sflag:s0], $0x2000  }
0x2d4: {  	[sflag:s0] =	ssyncset.done $0x0  }
0x2d5: {  	[sflag:s0] =	ssyncadd.s32 $0xFFFFE000  }
0x2d6: {  	[spmem:s2] =	stream.indirect.scatter.add.f32 [tilespmem:s28], [sflag:$0x4], $0x10, s12, s25, $0xb8;
	[tilespmem:$0x1E700] =	vst v63  }
0x2d7: {  	_ =	swait.ge [sflag:s30], $0x2000  }
0x2d8: {  	[sflag:s30] =	ssyncset.done $0x0  }
0x2d9: {  	[sflag:s30] =	ssyncadd.s32 $0xFFFFE000  }
0x2da: {  	_ =	swait.ge [sflag:s11], $0x2000  }
0x2db: {  	[sflag:s11] =	ssyncset.done $0x0  }
0x2dc: {  	[sflag:s11] =	ssyncadd.s32 $0xFFFFE000  }
0x2dd: {  	[bflag:$0x0] =	sbarrier.arrive $0xFFFF  }
0x2de: {  	s1 =	rddreg [dreg:$0x7]  }
0x2df: {  	s12 =	rddreg [dreg:$0xf]  }
0x2e0: {  	s22 =	rddreg [dreg:$0x11]  }
0x2e1: {  	[hbm:s1], [sflag:s22] =	dma.local [spmem:s12], $0x30E0  }
0x2e2: {  	_ =	swait.ge [sflag:s23], $0x30E0  }
0x2e3: {  	[sflag:s23] =	ssyncset.done $0x0  }
0x2e4: {  	s1 =	rddreg [dreg:$0x8];
	[sflag:s23] =	ssyncadd.s32 $0xFFFFCF20  }
0x2e5: {  	[spmem:s12], [sflag:s22] =	dma.local [hbm:s1], $0x30E0  }
0x2e6: {  	_ =	swait.ge [sflag:s23], $0x30E0  }
0x2e7: {  	[sflag:s23] =	ssyncset.done $0x0  }
0x2e8: {  	[sflag:s23] =	ssyncadd.s32 $0xFFFFCF20  }
0x2e9: {  	s22 =	sadd.s32 $0x0, s20;
	[bflag:$0x0] =	sbarrier.arrive $0xFFFF  }
0x2ea: {  	[tilespmem:s3], [sflag:$0x5] =	stream.linear.gather [hbm4b:s22+s3], $0x1000, $0x38;
	[tilespmem:$0x1E700] =	vst v63  }
0x2eb: {  	_ =	swait.ge [sflag:s23], $0x1000  }
0x2ec: {  	[sflag:s23] =	ssyncset.done $0x0  }
0x2ed: {  	s22 =	sadd.s32 $0x0, s19;
	[sflag:s23] =	ssyncadd.s32 $0xFFFFF000  }
0x2ee: {  	[tilespmem:s24], [sflag:$0x5] =	stream.linear.gather [hbm4b:s22+s3], $0x1000, $0x38;
	[tilespmem:$0x1E700] =	vst v63  }
0x2ef: {  	_ =	swait.ge [sflag:s23], $0x1000  }
0x2f0: {  	[sflag:s23] =	ssyncset.done $0x0  }
0x2f1: {  	[sflag:s23] =	ssyncadd.s32 $0xFFFFF000  }
0x2f2: {  	[tilespmem:s26], [sflag:$0x1] =	stream.indirect.gather [hbm4b:s5+s25], $0x10, s3, s25, $0xb8;
	[tilespmem:$0x1E700] =	vst v63  }
0x2f3: {  	_ = 	snop  }
0x2f4: {  	[tilespmem:s28], [sflag:$0x2] =	stream.indirect.gather [hbm4b:s5+s25], $0x10, s25, s25, $0xb8;
	[tilespmem:$0x1E700] =	vst v63  }
0x2f5: {  	_ =	swait.ge [sflag:s29], $0x2000  }
0x2f6: {  	[sflag:s29] =	ssyncset.done $0x0  }
0x2f7: {  	[sflag:s29] =	ssyncadd.s32 $0xFFFFE000  }
0x2f8: {  	[spmem:s2] =	stream.indirect.scatter.add.f32 [tilespmem:s26], [sflag:$0x3], $0x10, s24, s25, $0xb8;
	[tilespmem:$0x1E700] =	vst v63  }
0x2f9: {  	_ =	swait.ge [sflag:s30], $0x2000  }
0x2fa: {  	[sflag:s30] =	ssyncset.done $0x0  }
0x2fb: {  	[sflag:s30] =	ssyncadd.s32 $0xFFFFE000  }
0x2fc: {  	[tilespmem:s26], [sflag:$0x1] =	stream.indirect.gather [hbm4b:s5+s25], $0x10, s13, s25, $0xb8;
	[tilespmem:$0x1E700] =	vst v63  }
0x2fd: {  	_ =	swait.ge [sflag:s0], $0x2000  }
0x2fe: {  	[sflag:s0] =	ssyncset.done $0x0  }
0x2ff: {  	s22 =	simm.s32 $0x1200;
	[sflag:s0] =	ssyncadd.s32 $0xFFFFE000  }
0x300: {  	[spmem:s2] =	stream.indirect.scatter.add.f32 [tilespmem:s28], [sflag:$0x4], $0x10, s22, s25, $0xb8;
	[tilespmem:$0x1E700] =	vst v63  }
0x301: {  	_ =	swait.ge [sflag:s11], $0x2000  }
0x302: {  	[sflag:s11] =	ssyncset.done $0x0  }
0x303: {  	[sflag:s11] =	ssyncadd.s32 $0xFFFFE000  }
0x304: {  	[tilespmem:s28], [sflag:$0x2] =	stream.indirect.gather [hbm4b:s5+s25], $0x10, s14, s25, $0xb8;
	[tilespmem:$0x1E700] =	vst v63  }
0x305: {  	_ =	swait.ge [sflag:s29], $0x2000  }
0x306: {  	[sflag:s29] =	ssyncset.done $0x0  }
0x307: {  	[sflag:s29] =	ssyncadd.s32 $0xFFFFE000  }
0x308: {  	[spmem:s2] =	stream.indirect.scatter.add.f32 [tilespmem:s26], [sflag:$0x3], $0x10, s15, s25, $0xb8;
	[tilespmem:$0x1E700] =	vst v63  }
0x309: {  	_ =	swait.ge [sflag:s30], $0x2000  }
0x30a: {  	[sflag:s30] =	ssyncset.done $0x0  }
0x30b: {  	[sflag:s30] =	ssyncadd.s32 $0xFFFFE000  }
0x30c: {  	[tilespmem:s26], [sflag:$0x1] =	stream.indirect.gather [hbm4b:s5+s25], $0x10, s16, s25, $0xb8;
	[tilespmem:$0x1E700] =	vst v63  }
0x30d: {  	_ =	swait.ge [sflag:s0], $0x2000  }
0x30e: {  	[sflag:s0] =	ssyncset.done $0x0  }
0x30f: {  	[sflag:s0] =	ssyncadd.s32 $0xFFFFE000  }
0x310: {  	[spmem:s2] =	stream.indirect.scatter.add.f32 [tilespmem:s28], [sflag:$0x4], $0x10, s9, s25, $0xb8;
	[tilespmem:$0x1E700] =	vst v63  }
0x311: {  	_ =	swait.ge [sflag:s11], $0x2000  }
0x312: {  	[sflag:s11] =	ssyncset.done $0x0  }
0x313: {  	[sflag:s11] =	ssyncadd.s32 $0xFFFFE000  }
0x314: {  	[tilespmem:s28], [sflag:$0x2] =	stream.indirect.gather [hbm4b:s5+s25], $0x10, s10, s25, $0xb8;
	[tilespmem:$0x1E700] =	vst v63  }
0x315: {  	_ =	swait.ge [sflag:s29], $0x2000  }
0x316: {  	[sflag:s29] =	ssyncset.done $0x0  }
0x317: {  	[sflag:s29] =	ssyncadd.s32 $0xFFFFE000  }
0x318: {  	[spmem:s2] =	stream.indirect.scatter.add.f32 [tilespmem:s26], [sflag:$0x3], $0x10, s18, s25, $0xb8;
	[tilespmem:$0x1E700] =	vst v63  }
0x319: {  	_ =	swait.ge [sflag:s30], $0x2000  }
0x31a: {  	[sflag:s30] =	ssyncset.done $0x0  }
0x31b: {  	[sflag:s30] =	ssyncadd.s32 $0xFFFFE000  }
0x31c: {  	[tilespmem:s26], [sflag:$0x1] =	stream.indirect.gather [hbm4b:s5+s25], $0x10, s17, s25, $0xb8;
	[tilespmem:$0x1E700] =	vst v63  }
0x31d: {  	_ =	swait.ge [sflag:s0], $0x2000  }
0x31e: {  	[sflag:s0] =	ssyncset.done $0x0  }
0x31f: {  	[sflag:s0] =	ssyncadd.s32 $0xFFFFE000  }
0x320: {  	[spmem:s2] =	stream.indirect.scatter.add.f32 [tilespmem:s28], [sflag:$0x4], $0x10, s8, s25, $0xb8;
	[tilespmem:$0x1E700] =	vst v63  }
0x321: {  	_ =	swait.ge [sflag:s11], $0x2000  }
0x322: {  	[sflag:s11] =	ssyncset.done $0x0  }
0x323: {  	[sflag:s11] =	ssyncadd.s32 $0xFFFFE000  }
0x324: {  	[tilespmem:s28], [sflag:$0x2] =	stream.indirect.gather [hbm4b:s5+s25], $0x10, s21, s25, $0xb8;
	[tilespmem:$0x1E700] =	vst v63  }
0x325: {  	_ =	swait.ge [sflag:s29], $0x2000  }
0x326: {  	[sflag:s29] =	ssyncset.done $0x0  }
0x327: {  	[sflag:s29] =	ssyncadd.s32 $0xFFFFE000  }
0x328: {  	[spmem:s2] =	stream.indirect.scatter.add.f32 [tilespmem:s26], [sflag:$0x3], $0x10, s31, s25, $0xb8;
	[tilespmem:$0x1E700] =	vst v63  }
0x329: {  	_ =	swait.ge [sflag:s0], $0x2000  }
0x32a: {  	[sflag:s0] =	ssyncset.done $0x0  }
0x32b: {  	s12 =	simm.s32 $0x1E00;
	s1 =	simm.s32 $0x400;
	[sflag:s0] =	ssyncadd.s32 $0xFFFFE000  }
0x32c: {  	[spmem:s2] =	stream.indirect.scatter.add.f32 [tilespmem:s28], [sflag:$0x4], $0x10, s12, s25, $0xb8;
	[tilespmem:$0x1E700] =	vst v63  }
0x32d: {  	s22 =	simm.s32 $0x200;
	s14 =	simm.s32 $0x1400;
	_ =	swait.ge [sflag:s30], $0x2000  }
0x32e: {  	s15 =	simm.s32 $0x800;
	s16 =	simm.s32 $0x1600;
	[sflag:s30] =	ssyncset.done $0x0  }
0x32f: {  	s9 =	simm.s32 $0xA00;
	s10 =	simm.s32 $0x1800;
	[sflag:s30] =	ssyncadd.s32 $0xFFFFE000  }
0x330: {  	s18 =	simm.s32 $0xC00;
	s17 =	simm.s32 $0x1A00;
	_ =	swait.ge [sflag:s11], $0x2000  }
0x331: {  	s8 =	simm.s32 $0xE00;
	s21 =	simm.s32 $0x1C00;
	[sflag:s11] =	ssyncset.done $0x0  }
.LBB2_5:
0x332: {  	s12 =	sadd.s32 s22, s20  }
0x333: {  	[sflag:s11] =	ssyncadd.s32 $0xFFFFE000;
	s13 =	smov.u32 s1;
	s31 =	sadd.s32 $0x200, s1  }
0x334: {  	[tilespmem:s3], [sflag:$0x5] =	stream.linear.gather [hbm4b:s12+s3], $0x1000, $0x38;
	[tilespmem:$0x1E700] =	vst v63  }
0x335: {  	s12 =	simm.s32 $0x1E00  }
0x336: {  	p1 =	seq.s32 s1, $0x3000;
	_ =	swait.ge [sflag:s23], $0x1000  }
0x337: {  	s1 =	sadd.s32 s22, s19;
	[sflag:s23] =	ssyncset.done $0x0  }
0x338: {  	s22 =	smov.u32 s13;
	s13 =	simm.s32 $0x400;
	[sflag:s23] =	ssyncadd.s32 $0xFFFFF000  }
0x339: {  	[tilespmem:s24], [sflag:$0x5] =	stream.linear.gather [hbm4b:s1+s3], $0x1000, $0x38;
	[tilespmem:$0x1E700] =	vst v63  }
0x33a: {  	_ =	swait.ge [sflag:s23], $0x1000  }
0x33b: {  	[sflag:s23] =	ssyncset.done $0x0  }
0x33c: {  	[sflag:s23] =	ssyncadd.s32 $0xFFFFF000  }
0x33d: {  	[tilespmem:s26], [sflag:$0x1] =	stream.indirect.gather [hbm4b:s5+s25], $0x10, s3, s25, $0xb8;
	[tilespmem:$0x1E700] =	vst v63  }
0x33e: {  	_ = 	snop  }
0x33f: {  	[tilespmem:s28], [sflag:$0x2] =	stream.indirect.gather [hbm4b:s5+s25], $0x10, s25, s25, $0xb8;
	[tilespmem:$0x1E700] =	vst v63  }
0x340: {  	_ =	swait.ge [sflag:s29], $0x2000  }
0x341: {  	[sflag:s29] =	ssyncset.done $0x0  }
0x342: {  	[sflag:s29] =	ssyncadd.s32 $0xFFFFE000  }
0x343: {  	[spmem:s2] =	stream.indirect.scatter.add.f32 [tilespmem:s26], [sflag:$0x3], $0x10, s24, s25, $0xb8;
	[tilespmem:$0x1E700] =	vst v63  }
0x344: {  	_ =	swait.ge [sflag:s30], $0x2000  }
0x345: {  	[sflag:s30] =	ssyncset.done $0x0  }
0x346: {  	[sflag:s30] =	ssyncadd.s32 $0xFFFFE000  }
0x347: {  	[tilespmem:s26], [sflag:$0x1] =	stream.indirect.gather [hbm4b:s5+s25], $0x10, s13, s25, $0xb8;
	[tilespmem:$0x1E700] =	vst v63  }
0x348: {  	_ =	swait.ge [sflag:s0], $0x2000  }
0x349: {  	[sflag:s0] =	ssyncset.done $0x0  }
0x34a: {  	s1 =	simm.s32 $0x1200;
	[sflag:s0] =	ssyncadd.s32 $0xFFFFE000  }
0x34b: {  	[spmem:s2] =	stream.indirect.scatter.add.f32 [tilespmem:s28], [sflag:$0x4], $0x10, s1, s25, $0xb8;
	[tilespmem:$0x1E700] =	vst v63  }
0x34c: {  	_ =	swait.ge [sflag:s11], $0x2000  }
0x34d: {  	[sflag:s11] =	ssyncset.done $0x0  }
0x34e: {  	s1 =	simm.s32 $0x600;
	[sflag:s11] =	ssyncadd.s32 $0xFFFFE000  }
0x34f: {  	[tilespmem:s28], [sflag:$0x2] =	stream.indirect.gather [hbm4b:s5+s25], $0x10, s1, s25, $0xb8;
	[tilespmem:$0x1E700] =	vst v63  }
0x350: {  	_ =	swait.ge [sflag:s29], $0x2000  }
0x351: {  	[sflag:s29] =	ssyncset.done $0x0  }
0x352: {  	[sflag:s29] =	ssyncadd.s32 $0xFFFFE000  }
0x353: {  	[spmem:s2] =	stream.indirect.scatter.add.f32 [tilespmem:s26], [sflag:$0x3], $0x10, s14, s25, $0xb8;
	[tilespmem:$0x1E700] =	vst v63  }
0x354: {  	_ =	swait.ge [sflag:s30], $0x2000  }
0x355: {  	[sflag:s30] =	ssyncset.done $0x0  }
0x356: {  	[sflag:s30] =	ssyncadd.s32 $0xFFFFE000  }
0x357: {  	[tilespmem:s26], [sflag:$0x1] =	stream.indirect.gather [hbm4b:s5+s25], $0x10, s15, s25, $0xb8;
	[tilespmem:$0x1E700] =	vst v63  }
0x358: {  	_ =	swait.ge [sflag:s0], $0x2000  }
0x359: {  	[sflag:s0] =	ssyncset.done $0x0  }
0x35a: {  	[sflag:s0] =	ssyncadd.s32 $0xFFFFE000  }
0x35b: {  	[spmem:s2] =	stream.indirect.scatter.add.f32 [tilespmem:s28], [sflag:$0x4], $0x10, s16, s25, $0xb8;
	[tilespmem:$0x1E700] =	vst v63  }
0x35c: {  	_ =	swait.ge [sflag:s11], $0x2000  }
0x35d: {  	[sflag:s11] =	ssyncset.done $0x0  }
0x35e: {  	[sflag:s11] =	ssyncadd.s32 $0xFFFFE000  }
0x35f: {  	[tilespmem:s28], [sflag:$0x2] =	stream.indirect.gather [hbm4b:s5+s25], $0x10, s9, s25, $0xb8;
	[tilespmem:$0x1E700] =	vst v63  }
0x360: {  	_ =	swait.ge [sflag:s29], $0x2000  }
0x361: {  	[sflag:s29] =	ssyncset.done $0x0  }
0x362: {  	[sflag:s29] =	ssyncadd.s32 $0xFFFFE000  }
0x363: {  	[spmem:s2] =	stream.indirect.scatter.add.f32 [tilespmem:s26], [sflag:$0x3], $0x10, s10, s25, $0xb8;
	[tilespmem:$0x1E700] =	vst v63  }
0x364: {  	_ =	swait.ge [sflag:s30], $0x2000  }
0x365: {  	[sflag:s30] =	ssyncset.done $0x0  }
0x366: {  	[sflag:s30] =	ssyncadd.s32 $0xFFFFE000  }
0x367: {  	[tilespmem:s26], [sflag:$0x1] =	stream.indirect.gather [hbm4b:s5+s25], $0x10, s18, s25, $0xb8;
	[tilespmem:$0x1E700] =	vst v63  }
0x368: {  	_ =	swait.ge [sflag:s0], $0x2000  }
0x369: {  	[sflag:s0] =	ssyncset.done $0x0  }
0x36a: {  	[sflag:s0] =	ssyncadd.s32 $0xFFFFE000  }
0x36b: {  	[spmem:s2] =	stream.indirect.scatter.add.f32 [tilespmem:s28], [sflag:$0x4], $0x10, s17, s25, $0xb8;
	[tilespmem:$0x1E700] =	vst v63  }
0x36c: {  	_ =	swait.ge [sflag:s11], $0x2000  }
0x36d: {  	[sflag:s11] =	ssyncset.done $0x0  }
0x36e: {  	[sflag:s11] =	ssyncadd.s32 $0xFFFFE000  }
0x36f: {  	[tilespmem:s28], [sflag:$0x2] =	stream.indirect.gather [hbm4b:s5+s25], $0x10, s8, s25, $0xb8;
	[tilespmem:$0x1E700] =	vst v63  }
0x370: {  	_ =	swait.ge [sflag:s29], $0x2000  }
0x371: {  	[sflag:s29] =	ssyncset.done $0x0  }
0x372: {  	[sflag:s29] =	ssyncadd.s32 $0xFFFFE000  }
0x373: {  	[spmem:s2] =	stream.indirect.scatter.add.f32 [tilespmem:s26], [sflag:$0x3], $0x10, s21, s25, $0xb8;
	[tilespmem:$0x1E700] =	vst v63  }
0x374: {  	_ =	swait.ge [sflag:s0], $0x2000  }
0x375: {  	[sflag:s0] =	ssyncset.done $0x0  }
0x376: {  	[sflag:s0] =	ssyncadd.s32 $0xFFFFE000  }
0x377: {  	[spmem:s2] =	stream.indirect.scatter.add.f32 [tilespmem:s28], [sflag:$0x4], $0x10, s12, s25, $0xb8;
	[tilespmem:$0x1E700] =	vst v63  }
.Ltmp7:
0x378: {  	_ =	swait.ge [sflag:s30], $0x2000;
	(pc) =	sbr.rel @!p1 .LBB2_5-.Ltmp7, $4  }
0x379: {  	[sflag:s30] =	ssyncset.done $0x0  }
0x37a: {  	[sflag:s30] =	ssyncadd.s32 $0xFFFFE000  }
0x37b: {  	_ =	swait.ge [sflag:s11], $0x2000  }
0x37c: {  	s1 =	smov.u32 s31;
	[sflag:s11] =	ssyncset.done $0x0  }
0x37d: {  	s1 =	sadd.s32 s22, s20;
	[sflag:s11] =	ssyncadd.s32 $0xFFFFE000  }
0x37e: {  	[tilespmem:s3], [sflag:$0x5] =	stream.linear.gather [hbm4b:s1+s3], $0x1000, $0x38;
	[tilespmem:$0x1E700] =	vst v63  }
0x37f: {  	_ =	swait.ge [sflag:s23], $0x1000  }
0x380: {  	[sflag:s23] =	ssyncset.done $0x0  }
0x381: {  	s22 =	sadd.s32 s22, s19;
	[sflag:s23] =	ssyncadd.s32 $0xFFFFF000  }
0x382: {  	[tilespmem:s24], [sflag:$0x5] =	stream.linear.gather [hbm4b:s22+s3], $0x1000, $0x38;
	[tilespmem:$0x1E700] =	vst v63  }
0x383: {  	_ =	swait.ge [sflag:s23], $0x1000  }
0x384: {  	[sflag:s23] =	ssyncset.done $0x0  }
0x385: {  	[sflag:s23] =	ssyncadd.s32 $0xFFFFF000  }
0x386: {  	[tilespmem:s26], [sflag:$0x1] =	stream.indirect.gather [hbm4b:s5+s25], $0x10, s3, s25, $0xb8;
	[tilespmem:$0x1E700] =	vst v63  }
0x387: {  	_ = 	snop  }
0x388: {  	[tilespmem:s28], [sflag:$0x2] =	stream.indirect.gather [hbm4b:s5+s25], $0x10, s25, s25, $0xb8;
	[tilespmem:$0x1E700] =	vst v63  }
0x389: {  	_ =	swait.ge [sflag:s29], $0x2000  }
0x38a: {  	[sflag:s29] =	ssyncset.done $0x0  }
0x38b: {  	[sflag:s29] =	ssyncadd.s32 $0xFFFFE000  }
0x38c: {  	[spmem:s2] =	stream.indirect.scatter.add.f32 [tilespmem:s26], [sflag:$0x3], $0x10, s24, s25, $0xb8;
	[tilespmem:$0x1E700] =	vst v63  }
0x38d: {  	_ =	swait.ge [sflag:s30], $0x2000  }
0x38e: {  	[sflag:s30] =	ssyncset.done $0x0  }
0x38f: {  	[sflag:s30] =	ssyncadd.s32 $0xFFFFE000  }
0x390: {  	[tilespmem:s26], [sflag:$0x1] =	stream.indirect.gather [hbm4b:s5+s25], $0x10, s13, s25, $0xb8;
	[tilespmem:$0x1E700] =	vst v63  }
0x391: {  	_ =	swait.ge [sflag:s0], $0x2000  }
0x392: {  	[sflag:s0] =	ssyncset.done $0x0  }
0x393: {  	s22 =	simm.s32 $0x1200;
	[sflag:s0] =	ssyncadd.s32 $0xFFFFE000  }
0x394: {  	[spmem:s2] =	stream.indirect.scatter.add.f32 [tilespmem:s28], [sflag:$0x4], $0x10, s22, s25, $0xb8;
	[tilespmem:$0x1E700] =	vst v63  }
0x395: {  	_ =	swait.ge [sflag:s11], $0x2000  }
0x396: {  	[sflag:s11] =	ssyncset.done $0x0  }
0x397: {  	s22 =	simm.s32 $0x600;
	[sflag:s11] =	ssyncadd.s32 $0xFFFFE000  }
0x398: {  	[tilespmem:s28], [sflag:$0x2] =	stream.indirect.gather [hbm4b:s5+s25], $0x10, s22, s25, $0xb8;
	[tilespmem:$0x1E700] =	vst v63  }
0x399: {  	_ =	swait.ge [sflag:s29], $0x2000  }
0x39a: {  	[sflag:s29] =	ssyncset.done $0x0  }
0x39b: {  	[sflag:s29] =	ssyncadd.s32 $0xFFFFE000  }
0x39c: {  	[spmem:s2] =	stream.indirect.scatter.add.f32 [tilespmem:s26], [sflag:$0x3], $0x10, s14, s25, $0xb8;
	[tilespmem:$0x1E700] =	vst v63  }
0x39d: {  	_ =	swait.ge [sflag:s30], $0x2000  }
0x39e: {  	[sflag:s30] =	ssyncset.done $0x0  }
0x39f: {  	[sflag:s30] =	ssyncadd.s32 $0xFFFFE000  }
0x3a0: {  	[tilespmem:s26], [sflag:$0x1] =	stream.indirect.gather [hbm4b:s5+s25], $0x10, s15, s25, $0xb8;
	[tilespmem:$0x1E700] =	vst v63  }
0x3a1: {  	_ =	swait.ge [sflag:s0], $0x2000  }
0x3a2: {  	[sflag:s0] =	ssyncset.done $0x0  }
0x3a3: {  	[sflag:s0] =	ssyncadd.s32 $0xFFFFE000  }
0x3a4: {  	[spmem:s2] =	stream.indirect.scatter.add.f32 [tilespmem:s28], [sflag:$0x4], $0x10, s16, s25, $0xb8;
	[tilespmem:$0x1E700] =	vst v63  }
0x3a5: {  	_ =	swait.ge [sflag:s11], $0x2000  }
0x3a6: {  	[sflag:s11] =	ssyncset.done $0x0  }
0x3a7: {  	[sflag:s11] =	ssyncadd.s32 $0xFFFFE000  }
0x3a8: {  	[tilespmem:s28], [sflag:$0x2] =	stream.indirect.gather [hbm4b:s5+s25], $0x10, s9, s25, $0xb8;
	[tilespmem:$0x1E700] =	vst v63  }
0x3a9: {  	_ =	swait.ge [sflag:s29], $0x2000  }
0x3aa: {  	[sflag:s29] =	ssyncset.done $0x0  }
0x3ab: {  	[sflag:s29] =	ssyncadd.s32 $0xFFFFE000  }
0x3ac: {  	[spmem:s2] =	stream.indirect.scatter.add.f32 [tilespmem:s26], [sflag:$0x3], $0x10, s10, s25, $0xb8;
	[tilespmem:$0x1E700] =	vst v63  }
0x3ad: {  	_ =	swait.ge [sflag:s30], $0x2000  }
0x3ae: {  	[sflag:s30] =	ssyncset.done $0x0  }
0x3af: {  	[sflag:s30] =	ssyncadd.s32 $0xFFFFE000  }
0x3b0: {  	[tilespmem:s26], [sflag:$0x1] =	stream.indirect.gather [hbm4b:s5+s25], $0x10, s18, s25, $0xb8;
	[tilespmem:$0x1E700] =	vst v63  }
0x3b1: {  	_ =	swait.ge [sflag:s0], $0x2000  }
0x3b2: {  	[sflag:s0] =	ssyncset.done $0x0  }
0x3b3: {  	[sflag:s0] =	ssyncadd.s32 $0xFFFFE000  }
0x3b4: {  	[spmem:s2] =	stream.indirect.scatter.add.f32 [tilespmem:s28], [sflag:$0x4], $0x10, s17, s25, $0xb8;
	[tilespmem:$0x1E700] =	vst v63  }
0x3b5: {  	_ =	swait.ge [sflag:s11], $0x2000  }
0x3b6: {  	[sflag:s11] =	ssyncset.done $0x0  }
0x3b7: {  	[sflag:s11] =	ssyncadd.s32 $0xFFFFE000  }
0x3b8: {  	[tilespmem:s28], [sflag:$0x2] =	stream.indirect.gather [hbm4b:s5+s25], $0x10, s8, s25, $0xb8;
	[tilespmem:$0x1E700] =	vst v63  }
0x3b9: {  	_ =	swait.ge [sflag:s29], $0x2000  }
0x3ba: {  	[sflag:s29] =	ssyncset.done $0x0  }
0x3bb: {  	[sflag:s29] =	ssyncadd.s32 $0xFFFFE000  }
0x3bc: {  	[spmem:s2] =	stream.indirect.scatter.add.f32 [tilespmem:s26], [sflag:$0x3], $0x10, s21, s25, $0xb8;
	[tilespmem:$0x1E700] =	vst v63  }
0x3bd: {  	_ =	swait.ge [sflag:s0], $0x2000  }
0x3be: {  	[sflag:s0] =	ssyncset.done $0x0  }
0x3bf: {  	[sflag:s0] =	ssyncadd.s32 $0xFFFFE000  }
0x3c0: {  	[spmem:s2] =	stream.indirect.scatter.add.f32 [tilespmem:s28], [sflag:$0x4], $0x10, s12, s25, $0xb8;
	[tilespmem:$0x1E700] =	vst v63  }
0x3c1: {  	_ =	swait.ge [sflag:s30], $0x2000  }
0x3c2: {  	s14 =	simm.s32 $0x1200;
	s15 =	simm.s32 $0x600;
	[sflag:s30] =	ssyncset.done $0x0  }
.Ltmp8:
0x3c3: {  	s16 =	simm.s32 $0x1400;
	[sflag:s30] =	ssyncadd.s32 $0xFFFFE000;
	(pc) =	sbr.rel .LBB2_12-.Ltmp8, $4  }
0x3c4: {  	s9 =	simm.s32 $0x800;
	s10 =	simm.s32 $0x1600;
	_ =	swait.ge [sflag:s11], $0x2000  }
0x3c5: {  	s18 =	simm.s32 $0xA00;
	s17 =	simm.s32 $0x1800;
	s1 =	rddreg [dreg:$0x4]  }
0x3c6: {  	s8 =	simm.s32 $0xC00;
	[sflag:s11] =	ssyncset.done $0x0;
	s31 =	rddreg [dreg:$0x10]  }
0x3c7: {  	s21 =	simm.s32 $0x1A00;
	s22 =	rddreg [dreg:$0x11];
	[sflag:s11] =	ssyncadd.s32 $0xFFFFE000  }
.LBB2_13:
0x3c8: {  	_ =	sfence.sel $0x180000  }
0x3c9: {  	[bflag:$0x0] =	sbarrier.arrive $0xFFFF  }
0x3ca: {  	_ =	strace $0x9000004A  }
0x3cb: {  	s0 =	stileid.u32;
	[bflag:$0x2] =	sbarrier.arrive $0xFFFF  }
0x3cc: {  	p0 =	sne.s32 s0, $0x0;
	s0 =	rddreg [dreg:$0x2]  }
0x3cd: {  	s0 =	sadd.s32 @!p0 $0x100000, s0  }
0x3ce: {  	[sflag:s0] =	ssyncadd.tile.s32 @!p0 $0x1;
	_ =	shalt  }
.Lfunc_end2:
_tile_overlayer_lowered:
.L_overlay_start_2:
0x3cf: {  	(tag) =	ssettag $0x2  }
0x3d0: {  	s0 =	rddreg [dreg:$0x0];
	s2 =	stileid.u32  }
0x3d1: {  	s1 =	rddreg [dreg:$0x1];
	p0 =	sne.s32 s2, $0x0  }
0x3d2: {  	s3 =	rddreg [dreg:$0x2];
	[bflag:$0x3] =	sbarrier.arrive $0xFFFF;
	s2 =	simm.s32 @!p0 $0x1C05  }
0x3d3: {  	[timem:s3], [sflag:s2] =	dma.local @!p0 [hbm:s0], s1  }
0x3d4: {  	s0 =	simm.s32 @!p0 $0x5  }
0x3d5: {  	_ =	swait.ge @!p0 [sflag:s0], s1  }
0x3d6: {  	s1 =	ssub.s32 @!p0 $0x0, s1;
	[sflag:s0] =	ssyncset.done @!p0 $0x0  }
0x3d7: {  	[sflag:s0] =	ssyncadd.s32 @!p0 s1  }
0x3d8: {  	[bflag:$0x3] =	sbarrier.arrive $0xFFFF  }
0x3d9: {  	_ =	shalt  }

</sc_bundles>
